<compile_context>
chip_gen: v7x
topology: tpu7x:2x2x1
jax: 0.10.2.dev20260603
libtpu: 0.0.44.dev20260713+nightly
codegen_flags: <defaults>
</compile_context>

<pallas_src>
import functools
import math

import jax
import jax.numpy as jnp
from jax.experimental import pallas as pl
from jax.experimental.pallas import tpu as pltpu
from jax.experimental.pallas import tpu_sc as plsc

_SC_W = 128


def _sc_mesh():
    return plsc.VectorSubcoreMesh(core_axis_name="c", subcore_axis_name="s")

_EPS = 1e-6
_NEG = -1e30


def _dot_t(a, b):
    return jax.lax.dot_general(a, b, (((1,), (1,)), ((), ())),
                               preferred_element_type=jnp.float32)


def _dot3(a, b):
    return jnp.dot(a, b, preferred_element_type=jnp.float32)


def _rms(xf, w):
    ms = jnp.mean(xf * xf, axis=-1, keepdims=True)
    return xf / jnp.sqrt(ms + _EPS) * w


def _qkv_body(x_ref, nw_ref, w_ref, o_ref):
    xn = _rms(x_ref[...], nw_ref[...])
    o_ref[...] = _dot_t(xn, w_ref[...])


def _attn_body(qkv_ref, o_ref, *, bq, hd, nh, d):
    i = pl.program_id(0)
    rows = i * bq + jax.lax.broadcasted_iota(jnp.int32, (bq, bq), 0)
    for h in range(nh):
        q = qkv_ref[pl.ds(i * bq, bq), h * hd:(h + 1) * hd]

        def inner(j, carry):
            m, l, acc = carry
            k = qkv_ref[pl.ds(j * bq, bq), d + h * hd:d + (h + 1) * hd]
            v = qkv_ref[pl.ds(j * bq, bq), 2 * d + h * hd:2 * d + (h + 1) * hd]
            s = _dot_t(q, k) * (1.0 / math.sqrt(hd))
            cols = j * bq + jax.lax.broadcasted_iota(jnp.int32, (bq, bq), 1)
            s = jnp.where(cols <= rows, s, _NEG)
            mj = jnp.max(s, axis=-1, keepdims=True)
            m_new = jnp.maximum(m, mj)
            p = jnp.exp(s - m_new)
            scale = jnp.exp(m - m_new)
            l_new = l * scale + jnp.sum(p, axis=-1, keepdims=True)
            acc_new = acc * scale + _dot3(p, v)
            return m_new, l_new, acc_new

        m0 = jnp.full((bq, 1), _NEG, jnp.float32)
        l0 = jnp.zeros((bq, 1), jnp.float32)
        a0 = jnp.zeros((bq, hd), jnp.float32)
        m, l, acc = jax.lax.fori_loop(0, i + 1, inner, (m0, l0, a0))
        o_ref[:, h * hd:(h + 1) * hd] = acc / l


def _proj_body(attn_ref, x_ref, ow_ref, nw_ref, wsg_ref, wsu_ref, wsd_ref,
               xres_ref, xn2_ref, shared_ref):
    a = _dot_t(attn_ref[...], ow_ref[...])
    xr = x_ref[...] + a
    xres_ref[...] = xr
    xn = _rms(xr, nw_ref[...])
    xnb = xn.astype(jnp.bfloat16)
    xn2_ref[...] = xnb
    g = jnp.dot(xnb, wsg_ref[...], preferred_element_type=jnp.float32)
    u = jnp.dot(xnb, wsu_ref[...], preferred_element_type=jnp.float32)
    hs = (g * jax.nn.sigmoid(g) * u).astype(jnp.bfloat16)
    shared_ref[...] = jnp.dot(hs, wsd_ref[...], preferred_element_type=jnp.float32)


def _cumsum0(x, n):
    s = 1
    while s < n:
        x = x + jnp.concatenate(
            [jnp.zeros((s, x.shape[1]), x.dtype), x[:-s]], axis=0)
        s *= 2
    return x


def _tri_lt(n):
    ii = jax.lax.broadcasted_iota(jnp.int32, (n, n), 0)
    jj = jax.lax.broadcasted_iota(jnp.int32, (n, n), 1)
    return (ii < jj).astype(jnp.float32)


def _router_body(xres_ref, nw_ref, rwt_ref, wts_ref, pos_ref, gid_ref,
                 aux_ref, *, ne, coeff, bm, cap, nb, t):
    xn = _rms(xres_ref[...], nw_ref[...])
    logits = _dot_t(xn, rwt_ref[...])
    lm = jnp.max(logits, axis=-1, keepdims=True)
    ex = jnp.exp(logits - lm)
    probs = ex / jnp.sum(ex, axis=-1, keepdims=True)
    idx = jax.lax.broadcasted_iota(jnp.int32, probs.shape, 1)
    m1 = jnp.max(probs, axis=-1, keepdims=True)
    i1 = jnp.min(jnp.where(probs == m1, idx, ne), axis=-1, keepdims=True)
    oh1 = (idx == i1)
    p2 = jnp.where(oh1, _NEG, probs)
    m2 = jnp.max(p2, axis=-1, keepdims=True)
    i2 = jnp.min(jnp.where(p2 == m2, idx, ne), axis=-1, keepdims=True)
    oh2 = (idx == i2)
    denom = m1 + m2
    wts_ref[...] = jnp.concatenate([m1 / denom, m2 / denom], axis=1)
    frac = jnp.mean((oh1 | oh2).astype(jnp.float32), axis=0, keepdims=True)
    pmean = jnp.mean(probs, axis=0, keepdims=True)
    aux_ref[...] = jnp.sum(frac * pmean).reshape(1, 1) * (coeff * ne)

    o1 = oh1.astype(jnp.float32)
    o2 = oh2.astype(jnp.float32)
    c1 = _cumsum0(o1, t)
    c2 = _cumsum0(o2, t)
    cnt1 = c1[t - 1:t, :]
    cnt = cnt1 + c2[t - 1:t, :]
    pcnt = jnp.floor((cnt + (bm - 1)) * (1.0 / bm)) * bm
    offs = jnp.dot(pcnt, _tri_lt(ne), preferred_element_type=jnp.float32)
    rank0 = jnp.sum(o1 * (c1 - o1), axis=1, keepdims=True)
    rank1 = jnp.sum(o2 * (cnt1 + c2 - o2), axis=1, keepdims=True)
    base0 = jnp.sum(o1 * offs, axis=1, keepdims=True)
    base1 = jnp.sum(o2 * offs, axis=1, keepdims=True)
    pos0 = base0 + rank0
    pos1 = base1 + rank1

    tot = offs[:, ne - 1:ne] + pcnt[:, ne - 1:ne]
    starts9 = jnp.concatenate([offs + cnt, tot], axis=1)
    plens9 = jnp.concatenate([pcnt - cnt, cap - tot], axis=1)
    cl9 = jnp.dot(plens9, _tri_lt(ne + 1), preferred_element_type=jnp.float32)
    npad = cap - 2 * t
    j = jax.lax.broadcasted_iota(jnp.int32, (npad, ne + 1),
                                 0).astype(jnp.float32)
    inr = ((j >= cl9) & (j < cl9 + plens9)).astype(jnp.float32)
    padpos = jnp.sum(inr * (starts9 + j - cl9), axis=1, keepdims=True)

    pos_ref[...] = jnp.concatenate([pos0, pos1, padpos],
                                   axis=0).astype(jnp.int32)
    bidx = jax.lax.broadcasted_iota(jnp.int32, (nb, ne),
                                    0).astype(jnp.float32) * bm
    gid_ref[...] = (jnp.sum((bidx >= offs).astype(jnp.float32), axis=1,
                            keepdims=True) - 1.0).astype(jnp.int32)


def _sc_scatter(vals, idx, cap):
    @pl.kernel(out_type=jax.ShapeDtypeStruct((cap, 128), jnp.int32),
               mesh=_sc_mesh(), scratch_types=[])
    def k(v_hbm, i_hbm, o_hbm):
        def body(v_vmem, i_vmem):
            pltpu.sync_copy(v_vmem, o_hbm.at[i_vmem.at[0]])

        pltpu.emit_pipeline(
            body,
            grid=(cap // _SC_W,),
            in_specs=[pl.BlockSpec((_SC_W, 128), lambda i: (i, 0)),
                      pl.BlockSpec((1, _SC_W), lambda i: (0, i))],
            out_specs=[],
            core_axis_name=("c", "s"),
            dimension_semantics=(pltpu.PARALLEL,),
        )(v_hbm, i_hbm)

    return k(vals, idx)


def _sc_gather(data, idx, n, width, dtype, w=32):
    @pl.kernel(out_type=jax.ShapeDtypeStruct((n, width), dtype),
               mesh=_sc_mesh(), scratch_types=[])
    def k(x_hbm, i_hbm, o_hbm):
        def body(i_vmem, o_vmem):
            pltpu.sync_copy(x_hbm.at[i_vmem.at[0]], o_vmem)

        pltpu.emit_pipeline(
            body,
            grid=(n // w,),
            in_specs=[pl.BlockSpec((1, w), lambda i: (0, i))],
            out_specs=[pl.BlockSpec((w, width), lambda i: (i, 0))],
            core_axis_name=("c", "s"),
            dimension_semantics=(pltpu.PARALLEL,),
        )(i_hbm, o_hbm)

    return k(data, idx)


def _gmm_body(gid_ref, xin_ref, wg_ref, wu_ref, wd_ref, ye_ref):
    del gid_ref
    xb = xin_ref[...]
    g = jnp.dot(xb, wg_ref[0], preferred_element_type=jnp.float32)
    u = jnp.dot(xb, wu_ref[0], preferred_element_type=jnp.float32)
    hh = (g * jax.nn.sigmoid(g) * u).astype(jnp.bfloat16)
    ye_ref[...] = jnp.dot(hh, wd_ref[0],
                          preferred_element_type=jnp.float32).astype(
                              jnp.bfloat16)


def _combine_body(xres_ref, shared_ref, y0_ref, y1_ref, wts_ref, o_ref):
    w = wts_ref[...]
    o_ref[...] = (xres_ref[...] + shared_ref[...]
                  + w[:, 0:1] * y0_ref[...].astype(jnp.float32)
                  + w[:, 1:2] * y1_ref[...].astype(jnp.float32))


def kernel(x, attn_norm_w, qkv_w, out_w, ffn_norm_w, router_w, w_gate, w_up,
           w_down, ws_gate, ws_up, ws_down):
    B, T, D = x.shape
    E, _, F = w_gate.shape
    H = 16
    hd = D // H
    BT = min(256, T)
    BM = min(512, T)
    x2 = x.reshape(T, D)
    bf = jnp.bfloat16

    anw = attn_norm_w.reshape(1, D)
    fnw = ffn_norm_w.reshape(1, D)

    qkv = pl.pallas_call(
        _qkv_body,
        grid=(T // BT,),
        in_specs=[
            pl.BlockSpec((BT, D), lambda i: (i, 0)),
            pl.BlockSpec((1, D), lambda i: (0, 0)),
            pl.BlockSpec((3 * D, D), lambda i: (0, 0)),
        ],
        out_specs=pl.BlockSpec((BT, 3 * D), lambda i: (i, 0)),
        out_shape=jax.ShapeDtypeStruct((T, 3 * D), jnp.float32),
        compiler_params=pltpu.CompilerParams(
            dimension_semantics=("arbitrary",)),
    )(x2, anw, qkv_w)

    BQ = min(512, T)
    attn = pl.pallas_call(
        functools.partial(_attn_body, bq=BQ, hd=hd, nh=H, d=D),
        grid=(T // BQ,),
        in_specs=[
            pl.BlockSpec((T, 3 * D), lambda i: (0, 0)),
        ],
        out_specs=pl.BlockSpec((BQ, D), lambda i: (i, 0)),
        out_shape=jax.ShapeDtypeStruct((T, D), jnp.float32),
        compiler_params=pltpu.CompilerParams(
            dimension_semantics=("arbitrary",)),
    )(qkv)

    xres, xn2, shared = pl.pallas_call(
        _proj_body,
        grid=(T // BT,),
        in_specs=[
            pl.BlockSpec((BT, D), lambda i: (i, 0)),
            pl.BlockSpec((BT, D), lambda i: (i, 0)),
            pl.BlockSpec((D, D), lambda i: (0, 0)),
            pl.BlockSpec((1, D), lambda i: (0, 0)),
            pl.BlockSpec((D, F), lambda i: (0, 0)),
            pl.BlockSpec((D, F), lambda i: (0, 0)),
            pl.BlockSpec((F, D), lambda i: (0, 0)),
        ],
        out_specs=[
            pl.BlockSpec((BT, D), lambda i: (i, 0)),
            pl.BlockSpec((BT, D), lambda i: (i, 0)),
            pl.BlockSpec((BT, D), lambda i: (i, 0)),
        ],
        out_shape=[
            jax.ShapeDtypeStruct((T, D), jnp.float32),
            jax.ShapeDtypeStruct((T, D), bf),
            jax.ShapeDtypeStruct((T, D), jnp.float32),
        ],
        compiler_params=pltpu.CompilerParams(
            dimension_semantics=("arbitrary",)),
    )(attn, x2, out_w, fnw, ws_gate.astype(bf), ws_up.astype(bf),
      ws_down.astype(bf))

    BE = min(256, T)
    NB = -(-(2 * T + E * (BE - 1)) // BE)
    CAP = NB * BE

    wts, posall, gid, aux = pl.pallas_call(
        functools.partial(_router_body, ne=E, coeff=0.01, bm=BE, cap=CAP,
                          nb=NB, t=T),
        grid=(1,),
        in_specs=[
            pl.BlockSpec((T, D), lambda i: (0, 0)),
            pl.BlockSpec((1, D), lambda i: (0, 0)),
            pl.BlockSpec((E, D), lambda i: (0, 0)),
        ],
        out_specs=[
            pl.BlockSpec((T, 2), lambda i: (0, 0)),
            pl.BlockSpec((CAP, 1), lambda i: (0, 0)),
            pl.BlockSpec((NB, 1), lambda i: (0, 0)),
            pl.BlockSpec((1, 1), lambda i: (0, 0)),
        ],
        out_shape=[
            jax.ShapeDtypeStruct((T, 2), jnp.float32),
            jax.ShapeDtypeStruct((CAP, 1), jnp.int32),
            jax.ShapeDtypeStruct((NB, 1), jnp.int32),
            jax.ShapeDtypeStruct((1, 1), jnp.float32),
        ],
    )(xres, fnw, router_w)

    ar = jnp.arange(T, dtype=jnp.int32)
    tokvals = jnp.broadcast_to(
        jnp.concatenate([ar, ar, jnp.zeros(CAP - 2 * T, jnp.int32)])[:, None],
        (CAP, 128))
    idx_all = posall.reshape(1, CAP)
    sidx = _sc_scatter(tokvals, idx_all, CAP)[:, 0:1]
    l4 = jnp.arange(4, dtype=jnp.int32)[None, :]
    xn2p = jax.lax.bitcast_convert_type(
        xn2.reshape(T, D // 2, 2), jnp.int32).reshape(4 * T, D // 8)
    sidx4 = (sidx * 4 + l4).reshape(1, 4 * CAP)
    xinp = _sc_gather(xn2p, sidx4, 4 * CAP, D // 8, jnp.int32, w=_SC_W)
    xin = jax.lax.bitcast_convert_type(
        xinp.reshape(CAP, D // 2), bf).reshape(CAP, D)

    ye = pl.pallas_call(
        _gmm_body,
        grid_spec=pltpu.PrefetchScalarGridSpec(
            num_scalar_prefetch=1,
            grid=(NB,),
            in_specs=[
                pl.BlockSpec((BE, D), lambda b, g: (b, 0)),
                pl.BlockSpec((1, D, F), lambda b, g: (g[b], 0, 0)),
                pl.BlockSpec((1, D, F), lambda b, g: (g[b], 0, 0)),
                pl.BlockSpec((1, F, D), lambda b, g: (g[b], 0, 0)),
            ],
            out_specs=pl.BlockSpec((BE, D), lambda b, g: (b, 0)),
        ),
        out_shape=jax.ShapeDtypeStruct((CAP, D), bf),
        compiler_params=pltpu.CompilerParams(
            dimension_semantics=("arbitrary",)),
    )(gid.reshape(NB), xin, w_gate.astype(bf), w_up.astype(bf),
      w_down.astype(bf))

    yep = jax.lax.bitcast_convert_type(
        ye.reshape(CAP, D // 2, 2), jnp.int32).reshape(4 * CAP, D // 8)
    pos4 = (posall[:2 * T] * 4 + l4).reshape(1, 8 * T)
    ykp = _sc_gather(yep, pos4, 8 * T, D // 8, jnp.int32, w=_SC_W)
    yk = jax.lax.bitcast_convert_type(
        ykp.reshape(2 * T, D // 2), bf).reshape(2 * T, D)

    BC = min(512, T)
    NC = T // BC
    y = pl.pallas_call(
        _combine_body,
        grid=(T // BC,),
        in_specs=[
            pl.BlockSpec((BC, D), lambda t: (t, 0)),
            pl.BlockSpec((BC, D), lambda t: (t, 0)),
            pl.BlockSpec((BC, D), lambda t: (t, 0)),
            pl.BlockSpec((BC, D), lambda t: (t + NC, 0)),
            pl.BlockSpec((BC, 2), lambda t: (t, 0)),
        ],
        out_specs=pl.BlockSpec((BC, D), lambda t: (t, 0)),
        out_shape=jax.ShapeDtypeStruct((T, D), jnp.float32),
        compiler_params=pltpu.CompilerParams(
            dimension_semantics=("arbitrary",)),
    )(xres, shared, yk, yk, wts)

    return (y.reshape(B, T, D), aux[0, 0])

# --- scband reference (transcript-rebuilt; emitter-appended) ---
"""Pipeline reference for scband-transformer-block-33011118637687 (READ-ONLY COPY).

The authoritative reference and input builder live on the scoring server;
editing this copy changes nothing except your own understanding.
"""

import jax, jax.numpy as jnp
import numpy as np

D = 1024
H = 16
F = 512
E = 8
K = 2
COEFF = 0.01
B = 1
T = 2048


def setup_inputs(seed: int = 0):
    key = jax.random.key(seed)
    ks = jax.random.split(key, 11)
    def init(k, shape, fan_in):
        return (jax.random.normal(k, shape, dtype=jnp.float32) / np.sqrt(fan_in)).astype(jnp.float32)
    return {
        "x": jax.random.normal(ks[0], (B, T, D), dtype=jnp.float32),
        "attn_norm_w": jnp.ones((D,), dtype=jnp.float32),
        "qkv_w": init(ks[1], (3 * D, D), D),
        "out_w": init(ks[2], (D, D), D),
        "ffn_norm_w": jnp.ones((D,), dtype=jnp.float32),
        "router_w": init(ks[3], (E, D), D),
        "w_gate": init(ks[4], (E, D, F), D),
        "w_up": init(ks[5], (E, D, F), D),
        "w_down": init(ks[6], (E, F, D), F),
        "ws_gate": init(ks[7], (D, F), D),
        "ws_up": init(ks[8], (D, F), D),
        "ws_down": init(ks[9], (F, D), F),
    }


def _rmsnorm(x, w, eps=1e-6):
    xf = x.astype(jnp.float32)
    rms = jnp.sqrt(jnp.mean(xf * xf, axis=-1, keepdims=True) + eps)
    return (xf / rms * w.astype(jnp.float32)).astype(x.dtype)


def _attention(x, qkv_w, out_w):
    Bb, Tt, Dm = x.shape
    hd = Dm // H
    qkv = (x @ qkv_w.T).reshape(Bb, Tt, 3, H, hd)
    q = qkv[:, :, 0].transpose(0, 2, 1, 3)
    k = qkv[:, :, 1].transpose(0, 2, 1, 3)
    v = qkv[:, :, 2].transpose(0, 2, 1, 3)
    scores = (q @ k.transpose(0, 1, 3, 2)) / np.sqrt(hd)
    mask = jnp.tril(jnp.ones((Tt, Tt), dtype=bool))
    scores = jnp.where(mask[None, None], scores, jnp.float32(-1e30))
    attn = jax.nn.softmax(scores, axis=-1)
    out = (attn @ v).transpose(0, 2, 1, 3).reshape(Bb, Tt, Dm)
    return out @ out_w.T


def _moe(x, router_w, w_gate, w_up, w_down, ws_gate, ws_up, ws_down):
    Bb, Tt, Dm = x.shape
    xt = x.reshape(-1, Dm)
    logits = xt @ router_w.T
    probs = jax.nn.softmax(logits, axis=-1)
    topv, topi = jax.lax.top_k(probs, K)
    weights = topv / jnp.sum(topv, axis=-1, keepdims=True)
    oh = jax.nn.one_hot(topi, E, dtype=jnp.float32)
    cw = jnp.sum(oh * weights[..., None], axis=1)
    gate = jnp.einsum('nd,edf->nef', xt, w_gate)
    up = jnp.einsum('nd,edf->nef', xt, w_up)
    h = jax.nn.silu(gate) * up
    ye = jnp.einsum('nef,efd->ned', h, w_down)
    y = jnp.einsum('ned,ne->nd', ye, cw)
    hs = jax.nn.silu(xt @ ws_gate) * (xt @ ws_up)
    y = y + hs @ ws_down
    frac = jnp.mean(jnp.sum(oh, axis=1), axis=0)
    pmean = jnp.mean(probs, axis=0)
    aux = COEFF * E * jnp.sum(frac * pmean)
    return y.reshape(Bb, Tt, Dm), aux


def reference(x, attn_norm_w, qkv_w, out_w, ffn_norm_w, router_w, w_gate, w_up, w_down, ws_gate, ws_up, ws_down):
    x = x + _attention(_rmsnorm(x, attn_norm_w), qkv_w, out_w)
    moe_out, aux = _moe(_rmsnorm(x, ffn_norm_w), router_w, w_gate, w_up, w_down, ws_gate, ws_up, ws_down)
    return (x + moe_out, aux)

if __name__ == "__main__":
    import jax
    _d = setup_inputs()
    print(jax.jit(kernel)(*tuple(_d.values())))

</pallas_src>

<mosaic_0001>
#map = affine_map<(d0, d1) -> (0, 0)>
module attributes {stable_mosaic.version = 14 : i64} {
  func.func @k(%arg0: i32, %arg1: i32, %arg2: memref<6144x128xi32, #tpu.memory_space<hbm>>, %arg3: memref<1x6144xi32, #tpu.memory_space<hbm>>, %arg4: memref<6144x128xi32, #tpu.memory_space<hbm>>) attributes {dimension_semantics = [#tpu.dimension_semantics<core_parallel>, #tpu.dimension_semantics<subcore_parallel>], iteration_bounds = array<i64: 2, 16>, scalar_prefetch = 0 : i64, scratch_operands = 0 : i64, tpu.core_type = #tpu.core_type<sc_vector_subcore>, window_params = [{transform_indices = #map}, {transform_indices = #map}, {transform_indices = #map}]} {
    %mul3A = arith.constant 1 : i32
    %mul3A_0 = arith.muli %arg1, %mul3A : i32
    %add3A = arith.constant 0 : i32
    %add3A_1 = arith.addi %add3A, %mul3A_0 : i32
    %mul3A_2 = arith.constant 16 : i32
    %mul3A_3 = arith.muli %arg0, %mul3A_2 : i32
    %add3A_4 = arith.addi %add3A_1, %mul3A_3 : i32
    %lt3A = arith.constant 16 : i32
    %lt3A_5 = arith.cmpi slt, %add3A_4, %lt3A : i32
    %jit3A = arith.constant 2 : i32
    %jit3A_6 = arith.constant 1 : i32
    %select_n3A = arith.select %lt3A_5, %jit3A, %jit3A_6 : i32
    %lt3A_7 = arith.constant 16 : i32
    %lt3A_8 = arith.cmpi slt, %add3A_4, %lt3A_7 : i32
    %mul3A_9 = arith.muli %add3A_4, %select_n3A : i32
    %mul3A_10 = arith.constant 1 : i32
    %mul3A_11 = arith.muli %add3A_4, %mul3A_10 : i32
    %add3A_12 = arith.constant 16 : i32
    %add3A_13 = arith.addi %mul3A_11, %add3A_12 : i32
    %select_n3A_14 = arith.select %lt3A_8, %mul3A_9, %add3A_13 : i32
    %mul3A_15 = arith.constant 1 : i32
    %mul3A_16 = arith.muli %mul3A_15, %select_n3A : i32
    "tpu.region"() ({
      %run_scoped3A = memref.alloca() : memref<2x128x128xi32, #tpu.memory_space<vmem>>
      %run_scoped3A_17 = tpu.sem_alloc : memref<2x!tpu.dma_semaphore, #tpu.memory_space<semaphore_mem>>
      %run_scoped3A_18 = memref.alloca() : memref<2x1x128xi32, #tpu.memory_space<vmem>>
      %run_scoped3A_19 = tpu.sem_alloc : memref<2x!tpu.dma_semaphore, #tpu.memory_space<semaphore_mem>>
      %gt3A = arith.constant 0 : i32
      %gt3A_20 = arith.cmpi sgt, %mul3A_16, %gt3A : i32
      %convert_element_type3A = arith.extui %gt3A_20 : i1 to i32
      %cond3A = arith.constant 0 : i32
      %cond3A_21 = arith.cmpi ne, %convert_element_type3A, %cond3A : i32
      scf.if %cond3A_21 {
        %mul3A_22 = arith.constant 1 : i32
        %mul3A_23 = arith.muli %mul3A_22, %select_n3A : i32
        %sub3A = arith.constant 1 : i32
        %sub3A_24 = arith.subi %mul3A_23, %sub3A : i32
        %eq3A = arith.constant 0 : i32
        %eq3A_25 = arith.cmpi eq, %sub3A_24, %eq3A : i32
        %add3A_26 = arith.constant 0 : i32
        %add3A_27 = arith.addi %add3A_26, %select_n3A_14 : i32
        %select_n3A_28 = arith.constant true
        %select_n3A_29 = arith.constant 0 : i32
        %select_n3A_30 = arith.constant -1 : i32
        %select_n3A_31 = arith.select %select_n3A_28, %select_n3A_30, %select_n3A_29 : i32
        %eq3A_32 = arith.constant -1 : i32
        %eq3A_33 = arith.cmpi eq, %select_n3A_31, %eq3A_32 : i32
        %sub3A_34 = arith.constant 1 : i32
        %sub3A_35 = arith.subi %select_n3A, %sub3A_34 : i32
        %select_n3A_36 = arith.select %eq3A_33, %sub3A_35, %select_n3A_31 : i32
        %add3A_37 = arith.addi %select_n3A_36, %select_n3A_14 : i32
        %select_n3A_38 = arith.constant true
        %select_n3A_39 = arith.constant 0 : i32
        %select_n3A_40 = arith.constant 1 : i32
        %select_n3A_41 = arith.select %select_n3A_38, %select_n3A_40, %select_n3A_39 : i32
        %eq3A_42 = arith.cmpi eq, %select_n3A_41, %select_n3A : i32
        %select_n3A_43 = arith.constant 0 : i32
        %select_n3A_44 = arith.select %eq3A_42, %select_n3A_43, %select_n3A_41 : i32
        %add3A_45 = arith.addi %select_n3A_44, %select_n3A_14 : i32
        %add3A_46 = arith.constant 1 : i32
        %add3A_47 = arith.addi %select_n3A_44, %add3A_46 : i32
        %select_n3A_48 = arith.constant true
        %select_n3A_49 = arith.select %select_n3A_48, %add3A_47, %select_n3A_44 : i32
        %eq3A_50 = arith.cmpi eq, %select_n3A_49, %select_n3A : i32
        %select_n3A_51 = arith.constant 0 : i32
        %select_n3A_52 = arith.select %eq3A_50, %select_n3A_51, %select_n3A_49 : i32
        %add3A_53 = arith.addi %select_n3A_52, %select_n3A_14 : i32
        "tpu.trace_start"() <{level = 10 : i32, message = "ep_initialize_0"}> : () -> ()
        %rem3A = arith.constant 0 : i32
        %rem3A_54 = arith.constant 2 : i32
        %rem3A_55 = arith.remui %rem3A, %rem3A_54 : i32
        %mul3A_56 = arith.constant 128 : i32
        %mul3A_57 = arith.muli %mul3A_56, %add3A_27 : i32
        %dma_start3A = arith.constant 0 : i32
        %dma_start3A_58 = arith.constant 0 : i32
        %dma_start3A_59 = tpu.memref_slice %run_scoped3A[%rem3A_55, %dma_start3A, %dma_start3A_58] : memref<2x128x128xi32, #tpu.memory_space<vmem>> -> memref<1x128x128xi32, #tpu.memory_space<vmem>>
        %dma_start3A_60 = tpu.memref_squeeze %dma_start3A_59 : memref<1x128x128xi32, #tpu.memory_space<vmem>> -> memref<128x128xi32, #tpu.memory_space<vmem>>
        %dma_start3A_61 = arith.constant 0 : i32
        %dma_start3A_62 = tpu.memref_slice %arg2[%mul3A_57, %dma_start3A_61] : memref<6144x128xi32, #tpu.memory_space<hbm>> -> memref<128x128xi32, #tpu.memory_space<hbm>>
        %dma_start3A_63 = tpu.memref_slice %run_scoped3A_17[%rem3A_55] : memref<2x!tpu.dma_semaphore, #tpu.memory_space<semaphore_mem>> -> memref<1x!tpu.dma_semaphore, #tpu.memory_space<semaphore_mem>>
        %dma_start3A_64 = tpu.memref_squeeze %dma_start3A_63 : memref<1x!tpu.dma_semaphore, #tpu.memory_space<semaphore_mem>> -> memref<!tpu.dma_semaphore, #tpu.memory_space<semaphore_mem>>
        %dma_start3A_65 = arith.constant 0 : i32
        %dma_start3A_66 = arith.constant 0 : i32
        %dma_start3A_67 = tpu.memref_slice %run_scoped3A[%rem3A_55, %dma_start3A_65, %dma_start3A_66] : memref<2x128x128xi32, #tpu.memory_space<vmem>> -> memref<1x128x128xi32, #tpu.memory_space<vmem>>
        %dma_start3A_68 = tpu.memref_squeeze %dma_start3A_67 : memref<1x128x128xi32, #tpu.memory_space<vmem>> -> memref<128x128xi32, #tpu.memory_space<vmem>>
        %dma_start3A_69 = arith.constant 0 : i32
        %dma_start3A_70 = tpu.memref_slice %arg2[%mul3A_57, %dma_start3A_69] : memref<6144x128xi32, #tpu.memory_space<hbm>> -> memref<128x128xi32, #tpu.memory_space<hbm>>
        tpu.enqueue_dma source(%dma_start3A_70 : memref<128x128xi32, #tpu.memory_space<hbm>>) target(%dma_start3A_68 : memref<128x128xi32, #tpu.memory_space<vmem>>) target_semaphore(%dma_start3A_64 : memref<!tpu.dma_semaphore, #tpu.memory_space<semaphore_mem>>)
        %add3A_71 = arith.constant 0 : i32
        %add3A_72 = arith.constant 1 : i32
        %add3A_73 = arith.addi %add3A_71, %add3A_72 : i32
        %select_n3A_74 = arith.constant true
        %select_n3A_75 = arith.constant 0 : i32
        %select_n3A_76 = arith.select %select_n3A_74, %add3A_73, %select_n3A_75 : i32
        %rem3A_77 = arith.constant 0 : i32
        %rem3A_78 = arith.constant 2 : i32
        %rem3A_79 = arith.remui %rem3A_77, %rem3A_78 : i32
        %mul3A_80 = arith.constant 128 : i32
        %mul3A_81 = arith.muli %mul3A_80, %add3A_27 : i32
        %dma_start3A_82 = arith.constant 0 : i32
        %dma_start3A_83 = arith.constant 0 : i32
        %dma_start3A_84 = tpu.memref_slice %run_scoped3A_18[%rem3A_79, %dma_start3A_82, %dma_start3A_83] : memref<2x1x128xi32, #tpu.memory_space<vmem>> -> memref<1x1x128xi32, #tpu.memory_space<vmem>>
        %dma_start3A_85 = tpu.memref_squeeze %dma_start3A_84 : memref<1x1x128xi32, #tpu.memory_space<vmem>> -> memref<1x128xi32, #tpu.memory_space<vmem>>
        %dma_start3A_86 = arith.constant 0 : i32
        %dma_start3A_87 = tpu.memref_slice %arg3[%dma_start3A_86, %mul3A_81] : memref<1x6144xi32, #tpu.memory_space<hbm>> -> memref<1x128xi32, #tpu.memory_space<hbm>>
        %dma_start3A_88 = tpu.memref_slice %run_scoped3A_19[%rem3A_79] : memref<2x!tpu.dma_semaphore, #tpu.memory_space<semaphore_mem>> -> memref<1x!tpu.dma_semaphore, #tpu.memory_space<semaphore_mem>>
        %dma_start3A_89 = tpu.memref_squeeze %dma_start3A_88 : memref<1x!tpu.dma_semaphore, #tpu.memory_space<semaphore_mem>> -> memref<!tpu.dma_semaphore, #tpu.memory_space<semaphore_mem>>
        %dma_start3A_90 = arith.constant 0 : i32
        %dma_start3A_91 = arith.constant 0 : i32
        %dma_start3A_92 = tpu.memref_slice %run_scoped3A_18[%rem3A_79, %dma_start3A_90, %dma_start3A_91] : memref<2x1x128xi32, #tpu.memory_space<vmem>> -> memref<1x1x128xi32, #tpu.memory_space<vmem>>
        %dma_start3A_93 = tpu.memref_squeeze %dma_start3A_92 : memref<1x1x128xi32, #tpu.memory_space<vmem>> -> memref<1x128xi32, #tpu.memory_space<vmem>>
        %dma_start3A_94 = arith.constant 0 : i32
        %dma_start3A_95 = tpu.memref_slice %arg3[%dma_start3A_94, %mul3A_81] : memref<1x6144xi32, #tpu.memory_space<hbm>> -> memref<1x128xi32, #tpu.memory_space<hbm>>
        tpu.enqueue_dma source(%dma_start3A_95 : memref<1x128xi32, #tpu.memory_space<hbm>>) target(%dma_start3A_93 : memref<1x128xi32, #tpu.memory_space<vmem>>) target_semaphore(%dma_start3A_89 : memref<!tpu.dma_semaphore, #tpu.memory_space<semaphore_mem>>)
        %add3A_96 = arith.constant 0 : i32
        %add3A_97 = arith.constant 1 : i32
        %add3A_98 = arith.addi %add3A_96, %add3A_97 : i32
        %select_n3A_99 = arith.constant true
        %select_n3A_100 = arith.constant 0 : i32
        %select_n3A_101 = arith.select %select_n3A_99, %add3A_98, %select_n3A_100 : i32
        %while3A = arith.constant 0 : i32
        %while3A_102 = arith.constant 0 : i32
        %while3A_103 = arith.constant 0 : i32
        %while3A_104 = arith.constant 0 : i32
        "tpu.trace_stop"() : () -> ()
        %while3A_105 = arith.subi %mul3A_16, %while3A : i32
        %while3A_106 = arith.addi %while3A, %while3A_105 : i32
        %while3A_107 = arith.constant 1 : i32
        %while3A_108 = arith.divsi %while3A_105, %while3A_107 : i32
        %while3A_109 = arith.muli %while3A_108, %while3A_107 : i32
        %while3A_110 = arith.addi %while3A, %while3A_109 : i32
        %while3A_111 = arith.constant 1 : i32
        %while3A_112:5 = scf.for %while3A_166 = %while3A to %while3A_110 step %while3A_111 iter_args(%while3A_167 = %select_n3A_76, %while3A_168 = %while3A_102, %while3A_169 = %select_n3A_101, %while3A_170 = %while3A_103, %while3A_171 = %while3A_104) -> (i32, i32, i32, i32, i32)  : i32 {
          %mul3A_172 = arith.constant 1 : i32
          %mul3A_173 = arith.muli %mul3A_172, %select_n3A : i32
          %eq3A_174 = arith.constant 0 : i32
          %eq3A_175 = arith.cmpi eq, %while3A_166, %eq3A_174 : i32
          %sub3A_176 = arith.constant 1 : i32
          %sub3A_177 = arith.subi %mul3A_173, %sub3A_176 : i32
          %eq3A_178 = arith.cmpi eq, %while3A_166, %sub3A_177 : i32
          %add3A_179 = arith.addi %while3A_171, %select_n3A_14 : i32
          %sub3A_180 = arith.constant 1 : i32
          %sub3A_181 = arith.subi %while3A_171, %sub3A_180 : i32
          %select_n3A_182 = arith.constant true
          %select_n3A_183 = arith.select %select_n3A_182, %sub3A_181, %while3A_171 : i32
          %eq3A_184 = arith.constant -1 : i32
          %eq3A_185 = arith.cmpi eq, %select_n3A_183, %eq3A_184 : i32
          %sub3A_186 = arith.constant 1 : i32
          %sub3A_187 = arith.subi %select_n3A, %sub3A_186 : i32
          %select_n3A_188 = arith.select %eq3A_185, %sub3A_187, %select_n3A_183 : i32
          %add3A_189 = arith.addi %select_n3A_188, %select_n3A_14 : i32
          %add3A_190 = arith.constant 1 : i32
          %add3A_191 = arith.addi %while3A_171, %add3A_190 : i32
          %select_n3A_192 = arith.constant true
          %select_n3A_193 = arith.select %select_n3A_192, %add3A_191, %while3A_171 : i32
          %eq3A_194 = arith.cmpi eq, %select_n3A_193, %select_n3A : i32
          %select_n3A_195 = arith.constant 0 : i32
          %select_n3A_196 = arith.select %eq3A_194, %select_n3A_195, %select_n3A_193 : i32
          %add3A_197 = arith.addi %select_n3A_196, %select_n3A_14 : i32
          %add3A_198 = arith.constant 1 : i32
          %add3A_199 = arith.addi %select_n3A_196, %add3A_198 : i32
          %select_n3A_200 = arith.constant true
          %select_n3A_201 = arith.select %select_n3A_200, %add3A_199, %select_n3A_196 : i32
          %eq3A_202 = arith.cmpi eq, %select_n3A_201, %select_n3A : i32
          %select_n3A_203 = arith.constant 0 : i32
          %select_n3A_204 = arith.select %eq3A_202, %select_n3A_203, %select_n3A_201 : i32
          %add3A_205 = arith.addi %select_n3A_204, %select_n3A_14 : i32
          %ne3A = arith.cmpi ne, %add3A_179, %add3A_197 : i32
          %or3A = arith.constant false
          %or3A_206 = arith.ori %or3A, %ne3A : i1
          %or3A_207 = arith.constant false
          %or3A_208 = arith.ori %or3A_206, %or3A_207 : i1
          %sub3A_209 = arith.constant 2 : i32
          %sub3A_210 = arith.subi %mul3A_173, %sub3A_209 : i32
          %add3A_211 = arith.constant 1 : i32
          %add3A_212 = arith.addi %sub3A_210, %add3A_211 : i32
          %ge3A = arith.cmpi sge, %while3A_166, %add3A_212 : i32
          %not3A = arith.constant true
          %not3A_213 = arith.xori %ge3A, %not3A : i1
          %and3A = arith.andi %or3A_208, %not3A_213 : i1
          %convert_element_type3A_214 = arith.extui %and3A : i1 to i32
          %cond3A_215 = arith.constant 0 : i32
          %cond3A_216 = arith.cmpi ne, %convert_element_type3A_214, %cond3A_215 : i32
          scf.if %cond3A_216 {
            "tpu.trace_start"() <{level = 10 : i32, message = "ep_copy_in"}> : () -> ()
            %rem3A_329 = arith.constant 2 : i32
            %rem3A_330 = arith.remui %while3A_167, %rem3A_329 : i32
            %mul3A_331 = arith.constant 128 : i32
            %mul3A_332 = arith.muli %mul3A_331, %add3A_197 : i32
            %dma_start3A_333 = arith.constant 0 : i32
            %dma_start3A_334 = arith.constant 0 : i32
            %dma_start3A_335 = tpu.memref_slice %run_scoped3A[%rem3A_330, %dma_start3A_333, %dma_start3A_334] : memref<2x128x128xi32, #tpu.memory_space<vmem>> -> memref<1x128x128xi32, #tpu.memory_space<vmem>>
            %dma_start3A_336 = tpu.memref_squeeze %dma_start3A_335 : memref<1x128x128xi32, #tpu.memory_space<vmem>> -> memref<128x128xi32, #tpu.memory_space<vmem>>
            %dma_start3A_337 = arith.constant 0 : i32
            %dma_start3A_338 = tpu.memref_slice %arg2[%mul3A_332, %dma_start3A_337] : memref<6144x128xi32, #tpu.memory_space<hbm>> -> memref<128x128xi32, #tpu.memory_space<hbm>>
            %dma_start3A_339 = tpu.memref_slice %run_scoped3A_17[%rem3A_330] : memref<2x!tpu.dma_semaphore, #tpu.memory_space<semaphore_mem>> -> memref<1x!tpu.dma_semaphore, #tpu.memory_space<semaphore_mem>>
            %dma_start3A_340 = tpu.memref_squeeze %dma_start3A_339 : memref<1x!tpu.dma_semaphore, #tpu.memory_space<semaphore_mem>> -> memref<!tpu.dma_semaphore, #tpu.memory_space<semaphore_mem>>
            %dma_start3A_341 = arith.constant 0 : i32
            %dma_start3A_342 = arith.constant 0 : i32
            %dma_start3A_343 = tpu.memref_slice %run_scoped3A[%rem3A_330, %dma_start3A_341, %dma_start3A_342] : memref<2x128x128xi32, #tpu.memory_space<vmem>> -> memref<1x128x128xi32, #tpu.memory_space<vmem>>
            %dma_start3A_344 = tpu.memref_squeeze %dma_start3A_343 : memref<1x128x128xi32, #tpu.memory_space<vmem>> -> memref<128x128xi32, #tpu.memory_space<vmem>>
            %dma_start3A_345 = arith.constant 0 : i32
            %dma_start3A_346 = tpu.memref_slice %arg2[%mul3A_332, %dma_start3A_345] : memref<6144x128xi32, #tpu.memory_space<hbm>> -> memref<128x128xi32, #tpu.memory_space<hbm>>
            tpu.enqueue_dma source(%dma_start3A_346 : memref<128x128xi32, #tpu.memory_space<hbm>>) target(%dma_start3A_344 : memref<128x128xi32, #tpu.memory_space<vmem>>) target_semaphore(%dma_start3A_340 : memref<!tpu.dma_semaphore, #tpu.memory_space<semaphore_mem>>)
            "tpu.trace_stop"() : () -> ()
          } else {
          }
          %and3A_217 = arith.constant true
          %and3A_218 = arith.andi %and3A, %and3A_217 : i1
          %add3A_219 = arith.constant 1 : i32
          %add3A_220 = arith.addi %while3A_167, %add3A_219 : i32
          %select_n3A_221 = arith.select %and3A_218, %add3A_220, %while3A_167 : i32
          %ne3A_222 = arith.cmpi ne, %add3A_179, %add3A_197 : i32
          %or3A_223 = arith.constant false
          %or3A_224 = arith.ori %or3A_223, %ne3A_222 : i1
          %sub3A_225 = arith.constant 2 : i32
          %sub3A_226 = arith.subi %mul3A_173, %sub3A_225 : i32
          %add3A_227 = arith.constant 1 : i32
          %add3A_228 = arith.addi %sub3A_226, %add3A_227 : i32
          %ge3A_229 = arith.cmpi sge, %while3A_166, %add3A_228 : i32
          %not3A_230 = arith.constant true
          %not3A_231 = arith.xori %ge3A_229, %not3A_230 : i1
          %and3A_232 = arith.andi %or3A_224, %not3A_231 : i1
          %convert_element_type3A_233 = arith.extui %and3A_232 : i1 to i32
          %cond3A_234 = arith.constant 0 : i32
          %cond3A_235 = arith.cmpi ne, %convert_element_type3A_233, %cond3A_234 : i32
          scf.if %cond3A_235 {
            "tpu.trace_start"() <{level = 10 : i32, message = "ep_copy_in"}> : () -> ()
            %rem3A_329 = arith.constant 2 : i32
            %rem3A_330 = arith.remui %while3A_169, %rem3A_329 : i32
            %mul3A_331 = arith.constant 128 : i32
            %mul3A_332 = arith.muli %mul3A_331, %add3A_197 : i32
            %dma_start3A_333 = arith.constant 0 : i32
            %dma_start3A_334 = arith.constant 0 : i32
            %dma_start3A_335 = tpu.memref_slice %run_scoped3A_18[%rem3A_330, %dma_start3A_333, %dma_start3A_334] : memref<2x1x128xi32, #tpu.memory_space<vmem>> -> memref<1x1x128xi32, #tpu.memory_space<vmem>>
            %dma_start3A_336 = tpu.memref_squeeze %dma_start3A_335 : memref<1x1x128xi32, #tpu.memory_space<vmem>> -> memref<1x128xi32, #tpu.memory_space<vmem>>
            %dma_start3A_337 = arith.constant 0 : i32
            %dma_start3A_338 = tpu.memref_slice %arg3[%dma_start3A_337, %mul3A_332] : memref<1x6144xi32, #tpu.memory_space<hbm>> -> memref<1x128xi32, #tpu.memory_space<hbm>>
            %dma_start3A_339 = tpu.memref_slice %run_scoped3A_19[%rem3A_330] : memref<2x!tpu.dma_semaphore, #tpu.memory_space<semaphore_mem>> -> memref<1x!tpu.dma_semaphore, #tpu.memory_space<semaphore_mem>>
            %dma_start3A_340 = tpu.memref_squeeze %dma_start3A_339 : memref<1x!tpu.dma_semaphore, #tpu.memory_space<semaphore_mem>> -> memref<!tpu.dma_semaphore, #tpu.memory_space<semaphore_mem>>
            %dma_start3A_341 = arith.constant 0 : i32
            %dma_start3A_342 = arith.constant 0 : i32
            %dma_start3A_343 = tpu.memref_slice %run_scoped3A_18[%rem3A_330, %dma_start3A_341, %dma_start3A_342] : memref<2x1x128xi32, #tpu.memory_space<vmem>> -> memref<1x1x128xi32, #tpu.memory_space<vmem>>
            %dma_start3A_344 = tpu.memref_squeeze %dma_start3A_343 : memref<1x1x128xi32, #tpu.memory_space<vmem>> -> memref<1x128xi32, #tpu.memory_space<vmem>>
            %dma_start3A_345 = arith.constant 0 : i32
            %dma_start3A_346 = tpu.memref_slice %arg3[%dma_start3A_345, %mul3A_332] : memref<1x6144xi32, #tpu.memory_space<hbm>> -> memref<1x128xi32, #tpu.memory_space<hbm>>
            tpu.enqueue_dma source(%dma_start3A_346 : memref<1x128xi32, #tpu.memory_space<hbm>>) target(%dma_start3A_344 : memref<1x128xi32, #tpu.memory_space<vmem>>) target_semaphore(%dma_start3A_340 : memref<!tpu.dma_semaphore, #tpu.memory_space<semaphore_mem>>)
            "tpu.trace_stop"() : () -> ()
          } else {
          }
          %and3A_236 = arith.constant true
          %and3A_237 = arith.andi %and3A_232, %and3A_236 : i1
          %add3A_238 = arith.constant 1 : i32
          %add3A_239 = arith.addi %while3A_169, %add3A_238 : i32
          %select_n3A_240 = arith.select %and3A_237, %add3A_239, %while3A_169 : i32
          %ne3A_241 = arith.cmpi ne, %add3A_179, %add3A_189 : i32
          %or3A_242 = arith.constant false
          %or3A_243 = arith.ori %or3A_242, %ne3A_241 : i1
          %or3A_244 = arith.constant false
          %or3A_245 = arith.ori %or3A_243, %or3A_244 : i1
          %or3A_246 = arith.ori %or3A_245, %eq3A_175 : i1
          %convert_element_type3A_247 = arith.extui %or3A_246 : i1 to i32
          %cond3A_248 = arith.constant 0 : i32
          %cond3A_249 = arith.cmpi ne, %convert_element_type3A_247, %cond3A_248 : i32
          scf.if %cond3A_249 {
            "tpu.trace_start"() <{level = 10 : i32, message = "ep_wait_in"}> : () -> ()
            %mul3A_329 = arith.constant 128 : i32
            %mul3A_330 = arith.muli %mul3A_329, %add3A_179 : i32
            %rem3A_331 = arith.constant 2 : i32
            %rem3A_332 = arith.remui %while3A_168, %rem3A_331 : i32
            %dma_wait3A = arith.constant 0 : i32
            %dma_wait3A_333 = arith.constant 0 : i32
            %dma_wait3A_334 = tpu.memref_slice %run_scoped3A[%rem3A_332, %dma_wait3A, %dma_wait3A_333] : memref<2x128x128xi32, #tpu.memory_space<vmem>> -> memref<1x128x128xi32, #tpu.memory_space<vmem>>
            %dma_wait3A_335 = tpu.memref_squeeze %dma_wait3A_334 : memref<1x128x128xi32, #tpu.memory_space<vmem>> -> memref<128x128xi32, #tpu.memory_space<vmem>>
            %dma_wait3A_336 = arith.constant 0 : i32
            %dma_wait3A_337 = tpu.memref_slice %arg2[%mul3A_330, %dma_wait3A_336] : memref<6144x128xi32, #tpu.memory_space<hbm>> -> memref<128x128xi32, #tpu.memory_space<hbm>>
            %dma_wait3A_338 = tpu.memref_slice %run_scoped3A_17[%rem3A_332] : memref<2x!tpu.dma_semaphore, #tpu.memory_space<semaphore_mem>> -> memref<1x!tpu.dma_semaphore, #tpu.memory_space<semaphore_mem>>
            %dma_wait3A_339 = tpu.memref_squeeze %dma_wait3A_338 : memref<1x!tpu.dma_semaphore, #tpu.memory_space<semaphore_mem>> -> memref<!tpu.dma_semaphore, #tpu.memory_space<semaphore_mem>>
            %dma_wait3A_340 = arith.constant 0 : i32
            %dma_wait3A_341 = arith.constant 0 : i32
            %dma_wait3A_342 = tpu.memref_slice %run_scoped3A[%rem3A_332, %dma_wait3A_340, %dma_wait3A_341] : memref<2x128x128xi32, #tpu.memory_space<vmem>> -> memref<1x128x128xi32, #tpu.memory_space<vmem>>
            %dma_wait3A_343 = tpu.memref_squeeze %dma_wait3A_342 : memref<1x128x128xi32, #tpu.memory_space<vmem>> -> memref<128x128xi32, #tpu.memory_space<vmem>>
            %dma_wait3A_344 = arith.constant 0 : i32
            %dma_wait3A_345 = tpu.memref_slice %arg2[%mul3A_330, %dma_wait3A_344] : memref<6144x128xi32, #tpu.memory_space<hbm>> -> memref<128x128xi32, #tpu.memory_space<hbm>>
            tpu.wait_dma2 semaphore(%dma_wait3A_339 : memref<!tpu.dma_semaphore, #tpu.memory_space<semaphore_mem>>) src(%dma_wait3A_345 : memref<128x128xi32, #tpu.memory_space<hbm>>) dst(%dma_wait3A_343 : memref<128x128xi32, #tpu.memory_space<vmem>>)
            "tpu.trace_stop"() : () -> ()
          } else {
          }
          %ne3A_250 = arith.cmpi ne, %add3A_179, %add3A_189 : i32
          %or3A_251 = arith.constant false
          %or3A_252 = arith.ori %or3A_251, %ne3A_250 : i1
          %or3A_253 = arith.ori %or3A_252, %eq3A_175 : i1
          %convert_element_type3A_254 = arith.extui %or3A_253 : i1 to i32
          %cond3A_255 = arith.constant 0 : i32
          %cond3A_256 = arith.cmpi ne, %convert_element_type3A_254, %cond3A_255 : i32
          scf.if %cond3A_256 {
            "tpu.trace_start"() <{level = 10 : i32, message = "ep_wait_in"}> : () -> ()
            %mul3A_329 = arith.constant 128 : i32
            %mul3A_330 = arith.muli %mul3A_329, %add3A_179 : i32
            %rem3A_331 = arith.constant 2 : i32
            %rem3A_332 = arith.remui %while3A_170, %rem3A_331 : i32
            %dma_wait3A = arith.constant 0 : i32
            %dma_wait3A_333 = arith.constant 0 : i32
            %dma_wait3A_334 = tpu.memref_slice %run_scoped3A_18[%rem3A_332, %dma_wait3A, %dma_wait3A_333] : memref<2x1x128xi32, #tpu.memory_space<vmem>> -> memref<1x1x128xi32, #tpu.memory_space<vmem>>
            %dma_wait3A_335 = tpu.memref_squeeze %dma_wait3A_334 : memref<1x1x128xi32, #tpu.memory_space<vmem>> -> memref<1x128xi32, #tpu.memory_space<vmem>>
            %dma_wait3A_336 = arith.constant 0 : i32
            %dma_wait3A_337 = tpu.memref_slice %arg3[%dma_wait3A_336, %mul3A_330] : memref<1x6144xi32, #tpu.memory_space<hbm>> -> memref<1x128xi32, #tpu.memory_space<hbm>>
            %dma_wait3A_338 = tpu.memref_slice %run_scoped3A_19[%rem3A_332] : memref<2x!tpu.dma_semaphore, #tpu.memory_space<semaphore_mem>> -> memref<1x!tpu.dma_semaphore, #tpu.memory_space<semaphore_mem>>
            %dma_wait3A_339 = tpu.memref_squeeze %dma_wait3A_338 : memref<1x!tpu.dma_semaphore, #tpu.memory_space<semaphore_mem>> -> memref<!tpu.dma_semaphore, #tpu.memory_space<semaphore_mem>>
            %dma_wait3A_340 = arith.constant 0 : i32
            %dma_wait3A_341 = arith.constant 0 : i32
            %dma_wait3A_342 = tpu.memref_slice %run_scoped3A_18[%rem3A_332, %dma_wait3A_340, %dma_wait3A_341] : memref<2x1x128xi32, #tpu.memory_space<vmem>> -> memref<1x1x128xi32, #tpu.memory_space<vmem>>
            %dma_wait3A_343 = tpu.memref_squeeze %dma_wait3A_342 : memref<1x1x128xi32, #tpu.memory_space<vmem>> -> memref<1x128xi32, #tpu.memory_space<vmem>>
            %dma_wait3A_344 = arith.constant 0 : i32
            %dma_wait3A_345 = tpu.memref_slice %arg3[%dma_wait3A_344, %mul3A_330] : memref<1x6144xi32, #tpu.memory_space<hbm>> -> memref<1x128xi32, #tpu.memory_space<hbm>>
            tpu.wait_dma2 semaphore(%dma_wait3A_339 : memref<!tpu.dma_semaphore, #tpu.memory_space<semaphore_mem>>) src(%dma_wait3A_345 : memref<1x128xi32, #tpu.memory_space<hbm>>) dst(%dma_wait3A_343 : memref<1x128xi32, #tpu.memory_space<vmem>>)
            "tpu.trace_stop"() : () -> ()
          } else {
          }
          %rem3A_257 = arith.constant 2 : i32
          %rem3A_258 = arith.remui %while3A_168, %rem3A_257 : i32
          %rem3A_259 = arith.constant 2 : i32
          %rem3A_260 = arith.remui %while3A_170, %rem3A_259 : i32
          %run_scoped3A_261 = arith.constant 0 : i32
          "tpu.trace_start"() <{level = 10 : i32, message = "ep_run_kernel"}> : () -> ()
          "tpu.region"() ({
            %run_scoped3A_329 = tpu.sem_alloc : memref<!tpu.dma_semaphore, #tpu.memory_space<semaphore_mem>>
            %dma_start3A_330 = arith.constant 0 : i32
            %dma_start3A_331 = arith.constant 0 : i32
            %dma_start3A_332 = tpu.memref_slice %run_scoped3A[%rem3A_258, %dma_start3A_330, %dma_start3A_331] : memref<2x128x128xi32, #tpu.memory_space<vmem>> -> memref<1x128x128xi32, #tpu.memory_space<vmem>>
            %dma_start3A_333 = tpu.memref_squeeze %dma_start3A_332 : memref<1x128x128xi32, #tpu.memory_space<vmem>> -> memref<128x128xi32, #tpu.memory_space<vmem>>
            %dma_start3A_334 = arith.constant 0 : i32
            %dma_start3A_335 = arith.constant 0 : i32
            %dma_start3A_336 = tpu.memref_slice %run_scoped3A_18[%rem3A_260, %dma_start3A_334, %dma_start3A_335] : memref<2x1x128xi32, #tpu.memory_space<vmem>> -> memref<1x1x128xi32, #tpu.memory_space<vmem>>
            %dma_start3A_337 = tpu.memref_squeeze %dma_start3A_336 : memref<1x1x128xi32, #tpu.memory_space<vmem>> -> memref<1x128xi32, #tpu.memory_space<vmem>>
            %dma_start3A_338 = arith.constant 0 : i32
            %dma_start3A_339 = tpu.memref_slice %dma_start3A_337[%run_scoped3A_261, %dma_start3A_338] : memref<1x128xi32, #tpu.memory_space<vmem>> -> memref<1x128xi32, #tpu.memory_space<vmem>>
            %dma_start3A_340 = tpu.memref_squeeze %dma_start3A_339 : memref<1x128xi32, #tpu.memory_space<vmem>> -> memref<128xi32, #tpu.memory_space<vmem>>
            %dma_start3A_341 = arith.constant 0 : i32
            %dma_start3A_342 = arith.constant 0 : i32
            %dma_start3A_343 = tpu.memref_slice %arg4[%dma_start3A_341, %dma_start3A_342] : memref<6144x128xi32, #tpu.memory_space<hbm>> -> memref<6144x128xi32, #tpu.memory_space<hbm>>
            tpu.enqueue_indirect_dma source(%dma_start3A_333 : memref<128x128xi32, #tpu.memory_space<vmem>>) target(%dma_start3A_343 : memref<6144x128xi32, #tpu.memory_space<hbm>>) offsets(%dma_start3A_340 : memref<128xi32, #tpu.memory_space<vmem>>) semaphore(%run_scoped3A_329 : memref<!tpu.dma_semaphore, #tpu.memory_space<semaphore_mem>>)
            %dma_wait3A = arith.constant 0 : i32
            %dma_wait3A_344 = arith.constant 0 : i32
            %dma_wait3A_345 = tpu.memref_slice %run_scoped3A[%rem3A_258, %dma_wait3A, %dma_wait3A_344] : memref<2x128x128xi32, #tpu.memory_space<vmem>> -> memref<1x128x128xi32, #tpu.memory_space<vmem>>
            %dma_wait3A_346 = tpu.memref_squeeze %dma_wait3A_345 : memref<1x128x128xi32, #tpu.memory_space<vmem>> -> memref<128x128xi32, #tpu.memory_space<vmem>>
            %dma_wait3A_347 = arith.constant 0 : i32
            %dma_wait3A_348 = arith.constant 0 : i32
            %dma_wait3A_349 = tpu.memref_slice %run_scoped3A_18[%rem3A_260, %dma_wait3A_347, %dma_wait3A_348] : memref<2x1x128xi32, #tpu.memory_space<vmem>> -> memref<1x1x128xi32, #tpu.memory_space<vmem>>
            %dma_wait3A_350 = tpu.memref_squeeze %dma_wait3A_349 : memref<1x1x128xi32, #tpu.memory_space<vmem>> -> memref<1x128xi32, #tpu.memory_space<vmem>>
            %dma_wait3A_351 = arith.constant 0 : i32
            %dma_wait3A_352 = tpu.memref_slice %dma_wait3A_350[%run_scoped3A_261, %dma_wait3A_351] : memref<1x128xi32, #tpu.memory_space<vmem>> -> memref<1x128xi32, #tpu.memory_space<vmem>>
            %dma_wait3A_353 = tpu.memref_squeeze %dma_wait3A_352 : memref<1x128xi32, #tpu.memory_space<vmem>> -> memref<128xi32, #tpu.memory_space<vmem>>
            %dma_wait3A_354 = arith.constant 0 : i32
            %dma_wait3A_355 = arith.constant 0 : i32
            %dma_wait3A_356 = tpu.memref_slice %arg4[%dma_wait3A_354, %dma_wait3A_355] : memref<6144x128xi32, #tpu.memory_space<hbm>> -> memref<6144x128xi32, #tpu.memory_space<hbm>>
            tpu.wait_indirect_dma semaphore(%run_scoped3A_329 : memref<!tpu.dma_semaphore, #tpu.memory_space<semaphore_mem>>) src(%dma_wait3A_346 : memref<128x128xi32, #tpu.memory_space<vmem>>) dst(%dma_wait3A_356 : memref<6144x128xi32, #tpu.memory_space<hbm>>)
            tpu.yield
          }) : () -> ()
          "tpu.trace_stop"() : () -> ()
          %ne3A_262 = arith.cmpi ne, %add3A_179, %add3A_197 : i32
          %or3A_263 = arith.constant false
          %or3A_264 = arith.ori %or3A_263, %ne3A_262 : i1
          %or3A_265 = arith.constant false
          %or3A_266 = arith.ori %or3A_264, %or3A_265 : i1
          %or3A_267 = arith.ori %or3A_266, %eq3A_178 : i1
          %convert_element_type3A_268 = arith.extui %or3A_267 : i1 to i32
          %cond3A_269 = arith.constant 0 : i32
          %cond3A_270 = arith.cmpi ne, %convert_element_type3A_268, %cond3A_269 : i32
          scf.if %cond3A_270 {
          } else {
          }
          %and3A_271 = arith.constant false
          %and3A_272 = arith.andi %or3A_267, %and3A_271 : i1
          %ne3A_273 = arith.cmpi ne, %add3A_179, %add3A_197 : i32
          %or3A_274 = arith.constant false
          %or3A_275 = arith.ori %or3A_274, %ne3A_273 : i1
          %or3A_276 = arith.ori %or3A_275, %eq3A_178 : i1
          %convert_element_type3A_277 = arith.extui %or3A_276 : i1 to i32
          %cond3A_278 = arith.constant 0 : i32
          %cond3A_279 = arith.cmpi ne, %convert_element_type3A_277, %cond3A_278 : i32
          scf.if %cond3A_279 {
          } else {
          }
          %and3A_280 = arith.constant false
          %and3A_281 = arith.andi %or3A_276, %and3A_280 : i1
          %ne3A_282 = arith.cmpi ne, %add3A_179, %add3A_189 : i32
          %or3A_283 = arith.constant false
          %or3A_284 = arith.ori %or3A_283, %ne3A_282 : i1
          %or3A_285 = arith.constant false
          %or3A_286 = arith.ori %or3A_284, %or3A_285 : i1
          %not3A_287 = arith.constant true
          %not3A_288 = arith.xori %eq3A_175, %not3A_287 : i1
          %and3A_289 = arith.andi %or3A_286, %not3A_288 : i1
          %convert_element_type3A_290 = arith.extui %and3A_289 : i1 to i32
          %cond3A_291 = arith.constant 0 : i32
          %cond3A_292 = arith.cmpi ne, %convert_element_type3A_290, %cond3A_291 : i32
          scf.if %cond3A_292 {
          } else {
          }
          %and3A_293 = arith.constant false
          %and3A_294 = arith.andi %and3A_289, %and3A_293 : i1
          %ne3A_295 = arith.cmpi ne, %add3A_179, %add3A_189 : i32
          %or3A_296 = arith.constant false
          %or3A_297 = arith.ori %or3A_296, %ne3A_295 : i1
          %not3A_298 = arith.constant true
          %not3A_299 = arith.xori %eq3A_175, %not3A_298 : i1
          %and3A_300 = arith.andi %or3A_297, %not3A_299 : i1
          %convert_element_type3A_301 = arith.extui %and3A_300 : i1 to i32
          %cond3A_302 = arith.constant 0 : i32
          %cond3A_303 = arith.cmpi ne, %convert_element_type3A_301, %cond3A_302 : i32
          scf.if %cond3A_303 {
          } else {
          }
          %and3A_304 = arith.constant false
          %and3A_305 = arith.andi %and3A_300, %and3A_304 : i1
          %ne3A_306 = arith.cmpi ne, %add3A_179, %add3A_197 : i32
          %or3A_307 = arith.constant false
          %or3A_308 = arith.ori %or3A_307, %ne3A_306 : i1
          %or3A_309 = arith.constant false
          %or3A_310 = arith.ori %or3A_308, %or3A_309 : i1
          %or3A_311 = arith.ori %or3A_310, %eq3A_178 : i1
          %add3A_312 = arith.constant 1 : i32
          %add3A_313 = arith.addi %while3A_168, %add3A_312 : i32
          %select_n3A_314 = arith.select %or3A_311, %add3A_313, %while3A_168 : i32
          %ne3A_315 = arith.cmpi ne, %add3A_179, %add3A_197 : i32
          %or3A_316 = arith.constant false
          %or3A_317 = arith.ori %or3A_316, %ne3A_315 : i1
          %or3A_318 = arith.ori %or3A_317, %eq3A_178 : i1
          %add3A_319 = arith.constant 1 : i32
          %add3A_320 = arith.addi %while3A_170, %add3A_319 : i32
          %select_n3A_321 = arith.select %or3A_318, %add3A_320, %while3A_170 : i32
          %add3A_322 = arith.constant 1 : i32
          %add3A_323 = arith.addi %while3A_171, %add3A_322 : i32
          %select_n3A_324 = arith.constant true
          %select_n3A_325 = arith.select %select_n3A_324, %add3A_323, %while3A_171 : i32
          %eq3A_326 = arith.cmpi eq, %select_n3A_325, %select_n3A : i32
          %select_n3A_327 = arith.constant 0 : i32
          %select_n3A_328 = arith.select %eq3A_326, %select_n3A_327, %select_n3A_325 : i32
          scf.yield %select_n3A_221, %select_n3A_314, %select_n3A_240, %select_n3A_321, %select_n3A_328 : i32, i32, i32, i32, i32
        }
        %while3A_113 = arith.constant 1 : i32
        %while3A_114:5 = scf.for %while3A_166 = %while3A_110 to %while3A_106 step %while3A_113 iter_args(%while3A_167 = %while3A_112#0, %while3A_168 = %while3A_112#1, %while3A_169 = %while3A_112#2, %while3A_170 = %while3A_112#3, %while3A_171 = %while3A_112#4) -> (i32, i32, i32, i32, i32)  : i32 {
          %mul3A_172 = arith.constant 1 : i32
          %mul3A_173 = arith.muli %mul3A_172, %select_n3A : i32
          %eq3A_174 = arith.constant 0 : i32
          %eq3A_175 = arith.cmpi eq, %while3A_166, %eq3A_174 : i32
          %sub3A_176 = arith.constant 1 : i32
          %sub3A_177 = arith.subi %mul3A_173, %sub3A_176 : i32
          %eq3A_178 = arith.cmpi eq, %while3A_166, %sub3A_177 : i32
          %add3A_179 = arith.addi %while3A_171, %select_n3A_14 : i32
          %sub3A_180 = arith.constant 1 : i32
          %sub3A_181 = arith.subi %while3A_171, %sub3A_180 : i32
          %select_n3A_182 = arith.constant true
          %select_n3A_183 = arith.select %select_n3A_182, %sub3A_181, %while3A_171 : i32
          %eq3A_184 = arith.constant -1 : i32
          %eq3A_185 = arith.cmpi eq, %select_n3A_183, %eq3A_184 : i32
          %sub3A_186 = arith.constant 1 : i32
          %sub3A_187 = arith.subi %select_n3A, %sub3A_186 : i32
          %select_n3A_188 = arith.select %eq3A_185, %sub3A_187, %select_n3A_183 : i32
          %add3A_189 = arith.addi %select_n3A_188, %select_n3A_14 : i32
          %add3A_190 = arith.constant 1 : i32
          %add3A_191 = arith.addi %while3A_171, %add3A_190 : i32
          %select_n3A_192 = arith.constant true
          %select_n3A_193 = arith.select %select_n3A_192, %add3A_191, %while3A_171 : i32
          %eq3A_194 = arith.cmpi eq, %select_n3A_193, %select_n3A : i32
          %select_n3A_195 = arith.constant 0 : i32
          %select_n3A_196 = arith.select %eq3A_194, %select_n3A_195, %select_n3A_193 : i32
          %add3A_197 = arith.addi %select_n3A_196, %select_n3A_14 : i32
          %add3A_198 = arith.constant 1 : i32
          %add3A_199 = arith.addi %select_n3A_196, %add3A_198 : i32
          %select_n3A_200 = arith.constant true
          %select_n3A_201 = arith.select %select_n3A_200, %add3A_199, %select_n3A_196 : i32
          %eq3A_202 = arith.cmpi eq, %select_n3A_201, %select_n3A : i32
          %select_n3A_203 = arith.constant 0 : i32
          %select_n3A_204 = arith.select %eq3A_202, %select_n3A_203, %select_n3A_201 : i32
          %add3A_205 = arith.addi %select_n3A_204, %select_n3A_14 : i32
          %ne3A = arith.cmpi ne, %add3A_179, %add3A_197 : i32
          %or3A = arith.constant false
          %or3A_206 = arith.ori %or3A, %ne3A : i1
          %or3A_207 = arith.constant false
          %or3A_208 = arith.ori %or3A_206, %or3A_207 : i1
          %sub3A_209 = arith.constant 2 : i32
          %sub3A_210 = arith.subi %mul3A_173, %sub3A_209 : i32
          %add3A_211 = arith.constant 1 : i32
          %add3A_212 = arith.addi %sub3A_210, %add3A_211 : i32
          %ge3A = arith.cmpi sge, %while3A_166, %add3A_212 : i32
          %not3A = arith.constant true
          %not3A_213 = arith.xori %ge3A, %not3A : i1
          %and3A = arith.andi %or3A_208, %not3A_213 : i1
          %convert_element_type3A_214 = arith.extui %and3A : i1 to i32
          %cond3A_215 = arith.constant 0 : i32
          %cond3A_216 = arith.cmpi ne, %convert_element_type3A_214, %cond3A_215 : i32
          scf.if %cond3A_216 {
            "tpu.trace_start"() <{level = 10 : i32, message = "ep_copy_in"}> : () -> ()
            %rem3A_329 = arith.constant 2 : i32
            %rem3A_330 = arith.remui %while3A_167, %rem3A_329 : i32
            %mul3A_331 = arith.constant 128 : i32
            %mul3A_332 = arith.muli %mul3A_331, %add3A_197 : i32
            %dma_start3A_333 = arith.constant 0 : i32
            %dma_start3A_334 = arith.constant 0 : i32
            %dma_start3A_335 = tpu.memref_slice %run_scoped3A[%rem3A_330, %dma_start3A_333, %dma_start3A_334] : memref<2x128x128xi32, #tpu.memory_space<vmem>> -> memref<1x128x128xi32, #tpu.memory_space<vmem>>
            %dma_start3A_336 = tpu.memref_squeeze %dma_start3A_335 : memref<1x128x128xi32, #tpu.memory_space<vmem>> -> memref<128x128xi32, #tpu.memory_space<vmem>>
            %dma_start3A_337 = arith.constant 0 : i32
            %dma_start3A_338 = tpu.memref_slice %arg2[%mul3A_332, %dma_start3A_337] : memref<6144x128xi32, #tpu.memory_space<hbm>> -> memref<128x128xi32, #tpu.memory_space<hbm>>
            %dma_start3A_339 = tpu.memref_slice %run_scoped3A_17[%rem3A_330] : memref<2x!tpu.dma_semaphore, #tpu.memory_space<semaphore_mem>> -> memref<1x!tpu.dma_semaphore, #tpu.memory_space<semaphore_mem>>
            %dma_start3A_340 = tpu.memref_squeeze %dma_start3A_339 : memref<1x!tpu.dma_semaphore, #tpu.memory_space<semaphore_mem>> -> memref<!tpu.dma_semaphore, #tpu.memory_space<semaphore_mem>>
            %dma_start3A_341 = arith.constant 0 : i32
            %dma_start3A_342 = arith.constant 0 : i32
            %dma_start3A_343 = tpu.memref_slice %run_scoped3A[%rem3A_330, %dma_start3A_341, %dma_start3A_342] : memref<2x128x128xi32, #tpu.memory_space<vmem>> -> memref<1x128x128xi32, #tpu.memory_space<vmem>>
            %dma_start3A_344 = tpu.memref_squeeze %dma_start3A_343 : memref<1x128x128xi32, #tpu.memory_space<vmem>> -> memref<128x128xi32, #tpu.memory_space<vmem>>
            %dma_start3A_345 = arith.constant 0 : i32
            %dma_start3A_346 = tpu.memref_slice %arg2[%mul3A_332, %dma_start3A_345] : memref<6144x128xi32, #tpu.memory_space<hbm>> -> memref<128x128xi32, #tpu.memory_space<hbm>>
            tpu.enqueue_dma source(%dma_start3A_346 : memref<128x128xi32, #tpu.memory_space<hbm>>) target(%dma_start3A_344 : memref<128x128xi32, #tpu.memory_space<vmem>>) target_semaphore(%dma_start3A_340 : memref<!tpu.dma_semaphore, #tpu.memory_space<semaphore_mem>>)
            "tpu.trace_stop"() : () -> ()
          } else {
          }
          %and3A_217 = arith.constant true
          %and3A_218 = arith.andi %and3A, %and3A_217 : i1
          %add3A_219 = arith.constant 1 : i32
          %add3A_220 = arith.addi %while3A_167, %add3A_219 : i32
          %select_n3A_221 = arith.select %and3A_218, %add3A_220, %while3A_167 : i32
          %ne3A_222 = arith.cmpi ne, %add3A_179, %add3A_197 : i32
          %or3A_223 = arith.constant false
          %or3A_224 = arith.ori %or3A_223, %ne3A_222 : i1
          %sub3A_225 = arith.constant 2 : i32
          %sub3A_226 = arith.subi %mul3A_173, %sub3A_225 : i32
          %add3A_227 = arith.constant 1 : i32
          %add3A_228 = arith.addi %sub3A_226, %add3A_227 : i32
          %ge3A_229 = arith.cmpi sge, %while3A_166, %add3A_228 : i32
          %not3A_230 = arith.constant true
          %not3A_231 = arith.xori %ge3A_229, %not3A_230 : i1
          %and3A_232 = arith.andi %or3A_224, %not3A_231 : i1
          %convert_element_type3A_233 = arith.extui %and3A_232 : i1 to i32
          %cond3A_234 = arith.constant 0 : i32
          %cond3A_235 = arith.cmpi ne, %convert_element_type3A_233, %cond3A_234 : i32
          scf.if %cond3A_235 {
            "tpu.trace_start"() <{level = 10 : i32, message = "ep_copy_in"}> : () -> ()
            %rem3A_329 = arith.constant 2 : i32
            %rem3A_330 = arith.remui %while3A_169, %rem3A_329 : i32
            %mul3A_331 = arith.constant 128 : i32
            %mul3A_332 = arith.muli %mul3A_331, %add3A_197 : i32
            %dma_start3A_333 = arith.constant 0 : i32
            %dma_start3A_334 = arith.constant 0 : i32
            %dma_start3A_335 = tpu.memref_slice %run_scoped3A_18[%rem3A_330, %dma_start3A_333, %dma_start3A_334] : memref<2x1x128xi32, #tpu.memory_space<vmem>> -> memref<1x1x128xi32, #tpu.memory_space<vmem>>
            %dma_start3A_336 = tpu.memref_squeeze %dma_start3A_335 : memref<1x1x128xi32, #tpu.memory_space<vmem>> -> memref<1x128xi32, #tpu.memory_space<vmem>>
            %dma_start3A_337 = arith.constant 0 : i32
            %dma_start3A_338 = tpu.memref_slice %arg3[%dma_start3A_337, %mul3A_332] : memref<1x6144xi32, #tpu.memory_space<hbm>> -> memref<1x128xi32, #tpu.memory_space<hbm>>
            %dma_start3A_339 = tpu.memref_slice %run_scoped3A_19[%rem3A_330] : memref<2x!tpu.dma_semaphore, #tpu.memory_space<semaphore_mem>> -> memref<1x!tpu.dma_semaphore, #tpu.memory_space<semaphore_mem>>
            %dma_start3A_340 = tpu.memref_squeeze %dma_start3A_339 : memref<1x!tpu.dma_semaphore, #tpu.memory_space<semaphore_mem>> -> memref<!tpu.dma_semaphore, #tpu.memory_space<semaphore_mem>>
            %dma_start3A_341 = arith.constant 0 : i32
            %dma_start3A_342 = arith.constant 0 : i32
            %dma_start3A_343 = tpu.memref_slice %run_scoped3A_18[%rem3A_330, %dma_start3A_341, %dma_start3A_342] : memref<2x1x128xi32, #tpu.memory_space<vmem>> -> memref<1x1x128xi32, #tpu.memory_space<vmem>>
            %dma_start3A_344 = tpu.memref_squeeze %dma_start3A_343 : memref<1x1x128xi32, #tpu.memory_space<vmem>> -> memref<1x128xi32, #tpu.memory_space<vmem>>
            %dma_start3A_345 = arith.constant 0 : i32
            %dma_start3A_346 = tpu.memref_slice %arg3[%dma_start3A_345, %mul3A_332] : memref<1x6144xi32, #tpu.memory_space<hbm>> -> memref<1x128xi32, #tpu.memory_space<hbm>>
            tpu.enqueue_dma source(%dma_start3A_346 : memref<1x128xi32, #tpu.memory_space<hbm>>) target(%dma_start3A_344 : memref<1x128xi32, #tpu.memory_space<vmem>>) target_semaphore(%dma_start3A_340 : memref<!tpu.dma_semaphore, #tpu.memory_space<semaphore_mem>>)
            "tpu.trace_stop"() : () -> ()
          } else {
          }
          %and3A_236 = arith.constant true
          %and3A_237 = arith.andi %and3A_232, %and3A_236 : i1
          %add3A_238 = arith.constant 1 : i32
          %add3A_239 = arith.addi %while3A_169, %add3A_238 : i32
          %select_n3A_240 = arith.select %and3A_237, %add3A_239, %while3A_169 : i32
          %ne3A_241 = arith.cmpi ne, %add3A_179, %add3A_189 : i32
          %or3A_242 = arith.constant false
          %or3A_243 = arith.ori %or3A_242, %ne3A_241 : i1
          %or3A_244 = arith.constant false
          %or3A_245 = arith.ori %or3A_243, %or3A_244 : i1
          %or3A_246 = arith.ori %or3A_245, %eq3A_175 : i1
          %convert_element_type3A_247 = arith.extui %or3A_246 : i1 to i32
          %cond3A_248 = arith.constant 0 : i32
          %cond3A_249 = arith.cmpi ne, %convert_element_type3A_247, %cond3A_248 : i32
          scf.if %cond3A_249 {
            "tpu.trace_start"() <{level = 10 : i32, message = "ep_wait_in"}> : () -> ()
            %mul3A_329 = arith.constant 128 : i32
            %mul3A_330 = arith.muli %mul3A_329, %add3A_179 : i32
            %rem3A_331 = arith.constant 2 : i32
            %rem3A_332 = arith.remui %while3A_168, %rem3A_331 : i32
            %dma_wait3A = arith.constant 0 : i32
            %dma_wait3A_333 = arith.constant 0 : i32
            %dma_wait3A_334 = tpu.memref_slice %run_scoped3A[%rem3A_332, %dma_wait3A, %dma_wait3A_333] : memref<2x128x128xi32, #tpu.memory_space<vmem>> -> memref<1x128x128xi32, #tpu.memory_space<vmem>>
            %dma_wait3A_335 = tpu.memref_squeeze %dma_wait3A_334 : memref<1x128x128xi32, #tpu.memory_space<vmem>> -> memref<128x128xi32, #tpu.memory_space<vmem>>
            %dma_wait3A_336 = arith.constant 0 : i32
            %dma_wait3A_337 = tpu.memref_slice %arg2[%mul3A_330, %dma_wait3A_336] : memref<6144x128xi32, #tpu.memory_space<hbm>> -> memref<128x128xi32, #tpu.memory_space<hbm>>
            %dma_wait3A_338 = tpu.memref_slice %run_scoped3A_17[%rem3A_332] : memref<2x!tpu.dma_semaphore, #tpu.memory_space<semaphore_mem>> -> memref<1x!tpu.dma_semaphore, #tpu.memory_space<semaphore_mem>>
            %dma_wait3A_339 = tpu.memref_squeeze %dma_wait3A_338 : memref<1x!tpu.dma_semaphore, #tpu.memory_space<semaphore_mem>> -> memref<!tpu.dma_semaphore, #tpu.memory_space<semaphore_mem>>
            %dma_wait3A_340 = arith.constant 0 : i32
            %dma_wait3A_341 = arith.constant 0 : i32
            %dma_wait3A_342 = tpu.memref_slice %run_scoped3A[%rem3A_332, %dma_wait3A_340, %dma_wait3A_341] : memref<2x128x128xi32, #tpu.memory_space<vmem>> -> memref<1x128x128xi32, #tpu.memory_space<vmem>>
            %dma_wait3A_343 = tpu.memref_squeeze %dma_wait3A_342 : memref<1x128x128xi32, #tpu.memory_space<vmem>> -> memref<128x128xi32, #tpu.memory_space<vmem>>
            %dma_wait3A_344 = arith.constant 0 : i32
            %dma_wait3A_345 = tpu.memref_slice %arg2[%mul3A_330, %dma_wait3A_344] : memref<6144x128xi32, #tpu.memory_space<hbm>> -> memref<128x128xi32, #tpu.memory_space<hbm>>
            tpu.wait_dma2 semaphore(%dma_wait3A_339 : memref<!tpu.dma_semaphore, #tpu.memory_space<semaphore_mem>>) src(%dma_wait3A_345 : memref<128x128xi32, #tpu.memory_space<hbm>>) dst(%dma_wait3A_343 : memref<128x128xi32, #tpu.memory_space<vmem>>)
            "tpu.trace_stop"() : () -> ()
          } else {
          }
          %ne3A_250 = arith.cmpi ne, %add3A_179, %add3A_189 : i32
          %or3A_251 = arith.constant false
          %or3A_252 = arith.ori %or3A_251, %ne3A_250 : i1
          %or3A_253 = arith.ori %or3A_252, %eq3A_175 : i1
          %convert_element_type3A_254 = arith.extui %or3A_253 : i1 to i32
          %cond3A_255 = arith.constant 0 : i32
          %cond3A_256 = arith.cmpi ne, %convert_element_type3A_254, %cond3A_255 : i32
          scf.if %cond3A_256 {
            "tpu.trace_start"() <{level = 10 : i32, message = "ep_wait_in"}> : () -> ()
            %mul3A_329 = arith.constant 128 : i32
            %mul3A_330 = arith.muli %mul3A_329, %add3A_179 : i32
            %rem3A_331 = arith.constant 2 : i32
            %rem3A_332 = arith.remui %while3A_170, %rem3A_331 : i32
            %dma_wait3A = arith.constant 0 : i32
            %dma_wait3A_333 = arith.constant 0 : i32
            %dma_wait3A_334 = tpu.memref_slice %run_scoped3A_18[%rem3A_332, %dma_wait3A, %dma_wait3A_333] : memref<2x1x128xi32, #tpu.memory_space<vmem>> -> memref<1x1x128xi32, #tpu.memory_space<vmem>>
            %dma_wait3A_335 = tpu.memref_squeeze %dma_wait3A_334 : memref<1x1x128xi32, #tpu.memory_space<vmem>> -> memref<1x128xi32, #tpu.memory_space<vmem>>
            %dma_wait3A_336 = arith.constant 0 : i32
            %dma_wait3A_337 = tpu.memref_slice %arg3[%dma_wait3A_336, %mul3A_330] : memref<1x6144xi32, #tpu.memory_space<hbm>> -> memref<1x128xi32, #tpu.memory_space<hbm>>
            %dma_wait3A_338 = tpu.memref_slice %run_scoped3A_19[%rem3A_332] : memref<2x!tpu.dma_semaphore, #tpu.memory_space<semaphore_mem>> -> memref<1x!tpu.dma_semaphore, #tpu.memory_space<semaphore_mem>>
            %dma_wait3A_339 = tpu.memref_squeeze %dma_wait3A_338 : memref<1x!tpu.dma_semaphore, #tpu.memory_space<semaphore_mem>> -> memref<!tpu.dma_semaphore, #tpu.memory_space<semaphore_mem>>
            %dma_wait3A_340 = arith.constant 0 : i32
            %dma_wait3A_341 = arith.constant 0 : i32
            %dma_wait3A_342 = tpu.memref_slice %run_scoped3A_18[%rem3A_332, %dma_wait3A_340, %dma_wait3A_341] : memref<2x1x128xi32, #tpu.memory_space<vmem>> -> memref<1x1x128xi32, #tpu.memory_space<vmem>>
            %dma_wait3A_343 = tpu.memref_squeeze %dma_wait3A_342 : memref<1x1x128xi32, #tpu.memory_space<vmem>> -> memref<1x128xi32, #tpu.memory_space<vmem>>
            %dma_wait3A_344 = arith.constant 0 : i32
            %dma_wait3A_345 = tpu.memref_slice %arg3[%dma_wait3A_344, %mul3A_330] : memref<1x6144xi32, #tpu.memory_space<hbm>> -> memref<1x128xi32, #tpu.memory_space<hbm>>
            tpu.wait_dma2 semaphore(%dma_wait3A_339 : memref<!tpu.dma_semaphore, #tpu.memory_space<semaphore_mem>>) src(%dma_wait3A_345 : memref<1x128xi32, #tpu.memory_space<hbm>>) dst(%dma_wait3A_343 : memref<1x128xi32, #tpu.memory_space<vmem>>)
            "tpu.trace_stop"() : () -> ()
          } else {
          }
          %rem3A_257 = arith.constant 2 : i32
          %rem3A_258 = arith.remui %while3A_168, %rem3A_257 : i32
          %rem3A_259 = arith.constant 2 : i32
          %rem3A_260 = arith.remui %while3A_170, %rem3A_259 : i32
          %run_scoped3A_261 = arith.constant 0 : i32
          "tpu.trace_start"() <{level = 10 : i32, message = "ep_run_kernel"}> : () -> ()
          "tpu.region"() ({
            %run_scoped3A_329 = tpu.sem_alloc : memref<!tpu.dma_semaphore, #tpu.memory_space<semaphore_mem>>
            %dma_start3A_330 = arith.constant 0 : i32
            %dma_start3A_331 = arith.constant 0 : i32
            %dma_start3A_332 = tpu.memref_slice %run_scoped3A[%rem3A_258, %dma_start3A_330, %dma_start3A_331] : memref<2x128x128xi32, #tpu.memory_space<vmem>> -> memref<1x128x128xi32, #tpu.memory_space<vmem>>
            %dma_start3A_333 = tpu.memref_squeeze %dma_start3A_332 : memref<1x128x128xi32, #tpu.memory_space<vmem>> -> memref<128x128xi32, #tpu.memory_space<vmem>>
            %dma_start3A_334 = arith.constant 0 : i32
            %dma_start3A_335 = arith.constant 0 : i32
            %dma_start3A_336 = tpu.memref_slice %run_scoped3A_18[%rem3A_260, %dma_start3A_334, %dma_start3A_335] : memref<2x1x128xi32, #tpu.memory_space<vmem>> -> memref<1x1x128xi32, #tpu.memory_space<vmem>>
            %dma_start3A_337 = tpu.memref_squeeze %dma_start3A_336 : memref<1x1x128xi32, #tpu.memory_space<vmem>> -> memref<1x128xi32, #tpu.memory_space<vmem>>
            %dma_start3A_338 = arith.constant 0 : i32
            %dma_start3A_339 = tpu.memref_slice %dma_start3A_337[%run_scoped3A_261, %dma_start3A_338] : memref<1x128xi32, #tpu.memory_space<vmem>> -> memref<1x128xi32, #tpu.memory_space<vmem>>
            %dma_start3A_340 = tpu.memref_squeeze %dma_start3A_339 : memref<1x128xi32, #tpu.memory_space<vmem>> -> memref<128xi32, #tpu.memory_space<vmem>>
            %dma_start3A_341 = arith.constant 0 : i32
            %dma_start3A_342 = arith.constant 0 : i32
            %dma_start3A_343 = tpu.memref_slice %arg4[%dma_start3A_341, %dma_start3A_342] : memref<6144x128xi32, #tpu.memory_space<hbm>> -> memref<6144x128xi32, #tpu.memory_space<hbm>>
            tpu.enqueue_indirect_dma source(%dma_start3A_333 : memref<128x128xi32, #tpu.memory_space<vmem>>) target(%dma_start3A_343 : memref<6144x128xi32, #tpu.memory_space<hbm>>) offsets(%dma_start3A_340 : memref<128xi32, #tpu.memory_space<vmem>>) semaphore(%run_scoped3A_329 : memref<!tpu.dma_semaphore, #tpu.memory_space<semaphore_mem>>)
            %dma_wait3A = arith.constant 0 : i32
            %dma_wait3A_344 = arith.constant 0 : i32
            %dma_wait3A_345 = tpu.memref_slice %run_scoped3A[%rem3A_258, %dma_wait3A, %dma_wait3A_344] : memref<2x128x128xi32, #tpu.memory_space<vmem>> -> memref<1x128x128xi32, #tpu.memory_space<vmem>>
            %dma_wait3A_346 = tpu.memref_squeeze %dma_wait3A_345 : memref<1x128x128xi32, #tpu.memory_space<vmem>> -> memref<128x128xi32, #tpu.memory_space<vmem>>
            %dma_wait3A_347 = arith.constant 0 : i32
            %dma_wait3A_348 = arith.constant 0 : i32
            %dma_wait3A_349 = tpu.memref_slice %run_scoped3A_18[%rem3A_260, %dma_wait3A_347, %dma_wait3A_348] : memref<2x1x128xi32, #tpu.memory_space<vmem>> -> memref<1x1x128xi32, #tpu.memory_space<vmem>>
            %dma_wait3A_350 = tpu.memref_squeeze %dma_wait3A_349 : memref<1x1x128xi32, #tpu.memory_space<vmem>> -> memref<1x128xi32, #tpu.memory_space<vmem>>
            %dma_wait3A_351 = arith.constant 0 : i32
            %dma_wait3A_352 = tpu.memref_slice %dma_wait3A_350[%run_scoped3A_261, %dma_wait3A_351] : memref<1x128xi32, #tpu.memory_space<vmem>> -> memref<1x128xi32, #tpu.memory_space<vmem>>
            %dma_wait3A_353 = tpu.memref_squeeze %dma_wait3A_352 : memref<1x128xi32, #tpu.memory_space<vmem>> -> memref<128xi32, #tpu.memory_space<vmem>>
            %dma_wait3A_354 = arith.constant 0 : i32
            %dma_wait3A_355 = arith.constant 0 : i32
            %dma_wait3A_356 = tpu.memref_slice %arg4[%dma_wait3A_354, %dma_wait3A_355] : memref<6144x128xi32, #tpu.memory_space<hbm>> -> memref<6144x128xi32, #tpu.memory_space<hbm>>
            tpu.wait_indirect_dma semaphore(%run_scoped3A_329 : memref<!tpu.dma_semaphore, #tpu.memory_space<semaphore_mem>>) src(%dma_wait3A_346 : memref<128x128xi32, #tpu.memory_space<vmem>>) dst(%dma_wait3A_356 : memref<6144x128xi32, #tpu.memory_space<hbm>>)
            tpu.yield
          }) : () -> ()
          "tpu.trace_stop"() : () -> ()
          %ne3A_262 = arith.cmpi ne, %add3A_179, %add3A_197 : i32
          %or3A_263 = arith.constant false
          %or3A_264 = arith.ori %or3A_263, %ne3A_262 : i1
          %or3A_265 = arith.constant false
          %or3A_266 = arith.ori %or3A_264, %or3A_265 : i1
          %or3A_267 = arith.ori %or3A_266, %eq3A_178 : i1
          %convert_element_type3A_268 = arith.extui %or3A_267 : i1 to i32
          %cond3A_269 = arith.constant 0 : i32
          %cond3A_270 = arith.cmpi ne, %convert_element_type3A_268, %cond3A_269 : i32
          scf.if %cond3A_270 {
          } else {
          }
          %and3A_271 = arith.constant false
          %and3A_272 = arith.andi %or3A_267, %and3A_271 : i1
          %ne3A_273 = arith.cmpi ne, %add3A_179, %add3A_197 : i32
          %or3A_274 = arith.constant false
          %or3A_275 = arith.ori %or3A_274, %ne3A_273 : i1
          %or3A_276 = arith.ori %or3A_275, %eq3A_178 : i1
          %convert_element_type3A_277 = arith.extui %or3A_276 : i1 to i32
          %cond3A_278 = arith.constant 0 : i32
          %cond3A_279 = arith.cmpi ne, %convert_element_type3A_277, %cond3A_278 : i32
          scf.if %cond3A_279 {
          } else {
          }
          %and3A_280 = arith.constant false
          %and3A_281 = arith.andi %or3A_276, %and3A_280 : i1
          %ne3A_282 = arith.cmpi ne, %add3A_179, %add3A_189 : i32
          %or3A_283 = arith.constant false
          %or3A_284 = arith.ori %or3A_283, %ne3A_282 : i1
          %or3A_285 = arith.constant false
          %or3A_286 = arith.ori %or3A_284, %or3A_285 : i1
          %not3A_287 = arith.constant true
          %not3A_288 = arith.xori %eq3A_175, %not3A_287 : i1
          %and3A_289 = arith.andi %or3A_286, %not3A_288 : i1
          %convert_element_type3A_290 = arith.extui %and3A_289 : i1 to i32
          %cond3A_291 = arith.constant 0 : i32
          %cond3A_292 = arith.cmpi ne, %convert_element_type3A_290, %cond3A_291 : i32
          scf.if %cond3A_292 {
          } else {
          }
          %and3A_293 = arith.constant false
          %and3A_294 = arith.andi %and3A_289, %and3A_293 : i1
          %ne3A_295 = arith.cmpi ne, %add3A_179, %add3A_189 : i32
          %or3A_296 = arith.constant false
          %or3A_297 = arith.ori %or3A_296, %ne3A_295 : i1
          %not3A_298 = arith.constant true
          %not3A_299 = arith.xori %eq3A_175, %not3A_298 : i1
          %and3A_300 = arith.andi %or3A_297, %not3A_299 : i1
          %convert_element_type3A_301 = arith.extui %and3A_300 : i1 to i32
          %cond3A_302 = arith.constant 0 : i32
          %cond3A_303 = arith.cmpi ne, %convert_element_type3A_301, %cond3A_302 : i32
          scf.if %cond3A_303 {
          } else {
          }
          %and3A_304 = arith.constant false
          %and3A_305 = arith.andi %and3A_300, %and3A_304 : i1
          %ne3A_306 = arith.cmpi ne, %add3A_179, %add3A_197 : i32
          %or3A_307 = arith.constant false
          %or3A_308 = arith.ori %or3A_307, %ne3A_306 : i1
          %or3A_309 = arith.constant false
          %or3A_310 = arith.ori %or3A_308, %or3A_309 : i1
          %or3A_311 = arith.ori %or3A_310, %eq3A_178 : i1
          %add3A_312 = arith.constant 1 : i32
          %add3A_313 = arith.addi %while3A_168, %add3A_312 : i32
          %select_n3A_314 = arith.select %or3A_311, %add3A_313, %while3A_168 : i32
          %ne3A_315 = arith.cmpi ne, %add3A_179, %add3A_197 : i32
          %or3A_316 = arith.constant false
          %or3A_317 = arith.ori %or3A_316, %ne3A_315 : i1
          %or3A_318 = arith.ori %or3A_317, %eq3A_178 : i1
          %add3A_319 = arith.constant 1 : i32
          %add3A_320 = arith.addi %while3A_170, %add3A_319 : i32
          %select_n3A_321 = arith.select %or3A_318, %add3A_320, %while3A_170 : i32
          %add3A_322 = arith.constant 1 : i32
          %add3A_323 = arith.addi %while3A_171, %add3A_322 : i32
          %select_n3A_324 = arith.constant true
          %select_n3A_325 = arith.select %select_n3A_324, %add3A_323, %while3A_171 : i32
          %eq3A_326 = arith.cmpi eq, %select_n3A_325, %select_n3A : i32
          %select_n3A_327 = arith.constant 0 : i32
          %select_n3A_328 = arith.select %eq3A_326, %select_n3A_327, %select_n3A_325 : i32
          scf.yield %select_n3A_221, %select_n3A_314, %select_n3A_240, %select_n3A_321, %select_n3A_328 : i32, i32, i32, i32, i32
        }
        %sub3A_115 = arith.constant 1 : i32
        %sub3A_116 = arith.subi %while3A_114#4, %sub3A_115 : i32
        %select_n3A_117 = arith.constant true
        %select_n3A_118 = arith.select %select_n3A_117, %sub3A_116, %while3A_114#4 : i32
        %eq3A_119 = arith.constant -1 : i32
        %eq3A_120 = arith.cmpi eq, %select_n3A_118, %eq3A_119 : i32
        %sub3A_121 = arith.constant 1 : i32
        %sub3A_122 = arith.subi %select_n3A, %sub3A_121 : i32
        %select_n3A_123 = arith.select %eq3A_120, %sub3A_122, %select_n3A_118 : i32
        %sub3A_124 = arith.constant 1 : i32
        %sub3A_125 = arith.subi %mul3A_16, %sub3A_124 : i32
        %mul3A_126 = arith.constant 1 : i32
        %mul3A_127 = arith.muli %mul3A_126, %select_n3A : i32
        %eq3A_128 = arith.constant 0 : i32
        %eq3A_129 = arith.cmpi eq, %sub3A_125, %eq3A_128 : i32
        %sub3A_130 = arith.constant 1 : i32
        %sub3A_131 = arith.subi %mul3A_127, %sub3A_130 : i32
        %eq3A_132 = arith.cmpi eq, %sub3A_125, %sub3A_131 : i32
        %add3A_133 = arith.addi %select_n3A_123, %select_n3A_14 : i32
        %sub3A_134 = arith.constant 1 : i32
        %sub3A_135 = arith.subi %select_n3A_123, %sub3A_134 : i32
        %select_n3A_136 = arith.constant true
        %select_n3A_137 = arith.select %select_n3A_136, %sub3A_135, %select_n3A_123 : i32
        %eq3A_138 = arith.constant -1 : i32
        %eq3A_139 = arith.cmpi eq, %select_n3A_137, %eq3A_138 : i32
        %sub3A_140 = arith.constant 1 : i32
        %sub3A_141 = arith.subi %select_n3A, %sub3A_140 : i32
        %select_n3A_142 = arith.select %eq3A_139, %sub3A_141, %select_n3A_137 : i32
        %add3A_143 = arith.addi %select_n3A_142, %select_n3A_14 : i32
        %add3A_144 = arith.constant 1 : i32
        %add3A_145 = arith.addi %select_n3A_123, %add3A_144 : i32
        %select_n3A_146 = arith.constant true
        %select_n3A_147 = arith.select %select_n3A_146, %add3A_145, %select_n3A_123 : i32
        %eq3A_148 = arith.cmpi eq, %select_n3A_147, %select_n3A : i32
        %select_n3A_149 = arith.constant 0 : i32
        %select_n3A_150 = arith.select %eq3A_148, %select_n3A_149, %select_n3A_147 : i32
        %add3A_151 = arith.addi %select_n3A_150, %select_n3A_14 : i32
        %add3A_152 = arith.constant 1 : i32
        %add3A_153 = arith.addi %select_n3A_150, %add3A_152 : i32
        %select_n3A_154 = arith.constant true
        %select_n3A_155 = arith.select %select_n3A_154, %add3A_153, %select_n3A_150 : i32
        %eq3A_156 = arith.cmpi eq, %select_n3A_155, %select_n3A : i32
        %select_n3A_157 = arith.constant 0 : i32
        %select_n3A_158 = arith.select %eq3A_156, %select_n3A_157, %select_n3A_155 : i32
        %add3A_159 = arith.addi %select_n3A_158, %select_n3A_14 : i32
        %convert_element_type3A_160 = arith.extui %eq3A_132 : i1 to i32
        %cond3A_161 = arith.constant 0 : i32
        %cond3A_162 = arith.cmpi ne, %convert_element_type3A_160, %cond3A_161 : i32
        scf.if %cond3A_162 {
        } else {
        }
        %convert_element_type3A_163 = arith.extui %eq3A_132 : i1 to i32
        %cond3A_164 = arith.constant 0 : i32
        %cond3A_165 = arith.cmpi ne, %convert_element_type3A_163, %cond3A_164 : i32
        scf.if %cond3A_165 {
        } else {
        }
      } else {
      }
      tpu.yield
    }) : () -> ()
    return
  }
}

#map = affine_map<(d0, d1) -> (0, 0)>
module attributes {stable_mosaic.version = 14 : i64} {
  func.func @k(%arg0: i32, %arg1: i32, %arg2: memref<24576x128xi32, #tpu.memory_space<hbm>>, %arg3: memref<1x16384xi32, #tpu.memory_space<hbm>>, %arg4: memref<16384x128xi32, #tpu.memory_space<hbm>>) attributes {dimension_semantics = [#tpu.dimension_semantics<core_parallel>, #tpu.dimension_semantics<subcore_parallel>], iteration_bounds = array<i64: 2, 16>, scalar_prefetch = 0 : i64, scratch_operands = 0 : i64, tpu.core_type = #tpu.core_type<sc_vector_subcore>, window_params = [{transform_indices = #map}, {transform_indices = #map}, {transform_indices = #map}]} {
    %mul3A = arith.constant 1 : i32
    %mul3A_0 = arith.muli %arg1, %mul3A : i32
    %add3A = arith.constant 0 : i32
    %add3A_1 = arith.addi %add3A, %mul3A_0 : i32
    %mul3A_2 = arith.constant 16 : i32
    %mul3A_3 = arith.muli %arg0, %mul3A_2 : i32
    %add3A_4 = arith.addi %add3A_1, %mul3A_3 : i32
    %mul3A_5 = arith.constant 4 : i32
    %mul3A_6 = arith.muli %add3A_4, %mul3A_5 : i32
    "tpu.region"() ({
      %run_scoped3A = memref.alloca() : memref<2x1x128xi32, #tpu.memory_space<vmem>>
      %run_scoped3A_7 = tpu.sem_alloc : memref<2x!tpu.dma_semaphore, #tpu.memory_space<semaphore_mem>>
      %run_scoped3A_8 = memref.alloca() : memref<2x128x128xi32, #tpu.memory_space<vmem>>
      %run_scoped3A_9 = tpu.sem_alloc : memref<2x!tpu.dma_semaphore, #tpu.memory_space<semaphore_mem>>
      %add3A_10 = arith.constant 0 : i32
      %add3A_11 = arith.addi %add3A_10, %mul3A_6 : i32
      %select_n3A = arith.constant true
      %select_n3A_12 = arith.constant 0 : i32
      %select_n3A_13 = arith.constant -1 : i32
      %select_n3A_14 = arith.select %select_n3A, %select_n3A_13, %select_n3A_12 : i32
      %eq3A = arith.constant -1 : i32
      %eq3A_15 = arith.cmpi eq, %select_n3A_14, %eq3A : i32
      %select_n3A_16 = arith.constant 3 : i32
      %select_n3A_17 = arith.select %eq3A_15, %select_n3A_16, %select_n3A_14 : i32
      %add3A_18 = arith.addi %select_n3A_17, %mul3A_6 : i32
      %select_n3A_19 = arith.constant true
      %select_n3A_20 = arith.constant 0 : i32
      %select_n3A_21 = arith.constant 1 : i32
      %select_n3A_22 = arith.select %select_n3A_19, %select_n3A_21, %select_n3A_20 : i32
      %eq3A_23 = arith.constant 4 : i32
      %eq3A_24 = arith.cmpi eq, %select_n3A_22, %eq3A_23 : i32
      %select_n3A_25 = arith.constant 0 : i32
      %select_n3A_26 = arith.select %eq3A_24, %select_n3A_25, %select_n3A_22 : i32
      %add3A_27 = arith.addi %select_n3A_26, %mul3A_6 : i32
      %add3A_28 = arith.constant 1 : i32
      %add3A_29 = arith.addi %select_n3A_26, %add3A_28 : i32
      %select_n3A_30 = arith.constant true
      %select_n3A_31 = arith.select %select_n3A_30, %add3A_29, %select_n3A_26 : i32
      %eq3A_32 = arith.constant 4 : i32
      %eq3A_33 = arith.cmpi eq, %select_n3A_31, %eq3A_32 : i32
      %select_n3A_34 = arith.constant 0 : i32
      %select_n3A_35 = arith.select %eq3A_33, %select_n3A_34, %select_n3A_31 : i32
      %add3A_36 = arith.addi %select_n3A_35, %mul3A_6 : i32
      "tpu.trace_start"() <{level = 10 : i32, message = "ep_initialize_0"}> : () -> ()
      %rem3A = arith.constant 0 : i32
      %rem3A_37 = arith.constant 2 : i32
      %rem3A_38 = arith.remui %rem3A, %rem3A_37 : i32
      %mul3A_39 = arith.constant 128 : i32
      %mul3A_40 = arith.muli %mul3A_39, %add3A_11 : i32
      %dma_start3A = arith.constant 0 : i32
      %dma_start3A_41 = arith.constant 0 : i32
      %dma_start3A_42 = tpu.memref_slice %run_scoped3A[%rem3A_38, %dma_start3A, %dma_start3A_41] : memref<2x1x128xi32, #tpu.memory_space<vmem>> -> memref<1x1x128xi32, #tpu.memory_space<vmem>>
      %dma_start3A_43 = tpu.memref_squeeze %dma_start3A_42 : memref<1x1x128xi32, #tpu.memory_space<vmem>> -> memref<1x128xi32, #tpu.memory_space<vmem>>
      %dma_start3A_44 = arith.constant 0 : i32
      %dma_start3A_45 = tpu.memref_slice %arg3[%dma_start3A_44, %mul3A_40] : memref<1x16384xi32, #tpu.memory_space<hbm>> -> memref<1x128xi32, #tpu.memory_space<hbm>>
      %dma_start3A_46 = tpu.memref_slice %run_scoped3A_7[%rem3A_38] : memref<2x!tpu.dma_semaphore, #tpu.memory_space<semaphore_mem>> -> memref<1x!tpu.dma_semaphore, #tpu.memory_space<semaphore_mem>>
      %dma_start3A_47 = tpu.memref_squeeze %dma_start3A_46 : memref<1x!tpu.dma_semaphore, #tpu.memory_space<semaphore_mem>> -> memref<!tpu.dma_semaphore, #tpu.memory_space<semaphore_mem>>
      %dma_start3A_48 = arith.constant 0 : i32
      %dma_start3A_49 = arith.constant 0 : i32
      %dma_start3A_50 = tpu.memref_slice %run_scoped3A[%rem3A_38, %dma_start3A_48, %dma_start3A_49] : memref<2x1x128xi32, #tpu.memory_space<vmem>> -> memref<1x1x128xi32, #tpu.memory_space<vmem>>
      %dma_start3A_51 = tpu.memref_squeeze %dma_start3A_50 : memref<1x1x128xi32, #tpu.memory_space<vmem>> -> memref<1x128xi32, #tpu.memory_space<vmem>>
      %dma_start3A_52 = arith.constant 0 : i32
      %dma_start3A_53 = tpu.memref_slice %arg3[%dma_start3A_52, %mul3A_40] : memref<1x16384xi32, #tpu.memory_space<hbm>> -> memref<1x128xi32, #tpu.memory_space<hbm>>
      tpu.enqueue_dma source(%dma_start3A_53 : memref<1x128xi32, #tpu.memory_space<hbm>>) target(%dma_start3A_51 : memref<1x128xi32, #tpu.memory_space<vmem>>) target_semaphore(%dma_start3A_47 : memref<!tpu.dma_semaphore, #tpu.memory_space<semaphore_mem>>)
      %add3A_54 = arith.constant 0 : i32
      %add3A_55 = arith.constant 1 : i32
      %add3A_56 = arith.addi %add3A_54, %add3A_55 : i32
      %select_n3A_57 = arith.constant true
      %select_n3A_58 = arith.constant 0 : i32
      %select_n3A_59 = arith.select %select_n3A_57, %add3A_56, %select_n3A_58 : i32
      "tpu.trace_stop"() : () -> ()
      %scan3A = arith.constant 0 : i32
      %scan3A_60 = arith.constant 0 : i32
      %scan3A_61 = arith.constant 0 : i32
      %scan3A_62 = arith.constant 0 : i32
      %scan3A_63 = arith.constant 0 : i32
      %scan3A_64 = arith.constant 4 : i32
      %scan3A_65 = arith.addi %scan3A_63, %scan3A_64 : i32
      %scan3A_66 = arith.constant 1 : i32
      %scan3A_67:5 = scf.for %scan3A_121 = %scan3A_63 to %scan3A_65 step %scan3A_66 iter_args(%scan3A_122 = %select_n3A_59, %scan3A_123 = %scan3A, %scan3A_124 = %scan3A_60, %scan3A_125 = %scan3A_61, %scan3A_126 = %scan3A_62) -> (i32, i32, i32, i32, i32)  : i32 {
        %eq3A_127 = arith.constant 0 : i32
        %eq3A_128 = arith.cmpi eq, %scan3A_121, %eq3A_127 : i32
        %eq3A_129 = arith.constant 3 : i32
        %eq3A_130 = arith.cmpi eq, %scan3A_121, %eq3A_129 : i32
        %add3A_131 = arith.addi %scan3A_126, %mul3A_6 : i32
        %sub3A_132 = arith.constant 1 : i32
        %sub3A_133 = arith.subi %scan3A_126, %sub3A_132 : i32
        %select_n3A_134 = arith.constant true
        %select_n3A_135 = arith.select %select_n3A_134, %sub3A_133, %scan3A_126 : i32
        %eq3A_136 = arith.constant -1 : i32
        %eq3A_137 = arith.cmpi eq, %select_n3A_135, %eq3A_136 : i32
        %select_n3A_138 = arith.constant 3 : i32
        %select_n3A_139 = arith.select %eq3A_137, %select_n3A_138, %select_n3A_135 : i32
        %add3A_140 = arith.addi %select_n3A_139, %mul3A_6 : i32
        %add3A_141 = arith.constant 1 : i32
        %add3A_142 = arith.addi %scan3A_126, %add3A_141 : i32
        %select_n3A_143 = arith.constant true
        %select_n3A_144 = arith.select %select_n3A_143, %add3A_142, %scan3A_126 : i32
        %eq3A_145 = arith.constant 4 : i32
        %eq3A_146 = arith.cmpi eq, %select_n3A_144, %eq3A_145 : i32
        %select_n3A_147 = arith.constant 0 : i32
        %select_n3A_148 = arith.select %eq3A_146, %select_n3A_147, %select_n3A_144 : i32
        %add3A_149 = arith.addi %select_n3A_148, %mul3A_6 : i32
        %add3A_150 = arith.constant 1 : i32
        %add3A_151 = arith.addi %select_n3A_148, %add3A_150 : i32
        %select_n3A_152 = arith.constant true
        %select_n3A_153 = arith.select %select_n3A_152, %add3A_151, %select_n3A_148 : i32
        %eq3A_154 = arith.constant 4 : i32
        %eq3A_155 = arith.cmpi eq, %select_n3A_153, %eq3A_154 : i32
        %select_n3A_156 = arith.constant 0 : i32
        %select_n3A_157 = arith.select %eq3A_155, %select_n3A_156, %select_n3A_153 : i32
        %add3A_158 = arith.addi %select_n3A_157, %mul3A_6 : i32
        %ne3A = arith.cmpi ne, %add3A_131, %add3A_149 : i32
        %or3A = arith.constant false
        %or3A_159 = arith.ori %or3A, %ne3A : i1
        %ge3A = arith.constant 3 : i32
        %ge3A_160 = arith.cmpi sge, %scan3A_121, %ge3A : i32
        %not3A = arith.constant true
        %not3A_161 = arith.xori %ge3A_160, %not3A : i1
        %and3A = arith.andi %or3A_159, %not3A_161 : i1
        %convert_element_type3A = arith.extui %and3A : i1 to i32
        %cond3A = arith.constant 0 : i32
        %cond3A_162 = arith.cmpi ne, %convert_element_type3A, %cond3A : i32
        scf.if %cond3A_162 {
          "tpu.trace_start"() <{level = 10 : i32, message = "ep_copy_in"}> : () -> ()
          %rem3A_264 = arith.constant 2 : i32
          %rem3A_265 = arith.remui %scan3A_122, %rem3A_264 : i32
          %mul3A_266 = arith.constant 128 : i32
          %mul3A_267 = arith.muli %mul3A_266, %add3A_149 : i32
          %dma_start3A_268 = arith.constant 0 : i32
          %dma_start3A_269 = arith.constant 0 : i32
          %dma_start3A_270 = tpu.memref_slice %run_scoped3A[%rem3A_265, %dma_start3A_268, %dma_start3A_269] : memref<2x1x128xi32, #tpu.memory_space<vmem>> -> memref<1x1x128xi32, #tpu.memory_space<vmem>>
          %dma_start3A_271 = tpu.memref_squeeze %dma_start3A_270 : memref<1x1x128xi32, #tpu.memory_space<vmem>> -> memref<1x128xi32, #tpu.memory_space<vmem>>
          %dma_start3A_272 = arith.constant 0 : i32
          %dma_start3A_273 = tpu.memref_slice %arg3[%dma_start3A_272, %mul3A_267] : memref<1x16384xi32, #tpu.memory_space<hbm>> -> memref<1x128xi32, #tpu.memory_space<hbm>>
          %dma_start3A_274 = tpu.memref_slice %run_scoped3A_7[%rem3A_265] : memref<2x!tpu.dma_semaphore, #tpu.memory_space<semaphore_mem>> -> memref<1x!tpu.dma_semaphore, #tpu.memory_space<semaphore_mem>>
          %dma_start3A_275 = tpu.memref_squeeze %dma_start3A_274 : memref<1x!tpu.dma_semaphore, #tpu.memory_space<semaphore_mem>> -> memref<!tpu.dma_semaphore, #tpu.memory_space<semaphore_mem>>
          %dma_start3A_276 = arith.constant 0 : i32
          %dma_start3A_277 = arith.constant 0 : i32
          %dma_start3A_278 = tpu.memref_slice %run_scoped3A[%rem3A_265, %dma_start3A_276, %dma_start3A_277] : memref<2x1x128xi32, #tpu.memory_space<vmem>> -> memref<1x1x128xi32, #tpu.memory_space<vmem>>
          %dma_start3A_279 = tpu.memref_squeeze %dma_start3A_278 : memref<1x1x128xi32, #tpu.memory_space<vmem>> -> memref<1x128xi32, #tpu.memory_space<vmem>>
          %dma_start3A_280 = arith.constant 0 : i32
          %dma_start3A_281 = tpu.memref_slice %arg3[%dma_start3A_280, %mul3A_267] : memref<1x16384xi32, #tpu.memory_space<hbm>> -> memref<1x128xi32, #tpu.memory_space<hbm>>
          tpu.enqueue_dma source(%dma_start3A_281 : memref<1x128xi32, #tpu.memory_space<hbm>>) target(%dma_start3A_279 : memref<1x128xi32, #tpu.memory_space<vmem>>) target_semaphore(%dma_start3A_275 : memref<!tpu.dma_semaphore, #tpu.memory_space<semaphore_mem>>)
          "tpu.trace_stop"() : () -> ()
        } else {
        }
        %and3A_163 = arith.constant true
        %and3A_164 = arith.andi %and3A, %and3A_163 : i1
        %add3A_165 = arith.constant 1 : i32
        %add3A_166 = arith.addi %scan3A_122, %add3A_165 : i32
        %select_n3A_167 = arith.select %and3A_164, %add3A_166, %scan3A_122 : i32
        %ne3A_168 = arith.cmpi ne, %add3A_131, %add3A_149 : i32
        %or3A_169 = arith.constant false
        %or3A_170 = arith.ori %or3A_169, %ne3A_168 : i1
        %or3A_171 = arith.constant false
        %or3A_172 = arith.ori %or3A_170, %or3A_171 : i1
        %ge3A_173 = arith.constant 3 : i32
        %ge3A_174 = arith.cmpi sge, %scan3A_121, %ge3A_173 : i32
        %not3A_175 = arith.constant true
        %not3A_176 = arith.xori %ge3A_174, %not3A_175 : i1
        %and3A_177 = arith.andi %or3A_172, %not3A_176 : i1
        %ne3A_178 = arith.cmpi ne, %add3A_131, %add3A_140 : i32
        %or3A_179 = arith.constant false
        %or3A_180 = arith.ori %or3A_179, %ne3A_178 : i1
        %or3A_181 = arith.ori %or3A_180, %eq3A_128 : i1
        %convert_element_type3A_182 = arith.extui %or3A_181 : i1 to i32
        %cond3A_183 = arith.constant 0 : i32
        %cond3A_184 = arith.cmpi ne, %convert_element_type3A_182, %cond3A_183 : i32
        scf.if %cond3A_184 {
          "tpu.trace_start"() <{level = 10 : i32, message = "ep_wait_in"}> : () -> ()
          %mul3A_264 = arith.constant 128 : i32
          %mul3A_265 = arith.muli %mul3A_264, %add3A_131 : i32
          %rem3A_266 = arith.constant 2 : i32
          %rem3A_267 = arith.remui %scan3A_123, %rem3A_266 : i32
          %dma_wait3A_268 = arith.constant 0 : i32
          %dma_wait3A_269 = arith.constant 0 : i32
          %dma_wait3A_270 = tpu.memref_slice %run_scoped3A[%rem3A_267, %dma_wait3A_268, %dma_wait3A_269] : memref<2x1x128xi32, #tpu.memory_space<vmem>> -> memref<1x1x128xi32, #tpu.memory_space<vmem>>
          %dma_wait3A_271 = tpu.memref_squeeze %dma_wait3A_270 : memref<1x1x128xi32, #tpu.memory_space<vmem>> -> memref<1x128xi32, #tpu.memory_space<vmem>>
          %dma_wait3A_272 = arith.constant 0 : i32
          %dma_wait3A_273 = tpu.memref_slice %arg3[%dma_wait3A_272, %mul3A_265] : memref<1x16384xi32, #tpu.memory_space<hbm>> -> memref<1x128xi32, #tpu.memory_space<hbm>>
          %dma_wait3A_274 = tpu.memref_slice %run_scoped3A_7[%rem3A_267] : memref<2x!tpu.dma_semaphore, #tpu.memory_space<semaphore_mem>> -> memref<1x!tpu.dma_semaphore, #tpu.memory_space<semaphore_mem>>
          %dma_wait3A_275 = tpu.memref_squeeze %dma_wait3A_274 : memref<1x!tpu.dma_semaphore, #tpu.memory_space<semaphore_mem>> -> memref<!tpu.dma_semaphore, #tpu.memory_space<semaphore_mem>>
          %dma_wait3A_276 = arith.constant 0 : i32
          %dma_wait3A_277 = arith.constant 0 : i32
          %dma_wait3A_278 = tpu.memref_slice %run_scoped3A[%rem3A_267, %dma_wait3A_276, %dma_wait3A_277] : memref<2x1x128xi32, #tpu.memory_space<vmem>> -> memref<1x1x128xi32, #tpu.memory_space<vmem>>
          %dma_wait3A_279 = tpu.memref_squeeze %dma_wait3A_278 : memref<1x1x128xi32, #tpu.memory_space<vmem>> -> memref<1x128xi32, #tpu.memory_space<vmem>>
          %dma_wait3A_280 = arith.constant 0 : i32
          %dma_wait3A_281 = tpu.memref_slice %arg3[%dma_wait3A_280, %mul3A_265] : memref<1x16384xi32, #tpu.memory_space<hbm>> -> memref<1x128xi32, #tpu.memory_space<hbm>>
          tpu.wait_dma2 semaphore(%dma_wait3A_275 : memref<!tpu.dma_semaphore, #tpu.memory_space<semaphore_mem>>) src(%dma_wait3A_281 : memref<1x128xi32, #tpu.memory_space<hbm>>) dst(%dma_wait3A_279 : memref<1x128xi32, #tpu.memory_space<vmem>>)
          "tpu.trace_stop"() : () -> ()
        } else {
        }
        %ne3A_185 = arith.cmpi ne, %add3A_131, %add3A_140 : i32
        %or3A_186 = arith.constant false
        %or3A_187 = arith.ori %or3A_186, %ne3A_185 : i1
        %or3A_188 = arith.constant false
        %or3A_189 = arith.ori %or3A_187, %or3A_188 : i1
        %or3A_190 = arith.ori %or3A_189, %eq3A_128 : i1
        %convert_element_type3A_191 = arith.extui %or3A_190 : i1 to i32
        %cond3A_192 = arith.constant 0 : i32
        %cond3A_193 = arith.cmpi ne, %convert_element_type3A_191, %cond3A_192 : i32
        scf.if %cond3A_193 {
        } else {
        }
        %rem3A_194 = arith.constant 2 : i32
        %rem3A_195 = arith.remui %scan3A_123, %rem3A_194 : i32
        %rem3A_196 = arith.constant 2 : i32
        %rem3A_197 = arith.remui %scan3A_124, %rem3A_196 : i32
        %run_scoped3A_198 = arith.constant 0 : i32
        "tpu.trace_start"() <{level = 10 : i32, message = "ep_run_kernel"}> : () -> ()
        "tpu.region"() ({
          %run_scoped3A_264 = tpu.sem_alloc : memref<!tpu.dma_semaphore, #tpu.memory_space<semaphore_mem>>
          %dma_start3A_265 = arith.constant 0 : i32
          %dma_start3A_266 = arith.constant 0 : i32
          %dma_start3A_267 = tpu.memref_slice %run_scoped3A_8[%rem3A_197, %dma_start3A_265, %dma_start3A_266] : memref<2x128x128xi32, #tpu.memory_space<vmem>> -> memref<1x128x128xi32, #tpu.memory_space<vmem>>
          %dma_start3A_268 = tpu.memref_squeeze %dma_start3A_267 : memref<1x128x128xi32, #tpu.memory_space<vmem>> -> memref<128x128xi32, #tpu.memory_space<vmem>>
          %dma_start3A_269 = arith.constant 0 : i32
          %dma_start3A_270 = arith.constant 0 : i32
          %dma_start3A_271 = tpu.memref_slice %run_scoped3A[%rem3A_195, %dma_start3A_269, %dma_start3A_270] : memref<2x1x128xi32, #tpu.memory_space<vmem>> -> memref<1x1x128xi32, #tpu.memory_space<vmem>>
          %dma_start3A_272 = tpu.memref_squeeze %dma_start3A_271 : memref<1x1x128xi32, #tpu.memory_space<vmem>> -> memref<1x128xi32, #tpu.memory_space<vmem>>
          %dma_start3A_273 = arith.constant 0 : i32
          %dma_start3A_274 = tpu.memref_slice %dma_start3A_272[%run_scoped3A_198, %dma_start3A_273] : memref<1x128xi32, #tpu.memory_space<vmem>> -> memref<1x128xi32, #tpu.memory_space<vmem>>
          %dma_start3A_275 = tpu.memref_squeeze %dma_start3A_274 : memref<1x128xi32, #tpu.memory_space<vmem>> -> memref<128xi32, #tpu.memory_space<vmem>>
          %dma_start3A_276 = arith.constant 0 : i32
          %dma_start3A_277 = arith.constant 0 : i32
          %dma_start3A_278 = tpu.memref_slice %arg2[%dma_start3A_276, %dma_start3A_277] : memref<24576x128xi32, #tpu.memory_space<hbm>> -> memref<24576x128xi32, #tpu.memory_space<hbm>>
          tpu.enqueue_indirect_dma source(%dma_start3A_278 : memref<24576x128xi32, #tpu.memory_space<hbm>>) target(%dma_start3A_268 : memref<128x128xi32, #tpu.memory_space<vmem>>) offsets(%dma_start3A_275 : memref<128xi32, #tpu.memory_space<vmem>>) semaphore(%run_scoped3A_264 : memref<!tpu.dma_semaphore, #tpu.memory_space<semaphore_mem>>)
          %dma_wait3A_279 = arith.constant 0 : i32
          %dma_wait3A_280 = arith.constant 0 : i32
          %dma_wait3A_281 = tpu.memref_slice %run_scoped3A_8[%rem3A_197, %dma_wait3A_279, %dma_wait3A_280] : memref<2x128x128xi32, #tpu.memory_space<vmem>> -> memref<1x128x128xi32, #tpu.memory_space<vmem>>
          %dma_wait3A_282 = tpu.memref_squeeze %dma_wait3A_281 : memref<1x128x128xi32, #tpu.memory_space<vmem>> -> memref<128x128xi32, #tpu.memory_space<vmem>>
          %dma_wait3A_283 = arith.constant 0 : i32
          %dma_wait3A_284 = arith.constant 0 : i32
          %dma_wait3A_285 = tpu.memref_slice %run_scoped3A[%rem3A_195, %dma_wait3A_283, %dma_wait3A_284] : memref<2x1x128xi32, #tpu.memory_space<vmem>> -> memref<1x1x128xi32, #tpu.memory_space<vmem>>
          %dma_wait3A_286 = tpu.memref_squeeze %dma_wait3A_285 : memref<1x1x128xi32, #tpu.memory_space<vmem>> -> memref<1x128xi32, #tpu.memory_space<vmem>>
          %dma_wait3A_287 = arith.constant 0 : i32
          %dma_wait3A_288 = tpu.memref_slice %dma_wait3A_286[%run_scoped3A_198, %dma_wait3A_287] : memref<1x128xi32, #tpu.memory_space<vmem>> -> memref<1x128xi32, #tpu.memory_space<vmem>>
          %dma_wait3A_289 = tpu.memref_squeeze %dma_wait3A_288 : memref<1x128xi32, #tpu.memory_space<vmem>> -> memref<128xi32, #tpu.memory_space<vmem>>
          %dma_wait3A_290 = arith.constant 0 : i32
          %dma_wait3A_291 = arith.constant 0 : i32
          %dma_wait3A_292 = tpu.memref_slice %arg2[%dma_wait3A_290, %dma_wait3A_291] : memref<24576x128xi32, #tpu.memory_space<hbm>> -> memref<24576x128xi32, #tpu.memory_space<hbm>>
          tpu.wait_indirect_dma semaphore(%run_scoped3A_264 : memref<!tpu.dma_semaphore, #tpu.memory_space<semaphore_mem>>) src(%dma_wait3A_292 : memref<24576x128xi32, #tpu.memory_space<hbm>>) dst(%dma_wait3A_282 : memref<128x128xi32, #tpu.memory_space<vmem>>)
          tpu.yield
        }) : () -> ()
        "tpu.trace_stop"() : () -> ()
        %ne3A_199 = arith.cmpi ne, %add3A_131, %add3A_149 : i32
        %or3A_200 = arith.constant false
        %or3A_201 = arith.ori %or3A_200, %ne3A_199 : i1
        %or3A_202 = arith.ori %or3A_201, %eq3A_130 : i1
        %convert_element_type3A_203 = arith.extui %or3A_202 : i1 to i32
        %cond3A_204 = arith.constant 0 : i32
        %cond3A_205 = arith.cmpi ne, %convert_element_type3A_203, %cond3A_204 : i32
        scf.if %cond3A_205 {
        } else {
        }
        %and3A_206 = arith.constant false
        %and3A_207 = arith.andi %or3A_202, %and3A_206 : i1
        %ne3A_208 = arith.cmpi ne, %add3A_131, %add3A_149 : i32
        %or3A_209 = arith.constant false
        %or3A_210 = arith.ori %or3A_209, %ne3A_208 : i1
        %or3A_211 = arith.constant false
        %or3A_212 = arith.ori %or3A_210, %or3A_211 : i1
        %or3A_213 = arith.ori %or3A_212, %eq3A_130 : i1
        %convert_element_type3A_214 = arith.extui %or3A_213 : i1 to i32
        %cond3A_215 = arith.constant 0 : i32
        %cond3A_216 = arith.cmpi ne, %convert_element_type3A_214, %cond3A_215 : i32
        scf.if %cond3A_216 {
          "tpu.trace_start"() <{level = 10 : i32, message = "ep_copy_out"}> : () -> ()
          %rem3A_264 = arith.constant 2 : i32
          %rem3A_265 = arith.remui %scan3A_124, %rem3A_264 : i32
          %mul3A_266 = arith.constant 128 : i32
          %mul3A_267 = arith.muli %mul3A_266, %add3A_131 : i32
          %dma_start3A_268 = arith.constant 0 : i32
          %dma_start3A_269 = arith.constant 0 : i32
          %dma_start3A_270 = tpu.memref_slice %run_scoped3A_8[%rem3A_265, %dma_start3A_268, %dma_start3A_269] : memref<2x128x128xi32, #tpu.memory_space<vmem>> -> memref<1x128x128xi32, #tpu.memory_space<vmem>>
          %dma_start3A_271 = tpu.memref_squeeze %dma_start3A_270 : memref<1x128x128xi32, #tpu.memory_space<vmem>> -> memref<128x128xi32, #tpu.memory_space<vmem>>
          %dma_start3A_272 = arith.constant 0 : i32
          %dma_start3A_273 = tpu.memref_slice %arg4[%mul3A_267, %dma_start3A_272] : memref<16384x128xi32, #tpu.memory_space<hbm>> -> memref<128x128xi32, #tpu.memory_space<hbm>>
          %dma_start3A_274 = tpu.memref_slice %run_scoped3A_9[%rem3A_265] : memref<2x!tpu.dma_semaphore, #tpu.memory_space<semaphore_mem>> -> memref<1x!tpu.dma_semaphore, #tpu.memory_space<semaphore_mem>>
          %dma_start3A_275 = tpu.memref_squeeze %dma_start3A_274 : memref<1x!tpu.dma_semaphore, #tpu.memory_space<semaphore_mem>> -> memref<!tpu.dma_semaphore, #tpu.memory_space<semaphore_mem>>
          %dma_start3A_276 = arith.constant 0 : i32
          %dma_start3A_277 = tpu.memref_slice %arg4[%mul3A_267, %dma_start3A_276] : memref<16384x128xi32, #tpu.memory_space<hbm>> -> memref<128x128xi32, #tpu.memory_space<hbm>>
          %dma_start3A_278 = arith.constant 0 : i32
          %dma_start3A_279 = arith.constant 0 : i32
          %dma_start3A_280 = tpu.memref_slice %run_scoped3A_8[%rem3A_265, %dma_start3A_278, %dma_start3A_279] : memref<2x128x128xi32, #tpu.memory_space<vmem>> -> memref<1x128x128xi32, #tpu.memory_space<vmem>>
          %dma_start3A_281 = tpu.memref_squeeze %dma_start3A_280 : memref<1x128x128xi32, #tpu.memory_space<vmem>> -> memref<128x128xi32, #tpu.memory_space<vmem>>
          tpu.enqueue_dma source(%dma_start3A_281 : memref<128x128xi32, #tpu.memory_space<vmem>>) target(%dma_start3A_277 : memref<128x128xi32, #tpu.memory_space<hbm>>) target_semaphore(%dma_start3A_275 : memref<!tpu.dma_semaphore, #tpu.memory_space<semaphore_mem>>)
          "tpu.trace_stop"() : () -> ()
        } else {
        }
        %and3A_217 = arith.constant true
        %and3A_218 = arith.andi %or3A_213, %and3A_217 : i1
        %add3A_219 = arith.constant 1 : i32
        %add3A_220 = arith.addi %scan3A_124, %add3A_219 : i32
        %select_n3A_221 = arith.select %and3A_218, %add3A_220, %scan3A_124 : i32
        %ne3A_222 = arith.cmpi ne, %add3A_131, %add3A_140 : i32
        %or3A_223 = arith.constant false
        %or3A_224 = arith.ori %or3A_223, %ne3A_222 : i1
        %not3A_225 = arith.constant true
        %not3A_226 = arith.xori %eq3A_128, %not3A_225 : i1
        %and3A_227 = arith.andi %or3A_224, %not3A_226 : i1
        %convert_element_type3A_228 = arith.extui %and3A_227 : i1 to i32
        %cond3A_229 = arith.constant 0 : i32
        %cond3A_230 = arith.cmpi ne, %convert_element_type3A_228, %cond3A_229 : i32
        scf.if %cond3A_230 {
        } else {
        }
        %and3A_231 = arith.constant false
        %and3A_232 = arith.andi %and3A_227, %and3A_231 : i1
        %ne3A_233 = arith.cmpi ne, %add3A_131, %add3A_140 : i32
        %or3A_234 = arith.constant false
        %or3A_235 = arith.ori %or3A_234, %ne3A_233 : i1
        %or3A_236 = arith.constant false
        %or3A_237 = arith.ori %or3A_235, %or3A_236 : i1
        %not3A_238 = arith.constant true
        %not3A_239 = arith.xori %eq3A_128, %not3A_238 : i1
        %and3A_240 = arith.andi %or3A_237, %not3A_239 : i1
        %convert_element_type3A_241 = arith.extui %and3A_240 : i1 to i32
        %cond3A_242 = arith.constant 0 : i32
        %cond3A_243 = arith.cmpi ne, %convert_element_type3A_241, %cond3A_242 : i32
        scf.if %cond3A_243 {
          "tpu.trace_start"() <{level = 10 : i32, message = "ep_wait_out"}> : () -> ()
          %rem3A_264 = arith.constant 2 : i32
          %rem3A_265 = arith.remui %scan3A_125, %rem3A_264 : i32
          %mul3A_266 = arith.constant 128 : i32
          %mul3A_267 = arith.muli %mul3A_266, %add3A_140 : i32
          %dma_wait3A_268 = arith.constant 0 : i32
          %dma_wait3A_269 = arith.constant 0 : i32
          %dma_wait3A_270 = tpu.memref_slice %run_scoped3A_8[%rem3A_265, %dma_wait3A_268, %dma_wait3A_269] : memref<2x128x128xi32, #tpu.memory_space<vmem>> -> memref<1x128x128xi32, #tpu.memory_space<vmem>>
          %dma_wait3A_271 = tpu.memref_squeeze %dma_wait3A_270 : memref<1x128x128xi32, #tpu.memory_space<vmem>> -> memref<128x128xi32, #tpu.memory_space<vmem>>
          %dma_wait3A_272 = arith.constant 0 : i32
          %dma_wait3A_273 = tpu.memref_slice %arg4[%mul3A_267, %dma_wait3A_272] : memref<16384x128xi32, #tpu.memory_space<hbm>> -> memref<128x128xi32, #tpu.memory_space<hbm>>
          %dma_wait3A_274 = tpu.memref_slice %run_scoped3A_9[%rem3A_265] : memref<2x!tpu.dma_semaphore, #tpu.memory_space<semaphore_mem>> -> memref<1x!tpu.dma_semaphore, #tpu.memory_space<semaphore_mem>>
          %dma_wait3A_275 = tpu.memref_squeeze %dma_wait3A_274 : memref<1x!tpu.dma_semaphore, #tpu.memory_space<semaphore_mem>> -> memref<!tpu.dma_semaphore, #tpu.memory_space<semaphore_mem>>
          %dma_wait3A_276 = arith.constant 0 : i32
          %dma_wait3A_277 = tpu.memref_slice %arg4[%mul3A_267, %dma_wait3A_276] : memref<16384x128xi32, #tpu.memory_space<hbm>> -> memref<128x128xi32, #tpu.memory_space<hbm>>
          %dma_wait3A_278 = arith.constant 0 : i32
          %dma_wait3A_279 = arith.constant 0 : i32
          %dma_wait3A_280 = tpu.memref_slice %run_scoped3A_8[%rem3A_265, %dma_wait3A_278, %dma_wait3A_279] : memref<2x128x128xi32, #tpu.memory_space<vmem>> -> memref<1x128x128xi32, #tpu.memory_space<vmem>>
          %dma_wait3A_281 = tpu.memref_squeeze %dma_wait3A_280 : memref<1x128x128xi32, #tpu.memory_space<vmem>> -> memref<128x128xi32, #tpu.memory_space<vmem>>
          tpu.wait_dma2 semaphore(%dma_wait3A_275 : memref<!tpu.dma_semaphore, #tpu.memory_space<semaphore_mem>>) src(%dma_wait3A_281 : memref<128x128xi32, #tpu.memory_space<vmem>>) dst(%dma_wait3A_277 : memref<128x128xi32, #tpu.memory_space<hbm>>)
          "tpu.trace_stop"() : () -> ()
        } else {
        }
        %and3A_244 = arith.constant true
        %and3A_245 = arith.andi %and3A_240, %and3A_244 : i1
        %add3A_246 = arith.constant 1 : i32
        %add3A_247 = arith.addi %scan3A_125, %add3A_246 : i32
        %select_n3A_248 = arith.select %and3A_245, %add3A_247, %scan3A_125 : i32
        %ne3A_249 = arith.cmpi ne, %add3A_131, %add3A_149 : i32
        %or3A_250 = arith.constant false
        %or3A_251 = arith.ori %or3A_250, %ne3A_249 : i1
        %or3A_252 = arith.ori %or3A_251, %eq3A_130 : i1
        %add3A_253 = arith.constant 1 : i32
        %add3A_254 = arith.addi %scan3A_123, %add3A_253 : i32
        %select_n3A_255 = arith.select %or3A_252, %add3A_254, %scan3A_123 : i32
        %add3A_256 = arith.constant 1 : i32
        %add3A_257 = arith.addi %scan3A_126, %add3A_256 : i32
        %select_n3A_258 = arith.constant true
        %select_n3A_259 = arith.select %select_n3A_258, %add3A_257, %scan3A_126 : i32
        %eq3A_260 = arith.constant 4 : i32
        %eq3A_261 = arith.cmpi eq, %select_n3A_259, %eq3A_260 : i32
        %select_n3A_262 = arith.constant 0 : i32
        %select_n3A_263 = arith.select %eq3A_261, %select_n3A_262, %select_n3A_259 : i32
        scf.yield %select_n3A_167, %select_n3A_255, %select_n3A_221, %select_n3A_248, %select_n3A_263 : i32, i32, i32, i32, i32
      }
      %scan3A_68 = arith.constant 4 : i32
      %sub3A = arith.constant 1 : i32
      %sub3A_69 = arith.subi %scan3A_67#4, %sub3A : i32
      %select_n3A_70 = arith.constant true
      %select_n3A_71 = arith.select %select_n3A_70, %sub3A_69, %scan3A_67#4 : i32
      %eq3A_72 = arith.constant -1 : i32
      %eq3A_73 = arith.cmpi eq, %select_n3A_71, %eq3A_72 : i32
      %select_n3A_74 = arith.constant 3 : i32
      %select_n3A_75 = arith.select %eq3A_73, %select_n3A_74, %select_n3A_71 : i32
      %add3A_76 = arith.addi %select_n3A_75, %mul3A_6 : i32
      %sub3A_77 = arith.constant 1 : i32
      %sub3A_78 = arith.subi %select_n3A_75, %sub3A_77 : i32
      %select_n3A_79 = arith.constant true
      %select_n3A_80 = arith.select %select_n3A_79, %sub3A_78, %select_n3A_75 : i32
      %eq3A_81 = arith.constant -1 : i32
      %eq3A_82 = arith.cmpi eq, %select_n3A_80, %eq3A_81 : i32
      %select_n3A_83 = arith.constant 3 : i32
      %select_n3A_84 = arith.select %eq3A_82, %select_n3A_83, %select_n3A_80 : i32
      %add3A_85 = arith.addi %select_n3A_84, %mul3A_6 : i32
      %add3A_86 = arith.constant 1 : i32
      %add3A_87 = arith.addi %select_n3A_75, %add3A_86 : i32
      %select_n3A_88 = arith.constant true
      %select_n3A_89 = arith.select %select_n3A_88, %add3A_87, %select_n3A_75 : i32
      %eq3A_90 = arith.constant 4 : i32
      %eq3A_91 = arith.cmpi eq, %select_n3A_89, %eq3A_90 : i32
      %select_n3A_92 = arith.constant 0 : i32
      %select_n3A_93 = arith.select %eq3A_91, %select_n3A_92, %select_n3A_89 : i32
      %add3A_94 = arith.addi %select_n3A_93, %mul3A_6 : i32
      %add3A_95 = arith.constant 1 : i32
      %add3A_96 = arith.addi %select_n3A_93, %add3A_95 : i32
      %select_n3A_97 = arith.constant true
      %select_n3A_98 = arith.select %select_n3A_97, %add3A_96, %select_n3A_93 : i32
      %eq3A_99 = arith.constant 4 : i32
      %eq3A_100 = arith.cmpi eq, %select_n3A_98, %eq3A_99 : i32
      %select_n3A_101 = arith.constant 0 : i32
      %select_n3A_102 = arith.select %eq3A_100, %select_n3A_101, %select_n3A_98 : i32
      %add3A_103 = arith.addi %select_n3A_102, %mul3A_6 : i32
      "tpu.trace_start"() <{level = 10 : i32, message = "ep_finalize"}> : () -> ()
      %rem3A_104 = arith.constant 2 : i32
      %rem3A_105 = arith.remui %scan3A_67#3, %rem3A_104 : i32
      %mul3A_106 = arith.constant 128 : i32
      %mul3A_107 = arith.muli %mul3A_106, %add3A_76 : i32
      %dma_wait3A = arith.constant 0 : i32
      %dma_wait3A_108 = arith.constant 0 : i32
      %dma_wait3A_109 = tpu.memref_slice %run_scoped3A_8[%rem3A_105, %dma_wait3A, %dma_wait3A_108] : memref<2x128x128xi32, #tpu.memory_space<vmem>> -> memref<1x128x128xi32, #tpu.memory_space<vmem>>
      %dma_wait3A_110 = tpu.memref_squeeze %dma_wait3A_109 : memref<1x128x128xi32, #tpu.memory_space<vmem>> -> memref<128x128xi32, #tpu.memory_space<vmem>>
      %dma_wait3A_111 = arith.constant 0 : i32
      %dma_wait3A_112 = tpu.memref_slice %arg4[%mul3A_107, %dma_wait3A_111] : memref<16384x128xi32, #tpu.memory_space<hbm>> -> memref<128x128xi32, #tpu.memory_space<hbm>>
      %dma_wait3A_113 = tpu.memref_slice %run_scoped3A_9[%rem3A_105] : memref<2x!tpu.dma_semaphore, #tpu.memory_space<semaphore_mem>> -> memref<1x!tpu.dma_semaphore, #tpu.memory_space<semaphore_mem>>
      %dma_wait3A_114 = tpu.memref_squeeze %dma_wait3A_113 : memref<1x!tpu.dma_semaphore, #tpu.memory_space<semaphore_mem>> -> memref<!tpu.dma_semaphore, #tpu.memory_space<semaphore_mem>>
      %dma_wait3A_115 = arith.constant 0 : i32
      %dma_wait3A_116 = tpu.memref_slice %arg4[%mul3A_107, %dma_wait3A_115] : memref<16384x128xi32, #tpu.memory_space<hbm>> -> memref<128x128xi32, #tpu.memory_space<hbm>>
      %dma_wait3A_117 = arith.constant 0 : i32
      %dma_wait3A_118 = arith.constant 0 : i32
      %dma_wait3A_119 = tpu.memref_slice %run_scoped3A_8[%rem3A_105, %dma_wait3A_117, %dma_wait3A_118] : memref<2x128x128xi32, #tpu.memory_space<vmem>> -> memref<1x128x128xi32, #tpu.memory_space<vmem>>
      %dma_wait3A_120 = tpu.memref_squeeze %dma_wait3A_119 : memref<1x128x128xi32, #tpu.memory_space<vmem>> -> memref<128x128xi32, #tpu.memory_space<vmem>>
      tpu.wait_dma2 semaphore(%dma_wait3A_114 : memref<!tpu.dma_semaphore, #tpu.memory_space<semaphore_mem>>) src(%dma_wait3A_120 : memref<128x128xi32, #tpu.memory_space<vmem>>) dst(%dma_wait3A_116 : memref<128x128xi32, #tpu.memory_space<hbm>>)
      "tpu.trace_stop"() : () -> ()
      tpu.yield
    }) : () -> ()
    return
  }
}

#map = affine_map<(d0, d1) -> (0, 0)>
module attributes {stable_mosaic.version = 14 : i64} {
  func.func @k(%arg0: i32, %arg1: i32, %arg2: memref<8192x128xi32, #tpu.memory_space<hbm>>, %arg3: memref<1x24576xi32, #tpu.memory_space<hbm>>, %arg4: memref<24576x128xi32, #tpu.memory_space<hbm>>) attributes {dimension_semantics = [#tpu.dimension_semantics<core_parallel>, #tpu.dimension_semantics<subcore_parallel>], iteration_bounds = array<i64: 2, 16>, scalar_prefetch = 0 : i64, scratch_operands = 0 : i64, tpu.core_type = #tpu.core_type<sc_vector_subcore>, window_params = [{transform_indices = #map}, {transform_indices = #map}, {transform_indices = #map}]} {
    %mul3A = arith.constant 1 : i32
    %mul3A_0 = arith.muli %arg1, %mul3A : i32
    %add3A = arith.constant 0 : i32
    %add3A_1 = arith.addi %add3A, %mul3A_0 : i32
    %mul3A_2 = arith.constant 16 : i32
    %mul3A_3 = arith.muli %arg0, %mul3A_2 : i32
    %add3A_4 = arith.addi %add3A_1, %mul3A_3 : i32
    %mul3A_5 = arith.constant 6 : i32
    %mul3A_6 = arith.muli %add3A_4, %mul3A_5 : i32
    "tpu.region"() ({
      %run_scoped3A = memref.alloca() : memref<2x1x128xi32, #tpu.memory_space<vmem>>
      %run_scoped3A_7 = tpu.sem_alloc : memref<2x!tpu.dma_semaphore, #tpu.memory_space<semaphore_mem>>
      %run_scoped3A_8 = memref.alloca() : memref<2x128x128xi32, #tpu.memory_space<vmem>>
      %run_scoped3A_9 = tpu.sem_alloc : memref<2x!tpu.dma_semaphore, #tpu.memory_space<semaphore_mem>>
      %add3A_10 = arith.constant 0 : i32
      %add3A_11 = arith.addi %add3A_10, %mul3A_6 : i32
      %select_n3A = arith.constant true
      %select_n3A_12 = arith.constant 0 : i32
      %select_n3A_13 = arith.constant -1 : i32
      %select_n3A_14 = arith.select %select_n3A, %select_n3A_13, %select_n3A_12 : i32
      %eq3A = arith.constant -1 : i32
      %eq3A_15 = arith.cmpi eq, %select_n3A_14, %eq3A : i32
      %select_n3A_16 = arith.constant 5 : i32
      %select_n3A_17 = arith.select %eq3A_15, %select_n3A_16, %select_n3A_14 : i32
      %add3A_18 = arith.addi %select_n3A_17, %mul3A_6 : i32
      %select_n3A_19 = arith.constant true
      %select_n3A_20 = arith.constant 0 : i32
      %select_n3A_21 = arith.constant 1 : i32
      %select_n3A_22 = arith.select %select_n3A_19, %select_n3A_21, %select_n3A_20 : i32
      %eq3A_23 = arith.constant 6 : i32
      %eq3A_24 = arith.cmpi eq, %select_n3A_22, %eq3A_23 : i32
      %select_n3A_25 = arith.constant 0 : i32
      %select_n3A_26 = arith.select %eq3A_24, %select_n3A_25, %select_n3A_22 : i32
      %add3A_27 = arith.addi %select_n3A_26, %mul3A_6 : i32
      %add3A_28 = arith.constant 1 : i32
      %add3A_29 = arith.addi %select_n3A_26, %add3A_28 : i32
      %select_n3A_30 = arith.constant true
      %select_n3A_31 = arith.select %select_n3A_30, %add3A_29, %select_n3A_26 : i32
      %eq3A_32 = arith.constant 6 : i32
      %eq3A_33 = arith.cmpi eq, %select_n3A_31, %eq3A_32 : i32
      %select_n3A_34 = arith.constant 0 : i32
      %select_n3A_35 = arith.select %eq3A_33, %select_n3A_34, %select_n3A_31 : i32
      %add3A_36 = arith.addi %select_n3A_35, %mul3A_6 : i32
      "tpu.trace_start"() <{level = 10 : i32, message = "ep_initialize_0"}> : () -> ()
      %rem3A = arith.constant 0 : i32
      %rem3A_37 = arith.constant 2 : i32
      %rem3A_38 = arith.remui %rem3A, %rem3A_37 : i32
      %mul3A_39 = arith.constant 128 : i32
      %mul3A_40 = arith.muli %mul3A_39, %add3A_11 : i32
      %dma_start3A = arith.constant 0 : i32
      %dma_start3A_41 = arith.constant 0 : i32
      %dma_start3A_42 = tpu.memref_slice %run_scoped3A[%rem3A_38, %dma_start3A, %dma_start3A_41] : memref<2x1x128xi32, #tpu.memory_space<vmem>> -> memref<1x1x128xi32, #tpu.memory_space<vmem>>
      %dma_start3A_43 = tpu.memref_squeeze %dma_start3A_42 : memref<1x1x128xi32, #tpu.memory_space<vmem>> -> memref<1x128xi32, #tpu.memory_space<vmem>>
      %dma_start3A_44 = arith.constant 0 : i32
      %dma_start3A_45 = tpu.memref_slice %arg3[%dma_start3A_44, %mul3A_40] : memref<1x24576xi32, #tpu.memory_space<hbm>> -> memref<1x128xi32, #tpu.memory_space<hbm>>
      %dma_start3A_46 = tpu.memref_slice %run_scoped3A_7[%rem3A_38] : memref<2x!tpu.dma_semaphore, #tpu.memory_space<semaphore_mem>> -> memref<1x!tpu.dma_semaphore, #tpu.memory_space<semaphore_mem>>
      %dma_start3A_47 = tpu.memref_squeeze %dma_start3A_46 : memref<1x!tpu.dma_semaphore, #tpu.memory_space<semaphore_mem>> -> memref<!tpu.dma_semaphore, #tpu.memory_space<semaphore_mem>>
      %dma_start3A_48 = arith.constant 0 : i32
      %dma_start3A_49 = arith.constant 0 : i32
      %dma_start3A_50 = tpu.memref_slice %run_scoped3A[%rem3A_38, %dma_start3A_48, %dma_start3A_49] : memref<2x1x128xi32, #tpu.memory_space<vmem>> -> memref<1x1x128xi32, #tpu.memory_space<vmem>>
      %dma_start3A_51 = tpu.memref_squeeze %dma_start3A_50 : memref<1x1x128xi32, #tpu.memory_space<vmem>> -> memref<1x128xi32, #tpu.memory_space<vmem>>
      %dma_start3A_52 = arith.constant 0 : i32
      %dma_start3A_53 = tpu.memref_slice %arg3[%dma_start3A_52, %mul3A_40] : memref<1x24576xi32, #tpu.memory_space<hbm>> -> memref<1x128xi32, #tpu.memory_space<hbm>>
      tpu.enqueue_dma source(%dma_start3A_53 : memref<1x128xi32, #tpu.memory_space<hbm>>) target(%dma_start3A_51 : memref<1x128xi32, #tpu.memory_space<vmem>>) target_semaphore(%dma_start3A_47 : memref<!tpu.dma_semaphore, #tpu.memory_space<semaphore_mem>>)
      %add3A_54 = arith.constant 0 : i32
      %add3A_55 = arith.constant 1 : i32
      %add3A_56 = arith.addi %add3A_54, %add3A_55 : i32
      %select_n3A_57 = arith.constant true
      %select_n3A_58 = arith.constant 0 : i32
      %select_n3A_59 = arith.select %select_n3A_57, %add3A_56, %select_n3A_58 : i32
      "tpu.trace_stop"() : () -> ()
      %scan3A = arith.constant 0 : i32
      %scan3A_60 = arith.constant 0 : i32
      %scan3A_61 = arith.constant 0 : i32
      %scan3A_62 = arith.constant 0 : i32
      %scan3A_63 = arith.constant 0 : i32
      %scan3A_64 = arith.constant 6 : i32
      %scan3A_65 = arith.addi %scan3A_63, %scan3A_64 : i32
      %scan3A_66 = arith.constant 1 : i32
      %scan3A_67:5 = scf.for %scan3A_121 = %scan3A_63 to %scan3A_65 step %scan3A_66 iter_args(%scan3A_122 = %select_n3A_59, %scan3A_123 = %scan3A, %scan3A_124 = %scan3A_60, %scan3A_125 = %scan3A_61, %scan3A_126 = %scan3A_62) -> (i32, i32, i32, i32, i32)  : i32 {
        %eq3A_127 = arith.constant 0 : i32
        %eq3A_128 = arith.cmpi eq, %scan3A_121, %eq3A_127 : i32
        %eq3A_129 = arith.constant 5 : i32
        %eq3A_130 = arith.cmpi eq, %scan3A_121, %eq3A_129 : i32
        %add3A_131 = arith.addi %scan3A_126, %mul3A_6 : i32
        %sub3A_132 = arith.constant 1 : i32
        %sub3A_133 = arith.subi %scan3A_126, %sub3A_132 : i32
        %select_n3A_134 = arith.constant true
        %select_n3A_135 = arith.select %select_n3A_134, %sub3A_133, %scan3A_126 : i32
        %eq3A_136 = arith.constant -1 : i32
        %eq3A_137 = arith.cmpi eq, %select_n3A_135, %eq3A_136 : i32
        %select_n3A_138 = arith.constant 5 : i32
        %select_n3A_139 = arith.select %eq3A_137, %select_n3A_138, %select_n3A_135 : i32
        %add3A_140 = arith.addi %select_n3A_139, %mul3A_6 : i32
        %add3A_141 = arith.constant 1 : i32
        %add3A_142 = arith.addi %scan3A_126, %add3A_141 : i32
        %select_n3A_143 = arith.constant true
        %select_n3A_144 = arith.select %select_n3A_143, %add3A_142, %scan3A_126 : i32
        %eq3A_145 = arith.constant 6 : i32
        %eq3A_146 = arith.cmpi eq, %select_n3A_144, %eq3A_145 : i32
        %select_n3A_147 = arith.constant 0 : i32
        %select_n3A_148 = arith.select %eq3A_146, %select_n3A_147, %select_n3A_144 : i32
        %add3A_149 = arith.addi %select_n3A_148, %mul3A_6 : i32
        %add3A_150 = arith.constant 1 : i32
        %add3A_151 = arith.addi %select_n3A_148, %add3A_150 : i32
        %select_n3A_152 = arith.constant true
        %select_n3A_153 = arith.select %select_n3A_152, %add3A_151, %select_n3A_148 : i32
        %eq3A_154 = arith.constant 6 : i32
        %eq3A_155 = arith.cmpi eq, %select_n3A_153, %eq3A_154 : i32
        %select_n3A_156 = arith.constant 0 : i32
        %select_n3A_157 = arith.select %eq3A_155, %select_n3A_156, %select_n3A_153 : i32
        %add3A_158 = arith.addi %select_n3A_157, %mul3A_6 : i32
        %ne3A = arith.cmpi ne, %add3A_131, %add3A_149 : i32
        %or3A = arith.constant false
        %or3A_159 = arith.ori %or3A, %ne3A : i1
        %ge3A = arith.constant 5 : i32
        %ge3A_160 = arith.cmpi sge, %scan3A_121, %ge3A : i32
        %not3A = arith.constant true
        %not3A_161 = arith.xori %ge3A_160, %not3A : i1
        %and3A = arith.andi %or3A_159, %not3A_161 : i1
        %convert_element_type3A = arith.extui %and3A : i1 to i32
        %cond3A = arith.constant 0 : i32
        %cond3A_162 = arith.cmpi ne, %convert_element_type3A, %cond3A : i32
        scf.if %cond3A_162 {
          "tpu.trace_start"() <{level = 10 : i32, message = "ep_copy_in"}> : () -> ()
          %rem3A_264 = arith.constant 2 : i32
          %rem3A_265 = arith.remui %scan3A_122, %rem3A_264 : i32
          %mul3A_266 = arith.constant 128 : i32
          %mul3A_267 = arith.muli %mul3A_266, %add3A_149 : i32
          %dma_start3A_268 = arith.constant 0 : i32
          %dma_start3A_269 = arith.constant 0 : i32
          %dma_start3A_270 = tpu.memref_slice %run_scoped3A[%rem3A_265, %dma_start3A_268, %dma_start3A_269] : memref<2x1x128xi32, #tpu.memory_space<vmem>> -> memref<1x1x128xi32, #tpu.memory_space<vmem>>
          %dma_start3A_271 = tpu.memref_squeeze %dma_start3A_270 : memref<1x1x128xi32, #tpu.memory_space<vmem>> -> memref<1x128xi32, #tpu.memory_space<vmem>>
          %dma_start3A_272 = arith.constant 0 : i32
          %dma_start3A_273 = tpu.memref_slice %arg3[%dma_start3A_272, %mul3A_267] : memref<1x24576xi32, #tpu.memory_space<hbm>> -> memref<1x128xi32, #tpu.memory_space<hbm>>
          %dma_start3A_274 = tpu.memref_slice %run_scoped3A_7[%rem3A_265] : memref<2x!tpu.dma_semaphore, #tpu.memory_space<semaphore_mem>> -> memref<1x!tpu.dma_semaphore, #tpu.memory_space<semaphore_mem>>
          %dma_start3A_275 = tpu.memref_squeeze %dma_start3A_274 : memref<1x!tpu.dma_semaphore, #tpu.memory_space<semaphore_mem>> -> memref<!tpu.dma_semaphore, #tpu.memory_space<semaphore_mem>>
          %dma_start3A_276 = arith.constant 0 : i32
          %dma_start3A_277 = arith.constant 0 : i32
          %dma_start3A_278 = tpu.memref_slice %run_scoped3A[%rem3A_265, %dma_start3A_276, %dma_start3A_277] : memref<2x1x128xi32, #tpu.memory_space<vmem>> -> memref<1x1x128xi32, #tpu.memory_space<vmem>>
          %dma_start3A_279 = tpu.memref_squeeze %dma_start3A_278 : memref<1x1x128xi32, #tpu.memory_space<vmem>> -> memref<1x128xi32, #tpu.memory_space<vmem>>
          %dma_start3A_280 = arith.constant 0 : i32
          %dma_start3A_281 = tpu.memref_slice %arg3[%dma_start3A_280, %mul3A_267] : memref<1x24576xi32, #tpu.memory_space<hbm>> -> memref<1x128xi32, #tpu.memory_space<hbm>>
          tpu.enqueue_dma source(%dma_start3A_281 : memref<1x128xi32, #tpu.memory_space<hbm>>) target(%dma_start3A_279 : memref<1x128xi32, #tpu.memory_space<vmem>>) target_semaphore(%dma_start3A_275 : memref<!tpu.dma_semaphore, #tpu.memory_space<semaphore_mem>>)
          "tpu.trace_stop"() : () -> ()
        } else {
        }
        %and3A_163 = arith.constant true
        %and3A_164 = arith.andi %and3A, %and3A_163 : i1
        %add3A_165 = arith.constant 1 : i32
        %add3A_166 = arith.addi %scan3A_122, %add3A_165 : i32
        %select_n3A_167 = arith.select %and3A_164, %add3A_166, %scan3A_122 : i32
        %ne3A_168 = arith.cmpi ne, %add3A_131, %add3A_149 : i32
        %or3A_169 = arith.constant false
        %or3A_170 = arith.ori %or3A_169, %ne3A_168 : i1
        %or3A_171 = arith.constant false
        %or3A_172 = arith.ori %or3A_170, %or3A_171 : i1
        %ge3A_173 = arith.constant 5 : i32
        %ge3A_174 = arith.cmpi sge, %scan3A_121, %ge3A_173 : i32
        %not3A_175 = arith.constant true
        %not3A_176 = arith.xori %ge3A_174, %not3A_175 : i1
        %and3A_177 = arith.andi %or3A_172, %not3A_176 : i1
        %ne3A_178 = arith.cmpi ne, %add3A_131, %add3A_140 : i32
        %or3A_179 = arith.constant false
        %or3A_180 = arith.ori %or3A_179, %ne3A_178 : i1
        %or3A_181 = arith.ori %or3A_180, %eq3A_128 : i1
        %convert_element_type3A_182 = arith.extui %or3A_181 : i1 to i32
        %cond3A_183 = arith.constant 0 : i32
        %cond3A_184 = arith.cmpi ne, %convert_element_type3A_182, %cond3A_183 : i32
        scf.if %cond3A_184 {
          "tpu.trace_start"() <{level = 10 : i32, message = "ep_wait_in"}> : () -> ()
          %mul3A_264 = arith.constant 128 : i32
          %mul3A_265 = arith.muli %mul3A_264, %add3A_131 : i32
          %rem3A_266 = arith.constant 2 : i32
          %rem3A_267 = arith.remui %scan3A_123, %rem3A_266 : i32
          %dma_wait3A_268 = arith.constant 0 : i32
          %dma_wait3A_269 = arith.constant 0 : i32
          %dma_wait3A_270 = tpu.memref_slice %run_scoped3A[%rem3A_267, %dma_wait3A_268, %dma_wait3A_269] : memref<2x1x128xi32, #tpu.memory_space<vmem>> -> memref<1x1x128xi32, #tpu.memory_space<vmem>>
          %dma_wait3A_271 = tpu.memref_squeeze %dma_wait3A_270 : memref<1x1x128xi32, #tpu.memory_space<vmem>> -> memref<1x128xi32, #tpu.memory_space<vmem>>
          %dma_wait3A_272 = arith.constant 0 : i32
          %dma_wait3A_273 = tpu.memref_slice %arg3[%dma_wait3A_272, %mul3A_265] : memref<1x24576xi32, #tpu.memory_space<hbm>> -> memref<1x128xi32, #tpu.memory_space<hbm>>
          %dma_wait3A_274 = tpu.memref_slice %run_scoped3A_7[%rem3A_267] : memref<2x!tpu.dma_semaphore, #tpu.memory_space<semaphore_mem>> -> memref<1x!tpu.dma_semaphore, #tpu.memory_space<semaphore_mem>>
          %dma_wait3A_275 = tpu.memref_squeeze %dma_wait3A_274 : memref<1x!tpu.dma_semaphore, #tpu.memory_space<semaphore_mem>> -> memref<!tpu.dma_semaphore, #tpu.memory_space<semaphore_mem>>
          %dma_wait3A_276 = arith.constant 0 : i32
          %dma_wait3A_277 = arith.constant 0 : i32
          %dma_wait3A_278 = tpu.memref_slice %run_scoped3A[%rem3A_267, %dma_wait3A_276, %dma_wait3A_277] : memref<2x1x128xi32, #tpu.memory_space<vmem>> -> memref<1x1x128xi32, #tpu.memory_space<vmem>>
          %dma_wait3A_279 = tpu.memref_squeeze %dma_wait3A_278 : memref<1x1x128xi32, #tpu.memory_space<vmem>> -> memref<1x128xi32, #tpu.memory_space<vmem>>
          %dma_wait3A_280 = arith.constant 0 : i32
          %dma_wait3A_281 = tpu.memref_slice %arg3[%dma_wait3A_280, %mul3A_265] : memref<1x24576xi32, #tpu.memory_space<hbm>> -> memref<1x128xi32, #tpu.memory_space<hbm>>
          tpu.wait_dma2 semaphore(%dma_wait3A_275 : memref<!tpu.dma_semaphore, #tpu.memory_space<semaphore_mem>>) src(%dma_wait3A_281 : memref<1x128xi32, #tpu.memory_space<hbm>>) dst(%dma_wait3A_279 : memref<1x128xi32, #tpu.memory_space<vmem>>)
          "tpu.trace_stop"() : () -> ()
        } else {
        }
        %ne3A_185 = arith.cmpi ne, %add3A_131, %add3A_140 : i32
        %or3A_186 = arith.constant false
        %or3A_187 = arith.ori %or3A_186, %ne3A_185 : i1
        %or3A_188 = arith.constant false
        %or3A_189 = arith.ori %or3A_187, %or3A_188 : i1
        %or3A_190 = arith.ori %or3A_189, %eq3A_128 : i1
        %convert_element_type3A_191 = arith.extui %or3A_190 : i1 to i32
        %cond3A_192 = arith.constant 0 : i32
        %cond3A_193 = arith.cmpi ne, %convert_element_type3A_191, %cond3A_192 : i32
        scf.if %cond3A_193 {
        } else {
        }
        %rem3A_194 = arith.constant 2 : i32
        %rem3A_195 = arith.remui %scan3A_123, %rem3A_194 : i32
        %rem3A_196 = arith.constant 2 : i32
        %rem3A_197 = arith.remui %scan3A_124, %rem3A_196 : i32
        %run_scoped3A_198 = arith.constant 0 : i32
        "tpu.trace_start"() <{level = 10 : i32, message = "ep_run_kernel"}> : () -> ()
        "tpu.region"() ({
          %run_scoped3A_264 = tpu.sem_alloc : memref<!tpu.dma_semaphore, #tpu.memory_space<semaphore_mem>>
          %dma_start3A_265 = arith.constant 0 : i32
          %dma_start3A_266 = arith.constant 0 : i32
          %dma_start3A_267 = tpu.memref_slice %run_scoped3A_8[%rem3A_197, %dma_start3A_265, %dma_start3A_266] : memref<2x128x128xi32, #tpu.memory_space<vmem>> -> memref<1x128x128xi32, #tpu.memory_space<vmem>>
          %dma_start3A_268 = tpu.memref_squeeze %dma_start3A_267 : memref<1x128x128xi32, #tpu.memory_space<vmem>> -> memref<128x128xi32, #tpu.memory_space<vmem>>
          %dma_start3A_269 = arith.constant 0 : i32
          %dma_start3A_270 = arith.constant 0 : i32
          %dma_start3A_271 = tpu.memref_slice %run_scoped3A[%rem3A_195, %dma_start3A_269, %dma_start3A_270] : memref<2x1x128xi32, #tpu.memory_space<vmem>> -> memref<1x1x128xi32, #tpu.memory_space<vmem>>
          %dma_start3A_272 = tpu.memref_squeeze %dma_start3A_271 : memref<1x1x128xi32, #tpu.memory_space<vmem>> -> memref<1x128xi32, #tpu.memory_space<vmem>>
          %dma_start3A_273 = arith.constant 0 : i32
          %dma_start3A_274 = tpu.memref_slice %dma_start3A_272[%run_scoped3A_198, %dma_start3A_273] : memref<1x128xi32, #tpu.memory_space<vmem>> -> memref<1x128xi32, #tpu.memory_space<vmem>>
          %dma_start3A_275 = tpu.memref_squeeze %dma_start3A_274 : memref<1x128xi32, #tpu.memory_space<vmem>> -> memref<128xi32, #tpu.memory_space<vmem>>
          %dma_start3A_276 = arith.constant 0 : i32
          %dma_start3A_277 = arith.constant 0 : i32
          %dma_start3A_278 = tpu.memref_slice %arg2[%dma_start3A_276, %dma_start3A_277] : memref<8192x128xi32, #tpu.memory_space<hbm>> -> memref<8192x128xi32, #tpu.memory_space<hbm>>
          tpu.enqueue_indirect_dma source(%dma_start3A_278 : memref<8192x128xi32, #tpu.memory_space<hbm>>) target(%dma_start3A_268 : memref<128x128xi32, #tpu.memory_space<vmem>>) offsets(%dma_start3A_275 : memref<128xi32, #tpu.memory_space<vmem>>) semaphore(%run_scoped3A_264 : memref<!tpu.dma_semaphore, #tpu.memory_space<semaphore_mem>>)
          %dma_wait3A_279 = arith.constant 0 : i32
          %dma_wait3A_280 = arith.constant 0 : i32
          %dma_wait3A_281 = tpu.memref_slice %run_scoped3A_8[%rem3A_197, %dma_wait3A_279, %dma_wait3A_280] : memref<2x128x128xi32, #tpu.memory_space<vmem>> -> memref<1x128x128xi32, #tpu.memory_space<vmem>>
          %dma_wait3A_282 = tpu.memref_squeeze %dma_wait3A_281 : memref<1x128x128xi32, #tpu.memory_space<vmem>> -> memref<128x128xi32, #tpu.memory_space<vmem>>
          %dma_wait3A_283 = arith.constant 0 : i32
          %dma_wait3A_284 = arith.constant 0 : i32
          %dma_wait3A_285 = tpu.memref_slice %run_scoped3A[%rem3A_195, %dma_wait3A_283, %dma_wait3A_284] : memref<2x1x128xi32, #tpu.memory_space<vmem>> -> memref<1x1x128xi32, #tpu.memory_space<vmem>>
          %dma_wait3A_286 = tpu.memref_squeeze %dma_wait3A_285 : memref<1x1x128xi32, #tpu.memory_space<vmem>> -> memref<1x128xi32, #tpu.memory_space<vmem>>
          %dma_wait3A_287 = arith.constant 0 : i32
          %dma_wait3A_288 = tpu.memref_slice %dma_wait3A_286[%run_scoped3A_198, %dma_wait3A_287] : memref<1x128xi32, #tpu.memory_space<vmem>> -> memref<1x128xi32, #tpu.memory_space<vmem>>
          %dma_wait3A_289 = tpu.memref_squeeze %dma_wait3A_288 : memref<1x128xi32, #tpu.memory_space<vmem>> -> memref<128xi32, #tpu.memory_space<vmem>>
          %dma_wait3A_290 = arith.constant 0 : i32
          %dma_wait3A_291 = arith.constant 0 : i32
          %dma_wait3A_292 = tpu.memref_slice %arg2[%dma_wait3A_290, %dma_wait3A_291] : memref<8192x128xi32, #tpu.memory_space<hbm>> -> memref<8192x128xi32, #tpu.memory_space<hbm>>
          tpu.wait_indirect_dma semaphore(%run_scoped3A_264 : memref<!tpu.dma_semaphore, #tpu.memory_space<semaphore_mem>>) src(%dma_wait3A_292 : memref<8192x128xi32, #tpu.memory_space<hbm>>) dst(%dma_wait3A_282 : memref<128x128xi32, #tpu.memory_space<vmem>>)
          tpu.yield
        }) : () -> ()
        "tpu.trace_stop"() : () -> ()
        %ne3A_199 = arith.cmpi ne, %add3A_131, %add3A_149 : i32
        %or3A_200 = arith.constant false
        %or3A_201 = arith.ori %or3A_200, %ne3A_199 : i1
        %or3A_202 = arith.ori %or3A_201, %eq3A_130 : i1
        %convert_element_type3A_203 = arith.extui %or3A_202 : i1 to i32
        %cond3A_204 = arith.constant 0 : i32
        %cond3A_205 = arith.cmpi ne, %convert_element_type3A_203, %cond3A_204 : i32
        scf.if %cond3A_205 {
        } else {
        }
        %and3A_206 = arith.constant false
        %and3A_207 = arith.andi %or3A_202, %and3A_206 : i1
        %ne3A_208 = arith.cmpi ne, %add3A_131, %add3A_149 : i32
        %or3A_209 = arith.constant false
        %or3A_210 = arith.ori %or3A_209, %ne3A_208 : i1
        %or3A_211 = arith.constant false
        %or3A_212 = arith.ori %or3A_210, %or3A_211 : i1
        %or3A_213 = arith.ori %or3A_212, %eq3A_130 : i1
        %convert_element_type3A_214 = arith.extui %or3A_213 : i1 to i32
        %cond3A_215 = arith.constant 0 : i32
        %cond3A_216 = arith.cmpi ne, %convert_element_type3A_214, %cond3A_215 : i32
        scf.if %cond3A_216 {
          "tpu.trace_start"() <{level = 10 : i32, message = "ep_copy_out"}> : () -> ()
          %rem3A_264 = arith.constant 2 : i32
          %rem3A_265 = arith.remui %scan3A_124, %rem3A_264 : i32
          %mul3A_266 = arith.constant 128 : i32
          %mul3A_267 = arith.muli %mul3A_266, %add3A_131 : i32
          %dma_start3A_268 = arith.constant 0 : i32
          %dma_start3A_269 = arith.constant 0 : i32
          %dma_start3A_270 = tpu.memref_slice %run_scoped3A_8[%rem3A_265, %dma_start3A_268, %dma_start3A_269] : memref<2x128x128xi32, #tpu.memory_space<vmem>> -> memref<1x128x128xi32, #tpu.memory_space<vmem>>
          %dma_start3A_271 = tpu.memref_squeeze %dma_start3A_270 : memref<1x128x128xi32, #tpu.memory_space<vmem>> -> memref<128x128xi32, #tpu.memory_space<vmem>>
          %dma_start3A_272 = arith.constant 0 : i32
          %dma_start3A_273 = tpu.memref_slice %arg4[%mul3A_267, %dma_start3A_272] : memref<24576x128xi32, #tpu.memory_space<hbm>> -> memref<128x128xi32, #tpu.memory_space<hbm>>
          %dma_start3A_274 = tpu.memref_slice %run_scoped3A_9[%rem3A_265] : memref<2x!tpu.dma_semaphore, #tpu.memory_space<semaphore_mem>> -> memref<1x!tpu.dma_semaphore, #tpu.memory_space<semaphore_mem>>
          %dma_start3A_275 = tpu.memref_squeeze %dma_start3A_274 : memref<1x!tpu.dma_semaphore, #tpu.memory_space<semaphore_mem>> -> memref<!tpu.dma_semaphore, #tpu.memory_space<semaphore_mem>>
          %dma_start3A_276 = arith.constant 0 : i32
          %dma_start3A_277 = tpu.memref_slice %arg4[%mul3A_267, %dma_start3A_276] : memref<24576x128xi32, #tpu.memory_space<hbm>> -> memref<128x128xi32, #tpu.memory_space<hbm>>
          %dma_start3A_278 = arith.constant 0 : i32
          %dma_start3A_279 = arith.constant 0 : i32
          %dma_start3A_280 = tpu.memref_slice %run_scoped3A_8[%rem3A_265, %dma_start3A_278, %dma_start3A_279] : memref<2x128x128xi32, #tpu.memory_space<vmem>> -> memref<1x128x128xi32, #tpu.memory_space<vmem>>
          %dma_start3A_281 = tpu.memref_squeeze %dma_start3A_280 : memref<1x128x128xi32, #tpu.memory_space<vmem>> -> memref<128x128xi32, #tpu.memory_space<vmem>>
          tpu.enqueue_dma source(%dma_start3A_281 : memref<128x128xi32, #tpu.memory_space<vmem>>) target(%dma_start3A_277 : memref<128x128xi32, #tpu.memory_space<hbm>>) target_semaphore(%dma_start3A_275 : memref<!tpu.dma_semaphore, #tpu.memory_space<semaphore_mem>>)
          "tpu.trace_stop"() : () -> ()
        } else {
        }
        %and3A_217 = arith.constant true
        %and3A_218 = arith.andi %or3A_213, %and3A_217 : i1
        %add3A_219 = arith.constant 1 : i32
        %add3A_220 = arith.addi %scan3A_124, %add3A_219 : i32
        %select_n3A_221 = arith.select %and3A_218, %add3A_220, %scan3A_124 : i32
        %ne3A_222 = arith.cmpi ne, %add3A_131, %add3A_140 : i32
        %or3A_223 = arith.constant false
        %or3A_224 = arith.ori %or3A_223, %ne3A_222 : i1
        %not3A_225 = arith.constant true
        %not3A_226 = arith.xori %eq3A_128, %not3A_225 : i1
        %and3A_227 = arith.andi %or3A_224, %not3A_226 : i1
        %convert_element_type3A_228 = arith.extui %and3A_227 : i1 to i32
        %cond3A_229 = arith.constant 0 : i32
        %cond3A_230 = arith.cmpi ne, %convert_element_type3A_228, %cond3A_229 : i32
        scf.if %cond3A_230 {
        } else {
        }
        %and3A_231 = arith.constant false
        %and3A_232 = arith.andi %and3A_227, %and3A_231 : i1
        %ne3A_233 = arith.cmpi ne, %add3A_131, %add3A_140 : i32
        %or3A_234 = arith.constant false
        %or3A_235 = arith.ori %or3A_234, %ne3A_233 : i1
        %or3A_236 = arith.constant false
        %or3A_237 = arith.ori %or3A_235, %or3A_236 : i1
        %not3A_238 = arith.constant true
        %not3A_239 = arith.xori %eq3A_128, %not3A_238 : i1
        %and3A_240 = arith.andi %or3A_237, %not3A_239 : i1
        %convert_element_type3A_241 = arith.extui %and3A_240 : i1 to i32
        %cond3A_242 = arith.constant 0 : i32
        %cond3A_243 = arith.cmpi ne, %convert_element_type3A_241, %cond3A_242 : i32
        scf.if %cond3A_243 {
          "tpu.trace_start"() <{level = 10 : i32, message = "ep_wait_out"}> : () -> ()
          %rem3A_264 = arith.constant 2 : i32
          %rem3A_265 = arith.remui %scan3A_125, %rem3A_264 : i32
          %mul3A_266 = arith.constant 128 : i32
          %mul3A_267 = arith.muli %mul3A_266, %add3A_140 : i32
          %dma_wait3A_268 = arith.constant 0 : i32
          %dma_wait3A_269 = arith.constant 0 : i32
          %dma_wait3A_270 = tpu.memref_slice %run_scoped3A_8[%rem3A_265, %dma_wait3A_268, %dma_wait3A_269] : memref<2x128x128xi32, #tpu.memory_space<vmem>> -> memref<1x128x128xi32, #tpu.memory_space<vmem>>
          %dma_wait3A_271 = tpu.memref_squeeze %dma_wait3A_270 : memref<1x128x128xi32, #tpu.memory_space<vmem>> -> memref<128x128xi32, #tpu.memory_space<vmem>>
          %dma_wait3A_272 = arith.constant 0 : i32
          %dma_wait3A_273 = tpu.memref_slice %arg4[%mul3A_267, %dma_wait3A_272] : memref<24576x128xi32, #tpu.memory_space<hbm>> -> memref<128x128xi32, #tpu.memory_space<hbm>>
          %dma_wait3A_274 = tpu.memref_slice %run_scoped3A_9[%rem3A_265] : memref<2x!tpu.dma_semaphore, #tpu.memory_space<semaphore_mem>> -> memref<1x!tpu.dma_semaphore, #tpu.memory_space<semaphore_mem>>
          %dma_wait3A_275 = tpu.memref_squeeze %dma_wait3A_274 : memref<1x!tpu.dma_semaphore, #tpu.memory_space<semaphore_mem>> -> memref<!tpu.dma_semaphore, #tpu.memory_space<semaphore_mem>>
          %dma_wait3A_276 = arith.constant 0 : i32
          %dma_wait3A_277 = tpu.memref_slice %arg4[%mul3A_267, %dma_wait3A_276] : memref<24576x128xi32, #tpu.memory_space<hbm>> -> memref<128x128xi32, #tpu.memory_space<hbm>>
          %dma_wait3A_278 = arith.constant 0 : i32
          %dma_wait3A_279 = arith.constant 0 : i32
          %dma_wait3A_280 = tpu.memref_slice %run_scoped3A_8[%rem3A_265, %dma_wait3A_278, %dma_wait3A_279] : memref<2x128x128xi32, #tpu.memory_space<vmem>> -> memref<1x128x128xi32, #tpu.memory_space<vmem>>
          %dma_wait3A_281 = tpu.memref_squeeze %dma_wait3A_280 : memref<1x128x128xi32, #tpu.memory_space<vmem>> -> memref<128x128xi32, #tpu.memory_space<vmem>>
          tpu.wait_dma2 semaphore(%dma_wait3A_275 : memref<!tpu.dma_semaphore, #tpu.memory_space<semaphore_mem>>) src(%dma_wait3A_281 : memref<128x128xi32, #tpu.memory_space<vmem>>) dst(%dma_wait3A_277 : memref<128x128xi32, #tpu.memory_space<hbm>>)
          "tpu.trace_stop"() : () -> ()
        } else {
        }
        %and3A_244 = arith.constant true
        %and3A_245 = arith.andi %and3A_240, %and3A_244 : i1
        %add3A_246 = arith.constant 1 : i32
        %add3A_247 = arith.addi %scan3A_125, %add3A_246 : i32
        %select_n3A_248 = arith.select %and3A_245, %add3A_247, %scan3A_125 : i32
        %ne3A_249 = arith.cmpi ne, %add3A_131, %add3A_149 : i32
        %or3A_250 = arith.constant false
        %or3A_251 = arith.ori %or3A_250, %ne3A_249 : i1
        %or3A_252 = arith.ori %or3A_251, %eq3A_130 : i1
        %add3A_253 = arith.constant 1 : i32
        %add3A_254 = arith.addi %scan3A_123, %add3A_253 : i32
        %select_n3A_255 = arith.select %or3A_252, %add3A_254, %scan3A_123 : i32
        %add3A_256 = arith.constant 1 : i32
        %add3A_257 = arith.addi %scan3A_126, %add3A_256 : i32
        %select_n3A_258 = arith.constant true
        %select_n3A_259 = arith.select %select_n3A_258, %add3A_257, %scan3A_126 : i32
        %eq3A_260 = arith.constant 6 : i32
        %eq3A_261 = arith.cmpi eq, %select_n3A_259, %eq3A_260 : i32
        %select_n3A_262 = arith.constant 0 : i32
        %select_n3A_263 = arith.select %eq3A_261, %select_n3A_262, %select_n3A_259 : i32
        scf.yield %select_n3A_167, %select_n3A_255, %select_n3A_221, %select_n3A_248, %select_n3A_263 : i32, i32, i32, i32, i32
      }
      %scan3A_68 = arith.constant 6 : i32
      %sub3A = arith.constant 1 : i32
      %sub3A_69 = arith.subi %scan3A_67#4, %sub3A : i32
      %select_n3A_70 = arith.constant true
      %select_n3A_71 = arith.select %select_n3A_70, %sub3A_69, %scan3A_67#4 : i32
      %eq3A_72 = arith.constant -1 : i32
      %eq3A_73 = arith.cmpi eq, %select_n3A_71, %eq3A_72 : i32
      %select_n3A_74 = arith.constant 5 : i32
      %select_n3A_75 = arith.select %eq3A_73, %select_n3A_74, %select_n3A_71 : i32
      %add3A_76 = arith.addi %select_n3A_75, %mul3A_6 : i32
      %sub3A_77 = arith.constant 1 : i32
      %sub3A_78 = arith.subi %select_n3A_75, %sub3A_77 : i32
      %select_n3A_79 = arith.constant true
      %select_n3A_80 = arith.select %select_n3A_79, %sub3A_78, %select_n3A_75 : i32
      %eq3A_81 = arith.constant -1 : i32
      %eq3A_82 = arith.cmpi eq, %select_n3A_80, %eq3A_81 : i32
      %select_n3A_83 = arith.constant 5 : i32
      %select_n3A_84 = arith.select %eq3A_82, %select_n3A_83, %select_n3A_80 : i32
      %add3A_85 = arith.addi %select_n3A_84, %mul3A_6 : i32
      %add3A_86 = arith.constant 1 : i32
      %add3A_87 = arith.addi %select_n3A_75, %add3A_86 : i32
      %select_n3A_88 = arith.constant true
      %select_n3A_89 = arith.select %select_n3A_88, %add3A_87, %select_n3A_75 : i32
      %eq3A_90 = arith.constant 6 : i32
      %eq3A_91 = arith.cmpi eq, %select_n3A_89, %eq3A_90 : i32
      %select_n3A_92 = arith.constant 0 : i32
      %select_n3A_93 = arith.select %eq3A_91, %select_n3A_92, %select_n3A_89 : i32
      %add3A_94 = arith.addi %select_n3A_93, %mul3A_6 : i32
      %add3A_95 = arith.constant 1 : i32
      %add3A_96 = arith.addi %select_n3A_93, %add3A_95 : i32
      %select_n3A_97 = arith.constant true
      %select_n3A_98 = arith.select %select_n3A_97, %add3A_96, %select_n3A_93 : i32
      %eq3A_99 = arith.constant 6 : i32
      %eq3A_100 = arith.cmpi eq, %select_n3A_98, %eq3A_99 : i32
      %select_n3A_101 = arith.constant 0 : i32
      %select_n3A_102 = arith.select %eq3A_100, %select_n3A_101, %select_n3A_98 : i32
      %add3A_103 = arith.addi %select_n3A_102, %mul3A_6 : i32
      "tpu.trace_start"() <{level = 10 : i32, message = "ep_finalize"}> : () -> ()
      %rem3A_104 = arith.constant 2 : i32
      %rem3A_105 = arith.remui %scan3A_67#3, %rem3A_104 : i32
      %mul3A_106 = arith.constant 128 : i32
      %mul3A_107 = arith.muli %mul3A_106, %add3A_76 : i32
      %dma_wait3A = arith.constant 0 : i32
      %dma_wait3A_108 = arith.constant 0 : i32
      %dma_wait3A_109 = tpu.memref_slice %run_scoped3A_8[%rem3A_105, %dma_wait3A, %dma_wait3A_108] : memref<2x128x128xi32, #tpu.memory_space<vmem>> -> memref<1x128x128xi32, #tpu.memory_space<vmem>>
      %dma_wait3A_110 = tpu.memref_squeeze %dma_wait3A_109 : memref<1x128x128xi32, #tpu.memory_space<vmem>> -> memref<128x128xi32, #tpu.memory_space<vmem>>
      %dma_wait3A_111 = arith.constant 0 : i32
      %dma_wait3A_112 = tpu.memref_slice %arg4[%mul3A_107, %dma_wait3A_111] : memref<24576x128xi32, #tpu.memory_space<hbm>> -> memref<128x128xi32, #tpu.memory_space<hbm>>
      %dma_wait3A_113 = tpu.memref_slice %run_scoped3A_9[%rem3A_105] : memref<2x!tpu.dma_semaphore, #tpu.memory_space<semaphore_mem>> -> memref<1x!tpu.dma_semaphore, #tpu.memory_space<semaphore_mem>>
      %dma_wait3A_114 = tpu.memref_squeeze %dma_wait3A_113 : memref<1x!tpu.dma_semaphore, #tpu.memory_space<semaphore_mem>> -> memref<!tpu.dma_semaphore, #tpu.memory_space<semaphore_mem>>
      %dma_wait3A_115 = arith.constant 0 : i32
      %dma_wait3A_116 = tpu.memref_slice %arg4[%mul3A_107, %dma_wait3A_115] : memref<24576x128xi32, #tpu.memory_space<hbm>> -> memref<128x128xi32, #tpu.memory_space<hbm>>
      %dma_wait3A_117 = arith.constant 0 : i32
      %dma_wait3A_118 = arith.constant 0 : i32
      %dma_wait3A_119 = tpu.memref_slice %run_scoped3A_8[%rem3A_105, %dma_wait3A_117, %dma_wait3A_118] : memref<2x128x128xi32, #tpu.memory_space<vmem>> -> memref<1x128x128xi32, #tpu.memory_space<vmem>>
      %dma_wait3A_120 = tpu.memref_squeeze %dma_wait3A_119 : memref<1x128x128xi32, #tpu.memory_space<vmem>> -> memref<128x128xi32, #tpu.memory_space<vmem>>
      tpu.wait_dma2 semaphore(%dma_wait3A_114 : memref<!tpu.dma_semaphore, #tpu.memory_space<semaphore_mem>>) src(%dma_wait3A_120 : memref<128x128xi32, #tpu.memory_space<vmem>>) dst(%dma_wait3A_116 : memref<128x128xi32, #tpu.memory_space<hbm>>)
      "tpu.trace_stop"() : () -> ()
      tpu.yield
    }) : () -> ()
    return
  }
}

module attributes {stable_mosaic.version = 14 : i64} {
  func.func @_qkv_body(%arg0: i32, %arg1: memref<256x1024xf32, #tpu.memory_space<vmem>>, %arg2: memref<1x1024xf32, #tpu.memory_space<vmem>>, %arg3: memref<3072x1024xf32, #tpu.memory_space<vmem>>, %arg4: memref<256x3072xf32, #tpu.memory_space<vmem>>) attributes {dimension_semantics = [#tpu.dimension_semantics<arbitrary>], iteration_bounds = array<i64: 8>, scalar_prefetch = 0 : i64, scratch_operands = 0 : i64, tpu.core_type = #tpu.core_type<tc>, window_params = [{transform_indices = @transform_0, window_bounds = array<i64: 256, 1024>}, {pipeline_mode = #tpu.pipeline_mode<synchronous>, transform_indices = @transform_1, window_bounds = array<i64: 1, 1024>}, {pipeline_mode = #tpu.pipeline_mode<synchronous>, transform_indices = @transform_2, window_bounds = array<i64: 3072, 1024>}, {transform_indices = @transform_3, window_bounds = array<i64: 256, 3072>}]} {
    %get3A = arith.constant 0 : index
    %get3A_0 = arith.constant 0 : index
    %get3A_1 = vector.load %arg1[%get3A, %get3A_0] : memref<256x1024xf32, #tpu.memory_space<vmem>>, vector<256x1024xf32>
    %get3A_2 = arith.constant 0 : index
    %get3A_3 = arith.constant 0 : index
    %get3A_4 = vector.load %arg2[%get3A_2, %get3A_3] : memref<1x1024xf32, #tpu.memory_space<vmem>>, vector<1x1024xf32>
    %mul3A = arith.mulf %get3A_1, %get3A_1 : vector<256x1024xf32>
    %reduce_sum3A = arith.constant dense<0.000000e+00> : vector<256xf32>
    %reduce_sum3A_5 = vector.multi_reduction <add>, %mul3A, %reduce_sum3A [1] : vector<256x1024xf32> to vector<256xf32>
    %broadcast_in_dim3A = vector.shape_cast %reduce_sum3A_5 : vector<256xf32> to vector<256x1xf32>
    %div3A = arith.constant 1.024000e+03 : f32
    %div3A_6 = vector.broadcast %div3A : f32 to vector<256x1xf32>
    %div3A_7 = arith.divf %broadcast_in_dim3A, %div3A_6 : vector<256x1xf32>
    %add3A = arith.constant 9.99999997E-7 : f32
    %add3A_8 = vector.broadcast %add3A : f32 to vector<256x1xf32>
    %add3A_9 = arith.addf %div3A_7, %add3A_8 : vector<256x1xf32>
    %sqrt3A = math.sqrt %add3A_9 : vector<256x1xf32>
    %div3A_10 = vector.broadcast %sqrt3A : vector<256x1xf32> to vector<256x1024xf32>
    %div3A_11 = arith.divf %get3A_1, %div3A_10 : vector<256x1024xf32>
    %mul3A_12 = vector.broadcast %get3A_4 : vector<1x1024xf32> to vector<256x1024xf32>
    %mul3A_13 = arith.mulf %div3A_11, %mul3A_12 : vector<256x1024xf32>
    %get3A_14 = arith.constant 0 : index
    %get3A_15 = arith.constant 0 : index
    %get3A_16 = vector.load %arg3[%get3A_14, %get3A_15] : memref<3072x1024xf32, #tpu.memory_space<vmem>>, vector<3072x1024xf32>
    %dot_general3A = arith.constant dense<0.000000e+00> : vector<256x3072xf32>
    %dot_general3A_17 = tpu.matmul %mul3A_13, %get3A_16, %dot_general3A {dimension_numbers = #tpu.dot_dimension_numbers<[1], [1], [0], [0], [0, 0, 1, 0], [], []>, transpose_lhs_hint = false} : vector<256x1024xf32>, vector<3072x1024xf32>, vector<256x3072xf32> -> vector<256x3072xf32>
    %swap3A = arith.constant 0 : index
    %swap3A_18 = arith.constant 0 : index
    %swap3A_19 = vector.load %arg4[%swap3A, %swap3A_18] : memref<256x3072xf32, #tpu.memory_space<vmem>>, vector<256x3072xf32>
    tpu.vector_store %arg4[%swap3A, %swap3A_18], %dot_general3A_17 {strides = array<i32>} : memref<256x3072xf32, #tpu.memory_space<vmem>>, vector<256x3072xf32>,
    return
  }
  func.func @transform_0(%arg0: i32) -> (i32, i32) {
    %c0_i32 = arith.constant 0 : i32
    %c0_i32_0 = arith.constant 0 : i32
    return %arg0, %c0_i32 : i32, i32
  }
  func.func @transform_1(%arg0: i32) -> (i32, i32) {
    %c0_i32 = arith.constant 0 : i32
    %c0_i32_0 = arith.constant 0 : i32
    %c0_i32_1 = arith.constant 0 : i32
    return %c0_i32, %c0_i32_0 : i32, i32
  }
  func.func @transform_2(%arg0: i32) -> (i32, i32) {
    %c0_i32 = arith.constant 0 : i32
    %c0_i32_0 = arith.constant 0 : i32
    %c0_i32_1 = arith.constant 0 : i32
    return %c0_i32, %c0_i32_0 : i32, i32
  }
  func.func @transform_3(%arg0: i32) -> (i32, i32) {
    %c0_i32 = arith.constant 0 : i32
    %c0_i32_0 = arith.constant 0 : i32
    return %arg0, %c0_i32 : i32, i32
  }
}

module attributes {stable_mosaic.version = 14 : i64} {
  func.func @_attn_body(%arg0: i32, %arg1: memref<2048x3072xf32, #tpu.memory_space<vmem>>, %arg2: memref<512x1024xf32, #tpu.memory_space<vmem>>) attributes {dimension_semantics = [#tpu.dimension_semantics<arbitrary>], iteration_bounds = array<i64: 4>, scalar_prefetch = 0 : i64, scratch_operands = 0 : i64, tpu.core_type = #tpu.core_type<tc>, window_params = [{pipeline_mode = #tpu.pipeline_mode<synchronous>, transform_indices = @transform_0, window_bounds = array<i64: 2048, 3072>}, {transform_indices = @transform_1, window_bounds = array<i64: 512, 1024>}]} {
    %mul3A = arith.constant 512 : i32
    %mul3A_0 = arith.muli %arg0, %mul3A : i32
    %iota3A = tpu.iota {dimensions = array<i32: 0>} : vector<512x512xi32>
    %add3A = vector.broadcast %mul3A_0 : i32 to vector<512x512xi32>
    %add3A_1 = arith.addi %add3A, %iota3A : vector<512x512xi32>
    %mul3A_2 = arith.constant 512 : i32
    %mul3A_3 = arith.muli %arg0, %mul3A_2 : i32
    %get3A = arith.index_cast %mul3A_3 : i32 to index
    %get3A_4 = arith.constant 0 : index
    %get3A_5 = vector.load %arg1[%get3A, %get3A_4] : memref<2048x3072xf32, #tpu.memory_space<vmem>>, vector<512x64xf32>
    %broadcast_in_dim3A = arith.constant -1.000000e+30 : f32
    %broadcast_in_dim3A_6 = vector.broadcast %broadcast_in_dim3A : f32 to vector<512x1xf32>
    %broadcast_in_dim3A_7 = arith.constant 0.000000e+00 : f32
    %broadcast_in_dim3A_8 = vector.broadcast %broadcast_in_dim3A_7 : f32 to vector<512x1xf32>
    %broadcast_in_dim3A_9 = arith.constant 0.000000e+00 : f32
    %broadcast_in_dim3A_10 = vector.broadcast %broadcast_in_dim3A_9 : f32 to vector<512x64xf32>
    %add3A_11 = arith.constant 1 : i32
    %add3A_12 = arith.addi %arg0, %add3A_11 : i32
    %while3A = arith.constant 0 : i32
    %while3A_13 = arith.subi %add3A_12, %while3A : i32
    %while3A_14 = arith.addi %while3A, %while3A_13 : i32
    %while3A_15 = arith.constant 1 : i32
    %while3A_16 = arith.divsi %while3A_13, %while3A_15 : i32
    %while3A_17 = arith.muli %while3A_16, %while3A_15 : i32
    %while3A_18 = arith.addi %while3A, %while3A_17 : i32
    %while3A_19 = arith.constant 1 : i32
    %while3A_20:3 = scf.for %while3A_461 = %while3A to %while3A_18 step %while3A_19 iter_args(%while3A_462 = %broadcast_in_dim3A_6, %while3A_463 = %broadcast_in_dim3A_8, %while3A_464 = %broadcast_in_dim3A_10) -> (vector<512x1xf32>, vector<512x1xf32>, vector<512x64xf32>)  : i32 {
      %mul3A_465 = arith.constant 512 : i32
      %mul3A_466 = arith.muli %while3A_461, %mul3A_465 : i32
      %get3A_467 = arith.index_cast %mul3A_466 : i32 to index
      %get3A_468 = arith.constant 1024 : index
      %get3A_469 = vector.load %arg1[%get3A_467, %get3A_468] : memref<2048x3072xf32, #tpu.memory_space<vmem>>, vector<512x64xf32>
      %mul3A_470 = arith.constant 512 : i32
      %mul3A_471 = arith.muli %while3A_461, %mul3A_470 : i32
      %get3A_472 = arith.index_cast %mul3A_471 : i32 to index
      %get3A_473 = arith.constant 2048 : index
      %get3A_474 = vector.load %arg1[%get3A_472, %get3A_473] : memref<2048x3072xf32, #tpu.memory_space<vmem>>, vector<512x64xf32>
      %dot_general3A = arith.constant dense<0.000000e+00> : vector<512x512xf32>
      %dot_general3A_475 = tpu.matmul %get3A_5, %get3A_469, %dot_general3A {dimension_numbers = #tpu.dot_dimension_numbers<[1], [1], [0], [0], [0, 0, 1, 0], [], []>, transpose_lhs_hint = false} : vector<512x64xf32>, vector<512x64xf32>, vector<512x512xf32> -> vector<512x512xf32>
      %mul3A_476 = arith.constant 1.250000e-01 : f32
      %mul3A_477 = vector.broadcast %mul3A_476 : f32 to vector<512x512xf32>
      %mul3A_478 = arith.mulf %dot_general3A_475, %mul3A_477 : vector<512x512xf32>
      %mul3A_479 = arith.constant 512 : i32
      %mul3A_480 = arith.muli %while3A_461, %mul3A_479 : i32
      %iota3A_481 = tpu.iota {dimensions = array<i32: 1>} : vector<512x512xi32>
      %add3A_482 = vector.broadcast %mul3A_480 : i32 to vector<512x512xi32>
      %add3A_483 = arith.addi %add3A_482, %iota3A_481 : vector<512x512xi32>
      %le3A = arith.cmpi sle, %add3A_483, %add3A_1 : vector<512x512xi32>
      %jit3A = arith.constant -1.000000e+30 : f32
      %broadcast_in_dim3A_484 = vector.broadcast %jit3A : f32 to vector<512x512xf32>
      %select_n3A = arith.select %le3A, %mul3A_478, %broadcast_in_dim3A_484 : vector<512x512xi1>, vector<512x512xf32>
      %reduce_max3A = arith.constant dense<0xFF800000> : vector<512xf32>
      %reduce_max3A_485 = vector.multi_reduction <maximumf>, %select_n3A, %reduce_max3A [1] : vector<512x512xf32> to vector<512xf32>
      %broadcast_in_dim3A_486 = vector.shape_cast %reduce_max3A_485 : vector<512xf32> to vector<512x1xf32>
      %max3A = arith.maximumf %while3A_462, %broadcast_in_dim3A_486 : vector<512x1xf32>
      %sub3A = vector.broadcast %max3A : vector<512x1xf32> to vector<512x512xf32>
      %sub3A_487 = arith.subf %select_n3A, %sub3A : vector<512x512xf32>
      %exp3A = math.exp %sub3A_487 : vector<512x512xf32>
      %sub3A_488 = arith.subf %while3A_462, %max3A : vector<512x1xf32>
      %exp3A_489 = math.exp %sub3A_488 : vector<512x1xf32>
      %mul3A_490 = arith.mulf %while3A_463, %exp3A_489 : vector<512x1xf32>
      %reduce_sum3A = arith.constant dense<0.000000e+00> : vector<512xf32>
      %reduce_sum3A_491 = vector.multi_reduction <add>, %exp3A, %reduce_sum3A [1] : vector<512x512xf32> to vector<512xf32>
      %broadcast_in_dim3A_492 = vector.shape_cast %reduce_sum3A_491 : vector<512xf32> to vector<512x1xf32>
      %add3A_493 = arith.addf %mul3A_490, %broadcast_in_dim3A_492 : vector<512x1xf32>
      %mul3A_494 = vector.broadcast %exp3A_489 : vector<512x1xf32> to vector<512x64xf32>
      %mul3A_495 = arith.mulf %while3A_464, %mul3A_494 : vector<512x64xf32>
      %dot_general3A_496 = arith.constant dense<0.000000e+00> : vector<512x64xf32>
      %dot_general3A_497 = tpu.matmul %exp3A, %get3A_474, %dot_general3A_496 {dimension_numbers = #tpu.dot_dimension_numbers<[1], [0], [0], [1], [0, 0, 1, 1], [], []>, transpose_lhs_hint = false} : vector<512x512xf32>, vector<512x64xf32>, vector<512x64xf32> -> vector<512x64xf32>
      %add3A_498 = arith.addf %mul3A_495, %dot_general3A_497 : vector<512x64xf32>
      scf.yield %max3A, %add3A_493, %add3A_498 : vector<512x1xf32>, vector<512x1xf32>, vector<512x64xf32>
    }
    %while3A_21 = arith.constant 1 : i32
    %while3A_22:3 = scf.for %while3A_461 = %while3A_18 to %while3A_14 step %while3A_21 iter_args(%while3A_462 = %while3A_20#0, %while3A_463 = %while3A_20#1, %while3A_464 = %while3A_20#2) -> (vector<512x1xf32>, vector<512x1xf32>, vector<512x64xf32>)  : i32 {
      %mul3A_465 = arith.constant 512 : i32
      %mul3A_466 = arith.muli %while3A_461, %mul3A_465 : i32
      %get3A_467 = arith.index_cast %mul3A_466 : i32 to index
      %get3A_468 = arith.constant 1024 : index
      %get3A_469 = vector.load %arg1[%get3A_467, %get3A_468] : memref<2048x3072xf32, #tpu.memory_space<vmem>>, vector<512x64xf32>
      %mul3A_470 = arith.constant 512 : i32
      %mul3A_471 = arith.muli %while3A_461, %mul3A_470 : i32
      %get3A_472 = arith.index_cast %mul3A_471 : i32 to index
      %get3A_473 = arith.constant 2048 : index
      %get3A_474 = vector.load %arg1[%get3A_472, %get3A_473] : memref<2048x3072xf32, #tpu.memory_space<vmem>>, vector<512x64xf32>
      %dot_general3A = arith.constant dense<0.000000e+00> : vector<512x512xf32>
      %dot_general3A_475 = tpu.matmul %get3A_5, %get3A_469, %dot_general3A {dimension_numbers = #tpu.dot_dimension_numbers<[1], [1], [0], [0], [0, 0, 1, 0], [], []>, transpose_lhs_hint = false} : vector<512x64xf32>, vector<512x64xf32>, vector<512x512xf32> -> vector<512x512xf32>
      %mul3A_476 = arith.constant 1.250000e-01 : f32
      %mul3A_477 = vector.broadcast %mul3A_476 : f32 to vector<512x512xf32>
      %mul3A_478 = arith.mulf %dot_general3A_475, %mul3A_477 : vector<512x512xf32>
      %mul3A_479 = arith.constant 512 : i32
      %mul3A_480 = arith.muli %while3A_461, %mul3A_479 : i32
      %iota3A_481 = tpu.iota {dimensions = array<i32: 1>} : vector<512x512xi32>
      %add3A_482 = vector.broadcast %mul3A_480 : i32 to vector<512x512xi32>
      %add3A_483 = arith.addi %add3A_482, %iota3A_481 : vector<512x512xi32>
      %le3A = arith.cmpi sle, %add3A_483, %add3A_1 : vector<512x512xi32>
      %jit3A = arith.constant -1.000000e+30 : f32
      %broadcast_in_dim3A_484 = vector.broadcast %jit3A : f32 to vector<512x512xf32>
      %select_n3A = arith.select %le3A, %mul3A_478, %broadcast_in_dim3A_484 : vector<512x512xi1>, vector<512x512xf32>
      %reduce_max3A = arith.constant dense<0xFF800000> : vector<512xf32>
      %reduce_max3A_485 = vector.multi_reduction <maximumf>, %select_n3A, %reduce_max3A [1] : vector<512x512xf32> to vector<512xf32>
      %broadcast_in_dim3A_486 = vector.shape_cast %reduce_max3A_485 : vector<512xf32> to vector<512x1xf32>
      %max3A = arith.maximumf %while3A_462, %broadcast_in_dim3A_486 : vector<512x1xf32>
      %sub3A = vector.broadcast %max3A : vector<512x1xf32> to vector<512x512xf32>
      %sub3A_487 = arith.subf %select_n3A, %sub3A : vector<512x512xf32>
      %exp3A = math.exp %sub3A_487 : vector<512x512xf32>
      %sub3A_488 = arith.subf %while3A_462, %max3A : vector<512x1xf32>
      %exp3A_489 = math.exp %sub3A_488 : vector<512x1xf32>
      %mul3A_490 = arith.mulf %while3A_463, %exp3A_489 : vector<512x1xf32>
      %reduce_sum3A = arith.constant dense<0.000000e+00> : vector<512xf32>
      %reduce_sum3A_491 = vector.multi_reduction <add>, %exp3A, %reduce_sum3A [1] : vector<512x512xf32> to vector<512xf32>
      %broadcast_in_dim3A_492 = vector.shape_cast %reduce_sum3A_491 : vector<512xf32> to vector<512x1xf32>
      %add3A_493 = arith.addf %mul3A_490, %broadcast_in_dim3A_492 : vector<512x1xf32>
      %mul3A_494 = vector.broadcast %exp3A_489 : vector<512x1xf32> to vector<512x64xf32>
      %mul3A_495 = arith.mulf %while3A_464, %mul3A_494 : vector<512x64xf32>
      %dot_general3A_496 = arith.constant dense<0.000000e+00> : vector<512x64xf32>
      %dot_general3A_497 = tpu.matmul %exp3A, %get3A_474, %dot_general3A_496 {dimension_numbers = #tpu.dot_dimension_numbers<[1], [0], [0], [1], [0, 0, 1, 1], [], []>, transpose_lhs_hint = false} : vector<512x512xf32>, vector<512x64xf32>, vector<512x64xf32> -> vector<512x64xf32>
      %add3A_498 = arith.addf %mul3A_495, %dot_general3A_497 : vector<512x64xf32>
      scf.yield %max3A, %add3A_493, %add3A_498 : vector<512x1xf32>, vector<512x1xf32>, vector<512x64xf32>
    }
    %div3A = vector.broadcast %while3A_22#1 : vector<512x1xf32> to vector<512x64xf32>
    %div3A_23 = arith.divf %while3A_22#2, %div3A : vector<512x64xf32>
    %swap3A = arith.constant 0 : index
    %swap3A_24 = arith.constant 0 : index
    %swap3A_25 = vector.load %arg2[%swap3A, %swap3A_24] : memref<512x1024xf32, #tpu.memory_space<vmem>>, vector<512x64xf32>
    tpu.vector_store %arg2[%swap3A, %swap3A_24], %div3A_23 {strides = array<i32>} : memref<512x1024xf32, #tpu.memory_space<vmem>>, vector<512x64xf32>,
    %mul3A_26 = arith.constant 512 : i32
    %mul3A_27 = arith.muli %arg0, %mul3A_26 : i32
    %get3A_28 = arith.index_cast %mul3A_27 : i32 to index
    %get3A_29 = arith.constant 64 : index
    %get3A_30 = vector.load %arg1[%get3A_28, %get3A_29] : memref<2048x3072xf32, #tpu.memory_space<vmem>>, vector<512x64xf32>
    %broadcast_in_dim3A_31 = arith.constant -1.000000e+30 : f32
    %broadcast_in_dim3A_32 = vector.broadcast %broadcast_in_dim3A_31 : f32 to vector<512x1xf32>
    %broadcast_in_dim3A_33 = arith.constant 0.000000e+00 : f32
    %broadcast_in_dim3A_34 = vector.broadcast %broadcast_in_dim3A_33 : f32 to vector<512x1xf32>
    %broadcast_in_dim3A_35 = arith.constant 0.000000e+00 : f32
    %broadcast_in_dim3A_36 = vector.broadcast %broadcast_in_dim3A_35 : f32 to vector<512x64xf32>
    %add3A_37 = arith.constant 1 : i32
    %add3A_38 = arith.addi %arg0, %add3A_37 : i32
    %while3A_39 = arith.constant 0 : i32
    %while3A_40 = arith.subi %add3A_38, %while3A_39 : i32
    %while3A_41 = arith.addi %while3A_39, %while3A_40 : i32
    %while3A_42 = arith.constant 1 : i32
    %while3A_43 = arith.divsi %while3A_40, %while3A_42 : i32
    %while3A_44 = arith.muli %while3A_43, %while3A_42 : i32
    %while3A_45 = arith.addi %while3A_39, %while3A_44 : i32
    %while3A_46 = arith.constant 1 : i32
    %while3A_47:3 = scf.for %while3A_461 = %while3A_39 to %while3A_45 step %while3A_46 iter_args(%while3A_462 = %broadcast_in_dim3A_32, %while3A_463 = %broadcast_in_dim3A_34, %while3A_464 = %broadcast_in_dim3A_36) -> (vector<512x1xf32>, vector<512x1xf32>, vector<512x64xf32>)  : i32 {
      %mul3A_465 = arith.constant 512 : i32
      %mul3A_466 = arith.muli %while3A_461, %mul3A_465 : i32
      %get3A_467 = arith.index_cast %mul3A_466 : i32 to index
      %get3A_468 = arith.constant 1088 : index
      %get3A_469 = vector.load %arg1[%get3A_467, %get3A_468] : memref<2048x3072xf32, #tpu.memory_space<vmem>>, vector<512x64xf32>
      %mul3A_470 = arith.constant 512 : i32
      %mul3A_471 = arith.muli %while3A_461, %mul3A_470 : i32
      %get3A_472 = arith.index_cast %mul3A_471 : i32 to index
      %get3A_473 = arith.constant 2112 : index
      %get3A_474 = vector.load %arg1[%get3A_472, %get3A_473] : memref<2048x3072xf32, #tpu.memory_space<vmem>>, vector<512x64xf32>
      %dot_general3A = arith.constant dense<0.000000e+00> : vector<512x512xf32>
      %dot_general3A_475 = tpu.matmul %get3A_30, %get3A_469, %dot_general3A {dimension_numbers = #tpu.dot_dimension_numbers<[1], [1], [0], [0], [0, 0, 1, 0], [], []>, transpose_lhs_hint = false} : vector<512x64xf32>, vector<512x64xf32>, vector<512x512xf32> -> vector<512x512xf32>
      %mul3A_476 = arith.constant 1.250000e-01 : f32
      %mul3A_477 = vector.broadcast %mul3A_476 : f32 to vector<512x512xf32>
      %mul3A_478 = arith.mulf %dot_general3A_475, %mul3A_477 : vector<512x512xf32>
      %mul3A_479 = arith.constant 512 : i32
      %mul3A_480 = arith.muli %while3A_461, %mul3A_479 : i32
      %iota3A_481 = tpu.iota {dimensions = array<i32: 1>} : vector<512x512xi32>
      %add3A_482 = vector.broadcast %mul3A_480 : i32 to vector<512x512xi32>
      %add3A_483 = arith.addi %add3A_482, %iota3A_481 : vector<512x512xi32>
      %le3A = arith.cmpi sle, %add3A_483, %add3A_1 : vector<512x512xi32>
      %jit3A = arith.constant -1.000000e+30 : f32
      %broadcast_in_dim3A_484 = vector.broadcast %jit3A : f32 to vector<512x512xf32>
      %select_n3A = arith.select %le3A, %mul3A_478, %broadcast_in_dim3A_484 : vector<512x512xi1>, vector<512x512xf32>
      %reduce_max3A = arith.constant dense<0xFF800000> : vector<512xf32>
      %reduce_max3A_485 = vector.multi_reduction <maximumf>, %select_n3A, %reduce_max3A [1] : vector<512x512xf32> to vector<512xf32>
      %broadcast_in_dim3A_486 = vector.shape_cast %reduce_max3A_485 : vector<512xf32> to vector<512x1xf32>
      %max3A = arith.maximumf %while3A_462, %broadcast_in_dim3A_486 : vector<512x1xf32>
      %sub3A = vector.broadcast %max3A : vector<512x1xf32> to vector<512x512xf32>
      %sub3A_487 = arith.subf %select_n3A, %sub3A : vector<512x512xf32>
      %exp3A = math.exp %sub3A_487 : vector<512x512xf32>
      %sub3A_488 = arith.subf %while3A_462, %max3A : vector<512x1xf32>
      %exp3A_489 = math.exp %sub3A_488 : vector<512x1xf32>
      %mul3A_490 = arith.mulf %while3A_463, %exp3A_489 : vector<512x1xf32>
      %reduce_sum3A = arith.constant dense<0.000000e+00> : vector<512xf32>
      %reduce_sum3A_491 = vector.multi_reduction <add>, %exp3A, %reduce_sum3A [1] : vector<512x512xf32> to vector<512xf32>
      %broadcast_in_dim3A_492 = vector.shape_cast %reduce_sum3A_491 : vector<512xf32> to vector<512x1xf32>
      %add3A_493 = arith.addf %mul3A_490, %broadcast_in_dim3A_492 : vector<512x1xf32>
      %mul3A_494 = vector.broadcast %exp3A_489 : vector<512x1xf32> to vector<512x64xf32>
      %mul3A_495 = arith.mulf %while3A_464, %mul3A_494 : vector<512x64xf32>
      %dot_general3A_496 = arith.constant dense<0.000000e+00> : vector<512x64xf32>
      %dot_general3A_497 = tpu.matmul %exp3A, %get3A_474, %dot_general3A_496 {dimension_numbers = #tpu.dot_dimension_numbers<[1], [0], [0], [1], [0, 0, 1, 1], [], []>, transpose_lhs_hint = false} : vector<512x512xf32>, vector<512x64xf32>, vector<512x64xf32> -> vector<512x64xf32>
      %add3A_498 = arith.addf %mul3A_495, %dot_general3A_497 : vector<512x64xf32>
      scf.yield %max3A, %add3A_493, %add3A_498 : vector<512x1xf32>, vector<512x1xf32>, vector<512x64xf32>
    }
    %while3A_48 = arith.constant 1 : i32
    %while3A_49:3 = scf.for %while3A_461 = %while3A_45 to %while3A_41 step %while3A_48 iter_args(%while3A_462 = %while3A_47#0, %while3A_463 = %while3A_47#1, %while3A_464 = %while3A_47#2) -> (vector<512x1xf32>, vector<512x1xf32>, vector<512x64xf32>)  : i32 {
      %mul3A_465 = arith.constant 512 : i32
      %mul3A_466 = arith.muli %while3A_461, %mul3A_465 : i32
      %get3A_467 = arith.index_cast %mul3A_466 : i32 to index
      %get3A_468 = arith.constant 1088 : index
      %get3A_469 = vector.load %arg1[%get3A_467, %get3A_468] : memref<2048x3072xf32, #tpu.memory_space<vmem>>, vector<512x64xf32>
      %mul3A_470 = arith.constant 512 : i32
      %mul3A_471 = arith.muli %while3A_461, %mul3A_470 : i32
      %get3A_472 = arith.index_cast %mul3A_471 : i32 to index
      %get3A_473 = arith.constant 2112 : index
      %get3A_474 = vector.load %arg1[%get3A_472, %get3A_473] : memref<2048x3072xf32, #tpu.memory_space<vmem>>, vector<512x64xf32>
      %dot_general3A = arith.constant dense<0.000000e+00> : vector<512x512xf32>
      %dot_general3A_475 = tpu.matmul %get3A_30, %get3A_469, %dot_general3A {dimension_numbers = #tpu.dot_dimension_numbers<[1], [1], [0], [0], [0, 0, 1, 0], [], []>, transpose_lhs_hint = false} : vector<512x64xf32>, vector<512x64xf32>, vector<512x512xf32> -> vector<512x512xf32>
      %mul3A_476 = arith.constant 1.250000e-01 : f32
      %mul3A_477 = vector.broadcast %mul3A_476 : f32 to vector<512x512xf32>
      %mul3A_478 = arith.mulf %dot_general3A_475, %mul3A_477 : vector<512x512xf32>
      %mul3A_479 = arith.constant 512 : i32
      %mul3A_480 = arith.muli %while3A_461, %mul3A_479 : i32
      %iota3A_481 = tpu.iota {dimensions = array<i32: 1>} : vector<512x512xi32>
      %add3A_482 = vector.broadcast %mul3A_480 : i32 to vector<512x512xi32>
      %add3A_483 = arith.addi %add3A_482, %iota3A_481 : vector<512x512xi32>
      %le3A = arith.cmpi sle, %add3A_483, %add3A_1 : vector<512x512xi32>
      %jit3A = arith.constant -1.000000e+30 : f32
      %broadcast_in_dim3A_484 = vector.broadcast %jit3A : f32 to vector<512x512xf32>
      %select_n3A = arith.select %le3A, %mul3A_478, %broadcast_in_dim3A_484 : vector<512x512xi1>, vector<512x512xf32>
      %reduce_max3A = arith.constant dense<0xFF800000> : vector<512xf32>
      %reduce_max3A_485 = vector.multi_reduction <maximumf>, %select_n3A, %reduce_max3A [1] : vector<512x512xf32> to vector<512xf32>
      %broadcast_in_dim3A_486 = vector.shape_cast %reduce_max3A_485 : vector<512xf32> to vector<512x1xf32>
      %max3A = arith.maximumf %while3A_462, %broadcast_in_dim3A_486 : vector<512x1xf32>
      %sub3A = vector.broadcast %max3A : vector<512x1xf32> to vector<512x512xf32>
      %sub3A_487 = arith.subf %select_n3A, %sub3A : vector<512x512xf32>
      %exp3A = math.exp %sub3A_487 : vector<512x512xf32>
      %sub3A_488 = arith.subf %while3A_462, %max3A : vector<512x1xf32>
      %exp3A_489 = math.exp %sub3A_488 : vector<512x1xf32>
      %mul3A_490 = arith.mulf %while3A_463, %exp3A_489 : vector<512x1xf32>
      %reduce_sum3A = arith.constant dense<0.000000e+00> : vector<512xf32>
      %reduce_sum3A_491 = vector.multi_reduction <add>, %exp3A, %reduce_sum3A [1] : vector<512x512xf32> to vector<512xf32>
      %broadcast_in_dim3A_492 = vector.shape_cast %reduce_sum3A_491 : vector<512xf32> to vector<512x1xf32>
      %add3A_493 = arith.addf %mul3A_490, %broadcast_in_dim3A_492 : vector<512x1xf32>
      %mul3A_494 = vector.broadcast %exp3A_489 : vector<512x1xf32> to vector<512x64xf32>
      %mul3A_495 = arith.mulf %while3A_464, %mul3A_494 : vector<512x64xf32>
      %dot_general3A_496 = arith.constant dense<0.000000e+00> : vector<512x64xf32>
      %dot_general3A_497 = tpu.matmul %exp3A, %get3A_474, %dot_general3A_496 {dimension_numbers = #tpu.dot_dimension_numbers<[1], [0], [0], [1], [0, 0, 1, 1], [], []>, transpose_lhs_hint = false} : vector<512x512xf32>, vector<512x64xf32>, vector<512x64xf32> -> vector<512x64xf32>
      %add3A_498 = arith.addf %mul3A_495, %dot_general3A_497 : vector<512x64xf32>
      scf.yield %max3A, %add3A_493, %add3A_498 : vector<512x1xf32>, vector<512x1xf32>, vector<512x64xf32>
    }
    %div3A_50 = vector.broadcast %while3A_49#1 : vector<512x1xf32> to vector<512x64xf32>
    %div3A_51 = arith.divf %while3A_49#2, %div3A_50 : vector<512x64xf32>
    %swap3A_52 = arith.constant 0 : index
    %swap3A_53 = arith.constant 64 : index
    %swap3A_54 = vector.load %arg2[%swap3A_52, %swap3A_53] : memref<512x1024xf32, #tpu.memory_space<vmem>>, vector<512x64xf32>
    tpu.vector_store %arg2[%swap3A_52, %swap3A_53], %div3A_51 {strides = array<i32>} : memref<512x1024xf32, #tpu.memory_space<vmem>>, vector<512x64xf32>,
    %mul3A_55 = arith.constant 512 : i32
    %mul3A_56 = arith.muli %arg0, %mul3A_55 : i32
    %get3A_57 = arith.index_cast %mul3A_56 : i32 to index
    %get3A_58 = arith.constant 128 : index
    %get3A_59 = vector.load %arg1[%get3A_57, %get3A_58] : memref<2048x3072xf32, #tpu.memory_space<vmem>>, vector<512x64xf32>
    %broadcast_in_dim3A_60 = arith.constant -1.000000e+30 : f32
    %broadcast_in_dim3A_61 = vector.broadcast %broadcast_in_dim3A_60 : f32 to vector<512x1xf32>
    %broadcast_in_dim3A_62 = arith.constant 0.000000e+00 : f32
    %broadcast_in_dim3A_63 = vector.broadcast %broadcast_in_dim3A_62 : f32 to vector<512x1xf32>
    %broadcast_in_dim3A_64 = arith.constant 0.000000e+00 : f32
    %broadcast_in_dim3A_65 = vector.broadcast %broadcast_in_dim3A_64 : f32 to vector<512x64xf32>
    %add3A_66 = arith.constant 1 : i32
    %add3A_67 = arith.addi %arg0, %add3A_66 : i32
    %while3A_68 = arith.constant 0 : i32
    %while3A_69 = arith.subi %add3A_67, %while3A_68 : i32
    %while3A_70 = arith.addi %while3A_68, %while3A_69 : i32
    %while3A_71 = arith.constant 1 : i32
    %while3A_72 = arith.divsi %while3A_69, %while3A_71 : i32
    %while3A_73 = arith.muli %while3A_72, %while3A_71 : i32
    %while3A_74 = arith.addi %while3A_68, %while3A_73 : i32
    %while3A_75 = arith.constant 1 : i32
    %while3A_76:3 = scf.for %while3A_461 = %while3A_68 to %while3A_74 step %while3A_75 iter_args(%while3A_462 = %broadcast_in_dim3A_61, %while3A_463 = %broadcast_in_dim3A_63, %while3A_464 = %broadcast_in_dim3A_65) -> (vector<512x1xf32>, vector<512x1xf32>, vector<512x64xf32>)  : i32 {
      %mul3A_465 = arith.constant 512 : i32
      %mul3A_466 = arith.muli %while3A_461, %mul3A_465 : i32
      %get3A_467 = arith.index_cast %mul3A_466 : i32 to index
      %get3A_468 = arith.constant 1152 : index
      %get3A_469 = vector.load %arg1[%get3A_467, %get3A_468] : memref<2048x3072xf32, #tpu.memory_space<vmem>>, vector<512x64xf32>
      %mul3A_470 = arith.constant 512 : i32
      %mul3A_471 = arith.muli %while3A_461, %mul3A_470 : i32
      %get3A_472 = arith.index_cast %mul3A_471 : i32 to index
      %get3A_473 = arith.constant 2176 : index
      %get3A_474 = vector.load %arg1[%get3A_472, %get3A_473] : memref<2048x3072xf32, #tpu.memory_space<vmem>>, vector<512x64xf32>
      %dot_general3A = arith.constant dense<0.000000e+00> : vector<512x512xf32>
      %dot_general3A_475 = tpu.matmul %get3A_59, %get3A_469, %dot_general3A {dimension_numbers = #tpu.dot_dimension_numbers<[1], [1], [0], [0], [0, 0, 1, 0], [], []>, transpose_lhs_hint = false} : vector<512x64xf32>, vector<512x64xf32>, vector<512x512xf32> -> vector<512x512xf32>
      %mul3A_476 = arith.constant 1.250000e-01 : f32
      %mul3A_477 = vector.broadcast %mul3A_476 : f32 to vector<512x512xf32>
      %mul3A_478 = arith.mulf %dot_general3A_475, %mul3A_477 : vector<512x512xf32>
      %mul3A_479 = arith.constant 512 : i32
      %mul3A_480 = arith.muli %while3A_461, %mul3A_479 : i32
      %iota3A_481 = tpu.iota {dimensions = array<i32: 1>} : vector<512x512xi32>
      %add3A_482 = vector.broadcast %mul3A_480 : i32 to vector<512x512xi32>
      %add3A_483 = arith.addi %add3A_482, %iota3A_481 : vector<512x512xi32>
      %le3A = arith.cmpi sle, %add3A_483, %add3A_1 : vector<512x512xi32>
      %jit3A = arith.constant -1.000000e+30 : f32
      %broadcast_in_dim3A_484 = vector.broadcast %jit3A : f32 to vector<512x512xf32>
      %select_n3A = arith.select %le3A, %mul3A_478, %broadcast_in_dim3A_484 : vector<512x512xi1>, vector<512x512xf32>
      %reduce_max3A = arith.constant dense<0xFF800000> : vector<512xf32>
      %reduce_max3A_485 = vector.multi_reduction <maximumf>, %select_n3A, %reduce_max3A [1] : vector<512x512xf32> to vector<512xf32>
      %broadcast_in_dim3A_486 = vector.shape_cast %reduce_max3A_485 : vector<512xf32> to vector<512x1xf32>
      %max3A = arith.maximumf %while3A_462, %broadcast_in_dim3A_486 : vector<512x1xf32>
      %sub3A = vector.broadcast %max3A : vector<512x1xf32> to vector<512x512xf32>
      %sub3A_487 = arith.subf %select_n3A, %sub3A : vector<512x512xf32>
      %exp3A = math.exp %sub3A_487 : vector<512x512xf32>
      %sub3A_488 = arith.subf %while3A_462, %max3A : vector<512x1xf32>
      %exp3A_489 = math.exp %sub3A_488 : vector<512x1xf32>
      %mul3A_490 = arith.mulf %while3A_463, %exp3A_489 : vector<512x1xf32>
      %reduce_sum3A = arith.constant dense<0.000000e+00> : vector<512xf32>
      %reduce_sum3A_491 = vector.multi_reduction <add>, %exp3A, %reduce_sum3A [1] : vector<512x512xf32> to vector<512xf32>
      %broadcast_in_dim3A_492 = vector.shape_cast %reduce_sum3A_491 : vector<512xf32> to vector<512x1xf32>
      %add3A_493 = arith.addf %mul3A_490, %broadcast_in_dim3A_492 : vector<512x1xf32>
      %mul3A_494 = vector.broadcast %exp3A_489 : vector<512x1xf32> to vector<512x64xf32>
      %mul3A_495 = arith.mulf %while3A_464, %mul3A_494 : vector<512x64xf32>
      %dot_general3A_496 = arith.constant dense<0.000000e+00> : vector<512x64xf32>
      %dot_general3A_497 = tpu.matmul %exp3A, %get3A_474, %dot_general3A_496 {dimension_numbers = #tpu.dot_dimension_numbers<[1], [0], [0], [1], [0, 0, 1, 1], [], []>, transpose_lhs_hint = false} : vector<512x512xf32>, vector<512x64xf32>, vector<512x64xf32> -> vector<512x64xf32>
      %add3A_498 = arith.addf %mul3A_495, %dot_general3A_497 : vector<512x64xf32>
      scf.yield %max3A, %add3A_493, %add3A_498 : vector<512x1xf32>, vector<512x1xf32>, vector<512x64xf32>
    }
    %while3A_77 = arith.constant 1 : i32
    %while3A_78:3 = scf.for %while3A_461 = %while3A_74 to %while3A_70 step %while3A_77 iter_args(%while3A_462 = %while3A_76#0, %while3A_463 = %while3A_76#1, %while3A_464 = %while3A_76#2) -> (vector<512x1xf32>, vector<512x1xf32>, vector<512x64xf32>)  : i32 {
      %mul3A_465 = arith.constant 512 : i32
      %mul3A_466 = arith.muli %while3A_461, %mul3A_465 : i32
      %get3A_467 = arith.index_cast %mul3A_466 : i32 to index
      %get3A_468 = arith.constant 1152 : index
      %get3A_469 = vector.load %arg1[%get3A_467, %get3A_468] : memref<2048x3072xf32, #tpu.memory_space<vmem>>, vector<512x64xf32>
      %mul3A_470 = arith.constant 512 : i32
      %mul3A_471 = arith.muli %while3A_461, %mul3A_470 : i32
      %get3A_472 = arith.index_cast %mul3A_471 : i32 to index
      %get3A_473 = arith.constant 2176 : index
      %get3A_474 = vector.load %arg1[%get3A_472, %get3A_473] : memref<2048x3072xf32, #tpu.memory_space<vmem>>, vector<512x64xf32>
      %dot_general3A = arith.constant dense<0.000000e+00> : vector<512x512xf32>
      %dot_general3A_475 = tpu.matmul %get3A_59, %get3A_469, %dot_general3A {dimension_numbers = #tpu.dot_dimension_numbers<[1], [1], [0], [0], [0, 0, 1, 0], [], []>, transpose_lhs_hint = false} : vector<512x64xf32>, vector<512x64xf32>, vector<512x512xf32> -> vector<512x512xf32>
      %mul3A_476 = arith.constant 1.250000e-01 : f32
      %mul3A_477 = vector.broadcast %mul3A_476 : f32 to vector<512x512xf32>
      %mul3A_478 = arith.mulf %dot_general3A_475, %mul3A_477 : vector<512x512xf32>
      %mul3A_479 = arith.constant 512 : i32
      %mul3A_480 = arith.muli %while3A_461, %mul3A_479 : i32
      %iota3A_481 = tpu.iota {dimensions = array<i32: 1>} : vector<512x512xi32>
      %add3A_482 = vector.broadcast %mul3A_480 : i32 to vector<512x512xi32>
      %add3A_483 = arith.addi %add3A_482, %iota3A_481 : vector<512x512xi32>
      %le3A = arith.cmpi sle, %add3A_483, %add3A_1 : vector<512x512xi32>
      %jit3A = arith.constant -1.000000e+30 : f32
      %broadcast_in_dim3A_484 = vector.broadcast %jit3A : f32 to vector<512x512xf32>
      %select_n3A = arith.select %le3A, %mul3A_478, %broadcast_in_dim3A_484 : vector<512x512xi1>, vector<512x512xf32>
      %reduce_max3A = arith.constant dense<0xFF800000> : vector<512xf32>
      %reduce_max3A_485 = vector.multi_reduction <maximumf>, %select_n3A, %reduce_max3A [1] : vector<512x512xf32> to vector<512xf32>
      %broadcast_in_dim3A_486 = vector.shape_cast %reduce_max3A_485 : vector<512xf32> to vector<512x1xf32>
      %max3A = arith.maximumf %while3A_462, %broadcast_in_dim3A_486 : vector<512x1xf32>
      %sub3A = vector.broadcast %max3A : vector<512x1xf32> to vector<512x512xf32>
      %sub3A_487 = arith.subf %select_n3A, %sub3A : vector<512x512xf32>
      %exp3A = math.exp %sub3A_487 : vector<512x512xf32>
      %sub3A_488 = arith.subf %while3A_462, %max3A : vector<512x1xf32>
      %exp3A_489 = math.exp %sub3A_488 : vector<512x1xf32>
      %mul3A_490 = arith.mulf %while3A_463, %exp3A_489 : vector<512x1xf32>
      %reduce_sum3A = arith.constant dense<0.000000e+00> : vector<512xf32>
      %reduce_sum3A_491 = vector.multi_reduction <add>, %exp3A, %reduce_sum3A [1] : vector<512x512xf32> to vector<512xf32>
      %broadcast_in_dim3A_492 = vector.shape_cast %reduce_sum3A_491 : vector<512xf32> to vector<512x1xf32>
      %add3A_493 = arith.addf %mul3A_490, %broadcast_in_dim3A_492 : vector<512x1xf32>
      %mul3A_494 = vector.broadcast %exp3A_489 : vector<512x1xf32> to vector<512x64xf32>
      %mul3A_495 = arith.mulf %while3A_464, %mul3A_494 : vector<512x64xf32>
      %dot_general3A_496 = arith.constant dense<0.000000e+00> : vector<512x64xf32>
      %dot_general3A_497 = tpu.matmul %exp3A, %get3A_474, %dot_general3A_496 {dimension_numbers = #tpu.dot_dimension_numbers<[1], [0], [0], [1], [0, 0, 1, 1], [], []>, transpose_lhs_hint = false} : vector<512x512xf32>, vector<512x64xf32>, vector<512x64xf32> -> vector<512x64xf32>
      %add3A_498 = arith.addf %mul3A_495, %dot_general3A_497 : vector<512x64xf32>
      scf.yield %max3A, %add3A_493, %add3A_498 : vector<512x1xf32>, vector<512x1xf32>, vector<512x64xf32>
    }
    %div3A_79 = vector.broadcast %while3A_78#1 : vector<512x1xf32> to vector<512x64xf32>
    %div3A_80 = arith.divf %while3A_78#2, %div3A_79 : vector<512x64xf32>
    %swap3A_81 = arith.constant 0 : index
    %swap3A_82 = arith.constant 128 : index
    %swap3A_83 = vector.load %arg2[%swap3A_81, %swap3A_82] : memref<512x1024xf32, #tpu.memory_space<vmem>>, vector<512x64xf32>
    tpu.vector_store %arg2[%swap3A_81, %swap3A_82], %div3A_80 {strides = array<i32>} : memref<512x1024xf32, #tpu.memory_space<vmem>>, vector<512x64xf32>,
    %mul3A_84 = arith.constant 512 : i32
    %mul3A_85 = arith.muli %arg0, %mul3A_84 : i32
    %get3A_86 = arith.index_cast %mul3A_85 : i32 to index
    %get3A_87 = arith.constant 192 : index
    %get3A_88 = vector.load %arg1[%get3A_86, %get3A_87] : memref<2048x3072xf32, #tpu.memory_space<vmem>>, vector<512x64xf32>
    %broadcast_in_dim3A_89 = arith.constant -1.000000e+30 : f32
    %broadcast_in_dim3A_90 = vector.broadcast %broadcast_in_dim3A_89 : f32 to vector<512x1xf32>
    %broadcast_in_dim3A_91 = arith.constant 0.000000e+00 : f32
    %broadcast_in_dim3A_92 = vector.broadcast %broadcast_in_dim3A_91 : f32 to vector<512x1xf32>
    %broadcast_in_dim3A_93 = arith.constant 0.000000e+00 : f32
    %broadcast_in_dim3A_94 = vector.broadcast %broadcast_in_dim3A_93 : f32 to vector<512x64xf32>
    %add3A_95 = arith.constant 1 : i32
    %add3A_96 = arith.addi %arg0, %add3A_95 : i32
    %while3A_97 = arith.constant 0 : i32
    %while3A_98 = arith.subi %add3A_96, %while3A_97 : i32
    %while3A_99 = arith.addi %while3A_97, %while3A_98 : i32
    %while3A_100 = arith.constant 1 : i32
    %while3A_101 = arith.divsi %while3A_98, %while3A_100 : i32
    %while3A_102 = arith.muli %while3A_101, %while3A_100 : i32
    %while3A_103 = arith.addi %while3A_97, %while3A_102 : i32
    %while3A_104 = arith.constant 1 : i32
    %while3A_105:3 = scf.for %while3A_461 = %while3A_97 to %while3A_103 step %while3A_104 iter_args(%while3A_462 = %broadcast_in_dim3A_90, %while3A_463 = %broadcast_in_dim3A_92, %while3A_464 = %broadcast_in_dim3A_94) -> (vector<512x1xf32>, vector<512x1xf32>, vector<512x64xf32>)  : i32 {
      %mul3A_465 = arith.constant 512 : i32
      %mul3A_466 = arith.muli %while3A_461, %mul3A_465 : i32
      %get3A_467 = arith.index_cast %mul3A_466 : i32 to index
      %get3A_468 = arith.constant 1216 : index
      %get3A_469 = vector.load %arg1[%get3A_467, %get3A_468] : memref<2048x3072xf32, #tpu.memory_space<vmem>>, vector<512x64xf32>
      %mul3A_470 = arith.constant 512 : i32
      %mul3A_471 = arith.muli %while3A_461, %mul3A_470 : i32
      %get3A_472 = arith.index_cast %mul3A_471 : i32 to index
      %get3A_473 = arith.constant 2240 : index
      %get3A_474 = vector.load %arg1[%get3A_472, %get3A_473] : memref<2048x3072xf32, #tpu.memory_space<vmem>>, vector<512x64xf32>
      %dot_general3A = arith.constant dense<0.000000e+00> : vector<512x512xf32>
      %dot_general3A_475 = tpu.matmul %get3A_88, %get3A_469, %dot_general3A {dimension_numbers = #tpu.dot_dimension_numbers<[1], [1], [0], [0], [0, 0, 1, 0], [], []>, transpose_lhs_hint = false} : vector<512x64xf32>, vector<512x64xf32>, vector<512x512xf32> -> vector<512x512xf32>
      %mul3A_476 = arith.constant 1.250000e-01 : f32
      %mul3A_477 = vector.broadcast %mul3A_476 : f32 to vector<512x512xf32>
      %mul3A_478 = arith.mulf %dot_general3A_475, %mul3A_477 : vector<512x512xf32>
      %mul3A_479 = arith.constant 512 : i32
      %mul3A_480 = arith.muli %while3A_461, %mul3A_479 : i32
      %iota3A_481 = tpu.iota {dimensions = array<i32: 1>} : vector<512x512xi32>
      %add3A_482 = vector.broadcast %mul3A_480 : i32 to vector<512x512xi32>
      %add3A_483 = arith.addi %add3A_482, %iota3A_481 : vector<512x512xi32>
      %le3A = arith.cmpi sle, %add3A_483, %add3A_1 : vector<512x512xi32>
      %jit3A = arith.constant -1.000000e+30 : f32
      %broadcast_in_dim3A_484 = vector.broadcast %jit3A : f32 to vector<512x512xf32>
      %select_n3A = arith.select %le3A, %mul3A_478, %broadcast_in_dim3A_484 : vector<512x512xi1>, vector<512x512xf32>
      %reduce_max3A = arith.constant dense<0xFF800000> : vector<512xf32>
      %reduce_max3A_485 = vector.multi_reduction <maximumf>, %select_n3A, %reduce_max3A [1] : vector<512x512xf32> to vector<512xf32>
      %broadcast_in_dim3A_486 = vector.shape_cast %reduce_max3A_485 : vector<512xf32> to vector<512x1xf32>
      %max3A = arith.maximumf %while3A_462, %broadcast_in_dim3A_486 : vector<512x1xf32>
      %sub3A = vector.broadcast %max3A : vector<512x1xf32> to vector<512x512xf32>
      %sub3A_487 = arith.subf %select_n3A, %sub3A : vector<512x512xf32>
      %exp3A = math.exp %sub3A_487 : vector<512x512xf32>
      %sub3A_488 = arith.subf %while3A_462, %max3A : vector<512x1xf32>
      %exp3A_489 = math.exp %sub3A_488 : vector<512x1xf32>
      %mul3A_490 = arith.mulf %while3A_463, %exp3A_489 : vector<512x1xf32>
      %reduce_sum3A = arith.constant dense<0.000000e+00> : vector<512xf32>
      %reduce_sum3A_491 = vector.multi_reduction <add>, %exp3A, %reduce_sum3A [1] : vector<512x512xf32> to vector<512xf32>
      %broadcast_in_dim3A_492 = vector.shape_cast %reduce_sum3A_491 : vector<512xf32> to vector<512x1xf32>
      %add3A_493 = arith.addf %mul3A_490, %broadcast_in_dim3A_492 : vector<512x1xf32>
      %mul3A_494 = vector.broadcast %exp3A_489 : vector<512x1xf32> to vector<512x64xf32>
      %mul3A_495 = arith.mulf %while3A_464, %mul3A_494 : vector<512x64xf32>
      %dot_general3A_496 = arith.constant dense<0.000000e+00> : vector<512x64xf32>
      %dot_general3A_497 = tpu.matmul %exp3A, %get3A_474, %dot_general3A_496 {dimension_numbers = #tpu.dot_dimension_numbers<[1], [0], [0], [1], [0, 0, 1, 1], [], []>, transpose_lhs_hint = false} : vector<512x512xf32>, vector<512x64xf32>, vector<512x64xf32> -> vector<512x64xf32>
      %add3A_498 = arith.addf %mul3A_495, %dot_general3A_497 : vector<512x64xf32>
      scf.yield %max3A, %add3A_493, %add3A_498 : vector<512x1xf32>, vector<512x1xf32>, vector<512x64xf32>
    }
    %while3A_106 = arith.constant 1 : i32
    %while3A_107:3 = scf.for %while3A_461 = %while3A_103 to %while3A_99 step %while3A_106 iter_args(%while3A_462 = %while3A_105#0, %while3A_463 = %while3A_105#1, %while3A_464 = %while3A_105#2) -> (vector<512x1xf32>, vector<512x1xf32>, vector<512x64xf32>)  : i32 {
      %mul3A_465 = arith.constant 512 : i32
      %mul3A_466 = arith.muli %while3A_461, %mul3A_465 : i32
      %get3A_467 = arith.index_cast %mul3A_466 : i32 to index
      %get3A_468 = arith.constant 1216 : index
      %get3A_469 = vector.load %arg1[%get3A_467, %get3A_468] : memref<2048x3072xf32, #tpu.memory_space<vmem>>, vector<512x64xf32>
      %mul3A_470 = arith.constant 512 : i32
      %mul3A_471 = arith.muli %while3A_461, %mul3A_470 : i32
      %get3A_472 = arith.index_cast %mul3A_471 : i32 to index
      %get3A_473 = arith.constant 2240 : index
      %get3A_474 = vector.load %arg1[%get3A_472, %get3A_473] : memref<2048x3072xf32, #tpu.memory_space<vmem>>, vector<512x64xf32>
      %dot_general3A = arith.constant dense<0.000000e+00> : vector<512x512xf32>
      %dot_general3A_475 = tpu.matmul %get3A_88, %get3A_469, %dot_general3A {dimension_numbers = #tpu.dot_dimension_numbers<[1], [1], [0], [0], [0, 0, 1, 0], [], []>, transpose_lhs_hint = false} : vector<512x64xf32>, vector<512x64xf32>, vector<512x512xf32> -> vector<512x512xf32>
      %mul3A_476 = arith.constant 1.250000e-01 : f32
      %mul3A_477 = vector.broadcast %mul3A_476 : f32 to vector<512x512xf32>
      %mul3A_478 = arith.mulf %dot_general3A_475, %mul3A_477 : vector<512x512xf32>
      %mul3A_479 = arith.constant 512 : i32
      %mul3A_480 = arith.muli %while3A_461, %mul3A_479 : i32
      %iota3A_481 = tpu.iota {dimensions = array<i32: 1>} : vector<512x512xi32>
      %add3A_482 = vector.broadcast %mul3A_480 : i32 to vector<512x512xi32>
      %add3A_483 = arith.addi %add3A_482, %iota3A_481 : vector<512x512xi32>
      %le3A = arith.cmpi sle, %add3A_483, %add3A_1 : vector<512x512xi32>
      %jit3A = arith.constant -1.000000e+30 : f32
      %broadcast_in_dim3A_484 = vector.broadcast %jit3A : f32 to vector<512x512xf32>
      %select_n3A = arith.select %le3A, %mul3A_478, %broadcast_in_dim3A_484 : vector<512x512xi1>, vector<512x512xf32>
      %reduce_max3A = arith.constant dense<0xFF800000> : vector<512xf32>
      %reduce_max3A_485 = vector.multi_reduction <maximumf>, %select_n3A, %reduce_max3A [1] : vector<512x512xf32> to vector<512xf32>
      %broadcast_in_dim3A_486 = vector.shape_cast %reduce_max3A_485 : vector<512xf32> to vector<512x1xf32>
      %max3A = arith.maximumf %while3A_462, %broadcast_in_dim3A_486 : vector<512x1xf32>
      %sub3A = vector.broadcast %max3A : vector<512x1xf32> to vector<512x512xf32>
      %sub3A_487 = arith.subf %select_n3A, %sub3A : vector<512x512xf32>
      %exp3A = math.exp %sub3A_487 : vector<512x512xf32>
      %sub3A_488 = arith.subf %while3A_462, %max3A : vector<512x1xf32>
      %exp3A_489 = math.exp %sub3A_488 : vector<512x1xf32>
      %mul3A_490 = arith.mulf %while3A_463, %exp3A_489 : vector<512x1xf32>
      %reduce_sum3A = arith.constant dense<0.000000e+00> : vector<512xf32>
      %reduce_sum3A_491 = vector.multi_reduction <add>, %exp3A, %reduce_sum3A [1] : vector<512x512xf32> to vector<512xf32>
      %broadcast_in_dim3A_492 = vector.shape_cast %reduce_sum3A_491 : vector<512xf32> to vector<512x1xf32>
      %add3A_493 = arith.addf %mul3A_490, %broadcast_in_dim3A_492 : vector<512x1xf32>
      %mul3A_494 = vector.broadcast %exp3A_489 : vector<512x1xf32> to vector<512x64xf32>
      %mul3A_495 = arith.mulf %while3A_464, %mul3A_494 : vector<512x64xf32>
      %dot_general3A_496 = arith.constant dense<0.000000e+00> : vector<512x64xf32>
      %dot_general3A_497 = tpu.matmul %exp3A, %get3A_474, %dot_general3A_496 {dimension_numbers = #tpu.dot_dimension_numbers<[1], [0], [0], [1], [0, 0, 1, 1], [], []>, transpose_lhs_hint = false} : vector<512x512xf32>, vector<512x64xf32>, vector<512x64xf32> -> vector<512x64xf32>
      %add3A_498 = arith.addf %mul3A_495, %dot_general3A_497 : vector<512x64xf32>
      scf.yield %max3A, %add3A_493, %add3A_498 : vector<512x1xf32>, vector<512x1xf32>, vector<512x64xf32>
    }
    %div3A_108 = vector.broadcast %while3A_107#1 : vector<512x1xf32> to vector<512x64xf32>
    %div3A_109 = arith.divf %while3A_107#2, %div3A_108 : vector<512x64xf32>
    %swap3A_110 = arith.constant 0 : index
    %swap3A_111 = arith.constant 192 : index
    %swap3A_112 = vector.load %arg2[%swap3A_110, %swap3A_111] : memref<512x1024xf32, #tpu.memory_space<vmem>>, vector<512x64xf32>
    tpu.vector_store %arg2[%swap3A_110, %swap3A_111], %div3A_109 {strides = array<i32>} : memref<512x1024xf32, #tpu.memory_space<vmem>>, vector<512x64xf32>,
    %mul3A_113 = arith.constant 512 : i32
    %mul3A_114 = arith.muli %arg0, %mul3A_113 : i32
    %get3A_115 = arith.index_cast %mul3A_114 : i32 to index
    %get3A_116 = arith.constant 256 : index
    %get3A_117 = vector.load %arg1[%get3A_115, %get3A_116] : memref<2048x3072xf32, #tpu.memory_space<vmem>>, vector<512x64xf32>
    %broadcast_in_dim3A_118 = arith.constant -1.000000e+30 : f32
    %broadcast_in_dim3A_119 = vector.broadcast %broadcast_in_dim3A_118 : f32 to vector<512x1xf32>
    %broadcast_in_dim3A_120 = arith.constant 0.000000e+00 : f32
    %broadcast_in_dim3A_121 = vector.broadcast %broadcast_in_dim3A_120 : f32 to vector<512x1xf32>
    %broadcast_in_dim3A_122 = arith.constant 0.000000e+00 : f32
    %broadcast_in_dim3A_123 = vector.broadcast %broadcast_in_dim3A_122 : f32 to vector<512x64xf32>
    %add3A_124 = arith.constant 1 : i32
    %add3A_125 = arith.addi %arg0, %add3A_124 : i32
    %while3A_126 = arith.constant 0 : i32
    %while3A_127 = arith.subi %add3A_125, %while3A_126 : i32
    %while3A_128 = arith.addi %while3A_126, %while3A_127 : i32
    %while3A_129 = arith.constant 1 : i32
    %while3A_130 = arith.divsi %while3A_127, %while3A_129 : i32
    %while3A_131 = arith.muli %while3A_130, %while3A_129 : i32
    %while3A_132 = arith.addi %while3A_126, %while3A_131 : i32
    %while3A_133 = arith.constant 1 : i32
    %while3A_134:3 = scf.for %while3A_461 = %while3A_126 to %while3A_132 step %while3A_133 iter_args(%while3A_462 = %broadcast_in_dim3A_119, %while3A_463 = %broadcast_in_dim3A_121, %while3A_464 = %broadcast_in_dim3A_123) -> (vector<512x1xf32>, vector<512x1xf32>, vector<512x64xf32>)  : i32 {
      %mul3A_465 = arith.constant 512 : i32
      %mul3A_466 = arith.muli %while3A_461, %mul3A_465 : i32
      %get3A_467 = arith.index_cast %mul3A_466 : i32 to index
      %get3A_468 = arith.constant 1280 : index
      %get3A_469 = vector.load %arg1[%get3A_467, %get3A_468] : memref<2048x3072xf32, #tpu.memory_space<vmem>>, vector<512x64xf32>
      %mul3A_470 = arith.constant 512 : i32
      %mul3A_471 = arith.muli %while3A_461, %mul3A_470 : i32
      %get3A_472 = arith.index_cast %mul3A_471 : i32 to index
      %get3A_473 = arith.constant 2304 : index
      %get3A_474 = vector.load %arg1[%get3A_472, %get3A_473] : memref<2048x3072xf32, #tpu.memory_space<vmem>>, vector<512x64xf32>
      %dot_general3A = arith.constant dense<0.000000e+00> : vector<512x512xf32>
      %dot_general3A_475 = tpu.matmul %get3A_117, %get3A_469, %dot_general3A {dimension_numbers = #tpu.dot_dimension_numbers<[1], [1], [0], [0], [0, 0, 1, 0], [], []>, transpose_lhs_hint = false} : vector<512x64xf32>, vector<512x64xf32>, vector<512x512xf32> -> vector<512x512xf32>
      %mul3A_476 = arith.constant 1.250000e-01 : f32
      %mul3A_477 = vector.broadcast %mul3A_476 : f32 to vector<512x512xf32>
      %mul3A_478 = arith.mulf %dot_general3A_475, %mul3A_477 : vector<512x512xf32>
      %mul3A_479 = arith.constant 512 : i32
      %mul3A_480 = arith.muli %while3A_461, %mul3A_479 : i32
      %iota3A_481 = tpu.iota {dimensions = array<i32: 1>} : vector<512x512xi32>
      %add3A_482 = vector.broadcast %mul3A_480 : i32 to vector<512x512xi32>
      %add3A_483 = arith.addi %add3A_482, %iota3A_481 : vector<512x512xi32>
      %le3A = arith.cmpi sle, %add3A_483, %add3A_1 : vector<512x512xi32>
      %jit3A = arith.constant -1.000000e+30 : f32
      %broadcast_in_dim3A_484 = vector.broadcast %jit3A : f32 to vector<512x512xf32>
      %select_n3A = arith.select %le3A, %mul3A_478, %broadcast_in_dim3A_484 : vector<512x512xi1>, vector<512x512xf32>
      %reduce_max3A = arith.constant dense<0xFF800000> : vector<512xf32>
      %reduce_max3A_485 = vector.multi_reduction <maximumf>, %select_n3A, %reduce_max3A [1] : vector<512x512xf32> to vector<512xf32>
      %broadcast_in_dim3A_486 = vector.shape_cast %reduce_max3A_485 : vector<512xf32> to vector<512x1xf32>
      %max3A = arith.maximumf %while3A_462, %broadcast_in_dim3A_486 : vector<512x1xf32>
      %sub3A = vector.broadcast %max3A : vector<512x1xf32> to vector<512x512xf32>
      %sub3A_487 = arith.subf %select_n3A, %sub3A : vector<512x512xf32>
      %exp3A = math.exp %sub3A_487 : vector<512x512xf32>
      %sub3A_488 = arith.subf %while3A_462, %max3A : vector<512x1xf32>
      %exp3A_489 = math.exp %sub3A_488 : vector<512x1xf32>
      %mul3A_490 = arith.mulf %while3A_463, %exp3A_489 : vector<512x1xf32>
      %reduce_sum3A = arith.constant dense<0.000000e+00> : vector<512xf32>
      %reduce_sum3A_491 = vector.multi_reduction <add>, %exp3A, %reduce_sum3A [1] : vector<512x512xf32> to vector<512xf32>
      %broadcast_in_dim3A_492 = vector.shape_cast %reduce_sum3A_491 : vector<512xf32> to vector<512x1xf32>
      %add3A_493 = arith.addf %mul3A_490, %broadcast_in_dim3A_492 : vector<512x1xf32>
      %mul3A_494 = vector.broadcast %exp3A_489 : vector<512x1xf32> to vector<512x64xf32>
      %mul3A_495 = arith.mulf %while3A_464, %mul3A_494 : vector<512x64xf32>
      %dot_general3A_496 = arith.constant dense<0.000000e+00> : vector<512x64xf32>
      %dot_general3A_497 = tpu.matmul %exp3A, %get3A_474, %dot_general3A_496 {dimension_numbers = #tpu.dot_dimension_numbers<[1], [0], [0], [1], [0, 0, 1, 1], [], []>, transpose_lhs_hint = false} : vector<512x512xf32>, vector<512x64xf32>, vector<512x64xf32> -> vector<512x64xf32>
      %add3A_498 = arith.addf %mul3A_495, %dot_general3A_497 : vector<512x64xf32>
      scf.yield %max3A, %add3A_493, %add3A_498 : vector<512x1xf32>, vector<512x1xf32>, vector<512x64xf32>
    }
    %while3A_135 = arith.constant 1 : i32
    %while3A_136:3 = scf.for %while3A_461 = %while3A_132 to %while3A_128 step %while3A_135 iter_args(%while3A_462 = %while3A_134#0, %while3A_463 = %while3A_134#1, %while3A_464 = %while3A_134#2) -> (vector<512x1xf32>, vector<512x1xf32>, vector<512x64xf32>)  : i32 {
      %mul3A_465 = arith.constant 512 : i32
      %mul3A_466 = arith.muli %while3A_461, %mul3A_465 : i32
      %get3A_467 = arith.index_cast %mul3A_466 : i32 to index
      %get3A_468 = arith.constant 1280 : index
      %get3A_469 = vector.load %arg1[%get3A_467, %get3A_468] : memref<2048x3072xf32, #tpu.memory_space<vmem>>, vector<512x64xf32>
      %mul3A_470 = arith.constant 512 : i32
      %mul3A_471 = arith.muli %while3A_461, %mul3A_470 : i32
      %get3A_472 = arith.index_cast %mul3A_471 : i32 to index
      %get3A_473 = arith.constant 2304 : index
      %get3A_474 = vector.load %arg1[%get3A_472, %get3A_473] : memref<2048x3072xf32, #tpu.memory_space<vmem>>, vector<512x64xf32>
      %dot_general3A = arith.constant dense<0.000000e+00> : vector<512x512xf32>
      %dot_general3A_475 = tpu.matmul %get3A_117, %get3A_469, %dot_general3A {dimension_numbers = #tpu.dot_dimension_numbers<[1], [1], [0], [0], [0, 0, 1, 0], [], []>, transpose_lhs_hint = false} : vector<512x64xf32>, vector<512x64xf32>, vector<512x512xf32> -> vector<512x512xf32>
      %mul3A_476 = arith.constant 1.250000e-01 : f32
      %mul3A_477 = vector.broadcast %mul3A_476 : f32 to vector<512x512xf32>
      %mul3A_478 = arith.mulf %dot_general3A_475, %mul3A_477 : vector<512x512xf32>
      %mul3A_479 = arith.constant 512 : i32
      %mul3A_480 = arith.muli %while3A_461, %mul3A_479 : i32
      %iota3A_481 = tpu.iota {dimensions = array<i32: 1>} : vector<512x512xi32>
      %add3A_482 = vector.broadcast %mul3A_480 : i32 to vector<512x512xi32>
      %add3A_483 = arith.addi %add3A_482, %iota3A_481 : vector<512x512xi32>
      %le3A = arith.cmpi sle, %add3A_483, %add3A_1 : vector<512x512xi32>
      %jit3A = arith.constant -1.000000e+30 : f32
      %broadcast_in_dim3A_484 = vector.broadcast %jit3A : f32 to vector<512x512xf32>
      %select_n3A = arith.select %le3A, %mul3A_478, %broadcast_in_dim3A_484 : vector<512x512xi1>, vector<512x512xf32>
      %reduce_max3A = arith.constant dense<0xFF800000> : vector<512xf32>
      %reduce_max3A_485 = vector.multi_reduction <maximumf>, %select_n3A, %reduce_max3A [1] : vector<512x512xf32> to vector<512xf32>
      %broadcast_in_dim3A_486 = vector.shape_cast %reduce_max3A_485 : vector<512xf32> to vector<512x1xf32>
      %max3A = arith.maximumf %while3A_462, %broadcast_in_dim3A_486 : vector<512x1xf32>
      %sub3A = vector.broadcast %max3A : vector<512x1xf32> to vector<512x512xf32>
      %sub3A_487 = arith.subf %select_n3A, %sub3A : vector<512x512xf32>
      %exp3A = math.exp %sub3A_487 : vector<512x512xf32>
      %sub3A_488 = arith.subf %while3A_462, %max3A : vector<512x1xf32>
      %exp3A_489 = math.exp %sub3A_488 : vector<512x1xf32>
      %mul3A_490 = arith.mulf %while3A_463, %exp3A_489 : vector<512x1xf32>
      %reduce_sum3A = arith.constant dense<0.000000e+00> : vector<512xf32>
      %reduce_sum3A_491 = vector.multi_reduction <add>, %exp3A, %reduce_sum3A [1] : vector<512x512xf32> to vector<512xf32>
      %broadcast_in_dim3A_492 = vector.shape_cast %reduce_sum3A_491 : vector<512xf32> to vector<512x1xf32>
      %add3A_493 = arith.addf %mul3A_490, %broadcast_in_dim3A_492 : vector<512x1xf32>
      %mul3A_494 = vector.broadcast %exp3A_489 : vector<512x1xf32> to vector<512x64xf32>
      %mul3A_495 = arith.mulf %while3A_464, %mul3A_494 : vector<512x64xf32>
      %dot_general3A_496 = arith.constant dense<0.000000e+00> : vector<512x64xf32>
      %dot_general3A_497 = tpu.matmul %exp3A, %get3A_474, %dot_general3A_496 {dimension_numbers = #tpu.dot_dimension_numbers<[1], [0], [0], [1], [0, 0, 1, 1], [], []>, transpose_lhs_hint = false} : vector<512x512xf32>, vector<512x64xf32>, vector<512x64xf32> -> vector<512x64xf32>
      %add3A_498 = arith.addf %mul3A_495, %dot_general3A_497 : vector<512x64xf32>
      scf.yield %max3A, %add3A_493, %add3A_498 : vector<512x1xf32>, vector<512x1xf32>, vector<512x64xf32>
    }
    %div3A_137 = vector.broadcast %while3A_136#1 : vector<512x1xf32> to vector<512x64xf32>
    %div3A_138 = arith.divf %while3A_136#2, %div3A_137 : vector<512x64xf32>
    %swap3A_139 = arith.constant 0 : index
    %swap3A_140 = arith.constant 256 : index
    %swap3A_141 = vector.load %arg2[%swap3A_139, %swap3A_140] : memref<512x1024xf32, #tpu.memory_space<vmem>>, vector<512x64xf32>
    tpu.vector_store %arg2[%swap3A_139, %swap3A_140], %div3A_138 {strides = array<i32>} : memref<512x1024xf32, #tpu.memory_space<vmem>>, vector<512x64xf32>,
    %mul3A_142 = arith.constant 512 : i32
    %mul3A_143 = arith.muli %arg0, %mul3A_142 : i32
    %get3A_144 = arith.index_cast %mul3A_143 : i32 to index
    %get3A_145 = arith.constant 320 : index
    %get3A_146 = vector.load %arg1[%get3A_144, %get3A_145] : memref<2048x3072xf32, #tpu.memory_space<vmem>>, vector<512x64xf32>
    %broadcast_in_dim3A_147 = arith.constant -1.000000e+30 : f32
    %broadcast_in_dim3A_148 = vector.broadcast %broadcast_in_dim3A_147 : f32 to vector<512x1xf32>
    %broadcast_in_dim3A_149 = arith.constant 0.000000e+00 : f32
    %broadcast_in_dim3A_150 = vector.broadcast %broadcast_in_dim3A_149 : f32 to vector<512x1xf32>
    %broadcast_in_dim3A_151 = arith.constant 0.000000e+00 : f32
    %broadcast_in_dim3A_152 = vector.broadcast %broadcast_in_dim3A_151 : f32 to vector<512x64xf32>
    %add3A_153 = arith.constant 1 : i32
    %add3A_154 = arith.addi %arg0, %add3A_153 : i32
    %while3A_155 = arith.constant 0 : i32
    %while3A_156 = arith.subi %add3A_154, %while3A_155 : i32
    %while3A_157 = arith.addi %while3A_155, %while3A_156 : i32
    %while3A_158 = arith.constant 1 : i32
    %while3A_159 = arith.divsi %while3A_156, %while3A_158 : i32
    %while3A_160 = arith.muli %while3A_159, %while3A_158 : i32
    %while3A_161 = arith.addi %while3A_155, %while3A_160 : i32
    %while3A_162 = arith.constant 1 : i32
    %while3A_163:3 = scf.for %while3A_461 = %while3A_155 to %while3A_161 step %while3A_162 iter_args(%while3A_462 = %broadcast_in_dim3A_148, %while3A_463 = %broadcast_in_dim3A_150, %while3A_464 = %broadcast_in_dim3A_152) -> (vector<512x1xf32>, vector<512x1xf32>, vector<512x64xf32>)  : i32 {
      %mul3A_465 = arith.constant 512 : i32
      %mul3A_466 = arith.muli %while3A_461, %mul3A_465 : i32
      %get3A_467 = arith.index_cast %mul3A_466 : i32 to index
      %get3A_468 = arith.constant 1344 : index
      %get3A_469 = vector.load %arg1[%get3A_467, %get3A_468] : memref<2048x3072xf32, #tpu.memory_space<vmem>>, vector<512x64xf32>
      %mul3A_470 = arith.constant 512 : i32
      %mul3A_471 = arith.muli %while3A_461, %mul3A_470 : i32
      %get3A_472 = arith.index_cast %mul3A_471 : i32 to index
      %get3A_473 = arith.constant 2368 : index
      %get3A_474 = vector.load %arg1[%get3A_472, %get3A_473] : memref<2048x3072xf32, #tpu.memory_space<vmem>>, vector<512x64xf32>
      %dot_general3A = arith.constant dense<0.000000e+00> : vector<512x512xf32>
      %dot_general3A_475 = tpu.matmul %get3A_146, %get3A_469, %dot_general3A {dimension_numbers = #tpu.dot_dimension_numbers<[1], [1], [0], [0], [0, 0, 1, 0], [], []>, transpose_lhs_hint = false} : vector<512x64xf32>, vector<512x64xf32>, vector<512x512xf32> -> vector<512x512xf32>
      %mul3A_476 = arith.constant 1.250000e-01 : f32
      %mul3A_477 = vector.broadcast %mul3A_476 : f32 to vector<512x512xf32>
      %mul3A_478 = arith.mulf %dot_general3A_475, %mul3A_477 : vector<512x512xf32>
      %mul3A_479 = arith.constant 512 : i32
      %mul3A_480 = arith.muli %while3A_461, %mul3A_479 : i32
      %iota3A_481 = tpu.iota {dimensions = array<i32: 1>} : vector<512x512xi32>
      %add3A_482 = vector.broadcast %mul3A_480 : i32 to vector<512x512xi32>
      %add3A_483 = arith.addi %add3A_482, %iota3A_481 : vector<512x512xi32>
      %le3A = arith.cmpi sle, %add3A_483, %add3A_1 : vector<512x512xi32>
      %jit3A = arith.constant -1.000000e+30 : f32
      %broadcast_in_dim3A_484 = vector.broadcast %jit3A : f32 to vector<512x512xf32>
      %select_n3A = arith.select %le3A, %mul3A_478, %broadcast_in_dim3A_484 : vector<512x512xi1>, vector<512x512xf32>
      %reduce_max3A = arith.constant dense<0xFF800000> : vector<512xf32>
      %reduce_max3A_485 = vector.multi_reduction <maximumf>, %select_n3A, %reduce_max3A [1] : vector<512x512xf32> to vector<512xf32>
      %broadcast_in_dim3A_486 = vector.shape_cast %reduce_max3A_485 : vector<512xf32> to vector<512x1xf32>
      %max3A = arith.maximumf %while3A_462, %broadcast_in_dim3A_486 : vector<512x1xf32>
      %sub3A = vector.broadcast %max3A : vector<512x1xf32> to vector<512x512xf32>
      %sub3A_487 = arith.subf %select_n3A, %sub3A : vector<512x512xf32>
      %exp3A = math.exp %sub3A_487 : vector<512x512xf32>
      %sub3A_488 = arith.subf %while3A_462, %max3A : vector<512x1xf32>
      %exp3A_489 = math.exp %sub3A_488 : vector<512x1xf32>
      %mul3A_490 = arith.mulf %while3A_463, %exp3A_489 : vector<512x1xf32>
      %reduce_sum3A = arith.constant dense<0.000000e+00> : vector<512xf32>
      %reduce_sum3A_491 = vector.multi_reduction <add>, %exp3A, %reduce_sum3A [1] : vector<512x512xf32> to vector<512xf32>
      %broadcast_in_dim3A_492 = vector.shape_cast %reduce_sum3A_491 : vector<512xf32> to vector<512x1xf32>
      %add3A_493 = arith.addf %mul3A_490, %broadcast_in_dim3A_492 : vector<512x1xf32>
      %mul3A_494 = vector.broadcast %exp3A_489 : vector<512x1xf32> to vector<512x64xf32>
      %mul3A_495 = arith.mulf %while3A_464, %mul3A_494 : vector<512x64xf32>
      %dot_general3A_496 = arith.constant dense<0.000000e+00> : vector<512x64xf32>
      %dot_general3A_497 = tpu.matmul %exp3A, %get3A_474, %dot_general3A_496 {dimension_numbers = #tpu.dot_dimension_numbers<[1], [0], [0], [1], [0, 0, 1, 1], [], []>, transpose_lhs_hint = false} : vector<512x512xf32>, vector<512x64xf32>, vector<512x64xf32> -> vector<512x64xf32>
      %add3A_498 = arith.addf %mul3A_495, %dot_general3A_497 : vector<512x64xf32>
      scf.yield %max3A, %add3A_493, %add3A_498 : vector<512x1xf32>, vector<512x1xf32>, vector<512x64xf32>
    }
    %while3A_164 = arith.constant 1 : i32
    %while3A_165:3 = scf.for %while3A_461 = %while3A_161 to %while3A_157 step %while3A_164 iter_args(%while3A_462 = %while3A_163#0, %while3A_463 = %while3A_163#1, %while3A_464 = %while3A_163#2) -> (vector<512x1xf32>, vector<512x1xf32>, vector<512x64xf32>)  : i32 {
      %mul3A_465 = arith.constant 512 : i32
      %mul3A_466 = arith.muli %while3A_461, %mul3A_465 : i32
      %get3A_467 = arith.index_cast %mul3A_466 : i32 to index
      %get3A_468 = arith.constant 1344 : index
      %get3A_469 = vector.load %arg1[%get3A_467, %get3A_468] : memref<2048x3072xf32, #tpu.memory_space<vmem>>, vector<512x64xf32>
      %mul3A_470 = arith.constant 512 : i32
      %mul3A_471 = arith.muli %while3A_461, %mul3A_470 : i32
      %get3A_472 = arith.index_cast %mul3A_471 : i32 to index
      %get3A_473 = arith.constant 2368 : index
      %get3A_474 = vector.load %arg1[%get3A_472, %get3A_473] : memref<2048x3072xf32, #tpu.memory_space<vmem>>, vector<512x64xf32>
      %dot_general3A = arith.constant dense<0.000000e+00> : vector<512x512xf32>
      %dot_general3A_475 = tpu.matmul %get3A_146, %get3A_469, %dot_general3A {dimension_numbers = #tpu.dot_dimension_numbers<[1], [1], [0], [0], [0, 0, 1, 0], [], []>, transpose_lhs_hint = false} : vector<512x64xf32>, vector<512x64xf32>, vector<512x512xf32> -> vector<512x512xf32>
      %mul3A_476 = arith.constant 1.250000e-01 : f32
      %mul3A_477 = vector.broadcast %mul3A_476 : f32 to vector<512x512xf32>
      %mul3A_478 = arith.mulf %dot_general3A_475, %mul3A_477 : vector<512x512xf32>
      %mul3A_479 = arith.constant 512 : i32
      %mul3A_480 = arith.muli %while3A_461, %mul3A_479 : i32
      %iota3A_481 = tpu.iota {dimensions = array<i32: 1>} : vector<512x512xi32>
      %add3A_482 = vector.broadcast %mul3A_480 : i32 to vector<512x512xi32>
      %add3A_483 = arith.addi %add3A_482, %iota3A_481 : vector<512x512xi32>
      %le3A = arith.cmpi sle, %add3A_483, %add3A_1 : vector<512x512xi32>
      %jit3A = arith.constant -1.000000e+30 : f32
      %broadcast_in_dim3A_484 = vector.broadcast %jit3A : f32 to vector<512x512xf32>
      %select_n3A = arith.select %le3A, %mul3A_478, %broadcast_in_dim3A_484 : vector<512x512xi1>, vector<512x512xf32>
      %reduce_max3A = arith.constant dense<0xFF800000> : vector<512xf32>
      %reduce_max3A_485 = vector.multi_reduction <maximumf>, %select_n3A, %reduce_max3A [1] : vector<512x512xf32> to vector<512xf32>
      %broadcast_in_dim3A_486 = vector.shape_cast %reduce_max3A_485 : vector<512xf32> to vector<512x1xf32>
      %max3A = arith.maximumf %while3A_462, %broadcast_in_dim3A_486 : vector<512x1xf32>
      %sub3A = vector.broadcast %max3A : vector<512x1xf32> to vector<512x512xf32>
      %sub3A_487 = arith.subf %select_n3A, %sub3A : vector<512x512xf32>
      %exp3A = math.exp %sub3A_487 : vector<512x512xf32>
      %sub3A_488 = arith.subf %while3A_462, %max3A : vector<512x1xf32>
      %exp3A_489 = math.exp %sub3A_488 : vector<512x1xf32>
      %mul3A_490 = arith.mulf %while3A_463, %exp3A_489 : vector<512x1xf32>
      %reduce_sum3A = arith.constant dense<0.000000e+00> : vector<512xf32>
      %reduce_sum3A_491 = vector.multi_reduction <add>, %exp3A, %reduce_sum3A [1] : vector<512x512xf32> to vector<512xf32>
      %broadcast_in_dim3A_492 = vector.shape_cast %reduce_sum3A_491 : vector<512xf32> to vector<512x1xf32>
      %add3A_493 = arith.addf %mul3A_490, %broadcast_in_dim3A_492 : vector<512x1xf32>
      %mul3A_494 = vector.broadcast %exp3A_489 : vector<512x1xf32> to vector<512x64xf32>
      %mul3A_495 = arith.mulf %while3A_464, %mul3A_494 : vector<512x64xf32>
      %dot_general3A_496 = arith.constant dense<0.000000e+00> : vector<512x64xf32>
      %dot_general3A_497 = tpu.matmul %exp3A, %get3A_474, %dot_general3A_496 {dimension_numbers = #tpu.dot_dimension_numbers<[1], [0], [0], [1], [0, 0, 1, 1], [], []>, transpose_lhs_hint = false} : vector<512x512xf32>, vector<512x64xf32>, vector<512x64xf32> -> vector<512x64xf32>
      %add3A_498 = arith.addf %mul3A_495, %dot_general3A_497 : vector<512x64xf32>
      scf.yield %max3A, %add3A_493, %add3A_498 : vector<512x1xf32>, vector<512x1xf32>, vector<512x64xf32>
    }
    %div3A_166 = vector.broadcast %while3A_165#1 : vector<512x1xf32> to vector<512x64xf32>
    %div3A_167 = arith.divf %while3A_165#2, %div3A_166 : vector<512x64xf32>
    %swap3A_168 = arith.constant 0 : index
    %swap3A_169 = arith.constant 320 : index
    %swap3A_170 = vector.load %arg2[%swap3A_168, %swap3A_169] : memref<512x1024xf32, #tpu.memory_space<vmem>>, vector<512x64xf32>
    tpu.vector_store %arg2[%swap3A_168, %swap3A_169], %div3A_167 {strides = array<i32>} : memref<512x1024xf32, #tpu.memory_space<vmem>>, vector<512x64xf32>,
    %mul3A_171 = arith.constant 512 : i32
    %mul3A_172 = arith.muli %arg0, %mul3A_171 : i32
    %get3A_173 = arith.index_cast %mul3A_172 : i32 to index
    %get3A_174 = arith.constant 384 : index
    %get3A_175 = vector.load %arg1[%get3A_173, %get3A_174] : memref<2048x3072xf32, #tpu.memory_space<vmem>>, vector<512x64xf32>
    %broadcast_in_dim3A_176 = arith.constant -1.000000e+30 : f32
    %broadcast_in_dim3A_177 = vector.broadcast %broadcast_in_dim3A_176 : f32 to vector<512x1xf32>
    %broadcast_in_dim3A_178 = arith.constant 0.000000e+00 : f32
    %broadcast_in_dim3A_179 = vector.broadcast %broadcast_in_dim3A_178 : f32 to vector<512x1xf32>
    %broadcast_in_dim3A_180 = arith.constant 0.000000e+00 : f32
    %broadcast_in_dim3A_181 = vector.broadcast %broadcast_in_dim3A_180 : f32 to vector<512x64xf32>
    %add3A_182 = arith.constant 1 : i32
    %add3A_183 = arith.addi %arg0, %add3A_182 : i32
    %while3A_184 = arith.constant 0 : i32
    %while3A_185 = arith.subi %add3A_183, %while3A_184 : i32
    %while3A_186 = arith.addi %while3A_184, %while3A_185 : i32
    %while3A_187 = arith.constant 1 : i32
    %while3A_188 = arith.divsi %while3A_185, %while3A_187 : i32
    %while3A_189 = arith.muli %while3A_188, %while3A_187 : i32
    %while3A_190 = arith.addi %while3A_184, %while3A_189 : i32
    %while3A_191 = arith.constant 1 : i32
    %while3A_192:3 = scf.for %while3A_461 = %while3A_184 to %while3A_190 step %while3A_191 iter_args(%while3A_462 = %broadcast_in_dim3A_177, %while3A_463 = %broadcast_in_dim3A_179, %while3A_464 = %broadcast_in_dim3A_181) -> (vector<512x1xf32>, vector<512x1xf32>, vector<512x64xf32>)  : i32 {
      %mul3A_465 = arith.constant 512 : i32
      %mul3A_466 = arith.muli %while3A_461, %mul3A_465 : i32
      %get3A_467 = arith.index_cast %mul3A_466 : i32 to index
      %get3A_468 = arith.constant 1408 : index
      %get3A_469 = vector.load %arg1[%get3A_467, %get3A_468] : memref<2048x3072xf32, #tpu.memory_space<vmem>>, vector<512x64xf32>
      %mul3A_470 = arith.constant 512 : i32
      %mul3A_471 = arith.muli %while3A_461, %mul3A_470 : i32
      %get3A_472 = arith.index_cast %mul3A_471 : i32 to index
      %get3A_473 = arith.constant 2432 : index
      %get3A_474 = vector.load %arg1[%get3A_472, %get3A_473] : memref<2048x3072xf32, #tpu.memory_space<vmem>>, vector<512x64xf32>
      %dot_general3A = arith.constant dense<0.000000e+00> : vector<512x512xf32>
      %dot_general3A_475 = tpu.matmul %get3A_175, %get3A_469, %dot_general3A {dimension_numbers = #tpu.dot_dimension_numbers<[1], [1], [0], [0], [0, 0, 1, 0], [], []>, transpose_lhs_hint = false} : vector<512x64xf32>, vector<512x64xf32>, vector<512x512xf32> -> vector<512x512xf32>
      %mul3A_476 = arith.constant 1.250000e-01 : f32
      %mul3A_477 = vector.broadcast %mul3A_476 : f32 to vector<512x512xf32>
      %mul3A_478 = arith.mulf %dot_general3A_475, %mul3A_477 : vector<512x512xf32>
      %mul3A_479 = arith.constant 512 : i32
      %mul3A_480 = arith.muli %while3A_461, %mul3A_479 : i32
      %iota3A_481 = tpu.iota {dimensions = array<i32: 1>} : vector<512x512xi32>
      %add3A_482 = vector.broadcast %mul3A_480 : i32 to vector<512x512xi32>
      %add3A_483 = arith.addi %add3A_482, %iota3A_481 : vector<512x512xi32>
      %le3A = arith.cmpi sle, %add3A_483, %add3A_1 : vector<512x512xi32>
      %jit3A = arith.constant -1.000000e+30 : f32
      %broadcast_in_dim3A_484 = vector.broadcast %jit3A : f32 to vector<512x512xf32>
      %select_n3A = arith.select %le3A, %mul3A_478, %broadcast_in_dim3A_484 : vector<512x512xi1>, vector<512x512xf32>
      %reduce_max3A = arith.constant dense<0xFF800000> : vector<512xf32>
      %reduce_max3A_485 = vector.multi_reduction <maximumf>, %select_n3A, %reduce_max3A [1] : vector<512x512xf32> to vector<512xf32>
      %broadcast_in_dim3A_486 = vector.shape_cast %reduce_max3A_485 : vector<512xf32> to vector<512x1xf32>
      %max3A = arith.maximumf %while3A_462, %broadcast_in_dim3A_486 : vector<512x1xf32>
      %sub3A = vector.broadcast %max3A : vector<512x1xf32> to vector<512x512xf32>
      %sub3A_487 = arith.subf %select_n3A, %sub3A : vector<512x512xf32>
      %exp3A = math.exp %sub3A_487 : vector<512x512xf32>
      %sub3A_488 = arith.subf %while3A_462, %max3A : vector<512x1xf32>
      %exp3A_489 = math.exp %sub3A_488 : vector<512x1xf32>
      %mul3A_490 = arith.mulf %while3A_463, %exp3A_489 : vector<512x1xf32>
      %reduce_sum3A = arith.constant dense<0.000000e+00> : vector<512xf32>
      %reduce_sum3A_491 = vector.multi_reduction <add>, %exp3A, %reduce_sum3A [1] : vector<512x512xf32> to vector<512xf32>
      %broadcast_in_dim3A_492 = vector.shape_cast %reduce_sum3A_491 : vector<512xf32> to vector<512x1xf32>
      %add3A_493 = arith.addf %mul3A_490, %broadcast_in_dim3A_492 : vector<512x1xf32>
      %mul3A_494 = vector.broadcast %exp3A_489 : vector<512x1xf32> to vector<512x64xf32>
      %mul3A_495 = arith.mulf %while3A_464, %mul3A_494 : vector<512x64xf32>
      %dot_general3A_496 = arith.constant dense<0.000000e+00> : vector<512x64xf32>
      %dot_general3A_497 = tpu.matmul %exp3A, %get3A_474, %dot_general3A_496 {dimension_numbers = #tpu.dot_dimension_numbers<[1], [0], [0], [1], [0, 0, 1, 1], [], []>, transpose_lhs_hint = false} : vector<512x512xf32>, vector<512x64xf32>, vector<512x64xf32> -> vector<512x64xf32>
      %add3A_498 = arith.addf %mul3A_495, %dot_general3A_497 : vector<512x64xf32>
      scf.yield %max3A, %add3A_493, %add3A_498 : vector<512x1xf32>, vector<512x1xf32>, vector<512x64xf32>
    }
    %while3A_193 = arith.constant 1 : i32
    %while3A_194:3 = scf.for %while3A_461 = %while3A_190 to %while3A_186 step %while3A_193 iter_args(%while3A_462 = %while3A_192#0, %while3A_463 = %while3A_192#1, %while3A_464 = %while3A_192#2) -> (vector<512x1xf32>, vector<512x1xf32>, vector<512x64xf32>)  : i32 {
      %mul3A_465 = arith.constant 512 : i32
      %mul3A_466 = arith.muli %while3A_461, %mul3A_465 : i32
      %get3A_467 = arith.index_cast %mul3A_466 : i32 to index
      %get3A_468 = arith.constant 1408 : index
      %get3A_469 = vector.load %arg1[%get3A_467, %get3A_468] : memref<2048x3072xf32, #tpu.memory_space<vmem>>, vector<512x64xf32>
      %mul3A_470 = arith.constant 512 : i32
      %mul3A_471 = arith.muli %while3A_461, %mul3A_470 : i32
      %get3A_472 = arith.index_cast %mul3A_471 : i32 to index
      %get3A_473 = arith.constant 2432 : index
      %get3A_474 = vector.load %arg1[%get3A_472, %get3A_473] : memref<2048x3072xf32, #tpu.memory_space<vmem>>, vector<512x64xf32>
      %dot_general3A = arith.constant dense<0.000000e+00> : vector<512x512xf32>
      %dot_general3A_475 = tpu.matmul %get3A_175, %get3A_469, %dot_general3A {dimension_numbers = #tpu.dot_dimension_numbers<[1], [1], [0], [0], [0, 0, 1, 0], [], []>, transpose_lhs_hint = false} : vector<512x64xf32>, vector<512x64xf32>, vector<512x512xf32> -> vector<512x512xf32>
      %mul3A_476 = arith.constant 1.250000e-01 : f32
      %mul3A_477 = vector.broadcast %mul3A_476 : f32 to vector<512x512xf32>
      %mul3A_478 = arith.mulf %dot_general3A_475, %mul3A_477 : vector<512x512xf32>
      %mul3A_479 = arith.constant 512 : i32
      %mul3A_480 = arith.muli %while3A_461, %mul3A_479 : i32
      %iota3A_481 = tpu.iota {dimensions = array<i32: 1>} : vector<512x512xi32>
      %add3A_482 = vector.broadcast %mul3A_480 : i32 to vector<512x512xi32>
      %add3A_483 = arith.addi %add3A_482, %iota3A_481 : vector<512x512xi32>
      %le3A = arith.cmpi sle, %add3A_483, %add3A_1 : vector<512x512xi32>
      %jit3A = arith.constant -1.000000e+30 : f32
      %broadcast_in_dim3A_484 = vector.broadcast %jit3A : f32 to vector<512x512xf32>
      %select_n3A = arith.select %le3A, %mul3A_478, %broadcast_in_dim3A_484 : vector<512x512xi1>, vector<512x512xf32>
      %reduce_max3A = arith.constant dense<0xFF800000> : vector<512xf32>
      %reduce_max3A_485 = vector.multi_reduction <maximumf>, %select_n3A, %reduce_max3A [1] : vector<512x512xf32> to vector<512xf32>
      %broadcast_in_dim3A_486 = vector.shape_cast %reduce_max3A_485 : vector<512xf32> to vector<512x1xf32>
      %max3A = arith.maximumf %while3A_462, %broadcast_in_dim3A_486 : vector<512x1xf32>
      %sub3A = vector.broadcast %max3A : vector<512x1xf32> to vector<512x512xf32>
      %sub3A_487 = arith.subf %select_n3A, %sub3A : vector<512x512xf32>
      %exp3A = math.exp %sub3A_487 : vector<512x512xf32>
      %sub3A_488 = arith.subf %while3A_462, %max3A : vector<512x1xf32>
      %exp3A_489 = math.exp %sub3A_488 : vector<512x1xf32>
      %mul3A_490 = arith.mulf %while3A_463, %exp3A_489 : vector<512x1xf32>
      %reduce_sum3A = arith.constant dense<0.000000e+00> : vector<512xf32>
      %reduce_sum3A_491 = vector.multi_reduction <add>, %exp3A, %reduce_sum3A [1] : vector<512x512xf32> to vector<512xf32>
      %broadcast_in_dim3A_492 = vector.shape_cast %reduce_sum3A_491 : vector<512xf32> to vector<512x1xf32>
      %add3A_493 = arith.addf %mul3A_490, %broadcast_in_dim3A_492 : vector<512x1xf32>
      %mul3A_494 = vector.broadcast %exp3A_489 : vector<512x1xf32> to vector<512x64xf32>
      %mul3A_495 = arith.mulf %while3A_464, %mul3A_494 : vector<512x64xf32>
      %dot_general3A_496 = arith.constant dense<0.000000e+00> : vector<512x64xf32>
      %dot_general3A_497 = tpu.matmul %exp3A, %get3A_474, %dot_general3A_496 {dimension_numbers = #tpu.dot_dimension_numbers<[1], [0], [0], [1], [0, 0, 1, 1], [], []>, transpose_lhs_hint = false} : vector<512x512xf32>, vector<512x64xf32>, vector<512x64xf32> -> vector<512x64xf32>
      %add3A_498 = arith.addf %mul3A_495, %dot_general3A_497 : vector<512x64xf32>
      scf.yield %max3A, %add3A_493, %add3A_498 : vector<512x1xf32>, vector<512x1xf32>, vector<512x64xf32>
    }
    %div3A_195 = vector.broadcast %while3A_194#1 : vector<512x1xf32> to vector<512x64xf32>
    %div3A_196 = arith.divf %while3A_194#2, %div3A_195 : vector<512x64xf32>
    %swap3A_197 = arith.constant 0 : index
    %swap3A_198 = arith.constant 384 : index
    %swap3A_199 = vector.load %arg2[%swap3A_197, %swap3A_198] : memref<512x1024xf32, #tpu.memory_space<vmem>>, vector<512x64xf32>
    tpu.vector_store %arg2[%swap3A_197, %swap3A_198], %div3A_196 {strides = array<i32>} : memref<512x1024xf32, #tpu.memory_space<vmem>>, vector<512x64xf32>,
    %mul3A_200 = arith.constant 512 : i32
    %mul3A_201 = arith.muli %arg0, %mul3A_200 : i32
    %get3A_202 = arith.index_cast %mul3A_201 : i32 to index
    %get3A_203 = arith.constant 448 : index
    %get3A_204 = vector.load %arg1[%get3A_202, %get3A_203] : memref<2048x3072xf32, #tpu.memory_space<vmem>>, vector<512x64xf32>
    %broadcast_in_dim3A_205 = arith.constant -1.000000e+30 : f32
    %broadcast_in_dim3A_206 = vector.broadcast %broadcast_in_dim3A_205 : f32 to vector<512x1xf32>
    %broadcast_in_dim3A_207 = arith.constant 0.000000e+00 : f32
    %broadcast_in_dim3A_208 = vector.broadcast %broadcast_in_dim3A_207 : f32 to vector<512x1xf32>
    %broadcast_in_dim3A_209 = arith.constant 0.000000e+00 : f32
    %broadcast_in_dim3A_210 = vector.broadcast %broadcast_in_dim3A_209 : f32 to vector<512x64xf32>
    %add3A_211 = arith.constant 1 : i32
    %add3A_212 = arith.addi %arg0, %add3A_211 : i32
    %while3A_213 = arith.constant 0 : i32
    %while3A_214 = arith.subi %add3A_212, %while3A_213 : i32
    %while3A_215 = arith.addi %while3A_213, %while3A_214 : i32
    %while3A_216 = arith.constant 1 : i32
    %while3A_217 = arith.divsi %while3A_214, %while3A_216 : i32
    %while3A_218 = arith.muli %while3A_217, %while3A_216 : i32
    %while3A_219 = arith.addi %while3A_213, %while3A_218 : i32
    %while3A_220 = arith.constant 1 : i32
    %while3A_221:3 = scf.for %while3A_461 = %while3A_213 to %while3A_219 step %while3A_220 iter_args(%while3A_462 = %broadcast_in_dim3A_206, %while3A_463 = %broadcast_in_dim3A_208, %while3A_464 = %broadcast_in_dim3A_210) -> (vector<512x1xf32>, vector<512x1xf32>, vector<512x64xf32>)  : i32 {
      %mul3A_465 = arith.constant 512 : i32
      %mul3A_466 = arith.muli %while3A_461, %mul3A_465 : i32
      %get3A_467 = arith.index_cast %mul3A_466 : i32 to index
      %get3A_468 = arith.constant 1472 : index
      %get3A_469 = vector.load %arg1[%get3A_467, %get3A_468] : memref<2048x3072xf32, #tpu.memory_space<vmem>>, vector<512x64xf32>
      %mul3A_470 = arith.constant 512 : i32
      %mul3A_471 = arith.muli %while3A_461, %mul3A_470 : i32
      %get3A_472 = arith.index_cast %mul3A_471 : i32 to index
      %get3A_473 = arith.constant 2496 : index
      %get3A_474 = vector.load %arg1[%get3A_472, %get3A_473] : memref<2048x3072xf32, #tpu.memory_space<vmem>>, vector<512x64xf32>
      %dot_general3A = arith.constant dense<0.000000e+00> : vector<512x512xf32>
      %dot_general3A_475 = tpu.matmul %get3A_204, %get3A_469, %dot_general3A {dimension_numbers = #tpu.dot_dimension_numbers<[1], [1], [0], [0], [0, 0, 1, 0], [], []>, transpose_lhs_hint = false} : vector<512x64xf32>, vector<512x64xf32>, vector<512x512xf32> -> vector<512x512xf32>
      %mul3A_476 = arith.constant 1.250000e-01 : f32
      %mul3A_477 = vector.broadcast %mul3A_476 : f32 to vector<512x512xf32>
      %mul3A_478 = arith.mulf %dot_general3A_475, %mul3A_477 : vector<512x512xf32>
      %mul3A_479 = arith.constant 512 : i32
      %mul3A_480 = arith.muli %while3A_461, %mul3A_479 : i32
      %iota3A_481 = tpu.iota {dimensions = array<i32: 1>} : vector<512x512xi32>
      %add3A_482 = vector.broadcast %mul3A_480 : i32 to vector<512x512xi32>
      %add3A_483 = arith.addi %add3A_482, %iota3A_481 : vector<512x512xi32>
      %le3A = arith.cmpi sle, %add3A_483, %add3A_1 : vector<512x512xi32>
      %jit3A = arith.constant -1.000000e+30 : f32
      %broadcast_in_dim3A_484 = vector.broadcast %jit3A : f32 to vector<512x512xf32>
      %select_n3A = arith.select %le3A, %mul3A_478, %broadcast_in_dim3A_484 : vector<512x512xi1>, vector<512x512xf32>
      %reduce_max3A = arith.constant dense<0xFF800000> : vector<512xf32>
      %reduce_max3A_485 = vector.multi_reduction <maximumf>, %select_n3A, %reduce_max3A [1] : vector<512x512xf32> to vector<512xf32>
      %broadcast_in_dim3A_486 = vector.shape_cast %reduce_max3A_485 : vector<512xf32> to vector<512x1xf32>
      %max3A = arith.maximumf %while3A_462, %broadcast_in_dim3A_486 : vector<512x1xf32>
      %sub3A = vector.broadcast %max3A : vector<512x1xf32> to vector<512x512xf32>
      %sub3A_487 = arith.subf %select_n3A, %sub3A : vector<512x512xf32>
      %exp3A = math.exp %sub3A_487 : vector<512x512xf32>
      %sub3A_488 = arith.subf %while3A_462, %max3A : vector<512x1xf32>
      %exp3A_489 = math.exp %sub3A_488 : vector<512x1xf32>
      %mul3A_490 = arith.mulf %while3A_463, %exp3A_489 : vector<512x1xf32>
      %reduce_sum3A = arith.constant dense<0.000000e+00> : vector<512xf32>
      %reduce_sum3A_491 = vector.multi_reduction <add>, %exp3A, %reduce_sum3A [1] : vector<512x512xf32> to vector<512xf32>
      %broadcast_in_dim3A_492 = vector.shape_cast %reduce_sum3A_491 : vector<512xf32> to vector<512x1xf32>
      %add3A_493 = arith.addf %mul3A_490, %broadcast_in_dim3A_492 : vector<512x1xf32>
      %mul3A_494 = vector.broadcast %exp3A_489 : vector<512x1xf32> to vector<512x64xf32>
      %mul3A_495 = arith.mulf %while3A_464, %mul3A_494 : vector<512x64xf32>
      %dot_general3A_496 = arith.constant dense<0.000000e+00> : vector<512x64xf32>
      %dot_general3A_497 = tpu.matmul %exp3A, %get3A_474, %dot_general3A_496 {dimension_numbers = #tpu.dot_dimension_numbers<[1], [0], [0], [1], [0, 0, 1, 1], [], []>, transpose_lhs_hint = false} : vector<512x512xf32>, vector<512x64xf32>, vector<512x64xf32> -> vector<512x64xf32>
      %add3A_498 = arith.addf %mul3A_495, %dot_general3A_497 : vector<512x64xf32>
      scf.yield %max3A, %add3A_493, %add3A_498 : vector<512x1xf32>, vector<512x1xf32>, vector<512x64xf32>
    }
    %while3A_222 = arith.constant 1 : i32
    %while3A_223:3 = scf.for %while3A_461 = %while3A_219 to %while3A_215 step %while3A_222 iter_args(%while3A_462 = %while3A_221#0, %while3A_463 = %while3A_221#1, %while3A_464 = %while3A_221#2) -> (vector<512x1xf32>, vector<512x1xf32>, vector<512x64xf32>)  : i32 {
      %mul3A_465 = arith.constant 512 : i32
      %mul3A_466 = arith.muli %while3A_461, %mul3A_465 : i32
      %get3A_467 = arith.index_cast %mul3A_466 : i32 to index
      %get3A_468 = arith.constant 1472 : index
      %get3A_469 = vector.load %arg1[%get3A_467, %get3A_468] : memref<2048x3072xf32, #tpu.memory_space<vmem>>, vector<512x64xf32>
      %mul3A_470 = arith.constant 512 : i32
      %mul3A_471 = arith.muli %while3A_461, %mul3A_470 : i32
      %get3A_472 = arith.index_cast %mul3A_471 : i32 to index
      %get3A_473 = arith.constant 2496 : index
      %get3A_474 = vector.load %arg1[%get3A_472, %get3A_473] : memref<2048x3072xf32, #tpu.memory_space<vmem>>, vector<512x64xf32>
      %dot_general3A = arith.constant dense<0.000000e+00> : vector<512x512xf32>
      %dot_general3A_475 = tpu.matmul %get3A_204, %get3A_469, %dot_general3A {dimension_numbers = #tpu.dot_dimension_numbers<[1], [1], [0], [0], [0, 0, 1, 0], [], []>, transpose_lhs_hint = false} : vector<512x64xf32>, vector<512x64xf32>, vector<512x512xf32> -> vector<512x512xf32>
      %mul3A_476 = arith.constant 1.250000e-01 : f32
      %mul3A_477 = vector.broadcast %mul3A_476 : f32 to vector<512x512xf32>
      %mul3A_478 = arith.mulf %dot_general3A_475, %mul3A_477 : vector<512x512xf32>
      %mul3A_479 = arith.constant 512 : i32
      %mul3A_480 = arith.muli %while3A_461, %mul3A_479 : i32
      %iota3A_481 = tpu.iota {dimensions = array<i32: 1>} : vector<512x512xi32>
      %add3A_482 = vector.broadcast %mul3A_480 : i32 to vector<512x512xi32>
      %add3A_483 = arith.addi %add3A_482, %iota3A_481 : vector<512x512xi32>
      %le3A = arith.cmpi sle, %add3A_483, %add3A_1 : vector<512x512xi32>
      %jit3A = arith.constant -1.000000e+30 : f32
      %broadcast_in_dim3A_484 = vector.broadcast %jit3A : f32 to vector<512x512xf32>
      %select_n3A = arith.select %le3A, %mul3A_478, %broadcast_in_dim3A_484 : vector<512x512xi1>, vector<512x512xf32>
      %reduce_max3A = arith.constant dense<0xFF800000> : vector<512xf32>
      %reduce_max3A_485 = vector.multi_reduction <maximumf>, %select_n3A, %reduce_max3A [1] : vector<512x512xf32> to vector<512xf32>
      %broadcast_in_dim3A_486 = vector.shape_cast %reduce_max3A_485 : vector<512xf32> to vector<512x1xf32>
      %max3A = arith.maximumf %while3A_462, %broadcast_in_dim3A_486 : vector<512x1xf32>
      %sub3A = vector.broadcast %max3A : vector<512x1xf32> to vector<512x512xf32>
      %sub3A_487 = arith.subf %select_n3A, %sub3A : vector<512x512xf32>
      %exp3A = math.exp %sub3A_487 : vector<512x512xf32>
      %sub3A_488 = arith.subf %while3A_462, %max3A : vector<512x1xf32>
      %exp3A_489 = math.exp %sub3A_488 : vector<512x1xf32>
      %mul3A_490 = arith.mulf %while3A_463, %exp3A_489 : vector<512x1xf32>
      %reduce_sum3A = arith.constant dense<0.000000e+00> : vector<512xf32>
      %reduce_sum3A_491 = vector.multi_reduction <add>, %exp3A, %reduce_sum3A [1] : vector<512x512xf32> to vector<512xf32>
      %broadcast_in_dim3A_492 = vector.shape_cast %reduce_sum3A_491 : vector<512xf32> to vector<512x1xf32>
      %add3A_493 = arith.addf %mul3A_490, %broadcast_in_dim3A_492 : vector<512x1xf32>
      %mul3A_494 = vector.broadcast %exp3A_489 : vector<512x1xf32> to vector<512x64xf32>
      %mul3A_495 = arith.mulf %while3A_464, %mul3A_494 : vector<512x64xf32>
      %dot_general3A_496 = arith.constant dense<0.000000e+00> : vector<512x64xf32>
      %dot_general3A_497 = tpu.matmul %exp3A, %get3A_474, %dot_general3A_496 {dimension_numbers = #tpu.dot_dimension_numbers<[1], [0], [0], [1], [0, 0, 1, 1], [], []>, transpose_lhs_hint = false} : vector<512x512xf32>, vector<512x64xf32>, vector<512x64xf32> -> vector<512x64xf32>
      %add3A_498 = arith.addf %mul3A_495, %dot_general3A_497 : vector<512x64xf32>
      scf.yield %max3A, %add3A_493, %add3A_498 : vector<512x1xf32>, vector<512x1xf32>, vector<512x64xf32>
    }
    %div3A_224 = vector.broadcast %while3A_223#1 : vector<512x1xf32> to vector<512x64xf32>
    %div3A_225 = arith.divf %while3A_223#2, %div3A_224 : vector<512x64xf32>
    %swap3A_226 = arith.constant 0 : index
    %swap3A_227 = arith.constant 448 : index
    %swap3A_228 = vector.load %arg2[%swap3A_226, %swap3A_227] : memref<512x1024xf32, #tpu.memory_space<vmem>>, vector<512x64xf32>
    tpu.vector_store %arg2[%swap3A_226, %swap3A_227], %div3A_225 {strides = array<i32>} : memref<512x1024xf32, #tpu.memory_space<vmem>>, vector<512x64xf32>,
    %mul3A_229 = arith.constant 512 : i32
    %mul3A_230 = arith.muli %arg0, %mul3A_229 : i32
    %get3A_231 = arith.index_cast %mul3A_230 : i32 to index
    %get3A_232 = arith.constant 512 : index
    %get3A_233 = vector.load %arg1[%get3A_231, %get3A_232] : memref<2048x3072xf32, #tpu.memory_space<vmem>>, vector<512x64xf32>
    %broadcast_in_dim3A_234 = arith.constant -1.000000e+30 : f32
    %broadcast_in_dim3A_235 = vector.broadcast %broadcast_in_dim3A_234 : f32 to vector<512x1xf32>
    %broadcast_in_dim3A_236 = arith.constant 0.000000e+00 : f32
    %broadcast_in_dim3A_237 = vector.broadcast %broadcast_in_dim3A_236 : f32 to vector<512x1xf32>
    %broadcast_in_dim3A_238 = arith.constant 0.000000e+00 : f32
    %broadcast_in_dim3A_239 = vector.broadcast %broadcast_in_dim3A_238 : f32 to vector<512x64xf32>
    %add3A_240 = arith.constant 1 : i32
    %add3A_241 = arith.addi %arg0, %add3A_240 : i32
    %while3A_242 = arith.constant 0 : i32
    %while3A_243 = arith.subi %add3A_241, %while3A_242 : i32
    %while3A_244 = arith.addi %while3A_242, %while3A_243 : i32
    %while3A_245 = arith.constant 1 : i32
    %while3A_246 = arith.divsi %while3A_243, %while3A_245 : i32
    %while3A_247 = arith.muli %while3A_246, %while3A_245 : i32
    %while3A_248 = arith.addi %while3A_242, %while3A_247 : i32
    %while3A_249 = arith.constant 1 : i32
    %while3A_250:3 = scf.for %while3A_461 = %while3A_242 to %while3A_248 step %while3A_249 iter_args(%while3A_462 = %broadcast_in_dim3A_235, %while3A_463 = %broadcast_in_dim3A_237, %while3A_464 = %broadcast_in_dim3A_239) -> (vector<512x1xf32>, vector<512x1xf32>, vector<512x64xf32>)  : i32 {
      %mul3A_465 = arith.constant 512 : i32
      %mul3A_466 = arith.muli %while3A_461, %mul3A_465 : i32
      %get3A_467 = arith.index_cast %mul3A_466 : i32 to index
      %get3A_468 = arith.constant 1536 : index
      %get3A_469 = vector.load %arg1[%get3A_467, %get3A_468] : memref<2048x3072xf32, #tpu.memory_space<vmem>>, vector<512x64xf32>
      %mul3A_470 = arith.constant 512 : i32
      %mul3A_471 = arith.muli %while3A_461, %mul3A_470 : i32
      %get3A_472 = arith.index_cast %mul3A_471 : i32 to index
      %get3A_473 = arith.constant 2560 : index
      %get3A_474 = vector.load %arg1[%get3A_472, %get3A_473] : memref<2048x3072xf32, #tpu.memory_space<vmem>>, vector<512x64xf32>
      %dot_general3A = arith.constant dense<0.000000e+00> : vector<512x512xf32>
      %dot_general3A_475 = tpu.matmul %get3A_233, %get3A_469, %dot_general3A {dimension_numbers = #tpu.dot_dimension_numbers<[1], [1], [0], [0], [0, 0, 1, 0], [], []>, transpose_lhs_hint = false} : vector<512x64xf32>, vector<512x64xf32>, vector<512x512xf32> -> vector<512x512xf32>
      %mul3A_476 = arith.constant 1.250000e-01 : f32
      %mul3A_477 = vector.broadcast %mul3A_476 : f32 to vector<512x512xf32>
      %mul3A_478 = arith.mulf %dot_general3A_475, %mul3A_477 : vector<512x512xf32>
      %mul3A_479 = arith.constant 512 : i32
      %mul3A_480 = arith.muli %while3A_461, %mul3A_479 : i32
      %iota3A_481 = tpu.iota {dimensions = array<i32: 1>} : vector<512x512xi32>
      %add3A_482 = vector.broadcast %mul3A_480 : i32 to vector<512x512xi32>
      %add3A_483 = arith.addi %add3A_482, %iota3A_481 : vector<512x512xi32>
      %le3A = arith.cmpi sle, %add3A_483, %add3A_1 : vector<512x512xi32>
      %jit3A = arith.constant -1.000000e+30 : f32
      %broadcast_in_dim3A_484 = vector.broadcast %jit3A : f32 to vector<512x512xf32>
      %select_n3A = arith.select %le3A, %mul3A_478, %broadcast_in_dim3A_484 : vector<512x512xi1>, vector<512x512xf32>
      %reduce_max3A = arith.constant dense<0xFF800000> : vector<512xf32>
      %reduce_max3A_485 = vector.multi_reduction <maximumf>, %select_n3A, %reduce_max3A [1] : vector<512x512xf32> to vector<512xf32>
      %broadcast_in_dim3A_486 = vector.shape_cast %reduce_max3A_485 : vector<512xf32> to vector<512x1xf32>
      %max3A = arith.maximumf %while3A_462, %broadcast_in_dim3A_486 : vector<512x1xf32>
      %sub3A = vector.broadcast %max3A : vector<512x1xf32> to vector<512x512xf32>
      %sub3A_487 = arith.subf %select_n3A, %sub3A : vector<512x512xf32>
      %exp3A = math.exp %sub3A_487 : vector<512x512xf32>
      %sub3A_488 = arith.subf %while3A_462, %max3A : vector<512x1xf32>
      %exp3A_489 = math.exp %sub3A_488 : vector<512x1xf32>
      %mul3A_490 = arith.mulf %while3A_463, %exp3A_489 : vector<512x1xf32>
      %reduce_sum3A = arith.constant dense<0.000000e+00> : vector<512xf32>
      %reduce_sum3A_491 = vector.multi_reduction <add>, %exp3A, %reduce_sum3A [1] : vector<512x512xf32> to vector<512xf32>
      %broadcast_in_dim3A_492 = vector.shape_cast %reduce_sum3A_491 : vector<512xf32> to vector<512x1xf32>
      %add3A_493 = arith.addf %mul3A_490, %broadcast_in_dim3A_492 : vector<512x1xf32>
      %mul3A_494 = vector.broadcast %exp3A_489 : vector<512x1xf32> to vector<512x64xf32>
      %mul3A_495 = arith.mulf %while3A_464, %mul3A_494 : vector<512x64xf32>
      %dot_general3A_496 = arith.constant dense<0.000000e+00> : vector<512x64xf32>
      %dot_general3A_497 = tpu.matmul %exp3A, %get3A_474, %dot_general3A_496 {dimension_numbers = #tpu.dot_dimension_numbers<[1], [0], [0], [1], [0, 0, 1, 1], [], []>, transpose_lhs_hint = false} : vector<512x512xf32>, vector<512x64xf32>, vector<512x64xf32> -> vector<512x64xf32>
      %add3A_498 = arith.addf %mul3A_495, %dot_general3A_497 : vector<512x64xf32>
      scf.yield %max3A, %add3A_493, %add3A_498 : vector<512x1xf32>, vector<512x1xf32>, vector<512x64xf32>
    }
    %while3A_251 = arith.constant 1 : i32
    %while3A_252:3 = scf.for %while3A_461 = %while3A_248 to %while3A_244 step %while3A_251 iter_args(%while3A_462 = %while3A_250#0, %while3A_463 = %while3A_250#1, %while3A_464 = %while3A_250#2) -> (vector<512x1xf32>, vector<512x1xf32>, vector<512x64xf32>)  : i32 {
      %mul3A_465 = arith.constant 512 : i32
      %mul3A_466 = arith.muli %while3A_461, %mul3A_465 : i32
      %get3A_467 = arith.index_cast %mul3A_466 : i32 to index
      %get3A_468 = arith.constant 1536 : index
      %get3A_469 = vector.load %arg1[%get3A_467, %get3A_468] : memref<2048x3072xf32, #tpu.memory_space<vmem>>, vector<512x64xf32>
      %mul3A_470 = arith.constant 512 : i32
      %mul3A_471 = arith.muli %while3A_461, %mul3A_470 : i32
      %get3A_472 = arith.index_cast %mul3A_471 : i32 to index
      %get3A_473 = arith.constant 2560 : index
      %get3A_474 = vector.load %arg1[%get3A_472, %get3A_473] : memref<2048x3072xf32, #tpu.memory_space<vmem>>, vector<512x64xf32>
      %dot_general3A = arith.constant dense<0.000000e+00> : vector<512x512xf32>
      %dot_general3A_475 = tpu.matmul %get3A_233, %get3A_469, %dot_general3A {dimension_numbers = #tpu.dot_dimension_numbers<[1], [1], [0], [0], [0, 0, 1, 0], [], []>, transpose_lhs_hint = false} : vector<512x64xf32>, vector<512x64xf32>, vector<512x512xf32> -> vector<512x512xf32>
      %mul3A_476 = arith.constant 1.250000e-01 : f32
      %mul3A_477 = vector.broadcast %mul3A_476 : f32 to vector<512x512xf32>
      %mul3A_478 = arith.mulf %dot_general3A_475, %mul3A_477 : vector<512x512xf32>
      %mul3A_479 = arith.constant 512 : i32
      %mul3A_480 = arith.muli %while3A_461, %mul3A_479 : i32
      %iota3A_481 = tpu.iota {dimensions = array<i32: 1>} : vector<512x512xi32>
      %add3A_482 = vector.broadcast %mul3A_480 : i32 to vector<512x512xi32>
      %add3A_483 = arith.addi %add3A_482, %iota3A_481 : vector<512x512xi32>
      %le3A = arith.cmpi sle, %add3A_483, %add3A_1 : vector<512x512xi32>
      %jit3A = arith.constant -1.000000e+30 : f32
      %broadcast_in_dim3A_484 = vector.broadcast %jit3A : f32 to vector<512x512xf32>
      %select_n3A = arith.select %le3A, %mul3A_478, %broadcast_in_dim3A_484 : vector<512x512xi1>, vector<512x512xf32>
      %reduce_max3A = arith.constant dense<0xFF800000> : vector<512xf32>
      %reduce_max3A_485 = vector.multi_reduction <maximumf>, %select_n3A, %reduce_max3A [1] : vector<512x512xf32> to vector<512xf32>
      %broadcast_in_dim3A_486 = vector.shape_cast %reduce_max3A_485 : vector<512xf32> to vector<512x1xf32>
      %max3A = arith.maximumf %while3A_462, %broadcast_in_dim3A_486 : vector<512x1xf32>
      %sub3A = vector.broadcast %max3A : vector<512x1xf32> to vector<512x512xf32>
      %sub3A_487 = arith.subf %select_n3A, %sub3A : vector<512x512xf32>
      %exp3A = math.exp %sub3A_487 : vector<512x512xf32>
      %sub3A_488 = arith.subf %while3A_462, %max3A : vector<512x1xf32>
      %exp3A_489 = math.exp %sub3A_488 : vector<512x1xf32>
      %mul3A_490 = arith.mulf %while3A_463, %exp3A_489 : vector<512x1xf32>
      %reduce_sum3A = arith.constant dense<0.000000e+00> : vector<512xf32>
      %reduce_sum3A_491 = vector.multi_reduction <add>, %exp3A, %reduce_sum3A [1] : vector<512x512xf32> to vector<512xf32>
      %broadcast_in_dim3A_492 = vector.shape_cast %reduce_sum3A_491 : vector<512xf32> to vector<512x1xf32>
      %add3A_493 = arith.addf %mul3A_490, %broadcast_in_dim3A_492 : vector<512x1xf32>
      %mul3A_494 = vector.broadcast %exp3A_489 : vector<512x1xf32> to vector<512x64xf32>
      %mul3A_495 = arith.mulf %while3A_464, %mul3A_494 : vector<512x64xf32>
      %dot_general3A_496 = arith.constant dense<0.000000e+00> : vector<512x64xf32>
      %dot_general3A_497 = tpu.matmul %exp3A, %get3A_474, %dot_general3A_496 {dimension_numbers = #tpu.dot_dimension_numbers<[1], [0], [0], [1], [0, 0, 1, 1], [], []>, transpose_lhs_hint = false} : vector<512x512xf32>, vector<512x64xf32>, vector<512x64xf32> -> vector<512x64xf32>
      %add3A_498 = arith.addf %mul3A_495, %dot_general3A_497 : vector<512x64xf32>
      scf.yield %max3A, %add3A_493, %add3A_498 : vector<512x1xf32>, vector<512x1xf32>, vector<512x64xf32>
    }
    %div3A_253 = vector.broadcast %while3A_252#1 : vector<512x1xf32> to vector<512x64xf32>
    %div3A_254 = arith.divf %while3A_252#2, %div3A_253 : vector<512x64xf32>
    %swap3A_255 = arith.constant 0 : index
    %swap3A_256 = arith.constant 512 : index
    %swap3A_257 = vector.load %arg2[%swap3A_255, %swap3A_256] : memref<512x1024xf32, #tpu.memory_space<vmem>>, vector<512x64xf32>
    tpu.vector_store %arg2[%swap3A_255, %swap3A_256], %div3A_254 {strides = array<i32>} : memref<512x1024xf32, #tpu.memory_space<vmem>>, vector<512x64xf32>,
    %mul3A_258 = arith.constant 512 : i32
    %mul3A_259 = arith.muli %arg0, %mul3A_258 : i32
    %get3A_260 = arith.index_cast %mul3A_259 : i32 to index
    %get3A_261 = arith.constant 576 : index
    %get3A_262 = vector.load %arg1[%get3A_260, %get3A_261] : memref<2048x3072xf32, #tpu.memory_space<vmem>>, vector<512x64xf32>
    %broadcast_in_dim3A_263 = arith.constant -1.000000e+30 : f32
    %broadcast_in_dim3A_264 = vector.broadcast %broadcast_in_dim3A_263 : f32 to vector<512x1xf32>
    %broadcast_in_dim3A_265 = arith.constant 0.000000e+00 : f32
    %broadcast_in_dim3A_266 = vector.broadcast %broadcast_in_dim3A_265 : f32 to vector<512x1xf32>
    %broadcast_in_dim3A_267 = arith.constant 0.000000e+00 : f32
    %broadcast_in_dim3A_268 = vector.broadcast %broadcast_in_dim3A_267 : f32 to vector<512x64xf32>
    %add3A_269 = arith.constant 1 : i32
    %add3A_270 = arith.addi %arg0, %add3A_269 : i32
    %while3A_271 = arith.constant 0 : i32
    %while3A_272 = arith.subi %add3A_270, %while3A_271 : i32
    %while3A_273 = arith.addi %while3A_271, %while3A_272 : i32
    %while3A_274 = arith.constant 1 : i32
    %while3A_275 = arith.divsi %while3A_272, %while3A_274 : i32
    %while3A_276 = arith.muli %while3A_275, %while3A_274 : i32
    %while3A_277 = arith.addi %while3A_271, %while3A_276 : i32
    %while3A_278 = arith.constant 1 : i32
    %while3A_279:3 = scf.for %while3A_461 = %while3A_271 to %while3A_277 step %while3A_278 iter_args(%while3A_462 = %broadcast_in_dim3A_264, %while3A_463 = %broadcast_in_dim3A_266, %while3A_464 = %broadcast_in_dim3A_268) -> (vector<512x1xf32>, vector<512x1xf32>, vector<512x64xf32>)  : i32 {
      %mul3A_465 = arith.constant 512 : i32
      %mul3A_466 = arith.muli %while3A_461, %mul3A_465 : i32
      %get3A_467 = arith.index_cast %mul3A_466 : i32 to index
      %get3A_468 = arith.constant 1600 : index
      %get3A_469 = vector.load %arg1[%get3A_467, %get3A_468] : memref<2048x3072xf32, #tpu.memory_space<vmem>>, vector<512x64xf32>
      %mul3A_470 = arith.constant 512 : i32
      %mul3A_471 = arith.muli %while3A_461, %mul3A_470 : i32
      %get3A_472 = arith.index_cast %mul3A_471 : i32 to index
      %get3A_473 = arith.constant 2624 : index
      %get3A_474 = vector.load %arg1[%get3A_472, %get3A_473] : memref<2048x3072xf32, #tpu.memory_space<vmem>>, vector<512x64xf32>
      %dot_general3A = arith.constant dense<0.000000e+00> : vector<512x512xf32>
      %dot_general3A_475 = tpu.matmul %get3A_262, %get3A_469, %dot_general3A {dimension_numbers = #tpu.dot_dimension_numbers<[1], [1], [0], [0], [0, 0, 1, 0], [], []>, transpose_lhs_hint = false} : vector<512x64xf32>, vector<512x64xf32>, vector<512x512xf32> -> vector<512x512xf32>
      %mul3A_476 = arith.constant 1.250000e-01 : f32
      %mul3A_477 = vector.broadcast %mul3A_476 : f32 to vector<512x512xf32>
      %mul3A_478 = arith.mulf %dot_general3A_475, %mul3A_477 : vector<512x512xf32>
      %mul3A_479 = arith.constant 512 : i32
      %mul3A_480 = arith.muli %while3A_461, %mul3A_479 : i32
      %iota3A_481 = tpu.iota {dimensions = array<i32: 1>} : vector<512x512xi32>
      %add3A_482 = vector.broadcast %mul3A_480 : i32 to vector<512x512xi32>
      %add3A_483 = arith.addi %add3A_482, %iota3A_481 : vector<512x512xi32>
      %le3A = arith.cmpi sle, %add3A_483, %add3A_1 : vector<512x512xi32>
      %jit3A = arith.constant -1.000000e+30 : f32
      %broadcast_in_dim3A_484 = vector.broadcast %jit3A : f32 to vector<512x512xf32>
      %select_n3A = arith.select %le3A, %mul3A_478, %broadcast_in_dim3A_484 : vector<512x512xi1>, vector<512x512xf32>
      %reduce_max3A = arith.constant dense<0xFF800000> : vector<512xf32>
      %reduce_max3A_485 = vector.multi_reduction <maximumf>, %select_n3A, %reduce_max3A [1] : vector<512x512xf32> to vector<512xf32>
      %broadcast_in_dim3A_486 = vector.shape_cast %reduce_max3A_485 : vector<512xf32> to vector<512x1xf32>
      %max3A = arith.maximumf %while3A_462, %broadcast_in_dim3A_486 : vector<512x1xf32>
      %sub3A = vector.broadcast %max3A : vector<512x1xf32> to vector<512x512xf32>
      %sub3A_487 = arith.subf %select_n3A, %sub3A : vector<512x512xf32>
      %exp3A = math.exp %sub3A_487 : vector<512x512xf32>
      %sub3A_488 = arith.subf %while3A_462, %max3A : vector<512x1xf32>
      %exp3A_489 = math.exp %sub3A_488 : vector<512x1xf32>
      %mul3A_490 = arith.mulf %while3A_463, %exp3A_489 : vector<512x1xf32>
      %reduce_sum3A = arith.constant dense<0.000000e+00> : vector<512xf32>
      %reduce_sum3A_491 = vector.multi_reduction <add>, %exp3A, %reduce_sum3A [1] : vector<512x512xf32> to vector<512xf32>
      %broadcast_in_dim3A_492 = vector.shape_cast %reduce_sum3A_491 : vector<512xf32> to vector<512x1xf32>
      %add3A_493 = arith.addf %mul3A_490, %broadcast_in_dim3A_492 : vector<512x1xf32>
      %mul3A_494 = vector.broadcast %exp3A_489 : vector<512x1xf32> to vector<512x64xf32>
      %mul3A_495 = arith.mulf %while3A_464, %mul3A_494 : vector<512x64xf32>
      %dot_general3A_496 = arith.constant dense<0.000000e+00> : vector<512x64xf32>
      %dot_general3A_497 = tpu.matmul %exp3A, %get3A_474, %dot_general3A_496 {dimension_numbers = #tpu.dot_dimension_numbers<[1], [0], [0], [1], [0, 0, 1, 1], [], []>, transpose_lhs_hint = false} : vector<512x512xf32>, vector<512x64xf32>, vector<512x64xf32> -> vector<512x64xf32>
      %add3A_498 = arith.addf %mul3A_495, %dot_general3A_497 : vector<512x64xf32>
      scf.yield %max3A, %add3A_493, %add3A_498 : vector<512x1xf32>, vector<512x1xf32>, vector<512x64xf32>
    }
    %while3A_280 = arith.constant 1 : i32
    %while3A_281:3 = scf.for %while3A_461 = %while3A_277 to %while3A_273 step %while3A_280 iter_args(%while3A_462 = %while3A_279#0, %while3A_463 = %while3A_279#1, %while3A_464 = %while3A_279#2) -> (vector<512x1xf32>, vector<512x1xf32>, vector<512x64xf32>)  : i32 {
      %mul3A_465 = arith.constant 512 : i32
      %mul3A_466 = arith.muli %while3A_461, %mul3A_465 : i32
      %get3A_467 = arith.index_cast %mul3A_466 : i32 to index
      %get3A_468 = arith.constant 1600 : index
      %get3A_469 = vector.load %arg1[%get3A_467, %get3A_468] : memref<2048x3072xf32, #tpu.memory_space<vmem>>, vector<512x64xf32>
      %mul3A_470 = arith.constant 512 : i32
      %mul3A_471 = arith.muli %while3A_461, %mul3A_470 : i32
      %get3A_472 = arith.index_cast %mul3A_471 : i32 to index
      %get3A_473 = arith.constant 2624 : index
      %get3A_474 = vector.load %arg1[%get3A_472, %get3A_473] : memref<2048x3072xf32, #tpu.memory_space<vmem>>, vector<512x64xf32>
      %dot_general3A = arith.constant dense<0.000000e+00> : vector<512x512xf32>
      %dot_general3A_475 = tpu.matmul %get3A_262, %get3A_469, %dot_general3A {dimension_numbers = #tpu.dot_dimension_numbers<[1], [1], [0], [0], [0, 0, 1, 0], [], []>, transpose_lhs_hint = false} : vector<512x64xf32>, vector<512x64xf32>, vector<512x512xf32> -> vector<512x512xf32>
      %mul3A_476 = arith.constant 1.250000e-01 : f32
      %mul3A_477 = vector.broadcast %mul3A_476 : f32 to vector<512x512xf32>
      %mul3A_478 = arith.mulf %dot_general3A_475, %mul3A_477 : vector<512x512xf32>
      %mul3A_479 = arith.constant 512 : i32
      %mul3A_480 = arith.muli %while3A_461, %mul3A_479 : i32
      %iota3A_481 = tpu.iota {dimensions = array<i32: 1>} : vector<512x512xi32>
      %add3A_482 = vector.broadcast %mul3A_480 : i32 to vector<512x512xi32>
      %add3A_483 = arith.addi %add3A_482, %iota3A_481 : vector<512x512xi32>
      %le3A = arith.cmpi sle, %add3A_483, %add3A_1 : vector<512x512xi32>
      %jit3A = arith.constant -1.000000e+30 : f32
      %broadcast_in_dim3A_484 = vector.broadcast %jit3A : f32 to vector<512x512xf32>
      %select_n3A = arith.select %le3A, %mul3A_478, %broadcast_in_dim3A_484 : vector<512x512xi1>, vector<512x512xf32>
      %reduce_max3A = arith.constant dense<0xFF800000> : vector<512xf32>
      %reduce_max3A_485 = vector.multi_reduction <maximumf>, %select_n3A, %reduce_max3A [1] : vector<512x512xf32> to vector<512xf32>
      %broadcast_in_dim3A_486 = vector.shape_cast %reduce_max3A_485 : vector<512xf32> to vector<512x1xf32>
      %max3A = arith.maximumf %while3A_462, %broadcast_in_dim3A_486 : vector<512x1xf32>
      %sub3A = vector.broadcast %max3A : vector<512x1xf32> to vector<512x512xf32>
      %sub3A_487 = arith.subf %select_n3A, %sub3A : vector<512x512xf32>
      %exp3A = math.exp %sub3A_487 : vector<512x512xf32>
      %sub3A_488 = arith.subf %while3A_462, %max3A : vector<512x1xf32>
      %exp3A_489 = math.exp %sub3A_488 : vector<512x1xf32>
      %mul3A_490 = arith.mulf %while3A_463, %exp3A_489 : vector<512x1xf32>
      %reduce_sum3A = arith.constant dense<0.000000e+00> : vector<512xf32>
      %reduce_sum3A_491 = vector.multi_reduction <add>, %exp3A, %reduce_sum3A [1] : vector<512x512xf32> to vector<512xf32>
      %broadcast_in_dim3A_492 = vector.shape_cast %reduce_sum3A_491 : vector<512xf32> to vector<512x1xf32>
      %add3A_493 = arith.addf %mul3A_490, %broadcast_in_dim3A_492 : vector<512x1xf32>
      %mul3A_494 = vector.broadcast %exp3A_489 : vector<512x1xf32> to vector<512x64xf32>
      %mul3A_495 = arith.mulf %while3A_464, %mul3A_494 : vector<512x64xf32>
      %dot_general3A_496 = arith.constant dense<0.000000e+00> : vector<512x64xf32>
      %dot_general3A_497 = tpu.matmul %exp3A, %get3A_474, %dot_general3A_496 {dimension_numbers = #tpu.dot_dimension_numbers<[1], [0], [0], [1], [0, 0, 1, 1], [], []>, transpose_lhs_hint = false} : vector<512x512xf32>, vector<512x64xf32>, vector<512x64xf32> -> vector<512x64xf32>
      %add3A_498 = arith.addf %mul3A_495, %dot_general3A_497 : vector<512x64xf32>
      scf.yield %max3A, %add3A_493, %add3A_498 : vector<512x1xf32>, vector<512x1xf32>, vector<512x64xf32>
    }
    %div3A_282 = vector.broadcast %while3A_281#1 : vector<512x1xf32> to vector<512x64xf32>
    %div3A_283 = arith.divf %while3A_281#2, %div3A_282 : vector<512x64xf32>
    %swap3A_284 = arith.constant 0 : index
    %swap3A_285 = arith.constant 576 : index
    %swap3A_286 = vector.load %arg2[%swap3A_284, %swap3A_285] : memref<512x1024xf32, #tpu.memory_space<vmem>>, vector<512x64xf32>
    tpu.vector_store %arg2[%swap3A_284, %swap3A_285], %div3A_283 {strides = array<i32>} : memref<512x1024xf32, #tpu.memory_space<vmem>>, vector<512x64xf32>,
    %mul3A_287 = arith.constant 512 : i32
    %mul3A_288 = arith.muli %arg0, %mul3A_287 : i32
    %get3A_289 = arith.index_cast %mul3A_288 : i32 to index
    %get3A_290 = arith.constant 640 : index
    %get3A_291 = vector.load %arg1[%get3A_289, %get3A_290] : memref<2048x3072xf32, #tpu.memory_space<vmem>>, vector<512x64xf32>
    %broadcast_in_dim3A_292 = arith.constant -1.000000e+30 : f32
    %broadcast_in_dim3A_293 = vector.broadcast %broadcast_in_dim3A_292 : f32 to vector<512x1xf32>
    %broadcast_in_dim3A_294 = arith.constant 0.000000e+00 : f32
    %broadcast_in_dim3A_295 = vector.broadcast %broadcast_in_dim3A_294 : f32 to vector<512x1xf32>
    %broadcast_in_dim3A_296 = arith.constant 0.000000e+00 : f32
    %broadcast_in_dim3A_297 = vector.broadcast %broadcast_in_dim3A_296 : f32 to vector<512x64xf32>
    %add3A_298 = arith.constant 1 : i32
    %add3A_299 = arith.addi %arg0, %add3A_298 : i32
    %while3A_300 = arith.constant 0 : i32
    %while3A_301 = arith.subi %add3A_299, %while3A_300 : i32
    %while3A_302 = arith.addi %while3A_300, %while3A_301 : i32
    %while3A_303 = arith.constant 1 : i32
    %while3A_304 = arith.divsi %while3A_301, %while3A_303 : i32
    %while3A_305 = arith.muli %while3A_304, %while3A_303 : i32
    %while3A_306 = arith.addi %while3A_300, %while3A_305 : i32
    %while3A_307 = arith.constant 1 : i32
    %while3A_308:3 = scf.for %while3A_461 = %while3A_300 to %while3A_306 step %while3A_307 iter_args(%while3A_462 = %broadcast_in_dim3A_293, %while3A_463 = %broadcast_in_dim3A_295, %while3A_464 = %broadcast_in_dim3A_297) -> (vector<512x1xf32>, vector<512x1xf32>, vector<512x64xf32>)  : i32 {
      %mul3A_465 = arith.constant 512 : i32
      %mul3A_466 = arith.muli %while3A_461, %mul3A_465 : i32
      %get3A_467 = arith.index_cast %mul3A_466 : i32 to index
      %get3A_468 = arith.constant 1664 : index
      %get3A_469 = vector.load %arg1[%get3A_467, %get3A_468] : memref<2048x3072xf32, #tpu.memory_space<vmem>>, vector<512x64xf32>
      %mul3A_470 = arith.constant 512 : i32
      %mul3A_471 = arith.muli %while3A_461, %mul3A_470 : i32
      %get3A_472 = arith.index_cast %mul3A_471 : i32 to index
      %get3A_473 = arith.constant 2688 : index
      %get3A_474 = vector.load %arg1[%get3A_472, %get3A_473] : memref<2048x3072xf32, #tpu.memory_space<vmem>>, vector<512x64xf32>
      %dot_general3A = arith.constant dense<0.000000e+00> : vector<512x512xf32>
      %dot_general3A_475 = tpu.matmul %get3A_291, %get3A_469, %dot_general3A {dimension_numbers = #tpu.dot_dimension_numbers<[1], [1], [0], [0], [0, 0, 1, 0], [], []>, transpose_lhs_hint = false} : vector<512x64xf32>, vector<512x64xf32>, vector<512x512xf32> -> vector<512x512xf32>
      %mul3A_476 = arith.constant 1.250000e-01 : f32
      %mul3A_477 = vector.broadcast %mul3A_476 : f32 to vector<512x512xf32>
      %mul3A_478 = arith.mulf %dot_general3A_475, %mul3A_477 : vector<512x512xf32>
      %mul3A_479 = arith.constant 512 : i32
      %mul3A_480 = arith.muli %while3A_461, %mul3A_479 : i32
      %iota3A_481 = tpu.iota {dimensions = array<i32: 1>} : vector<512x512xi32>
      %add3A_482 = vector.broadcast %mul3A_480 : i32 to vector<512x512xi32>
      %add3A_483 = arith.addi %add3A_482, %iota3A_481 : vector<512x512xi32>
      %le3A = arith.cmpi sle, %add3A_483, %add3A_1 : vector<512x512xi32>
      %jit3A = arith.constant -1.000000e+30 : f32
      %broadcast_in_dim3A_484 = vector.broadcast %jit3A : f32 to vector<512x512xf32>
      %select_n3A = arith.select %le3A, %mul3A_478, %broadcast_in_dim3A_484 : vector<512x512xi1>, vector<512x512xf32>
      %reduce_max3A = arith.constant dense<0xFF800000> : vector<512xf32>
      %reduce_max3A_485 = vector.multi_reduction <maximumf>, %select_n3A, %reduce_max3A [1] : vector<512x512xf32> to vector<512xf32>
      %broadcast_in_dim3A_486 = vector.shape_cast %reduce_max3A_485 : vector<512xf32> to vector<512x1xf32>
      %max3A = arith.maximumf %while3A_462, %broadcast_in_dim3A_486 : vector<512x1xf32>
      %sub3A = vector.broadcast %max3A : vector<512x1xf32> to vector<512x512xf32>
      %sub3A_487 = arith.subf %select_n3A, %sub3A : vector<512x512xf32>
      %exp3A = math.exp %sub3A_487 : vector<512x512xf32>
      %sub3A_488 = arith.subf %while3A_462, %max3A : vector<512x1xf32>
      %exp3A_489 = math.exp %sub3A_488 : vector<512x1xf32>
      %mul3A_490 = arith.mulf %while3A_463, %exp3A_489 : vector<512x1xf32>
      %reduce_sum3A = arith.constant dense<0.000000e+00> : vector<512xf32>
      %reduce_sum3A_491 = vector.multi_reduction <add>, %exp3A, %reduce_sum3A [1] : vector<512x512xf32> to vector<512xf32>
      %broadcast_in_dim3A_492 = vector.shape_cast %reduce_sum3A_491 : vector<512xf32> to vector<512x1xf32>
      %add3A_493 = arith.addf %mul3A_490, %broadcast_in_dim3A_492 : vector<512x1xf32>
      %mul3A_494 = vector.broadcast %exp3A_489 : vector<512x1xf32> to vector<512x64xf32>
      %mul3A_495 = arith.mulf %while3A_464, %mul3A_494 : vector<512x64xf32>
      %dot_general3A_496 = arith.constant dense<0.000000e+00> : vector<512x64xf32>
      %dot_general3A_497 = tpu.matmul %exp3A, %get3A_474, %dot_general3A_496 {dimension_numbers = #tpu.dot_dimension_numbers<[1], [0], [0], [1], [0, 0, 1, 1], [], []>, transpose_lhs_hint = false} : vector<512x512xf32>, vector<512x64xf32>, vector<512x64xf32> -> vector<512x64xf32>
      %add3A_498 = arith.addf %mul3A_495, %dot_general3A_497 : vector<512x64xf32>
      scf.yield %max3A, %add3A_493, %add3A_498 : vector<512x1xf32>, vector<512x1xf32>, vector<512x64xf32>
    }
    %while3A_309 = arith.constant 1 : i32
    %while3A_310:3 = scf.for %while3A_461 = %while3A_306 to %while3A_302 step %while3A_309 iter_args(%while3A_462 = %while3A_308#0, %while3A_463 = %while3A_308#1, %while3A_464 = %while3A_308#2) -> (vector<512x1xf32>, vector<512x1xf32>, vector<512x64xf32>)  : i32 {
      %mul3A_465 = arith.constant 512 : i32
      %mul3A_466 = arith.muli %while3A_461, %mul3A_465 : i32
      %get3A_467 = arith.index_cast %mul3A_466 : i32 to index
      %get3A_468 = arith.constant 1664 : index
      %get3A_469 = vector.load %arg1[%get3A_467, %get3A_468] : memref<2048x3072xf32, #tpu.memory_space<vmem>>, vector<512x64xf32>
      %mul3A_470 = arith.constant 512 : i32
      %mul3A_471 = arith.muli %while3A_461, %mul3A_470 : i32
      %get3A_472 = arith.index_cast %mul3A_471 : i32 to index
      %get3A_473 = arith.constant 2688 : index
      %get3A_474 = vector.load %arg1[%get3A_472, %get3A_473] : memref<2048x3072xf32, #tpu.memory_space<vmem>>, vector<512x64xf32>
      %dot_general3A = arith.constant dense<0.000000e+00> : vector<512x512xf32>
      %dot_general3A_475 = tpu.matmul %get3A_291, %get3A_469, %dot_general3A {dimension_numbers = #tpu.dot_dimension_numbers<[1], [1], [0], [0], [0, 0, 1, 0], [], []>, transpose_lhs_hint = false} : vector<512x64xf32>, vector<512x64xf32>, vector<512x512xf32> -> vector<512x512xf32>
      %mul3A_476 = arith.constant 1.250000e-01 : f32
      %mul3A_477 = vector.broadcast %mul3A_476 : f32 to vector<512x512xf32>
      %mul3A_478 = arith.mulf %dot_general3A_475, %mul3A_477 : vector<512x512xf32>
      %mul3A_479 = arith.constant 512 : i32
      %mul3A_480 = arith.muli %while3A_461, %mul3A_479 : i32
      %iota3A_481 = tpu.iota {dimensions = array<i32: 1>} : vector<512x512xi32>
      %add3A_482 = vector.broadcast %mul3A_480 : i32 to vector<512x512xi32>
      %add3A_483 = arith.addi %add3A_482, %iota3A_481 : vector<512x512xi32>
      %le3A = arith.cmpi sle, %add3A_483, %add3A_1 : vector<512x512xi32>
      %jit3A = arith.constant -1.000000e+30 : f32
      %broadcast_in_dim3A_484 = vector.broadcast %jit3A : f32 to vector<512x512xf32>
      %select_n3A = arith.select %le3A, %mul3A_478, %broadcast_in_dim3A_484 : vector<512x512xi1>, vector<512x512xf32>
      %reduce_max3A = arith.constant dense<0xFF800000> : vector<512xf32>
      %reduce_max3A_485 = vector.multi_reduction <maximumf>, %select_n3A, %reduce_max3A [1] : vector<512x512xf32> to vector<512xf32>
      %broadcast_in_dim3A_486 = vector.shape_cast %reduce_max3A_485 : vector<512xf32> to vector<512x1xf32>
      %max3A = arith.maximumf %while3A_462, %broadcast_in_dim3A_486 : vector<512x1xf32>
      %sub3A = vector.broadcast %max3A : vector<512x1xf32> to vector<512x512xf32>
      %sub3A_487 = arith.subf %select_n3A, %sub3A : vector<512x512xf32>
      %exp3A = math.exp %sub3A_487 : vector<512x512xf32>
      %sub3A_488 = arith.subf %while3A_462, %max3A : vector<512x1xf32>
      %exp3A_489 = math.exp %sub3A_488 : vector<512x1xf32>
      %mul3A_490 = arith.mulf %while3A_463, %exp3A_489 : vector<512x1xf32>
      %reduce_sum3A = arith.constant dense<0.000000e+00> : vector<512xf32>
      %reduce_sum3A_491 = vector.multi_reduction <add>, %exp3A, %reduce_sum3A [1] : vector<512x512xf32> to vector<512xf32>
      %broadcast_in_dim3A_492 = vector.shape_cast %reduce_sum3A_491 : vector<512xf32> to vector<512x1xf32>
      %add3A_493 = arith.addf %mul3A_490, %broadcast_in_dim3A_492 : vector<512x1xf32>
      %mul3A_494 = vector.broadcast %exp3A_489 : vector<512x1xf32> to vector<512x64xf32>
      %mul3A_495 = arith.mulf %while3A_464, %mul3A_494 : vector<512x64xf32>
      %dot_general3A_496 = arith.constant dense<0.000000e+00> : vector<512x64xf32>
      %dot_general3A_497 = tpu.matmul %exp3A, %get3A_474, %dot_general3A_496 {dimension_numbers = #tpu.dot_dimension_numbers<[1], [0], [0], [1], [0, 0, 1, 1], [], []>, transpose_lhs_hint = false} : vector<512x512xf32>, vector<512x64xf32>, vector<512x64xf32> -> vector<512x64xf32>
      %add3A_498 = arith.addf %mul3A_495, %dot_general3A_497 : vector<512x64xf32>
      scf.yield %max3A, %add3A_493, %add3A_498 : vector<512x1xf32>, vector<512x1xf32>, vector<512x64xf32>
    }
    %div3A_311 = vector.broadcast %while3A_310#1 : vector<512x1xf32> to vector<512x64xf32>
    %div3A_312 = arith.divf %while3A_310#2, %div3A_311 : vector<512x64xf32>
    %swap3A_313 = arith.constant 0 : index
    %swap3A_314 = arith.constant 640 : index
    %swap3A_315 = vector.load %arg2[%swap3A_313, %swap3A_314] : memref<512x1024xf32, #tpu.memory_space<vmem>>, vector<512x64xf32>
    tpu.vector_store %arg2[%swap3A_313, %swap3A_314], %div3A_312 {strides = array<i32>} : memref<512x1024xf32, #tpu.memory_space<vmem>>, vector<512x64xf32>,
    %mul3A_316 = arith.constant 512 : i32
    %mul3A_317 = arith.muli %arg0, %mul3A_316 : i32
    %get3A_318 = arith.index_cast %mul3A_317 : i32 to index
    %get3A_319 = arith.constant 704 : index
    %get3A_320 = vector.load %arg1[%get3A_318, %get3A_319] : memref<2048x3072xf32, #tpu.memory_space<vmem>>, vector<512x64xf32>
    %broadcast_in_dim3A_321 = arith.constant -1.000000e+30 : f32
    %broadcast_in_dim3A_322 = vector.broadcast %broadcast_in_dim3A_321 : f32 to vector<512x1xf32>
    %broadcast_in_dim3A_323 = arith.constant 0.000000e+00 : f32
    %broadcast_in_dim3A_324 = vector.broadcast %broadcast_in_dim3A_323 : f32 to vector<512x1xf32>
    %broadcast_in_dim3A_325 = arith.constant 0.000000e+00 : f32
    %broadcast_in_dim3A_326 = vector.broadcast %broadcast_in_dim3A_325 : f32 to vector<512x64xf32>
    %add3A_327 = arith.constant 1 : i32
    %add3A_328 = arith.addi %arg0, %add3A_327 : i32
    %while3A_329 = arith.constant 0 : i32
    %while3A_330 = arith.subi %add3A_328, %while3A_329 : i32
    %while3A_331 = arith.addi %while3A_329, %while3A_330 : i32
    %while3A_332 = arith.constant 1 : i32
    %while3A_333 = arith.divsi %while3A_330, %while3A_332 : i32
    %while3A_334 = arith.muli %while3A_333, %while3A_332 : i32
    %while3A_335 = arith.addi %while3A_329, %while3A_334 : i32
    %while3A_336 = arith.constant 1 : i32
    %while3A_337:3 = scf.for %while3A_461 = %while3A_329 to %while3A_335 step %while3A_336 iter_args(%while3A_462 = %broadcast_in_dim3A_322, %while3A_463 = %broadcast_in_dim3A_324, %while3A_464 = %broadcast_in_dim3A_326) -> (vector<512x1xf32>, vector<512x1xf32>, vector<512x64xf32>)  : i32 {
      %mul3A_465 = arith.constant 512 : i32
      %mul3A_466 = arith.muli %while3A_461, %mul3A_465 : i32
      %get3A_467 = arith.index_cast %mul3A_466 : i32 to index
      %get3A_468 = arith.constant 1728 : index
      %get3A_469 = vector.load %arg1[%get3A_467, %get3A_468] : memref<2048x3072xf32, #tpu.memory_space<vmem>>, vector<512x64xf32>
      %mul3A_470 = arith.constant 512 : i32
      %mul3A_471 = arith.muli %while3A_461, %mul3A_470 : i32
      %get3A_472 = arith.index_cast %mul3A_471 : i32 to index
      %get3A_473 = arith.constant 2752 : index
      %get3A_474 = vector.load %arg1[%get3A_472, %get3A_473] : memref<2048x3072xf32, #tpu.memory_space<vmem>>, vector<512x64xf32>
      %dot_general3A = arith.constant dense<0.000000e+00> : vector<512x512xf32>
      %dot_general3A_475 = tpu.matmul %get3A_320, %get3A_469, %dot_general3A {dimension_numbers = #tpu.dot_dimension_numbers<[1], [1], [0], [0], [0, 0, 1, 0], [], []>, transpose_lhs_hint = false} : vector<512x64xf32>, vector<512x64xf32>, vector<512x512xf32> -> vector<512x512xf32>
      %mul3A_476 = arith.constant 1.250000e-01 : f32
      %mul3A_477 = vector.broadcast %mul3A_476 : f32 to vector<512x512xf32>
      %mul3A_478 = arith.mulf %dot_general3A_475, %mul3A_477 : vector<512x512xf32>
      %mul3A_479 = arith.constant 512 : i32
      %mul3A_480 = arith.muli %while3A_461, %mul3A_479 : i32
      %iota3A_481 = tpu.iota {dimensions = array<i32: 1>} : vector<512x512xi32>
      %add3A_482 = vector.broadcast %mul3A_480 : i32 to vector<512x512xi32>
      %add3A_483 = arith.addi %add3A_482, %iota3A_481 : vector<512x512xi32>
      %le3A = arith.cmpi sle, %add3A_483, %add3A_1 : vector<512x512xi32>
      %jit3A = arith.constant -1.000000e+30 : f32
      %broadcast_in_dim3A_484 = vector.broadcast %jit3A : f32 to vector<512x512xf32>
      %select_n3A = arith.select %le3A, %mul3A_478, %broadcast_in_dim3A_484 : vector<512x512xi1>, vector<512x512xf32>
      %reduce_max3A = arith.constant dense<0xFF800000> : vector<512xf32>
      %reduce_max3A_485 = vector.multi_reduction <maximumf>, %select_n3A, %reduce_max3A [1] : vector<512x512xf32> to vector<512xf32>
      %broadcast_in_dim3A_486 = vector.shape_cast %reduce_max3A_485 : vector<512xf32> to vector<512x1xf32>
      %max3A = arith.maximumf %while3A_462, %broadcast_in_dim3A_486 : vector<512x1xf32>
      %sub3A = vector.broadcast %max3A : vector<512x1xf32> to vector<512x512xf32>
      %sub3A_487 = arith.subf %select_n3A, %sub3A : vector<512x512xf32>
      %exp3A = math.exp %sub3A_487 : vector<512x512xf32>
      %sub3A_488 = arith.subf %while3A_462, %max3A : vector<512x1xf32>
      %exp3A_489 = math.exp %sub3A_488 : vector<512x1xf32>
      %mul3A_490 = arith.mulf %while3A_463, %exp3A_489 : vector<512x1xf32>
      %reduce_sum3A = arith.constant dense<0.000000e+00> : vector<512xf32>
      %reduce_sum3A_491 = vector.multi_reduction <add>, %exp3A, %reduce_sum3A [1] : vector<512x512xf32> to vector<512xf32>
      %broadcast_in_dim3A_492 = vector.shape_cast %reduce_sum3A_491 : vector<512xf32> to vector<512x1xf32>
      %add3A_493 = arith.addf %mul3A_490, %broadcast_in_dim3A_492 : vector<512x1xf32>
      %mul3A_494 = vector.broadcast %exp3A_489 : vector<512x1xf32> to vector<512x64xf32>
      %mul3A_495 = arith.mulf %while3A_464, %mul3A_494 : vector<512x64xf32>
      %dot_general3A_496 = arith.constant dense<0.000000e+00> : vector<512x64xf32>
      %dot_general3A_497 = tpu.matmul %exp3A, %get3A_474, %dot_general3A_496 {dimension_numbers = #tpu.dot_dimension_numbers<[1], [0], [0], [1], [0, 0, 1, 1], [], []>, transpose_lhs_hint = false} : vector<512x512xf32>, vector<512x64xf32>, vector<512x64xf32> -> vector<512x64xf32>
      %add3A_498 = arith.addf %mul3A_495, %dot_general3A_497 : vector<512x64xf32>
      scf.yield %max3A, %add3A_493, %add3A_498 : vector<512x1xf32>, vector<512x1xf32>, vector<512x64xf32>
    }
    %while3A_338 = arith.constant 1 : i32
    %while3A_339:3 = scf.for %while3A_461 = %while3A_335 to %while3A_331 step %while3A_338 iter_args(%while3A_462 = %while3A_337#0, %while3A_463 = %while3A_337#1, %while3A_464 = %while3A_337#2) -> (vector<512x1xf32>, vector<512x1xf32>, vector<512x64xf32>)  : i32 {
      %mul3A_465 = arith.constant 512 : i32
      %mul3A_466 = arith.muli %while3A_461, %mul3A_465 : i32
      %get3A_467 = arith.index_cast %mul3A_466 : i32 to index
      %get3A_468 = arith.constant 1728 : index
      %get3A_469 = vector.load %arg1[%get3A_467, %get3A_468] : memref<2048x3072xf32, #tpu.memory_space<vmem>>, vector<512x64xf32>
      %mul3A_470 = arith.constant 512 : i32
      %mul3A_471 = arith.muli %while3A_461, %mul3A_470 : i32
      %get3A_472 = arith.index_cast %mul3A_471 : i32 to index
      %get3A_473 = arith.constant 2752 : index
      %get3A_474 = vector.load %arg1[%get3A_472, %get3A_473] : memref<2048x3072xf32, #tpu.memory_space<vmem>>, vector<512x64xf32>
      %dot_general3A = arith.constant dense<0.000000e+00> : vector<512x512xf32>
      %dot_general3A_475 = tpu.matmul %get3A_320, %get3A_469, %dot_general3A {dimension_numbers = #tpu.dot_dimension_numbers<[1], [1], [0], [0], [0, 0, 1, 0], [], []>, transpose_lhs_hint = false} : vector<512x64xf32>, vector<512x64xf32>, vector<512x512xf32> -> vector<512x512xf32>
      %mul3A_476 = arith.constant 1.250000e-01 : f32
      %mul3A_477 = vector.broadcast %mul3A_476 : f32 to vector<512x512xf32>
      %mul3A_478 = arith.mulf %dot_general3A_475, %mul3A_477 : vector<512x512xf32>
      %mul3A_479 = arith.constant 512 : i32
      %mul3A_480 = arith.muli %while3A_461, %mul3A_479 : i32
      %iota3A_481 = tpu.iota {dimensions = array<i32: 1>} : vector<512x512xi32>
      %add3A_482 = vector.broadcast %mul3A_480 : i32 to vector<512x512xi32>
      %add3A_483 = arith.addi %add3A_482, %iota3A_481 : vector<512x512xi32>
      %le3A = arith.cmpi sle, %add3A_483, %add3A_1 : vector<512x512xi32>
      %jit3A = arith.constant -1.000000e+30 : f32
      %broadcast_in_dim3A_484 = vector.broadcast %jit3A : f32 to vector<512x512xf32>
      %select_n3A = arith.select %le3A, %mul3A_478, %broadcast_in_dim3A_484 : vector<512x512xi1>, vector<512x512xf32>
      %reduce_max3A = arith.constant dense<0xFF800000> : vector<512xf32>
      %reduce_max3A_485 = vector.multi_reduction <maximumf>, %select_n3A, %reduce_max3A [1] : vector<512x512xf32> to vector<512xf32>
      %broadcast_in_dim3A_486 = vector.shape_cast %reduce_max3A_485 : vector<512xf32> to vector<512x1xf32>
      %max3A = arith.maximumf %while3A_462, %broadcast_in_dim3A_486 : vector<512x1xf32>
      %sub3A = vector.broadcast %max3A : vector<512x1xf32> to vector<512x512xf32>
      %sub3A_487 = arith.subf %select_n3A, %sub3A : vector<512x512xf32>
      %exp3A = math.exp %sub3A_487 : vector<512x512xf32>
      %sub3A_488 = arith.subf %while3A_462, %max3A : vector<512x1xf32>
      %exp3A_489 = math.exp %sub3A_488 : vector<512x1xf32>
      %mul3A_490 = arith.mulf %while3A_463, %exp3A_489 : vector<512x1xf32>
      %reduce_sum3A = arith.constant dense<0.000000e+00> : vector<512xf32>
      %reduce_sum3A_491 = vector.multi_reduction <add>, %exp3A, %reduce_sum3A [1] : vector<512x512xf32> to vector<512xf32>
      %broadcast_in_dim3A_492 = vector.shape_cast %reduce_sum3A_491 : vector<512xf32> to vector<512x1xf32>
      %add3A_493 = arith.addf %mul3A_490, %broadcast_in_dim3A_492 : vector<512x1xf32>
      %mul3A_494 = vector.broadcast %exp3A_489 : vector<512x1xf32> to vector<512x64xf32>
      %mul3A_495 = arith.mulf %while3A_464, %mul3A_494 : vector<512x64xf32>
      %dot_general3A_496 = arith.constant dense<0.000000e+00> : vector<512x64xf32>
      %dot_general3A_497 = tpu.matmul %exp3A, %get3A_474, %dot_general3A_496 {dimension_numbers = #tpu.dot_dimension_numbers<[1], [0], [0], [1], [0, 0, 1, 1], [], []>, transpose_lhs_hint = false} : vector<512x512xf32>, vector<512x64xf32>, vector<512x64xf32> -> vector<512x64xf32>
      %add3A_498 = arith.addf %mul3A_495, %dot_general3A_497 : vector<512x64xf32>
      scf.yield %max3A, %add3A_493, %add3A_498 : vector<512x1xf32>, vector<512x1xf32>, vector<512x64xf32>
    }
    %div3A_340 = vector.broadcast %while3A_339#1 : vector<512x1xf32> to vector<512x64xf32>
    %div3A_341 = arith.divf %while3A_339#2, %div3A_340 : vector<512x64xf32>
    %swap3A_342 = arith.constant 0 : index
    %swap3A_343 = arith.constant 704 : index
    %swap3A_344 = vector.load %arg2[%swap3A_342, %swap3A_343] : memref<512x1024xf32, #tpu.memory_space<vmem>>, vector<512x64xf32>
    tpu.vector_store %arg2[%swap3A_342, %swap3A_343], %div3A_341 {strides = array<i32>} : memref<512x1024xf32, #tpu.memory_space<vmem>>, vector<512x64xf32>,
    %mul3A_345 = arith.constant 512 : i32
    %mul3A_346 = arith.muli %arg0, %mul3A_345 : i32
    %get3A_347 = arith.index_cast %mul3A_346 : i32 to index
    %get3A_348 = arith.constant 768 : index
    %get3A_349 = vector.load %arg1[%get3A_347, %get3A_348] : memref<2048x3072xf32, #tpu.memory_space<vmem>>, vector<512x64xf32>
    %broadcast_in_dim3A_350 = arith.constant -1.000000e+30 : f32
    %broadcast_in_dim3A_351 = vector.broadcast %broadcast_in_dim3A_350 : f32 to vector<512x1xf32>
    %broadcast_in_dim3A_352 = arith.constant 0.000000e+00 : f32
    %broadcast_in_dim3A_353 = vector.broadcast %broadcast_in_dim3A_352 : f32 to vector<512x1xf32>
    %broadcast_in_dim3A_354 = arith.constant 0.000000e+00 : f32
    %broadcast_in_dim3A_355 = vector.broadcast %broadcast_in_dim3A_354 : f32 to vector<512x64xf32>
    %add3A_356 = arith.constant 1 : i32
    %add3A_357 = arith.addi %arg0, %add3A_356 : i32
    %while3A_358 = arith.constant 0 : i32
    %while3A_359 = arith.subi %add3A_357, %while3A_358 : i32
    %while3A_360 = arith.addi %while3A_358, %while3A_359 : i32
    %while3A_361 = arith.constant 1 : i32
    %while3A_362 = arith.divsi %while3A_359, %while3A_361 : i32
    %while3A_363 = arith.muli %while3A_362, %while3A_361 : i32
    %while3A_364 = arith.addi %while3A_358, %while3A_363 : i32
    %while3A_365 = arith.constant 1 : i32
    %while3A_366:3 = scf.for %while3A_461 = %while3A_358 to %while3A_364 step %while3A_365 iter_args(%while3A_462 = %broadcast_in_dim3A_351, %while3A_463 = %broadcast_in_dim3A_353, %while3A_464 = %broadcast_in_dim3A_355) -> (vector<512x1xf32>, vector<512x1xf32>, vector<512x64xf32>)  : i32 {
      %mul3A_465 = arith.constant 512 : i32
      %mul3A_466 = arith.muli %while3A_461, %mul3A_465 : i32
      %get3A_467 = arith.index_cast %mul3A_466 : i32 to index
      %get3A_468 = arith.constant 1792 : index
      %get3A_469 = vector.load %arg1[%get3A_467, %get3A_468] : memref<2048x3072xf32, #tpu.memory_space<vmem>>, vector<512x64xf32>
      %mul3A_470 = arith.constant 512 : i32
      %mul3A_471 = arith.muli %while3A_461, %mul3A_470 : i32
      %get3A_472 = arith.index_cast %mul3A_471 : i32 to index
      %get3A_473 = arith.constant 2816 : index
      %get3A_474 = vector.load %arg1[%get3A_472, %get3A_473] : memref<2048x3072xf32, #tpu.memory_space<vmem>>, vector<512x64xf32>
      %dot_general3A = arith.constant dense<0.000000e+00> : vector<512x512xf32>
      %dot_general3A_475 = tpu.matmul %get3A_349, %get3A_469, %dot_general3A {dimension_numbers = #tpu.dot_dimension_numbers<[1], [1], [0], [0], [0, 0, 1, 0], [], []>, transpose_lhs_hint = false} : vector<512x64xf32>, vector<512x64xf32>, vector<512x512xf32> -> vector<512x512xf32>
      %mul3A_476 = arith.constant 1.250000e-01 : f32
      %mul3A_477 = vector.broadcast %mul3A_476 : f32 to vector<512x512xf32>
      %mul3A_478 = arith.mulf %dot_general3A_475, %mul3A_477 : vector<512x512xf32>
      %mul3A_479 = arith.constant 512 : i32
      %mul3A_480 = arith.muli %while3A_461, %mul3A_479 : i32
      %iota3A_481 = tpu.iota {dimensions = array<i32: 1>} : vector<512x512xi32>
      %add3A_482 = vector.broadcast %mul3A_480 : i32 to vector<512x512xi32>
      %add3A_483 = arith.addi %add3A_482, %iota3A_481 : vector<512x512xi32>
      %le3A = arith.cmpi sle, %add3A_483, %add3A_1 : vector<512x512xi32>
      %jit3A = arith.constant -1.000000e+30 : f32
      %broadcast_in_dim3A_484 = vector.broadcast %jit3A : f32 to vector<512x512xf32>
      %select_n3A = arith.select %le3A, %mul3A_478, %broadcast_in_dim3A_484 : vector<512x512xi1>, vector<512x512xf32>
      %reduce_max3A = arith.constant dense<0xFF800000> : vector<512xf32>
      %reduce_max3A_485 = vector.multi_reduction <maximumf>, %select_n3A, %reduce_max3A [1] : vector<512x512xf32> to vector<512xf32>
      %broadcast_in_dim3A_486 = vector.shape_cast %reduce_max3A_485 : vector<512xf32> to vector<512x1xf32>
      %max3A = arith.maximumf %while3A_462, %broadcast_in_dim3A_486 : vector<512x1xf32>
      %sub3A = vector.broadcast %max3A : vector<512x1xf32> to vector<512x512xf32>
      %sub3A_487 = arith.subf %select_n3A, %sub3A : vector<512x512xf32>
      %exp3A = math.exp %sub3A_487 : vector<512x512xf32>
      %sub3A_488 = arith.subf %while3A_462, %max3A : vector<512x1xf32>
      %exp3A_489 = math.exp %sub3A_488 : vector<512x1xf32>
      %mul3A_490 = arith.mulf %while3A_463, %exp3A_489 : vector<512x1xf32>
      %reduce_sum3A = arith.constant dense<0.000000e+00> : vector<512xf32>
      %reduce_sum3A_491 = vector.multi_reduction <add>, %exp3A, %reduce_sum3A [1] : vector<512x512xf32> to vector<512xf32>
      %broadcast_in_dim3A_492 = vector.shape_cast %reduce_sum3A_491 : vector<512xf32> to vector<512x1xf32>
      %add3A_493 = arith.addf %mul3A_490, %broadcast_in_dim3A_492 : vector<512x1xf32>
      %mul3A_494 = vector.broadcast %exp3A_489 : vector<512x1xf32> to vector<512x64xf32>
      %mul3A_495 = arith.mulf %while3A_464, %mul3A_494 : vector<512x64xf32>
      %dot_general3A_496 = arith.constant dense<0.000000e+00> : vector<512x64xf32>
      %dot_general3A_497 = tpu.matmul %exp3A, %get3A_474, %dot_general3A_496 {dimension_numbers = #tpu.dot_dimension_numbers<[1], [0], [0], [1], [0, 0, 1, 1], [], []>, transpose_lhs_hint = false} : vector<512x512xf32>, vector<512x64xf32>, vector<512x64xf32> -> vector<512x64xf32>
      %add3A_498 = arith.addf %mul3A_495, %dot_general3A_497 : vector<512x64xf32>
      scf.yield %max3A, %add3A_493, %add3A_498 : vector<512x1xf32>, vector<512x1xf32>, vector<512x64xf32>
    }
    %while3A_367 = arith.constant 1 : i32
    %while3A_368:3 = scf.for %while3A_461 = %while3A_364 to %while3A_360 step %while3A_367 iter_args(%while3A_462 = %while3A_366#0, %while3A_463 = %while3A_366#1, %while3A_464 = %while3A_366#2) -> (vector<512x1xf32>, vector<512x1xf32>, vector<512x64xf32>)  : i32 {
      %mul3A_465 = arith.constant 512 : i32
      %mul3A_466 = arith.muli %while3A_461, %mul3A_465 : i32
      %get3A_467 = arith.index_cast %mul3A_466 : i32 to index
      %get3A_468 = arith.constant 1792 : index
      %get3A_469 = vector.load %arg1[%get3A_467, %get3A_468] : memref<2048x3072xf32, #tpu.memory_space<vmem>>, vector<512x64xf32>
      %mul3A_470 = arith.constant 512 : i32
      %mul3A_471 = arith.muli %while3A_461, %mul3A_470 : i32
      %get3A_472 = arith.index_cast %mul3A_471 : i32 to index
      %get3A_473 = arith.constant 2816 : index
      %get3A_474 = vector.load %arg1[%get3A_472, %get3A_473] : memref<2048x3072xf32, #tpu.memory_space<vmem>>, vector<512x64xf32>
      %dot_general3A = arith.constant dense<0.000000e+00> : vector<512x512xf32>
      %dot_general3A_475 = tpu.matmul %get3A_349, %get3A_469, %dot_general3A {dimension_numbers = #tpu.dot_dimension_numbers<[1], [1], [0], [0], [0, 0, 1, 0], [], []>, transpose_lhs_hint = false} : vector<512x64xf32>, vector<512x64xf32>, vector<512x512xf32> -> vector<512x512xf32>
      %mul3A_476 = arith.constant 1.250000e-01 : f32
      %mul3A_477 = vector.broadcast %mul3A_476 : f32 to vector<512x512xf32>
      %mul3A_478 = arith.mulf %dot_general3A_475, %mul3A_477 : vector<512x512xf32>
      %mul3A_479 = arith.constant 512 : i32
      %mul3A_480 = arith.muli %while3A_461, %mul3A_479 : i32
      %iota3A_481 = tpu.iota {dimensions = array<i32: 1>} : vector<512x512xi32>
      %add3A_482 = vector.broadcast %mul3A_480 : i32 to vector<512x512xi32>
      %add3A_483 = arith.addi %add3A_482, %iota3A_481 : vector<512x512xi32>
      %le3A = arith.cmpi sle, %add3A_483, %add3A_1 : vector<512x512xi32>
      %jit3A = arith.constant -1.000000e+30 : f32
      %broadcast_in_dim3A_484 = vector.broadcast %jit3A : f32 to vector<512x512xf32>
      %select_n3A = arith.select %le3A, %mul3A_478, %broadcast_in_dim3A_484 : vector<512x512xi1>, vector<512x512xf32>
      %reduce_max3A = arith.constant dense<0xFF800000> : vector<512xf32>
      %reduce_max3A_485 = vector.multi_reduction <maximumf>, %select_n3A, %reduce_max3A [1] : vector<512x512xf32> to vector<512xf32>
      %broadcast_in_dim3A_486 = vector.shape_cast %reduce_max3A_485 : vector<512xf32> to vector<512x1xf32>
      %max3A = arith.maximumf %while3A_462, %broadcast_in_dim3A_486 : vector<512x1xf32>
      %sub3A = vector.broadcast %max3A : vector<512x1xf32> to vector<512x512xf32>
      %sub3A_487 = arith.subf %select_n3A, %sub3A : vector<512x512xf32>
      %exp3A = math.exp %sub3A_487 : vector<512x512xf32>
      %sub3A_488 = arith.subf %while3A_462, %max3A : vector<512x1xf32>
      %exp3A_489 = math.exp %sub3A_488 : vector<512x1xf32>
      %mul3A_490 = arith.mulf %while3A_463, %exp3A_489 : vector<512x1xf32>
      %reduce_sum3A = arith.constant dense<0.000000e+00> : vector<512xf32>
      %reduce_sum3A_491 = vector.multi_reduction <add>, %exp3A, %reduce_sum3A [1] : vector<512x512xf32> to vector<512xf32>
      %broadcast_in_dim3A_492 = vector.shape_cast %reduce_sum3A_491 : vector<512xf32> to vector<512x1xf32>
      %add3A_493 = arith.addf %mul3A_490, %broadcast_in_dim3A_492 : vector<512x1xf32>
      %mul3A_494 = vector.broadcast %exp3A_489 : vector<512x1xf32> to vector<512x64xf32>
      %mul3A_495 = arith.mulf %while3A_464, %mul3A_494 : vector<512x64xf32>
      %dot_general3A_496 = arith.constant dense<0.000000e+00> : vector<512x64xf32>
      %dot_general3A_497 = tpu.matmul %exp3A, %get3A_474, %dot_general3A_496 {dimension_numbers = #tpu.dot_dimension_numbers<[1], [0], [0], [1], [0, 0, 1, 1], [], []>, transpose_lhs_hint = false} : vector<512x512xf32>, vector<512x64xf32>, vector<512x64xf32> -> vector<512x64xf32>
      %add3A_498 = arith.addf %mul3A_495, %dot_general3A_497 : vector<512x64xf32>
      scf.yield %max3A, %add3A_493, %add3A_498 : vector<512x1xf32>, vector<512x1xf32>, vector<512x64xf32>
    }
    %div3A_369 = vector.broadcast %while3A_368#1 : vector<512x1xf32> to vector<512x64xf32>
    %div3A_370 = arith.divf %while3A_368#2, %div3A_369 : vector<512x64xf32>
    %swap3A_371 = arith.constant 0 : index
    %swap3A_372 = arith.constant 768 : index
    %swap3A_373 = vector.load %arg2[%swap3A_371, %swap3A_372] : memref<512x1024xf32, #tpu.memory_space<vmem>>, vector<512x64xf32>
    tpu.vector_store %arg2[%swap3A_371, %swap3A_372], %div3A_370 {strides = array<i32>} : memref<512x1024xf32, #tpu.memory_space<vmem>>, vector<512x64xf32>,
    %mul3A_374 = arith.constant 512 : i32
    %mul3A_375 = arith.muli %arg0, %mul3A_374 : i32
    %get3A_376 = arith.index_cast %mul3A_375 : i32 to index
    %get3A_377 = arith.constant 832 : index
    %get3A_378 = vector.load %arg1[%get3A_376, %get3A_377] : memref<2048x3072xf32, #tpu.memory_space<vmem>>, vector<512x64xf32>
    %broadcast_in_dim3A_379 = arith.constant -1.000000e+30 : f32
    %broadcast_in_dim3A_380 = vector.broadcast %broadcast_in_dim3A_379 : f32 to vector<512x1xf32>
    %broadcast_in_dim3A_381 = arith.constant 0.000000e+00 : f32
    %broadcast_in_dim3A_382 = vector.broadcast %broadcast_in_dim3A_381 : f32 to vector<512x1xf32>
    %broadcast_in_dim3A_383 = arith.constant 0.000000e+00 : f32
    %broadcast_in_dim3A_384 = vector.broadcast %broadcast_in_dim3A_383 : f32 to vector<512x64xf32>
    %add3A_385 = arith.constant 1 : i32
    %add3A_386 = arith.addi %arg0, %add3A_385 : i32
    %while3A_387 = arith.constant 0 : i32
    %while3A_388 = arith.subi %add3A_386, %while3A_387 : i32
    %while3A_389 = arith.addi %while3A_387, %while3A_388 : i32
    %while3A_390 = arith.constant 1 : i32
    %while3A_391 = arith.divsi %while3A_388, %while3A_390 : i32
    %while3A_392 = arith.muli %while3A_391, %while3A_390 : i32
    %while3A_393 = arith.addi %while3A_387, %while3A_392 : i32
    %while3A_394 = arith.constant 1 : i32
    %while3A_395:3 = scf.for %while3A_461 = %while3A_387 to %while3A_393 step %while3A_394 iter_args(%while3A_462 = %broadcast_in_dim3A_380, %while3A_463 = %broadcast_in_dim3A_382, %while3A_464 = %broadcast_in_dim3A_384) -> (vector<512x1xf32>, vector<512x1xf32>, vector<512x64xf32>)  : i32 {
      %mul3A_465 = arith.constant 512 : i32
      %mul3A_466 = arith.muli %while3A_461, %mul3A_465 : i32
      %get3A_467 = arith.index_cast %mul3A_466 : i32 to index
      %get3A_468 = arith.constant 1856 : index
      %get3A_469 = vector.load %arg1[%get3A_467, %get3A_468] : memref<2048x3072xf32, #tpu.memory_space<vmem>>, vector<512x64xf32>
      %mul3A_470 = arith.constant 512 : i32
      %mul3A_471 = arith.muli %while3A_461, %mul3A_470 : i32
      %get3A_472 = arith.index_cast %mul3A_471 : i32 to index
      %get3A_473 = arith.constant 2880 : index
      %get3A_474 = vector.load %arg1[%get3A_472, %get3A_473] : memref<2048x3072xf32, #tpu.memory_space<vmem>>, vector<512x64xf32>
      %dot_general3A = arith.constant dense<0.000000e+00> : vector<512x512xf32>
      %dot_general3A_475 = tpu.matmul %get3A_378, %get3A_469, %dot_general3A {dimension_numbers = #tpu.dot_dimension_numbers<[1], [1], [0], [0], [0, 0, 1, 0], [], []>, transpose_lhs_hint = false} : vector<512x64xf32>, vector<512x64xf32>, vector<512x512xf32> -> vector<512x512xf32>
      %mul3A_476 = arith.constant 1.250000e-01 : f32
      %mul3A_477 = vector.broadcast %mul3A_476 : f32 to vector<512x512xf32>
      %mul3A_478 = arith.mulf %dot_general3A_475, %mul3A_477 : vector<512x512xf32>
      %mul3A_479 = arith.constant 512 : i32
      %mul3A_480 = arith.muli %while3A_461, %mul3A_479 : i32
      %iota3A_481 = tpu.iota {dimensions = array<i32: 1>} : vector<512x512xi32>
      %add3A_482 = vector.broadcast %mul3A_480 : i32 to vector<512x512xi32>
      %add3A_483 = arith.addi %add3A_482, %iota3A_481 : vector<512x512xi32>
      %le3A = arith.cmpi sle, %add3A_483, %add3A_1 : vector<512x512xi32>
      %jit3A = arith.constant -1.000000e+30 : f32
      %broadcast_in_dim3A_484 = vector.broadcast %jit3A : f32 to vector<512x512xf32>
      %select_n3A = arith.select %le3A, %mul3A_478, %broadcast_in_dim3A_484 : vector<512x512xi1>, vector<512x512xf32>
      %reduce_max3A = arith.constant dense<0xFF800000> : vector<512xf32>
      %reduce_max3A_485 = vector.multi_reduction <maximumf>, %select_n3A, %reduce_max3A [1] : vector<512x512xf32> to vector<512xf32>
      %broadcast_in_dim3A_486 = vector.shape_cast %reduce_max3A_485 : vector<512xf32> to vector<512x1xf32>
      %max3A = arith.maximumf %while3A_462, %broadcast_in_dim3A_486 : vector<512x1xf32>
      %sub3A = vector.broadcast %max3A : vector<512x1xf32> to vector<512x512xf32>
      %sub3A_487 = arith.subf %select_n3A, %sub3A : vector<512x512xf32>
      %exp3A = math.exp %sub3A_487 : vector<512x512xf32>
      %sub3A_488 = arith.subf %while3A_462, %max3A : vector<512x1xf32>
      %exp3A_489 = math.exp %sub3A_488 : vector<512x1xf32>
      %mul3A_490 = arith.mulf %while3A_463, %exp3A_489 : vector<512x1xf32>
      %reduce_sum3A = arith.constant dense<0.000000e+00> : vector<512xf32>
      %reduce_sum3A_491 = vector.multi_reduction <add>, %exp3A, %reduce_sum3A [1] : vector<512x512xf32> to vector<512xf32>
      %broadcast_in_dim3A_492 = vector.shape_cast %reduce_sum3A_491 : vector<512xf32> to vector<512x1xf32>
      %add3A_493 = arith.addf %mul3A_490, %broadcast_in_dim3A_492 : vector<512x1xf32>
      %mul3A_494 = vector.broadcast %exp3A_489 : vector<512x1xf32> to vector<512x64xf32>
      %mul3A_495 = arith.mulf %while3A_464, %mul3A_494 : vector<512x64xf32>
      %dot_general3A_496 = arith.constant dense<0.000000e+00> : vector<512x64xf32>
      %dot_general3A_497 = tpu.matmul %exp3A, %get3A_474, %dot_general3A_496 {dimension_numbers = #tpu.dot_dimension_numbers<[1], [0], [0], [1], [0, 0, 1, 1], [], []>, transpose_lhs_hint = false} : vector<512x512xf32>, vector<512x64xf32>, vector<512x64xf32> -> vector<512x64xf32>
      %add3A_498 = arith.addf %mul3A_495, %dot_general3A_497 : vector<512x64xf32>
      scf.yield %max3A, %add3A_493, %add3A_498 : vector<512x1xf32>, vector<512x1xf32>, vector<512x64xf32>
    }
    %while3A_396 = arith.constant 1 : i32
    %while3A_397:3 = scf.for %while3A_461 = %while3A_393 to %while3A_389 step %while3A_396 iter_args(%while3A_462 = %while3A_395#0, %while3A_463 = %while3A_395#1, %while3A_464 = %while3A_395#2) -> (vector<512x1xf32>, vector<512x1xf32>, vector<512x64xf32>)  : i32 {
      %mul3A_465 = arith.constant 512 : i32
      %mul3A_466 = arith.muli %while3A_461, %mul3A_465 : i32
      %get3A_467 = arith.index_cast %mul3A_466 : i32 to index
      %get3A_468 = arith.constant 1856 : index
      %get3A_469 = vector.load %arg1[%get3A_467, %get3A_468] : memref<2048x3072xf32, #tpu.memory_space<vmem>>, vector<512x64xf32>
      %mul3A_470 = arith.constant 512 : i32
      %mul3A_471 = arith.muli %while3A_461, %mul3A_470 : i32
      %get3A_472 = arith.index_cast %mul3A_471 : i32 to index
      %get3A_473 = arith.constant 2880 : index
      %get3A_474 = vector.load %arg1[%get3A_472, %get3A_473] : memref<2048x3072xf32, #tpu.memory_space<vmem>>, vector<512x64xf32>
      %dot_general3A = arith.constant dense<0.000000e+00> : vector<512x512xf32>
      %dot_general3A_475 = tpu.matmul %get3A_378, %get3A_469, %dot_general3A {dimension_numbers = #tpu.dot_dimension_numbers<[1], [1], [0], [0], [0, 0, 1, 0], [], []>, transpose_lhs_hint = false} : vector<512x64xf32>, vector<512x64xf32>, vector<512x512xf32> -> vector<512x512xf32>
      %mul3A_476 = arith.constant 1.250000e-01 : f32
      %mul3A_477 = vector.broadcast %mul3A_476 : f32 to vector<512x512xf32>
      %mul3A_478 = arith.mulf %dot_general3A_475, %mul3A_477 : vector<512x512xf32>
      %mul3A_479 = arith.constant 512 : i32
      %mul3A_480 = arith.muli %while3A_461, %mul3A_479 : i32
      %iota3A_481 = tpu.iota {dimensions = array<i32: 1>} : vector<512x512xi32>
      %add3A_482 = vector.broadcast %mul3A_480 : i32 to vector<512x512xi32>
      %add3A_483 = arith.addi %add3A_482, %iota3A_481 : vector<512x512xi32>
      %le3A = arith.cmpi sle, %add3A_483, %add3A_1 : vector<512x512xi32>
      %jit3A = arith.constant -1.000000e+30 : f32
      %broadcast_in_dim3A_484 = vector.broadcast %jit3A : f32 to vector<512x512xf32>
      %select_n3A = arith.select %le3A, %mul3A_478, %broadcast_in_dim3A_484 : vector<512x512xi1>, vector<512x512xf32>
      %reduce_max3A = arith.constant dense<0xFF800000> : vector<512xf32>
      %reduce_max3A_485 = vector.multi_reduction <maximumf>, %select_n3A, %reduce_max3A [1] : vector<512x512xf32> to vector<512xf32>
      %broadcast_in_dim3A_486 = vector.shape_cast %reduce_max3A_485 : vector<512xf32> to vector<512x1xf32>
      %max3A = arith.maximumf %while3A_462, %broadcast_in_dim3A_486 : vector<512x1xf32>
      %sub3A = vector.broadcast %max3A : vector<512x1xf32> to vector<512x512xf32>
      %sub3A_487 = arith.subf %select_n3A, %sub3A : vector<512x512xf32>
      %exp3A = math.exp %sub3A_487 : vector<512x512xf32>
      %sub3A_488 = arith.subf %while3A_462, %max3A : vector<512x1xf32>
      %exp3A_489 = math.exp %sub3A_488 : vector<512x1xf32>
      %mul3A_490 = arith.mulf %while3A_463, %exp3A_489 : vector<512x1xf32>
      %reduce_sum3A = arith.constant dense<0.000000e+00> : vector<512xf32>
      %reduce_sum3A_491 = vector.multi_reduction <add>, %exp3A, %reduce_sum3A [1] : vector<512x512xf32> to vector<512xf32>
      %broadcast_in_dim3A_492 = vector.shape_cast %reduce_sum3A_491 : vector<512xf32> to vector<512x1xf32>
      %add3A_493 = arith.addf %mul3A_490, %broadcast_in_dim3A_492 : vector<512x1xf32>
      %mul3A_494 = vector.broadcast %exp3A_489 : vector<512x1xf32> to vector<512x64xf32>
      %mul3A_495 = arith.mulf %while3A_464, %mul3A_494 : vector<512x64xf32>
      %dot_general3A_496 = arith.constant dense<0.000000e+00> : vector<512x64xf32>
      %dot_general3A_497 = tpu.matmul %exp3A, %get3A_474, %dot_general3A_496 {dimension_numbers = #tpu.dot_dimension_numbers<[1], [0], [0], [1], [0, 0, 1, 1], [], []>, transpose_lhs_hint = false} : vector<512x512xf32>, vector<512x64xf32>, vector<512x64xf32> -> vector<512x64xf32>
      %add3A_498 = arith.addf %mul3A_495, %dot_general3A_497 : vector<512x64xf32>
      scf.yield %max3A, %add3A_493, %add3A_498 : vector<512x1xf32>, vector<512x1xf32>, vector<512x64xf32>
    }
    %div3A_398 = vector.broadcast %while3A_397#1 : vector<512x1xf32> to vector<512x64xf32>
    %div3A_399 = arith.divf %while3A_397#2, %div3A_398 : vector<512x64xf32>
    %swap3A_400 = arith.constant 0 : index
    %swap3A_401 = arith.constant 832 : index
    %swap3A_402 = vector.load %arg2[%swap3A_400, %swap3A_401] : memref<512x1024xf32, #tpu.memory_space<vmem>>, vector<512x64xf32>
    tpu.vector_store %arg2[%swap3A_400, %swap3A_401], %div3A_399 {strides = array<i32>} : memref<512x1024xf32, #tpu.memory_space<vmem>>, vector<512x64xf32>,
    %mul3A_403 = arith.constant 512 : i32
    %mul3A_404 = arith.muli %arg0, %mul3A_403 : i32
    %get3A_405 = arith.index_cast %mul3A_404 : i32 to index
    %get3A_406 = arith.constant 896 : index
    %get3A_407 = vector.load %arg1[%get3A_405, %get3A_406] : memref<2048x3072xf32, #tpu.memory_space<vmem>>, vector<512x64xf32>
    %broadcast_in_dim3A_408 = arith.constant -1.000000e+30 : f32
    %broadcast_in_dim3A_409 = vector.broadcast %broadcast_in_dim3A_408 : f32 to vector<512x1xf32>
    %broadcast_in_dim3A_410 = arith.constant 0.000000e+00 : f32
    %broadcast_in_dim3A_411 = vector.broadcast %broadcast_in_dim3A_410 : f32 to vector<512x1xf32>
    %broadcast_in_dim3A_412 = arith.constant 0.000000e+00 : f32
    %broadcast_in_dim3A_413 = vector.broadcast %broadcast_in_dim3A_412 : f32 to vector<512x64xf32>
    %add3A_414 = arith.constant 1 : i32
    %add3A_415 = arith.addi %arg0, %add3A_414 : i32
    %while3A_416 = arith.constant 0 : i32
    %while3A_417 = arith.subi %add3A_415, %while3A_416 : i32
    %while3A_418 = arith.addi %while3A_416, %while3A_417 : i32
    %while3A_419 = arith.constant 1 : i32
    %while3A_420 = arith.divsi %while3A_417, %while3A_419 : i32
    %while3A_421 = arith.muli %while3A_420, %while3A_419 : i32
    %while3A_422 = arith.addi %while3A_416, %while3A_421 : i32
    %while3A_423 = arith.constant 1 : i32
    %while3A_424:3 = scf.for %while3A_461 = %while3A_416 to %while3A_422 step %while3A_423 iter_args(%while3A_462 = %broadcast_in_dim3A_409, %while3A_463 = %broadcast_in_dim3A_411, %while3A_464 = %broadcast_in_dim3A_413) -> (vector<512x1xf32>, vector<512x1xf32>, vector<512x64xf32>)  : i32 {
      %mul3A_465 = arith.constant 512 : i32
      %mul3A_466 = arith.muli %while3A_461, %mul3A_465 : i32
      %get3A_467 = arith.index_cast %mul3A_466 : i32 to index
      %get3A_468 = arith.constant 1920 : index
      %get3A_469 = vector.load %arg1[%get3A_467, %get3A_468] : memref<2048x3072xf32, #tpu.memory_space<vmem>>, vector<512x64xf32>
      %mul3A_470 = arith.constant 512 : i32
      %mul3A_471 = arith.muli %while3A_461, %mul3A_470 : i32
      %get3A_472 = arith.index_cast %mul3A_471 : i32 to index
      %get3A_473 = arith.constant 2944 : index
      %get3A_474 = vector.load %arg1[%get3A_472, %get3A_473] : memref<2048x3072xf32, #tpu.memory_space<vmem>>, vector<512x64xf32>
      %dot_general3A = arith.constant dense<0.000000e+00> : vector<512x512xf32>
      %dot_general3A_475 = tpu.matmul %get3A_407, %get3A_469, %dot_general3A {dimension_numbers = #tpu.dot_dimension_numbers<[1], [1], [0], [0], [0, 0, 1, 0], [], []>, transpose_lhs_hint = false} : vector<512x64xf32>, vector<512x64xf32>, vector<512x512xf32> -> vector<512x512xf32>
      %mul3A_476 = arith.constant 1.250000e-01 : f32
      %mul3A_477 = vector.broadcast %mul3A_476 : f32 to vector<512x512xf32>
      %mul3A_478 = arith.mulf %dot_general3A_475, %mul3A_477 : vector<512x512xf32>
      %mul3A_479 = arith.constant 512 : i32
      %mul3A_480 = arith.muli %while3A_461, %mul3A_479 : i32
      %iota3A_481 = tpu.iota {dimensions = array<i32: 1>} : vector<512x512xi32>
      %add3A_482 = vector.broadcast %mul3A_480 : i32 to vector<512x512xi32>
      %add3A_483 = arith.addi %add3A_482, %iota3A_481 : vector<512x512xi32>
      %le3A = arith.cmpi sle, %add3A_483, %add3A_1 : vector<512x512xi32>
      %jit3A = arith.constant -1.000000e+30 : f32
      %broadcast_in_dim3A_484 = vector.broadcast %jit3A : f32 to vector<512x512xf32>
      %select_n3A = arith.select %le3A, %mul3A_478, %broadcast_in_dim3A_484 : vector<512x512xi1>, vector<512x512xf32>
      %reduce_max3A = arith.constant dense<0xFF800000> : vector<512xf32>
      %reduce_max3A_485 = vector.multi_reduction <maximumf>, %select_n3A, %reduce_max3A [1] : vector<512x512xf32> to vector<512xf32>
      %broadcast_in_dim3A_486 = vector.shape_cast %reduce_max3A_485 : vector<512xf32> to vector<512x1xf32>
      %max3A = arith.maximumf %while3A_462, %broadcast_in_dim3A_486 : vector<512x1xf32>
      %sub3A = vector.broadcast %max3A : vector<512x1xf32> to vector<512x512xf32>
      %sub3A_487 = arith.subf %select_n3A, %sub3A : vector<512x512xf32>
      %exp3A = math.exp %sub3A_487 : vector<512x512xf32>
      %sub3A_488 = arith.subf %while3A_462, %max3A : vector<512x1xf32>
      %exp3A_489 = math.exp %sub3A_488 : vector<512x1xf32>
      %mul3A_490 = arith.mulf %while3A_463, %exp3A_489 : vector<512x1xf32>
      %reduce_sum3A = arith.constant dense<0.000000e+00> : vector<512xf32>
      %reduce_sum3A_491 = vector.multi_reduction <add>, %exp3A, %reduce_sum3A [1] : vector<512x512xf32> to vector<512xf32>
      %broadcast_in_dim3A_492 = vector.shape_cast %reduce_sum3A_491 : vector<512xf32> to vector<512x1xf32>
      %add3A_493 = arith.addf %mul3A_490, %broadcast_in_dim3A_492 : vector<512x1xf32>
      %mul3A_494 = vector.broadcast %exp3A_489 : vector<512x1xf32> to vector<512x64xf32>
      %mul3A_495 = arith.mulf %while3A_464, %mul3A_494 : vector<512x64xf32>
      %dot_general3A_496 = arith.constant dense<0.000000e+00> : vector<512x64xf32>
      %dot_general3A_497 = tpu.matmul %exp3A, %get3A_474, %dot_general3A_496 {dimension_numbers = #tpu.dot_dimension_numbers<[1], [0], [0], [1], [0, 0, 1, 1], [], []>, transpose_lhs_hint = false} : vector<512x512xf32>, vector<512x64xf32>, vector<512x64xf32> -> vector<512x64xf32>
      %add3A_498 = arith.addf %mul3A_495, %dot_general3A_497 : vector<512x64xf32>
      scf.yield %max3A, %add3A_493, %add3A_498 : vector<512x1xf32>, vector<512x1xf32>, vector<512x64xf32>
    }
    %while3A_425 = arith.constant 1 : i32
    %while3A_426:3 = scf.for %while3A_461 = %while3A_422 to %while3A_418 step %while3A_425 iter_args(%while3A_462 = %while3A_424#0, %while3A_463 = %while3A_424#1, %while3A_464 = %while3A_424#2) -> (vector<512x1xf32>, vector<512x1xf32>, vector<512x64xf32>)  : i32 {
      %mul3A_465 = arith.constant 512 : i32
      %mul3A_466 = arith.muli %while3A_461, %mul3A_465 : i32
      %get3A_467 = arith.index_cast %mul3A_466 : i32 to index
      %get3A_468 = arith.constant 1920 : index
      %get3A_469 = vector.load %arg1[%get3A_467, %get3A_468] : memref<2048x3072xf32, #tpu.memory_space<vmem>>, vector<512x64xf32>
      %mul3A_470 = arith.constant 512 : i32
      %mul3A_471 = arith.muli %while3A_461, %mul3A_470 : i32
      %get3A_472 = arith.index_cast %mul3A_471 : i32 to index
      %get3A_473 = arith.constant 2944 : index
      %get3A_474 = vector.load %arg1[%get3A_472, %get3A_473] : memref<2048x3072xf32, #tpu.memory_space<vmem>>, vector<512x64xf32>
      %dot_general3A = arith.constant dense<0.000000e+00> : vector<512x512xf32>
      %dot_general3A_475 = tpu.matmul %get3A_407, %get3A_469, %dot_general3A {dimension_numbers = #tpu.dot_dimension_numbers<[1], [1], [0], [0], [0, 0, 1, 0], [], []>, transpose_lhs_hint = false} : vector<512x64xf32>, vector<512x64xf32>, vector<512x512xf32> -> vector<512x512xf32>
      %mul3A_476 = arith.constant 1.250000e-01 : f32
      %mul3A_477 = vector.broadcast %mul3A_476 : f32 to vector<512x512xf32>
      %mul3A_478 = arith.mulf %dot_general3A_475, %mul3A_477 : vector<512x512xf32>
      %mul3A_479 = arith.constant 512 : i32
      %mul3A_480 = arith.muli %while3A_461, %mul3A_479 : i32
      %iota3A_481 = tpu.iota {dimensions = array<i32: 1>} : vector<512x512xi32>
      %add3A_482 = vector.broadcast %mul3A_480 : i32 to vector<512x512xi32>
      %add3A_483 = arith.addi %add3A_482, %iota3A_481 : vector<512x512xi32>
      %le3A = arith.cmpi sle, %add3A_483, %add3A_1 : vector<512x512xi32>
      %jit3A = arith.constant -1.000000e+30 : f32
      %broadcast_in_dim3A_484 = vector.broadcast %jit3A : f32 to vector<512x512xf32>
      %select_n3A = arith.select %le3A, %mul3A_478, %broadcast_in_dim3A_484 : vector<512x512xi1>, vector<512x512xf32>
      %reduce_max3A = arith.constant dense<0xFF800000> : vector<512xf32>
      %reduce_max3A_485 = vector.multi_reduction <maximumf>, %select_n3A, %reduce_max3A [1] : vector<512x512xf32> to vector<512xf32>
      %broadcast_in_dim3A_486 = vector.shape_cast %reduce_max3A_485 : vector<512xf32> to vector<512x1xf32>
      %max3A = arith.maximumf %while3A_462, %broadcast_in_dim3A_486 : vector<512x1xf32>
      %sub3A = vector.broadcast %max3A : vector<512x1xf32> to vector<512x512xf32>
      %sub3A_487 = arith.subf %select_n3A, %sub3A : vector<512x512xf32>
      %exp3A = math.exp %sub3A_487 : vector<512x512xf32>
      %sub3A_488 = arith.subf %while3A_462, %max3A : vector<512x1xf32>
      %exp3A_489 = math.exp %sub3A_488 : vector<512x1xf32>
      %mul3A_490 = arith.mulf %while3A_463, %exp3A_489 : vector<512x1xf32>
      %reduce_sum3A = arith.constant dense<0.000000e+00> : vector<512xf32>
      %reduce_sum3A_491 = vector.multi_reduction <add>, %exp3A, %reduce_sum3A [1] : vector<512x512xf32> to vector<512xf32>
      %broadcast_in_dim3A_492 = vector.shape_cast %reduce_sum3A_491 : vector<512xf32> to vector<512x1xf32>
      %add3A_493 = arith.addf %mul3A_490, %broadcast_in_dim3A_492 : vector<512x1xf32>
      %mul3A_494 = vector.broadcast %exp3A_489 : vector<512x1xf32> to vector<512x64xf32>
      %mul3A_495 = arith.mulf %while3A_464, %mul3A_494 : vector<512x64xf32>
      %dot_general3A_496 = arith.constant dense<0.000000e+00> : vector<512x64xf32>
      %dot_general3A_497 = tpu.matmul %exp3A, %get3A_474, %dot_general3A_496 {dimension_numbers = #tpu.dot_dimension_numbers<[1], [0], [0], [1], [0, 0, 1, 1], [], []>, transpose_lhs_hint = false} : vector<512x512xf32>, vector<512x64xf32>, vector<512x64xf32> -> vector<512x64xf32>
      %add3A_498 = arith.addf %mul3A_495, %dot_general3A_497 : vector<512x64xf32>
      scf.yield %max3A, %add3A_493, %add3A_498 : vector<512x1xf32>, vector<512x1xf32>, vector<512x64xf32>
    }
    %div3A_427 = vector.broadcast %while3A_426#1 : vector<512x1xf32> to vector<512x64xf32>
    %div3A_428 = arith.divf %while3A_426#2, %div3A_427 : vector<512x64xf32>
    %swap3A_429 = arith.constant 0 : index
    %swap3A_430 = arith.constant 896 : index
    %swap3A_431 = vector.load %arg2[%swap3A_429, %swap3A_430] : memref<512x1024xf32, #tpu.memory_space<vmem>>, vector<512x64xf32>
    tpu.vector_store %arg2[%swap3A_429, %swap3A_430], %div3A_428 {strides = array<i32>} : memref<512x1024xf32, #tpu.memory_space<vmem>>, vector<512x64xf32>,
    %mul3A_432 = arith.constant 512 : i32
    %mul3A_433 = arith.muli %arg0, %mul3A_432 : i32
    %get3A_434 = arith.index_cast %mul3A_433 : i32 to index
    %get3A_435 = arith.constant 960 : index
    %get3A_436 = vector.load %arg1[%get3A_434, %get3A_435] : memref<2048x3072xf32, #tpu.memory_space<vmem>>, vector<512x64xf32>
    %broadcast_in_dim3A_437 = arith.constant -1.000000e+30 : f32
    %broadcast_in_dim3A_438 = vector.broadcast %broadcast_in_dim3A_437 : f32 to vector<512x1xf32>
    %broadcast_in_dim3A_439 = arith.constant 0.000000e+00 : f32
    %broadcast_in_dim3A_440 = vector.broadcast %broadcast_in_dim3A_439 : f32 to vector<512x1xf32>
    %broadcast_in_dim3A_441 = arith.constant 0.000000e+00 : f32
    %broadcast_in_dim3A_442 = vector.broadcast %broadcast_in_dim3A_441 : f32 to vector<512x64xf32>
    %add3A_443 = arith.constant 1 : i32
    %add3A_444 = arith.addi %arg0, %add3A_443 : i32
    %while3A_445 = arith.constant 0 : i32
    %while3A_446 = arith.subi %add3A_444, %while3A_445 : i32
    %while3A_447 = arith.addi %while3A_445, %while3A_446 : i32
    %while3A_448 = arith.constant 1 : i32
    %while3A_449 = arith.divsi %while3A_446, %while3A_448 : i32
    %while3A_450 = arith.muli %while3A_449, %while3A_448 : i32
    %while3A_451 = arith.addi %while3A_445, %while3A_450 : i32
    %while3A_452 = arith.constant 1 : i32
    %while3A_453:3 = scf.for %while3A_461 = %while3A_445 to %while3A_451 step %while3A_452 iter_args(%while3A_462 = %broadcast_in_dim3A_438, %while3A_463 = %broadcast_in_dim3A_440, %while3A_464 = %broadcast_in_dim3A_442) -> (vector<512x1xf32>, vector<512x1xf32>, vector<512x64xf32>)  : i32 {
      %mul3A_465 = arith.constant 512 : i32
      %mul3A_466 = arith.muli %while3A_461, %mul3A_465 : i32
      %get3A_467 = arith.index_cast %mul3A_466 : i32 to index
      %get3A_468 = arith.constant 1984 : index
      %get3A_469 = vector.load %arg1[%get3A_467, %get3A_468] : memref<2048x3072xf32, #tpu.memory_space<vmem>>, vector<512x64xf32>
      %mul3A_470 = arith.constant 512 : i32
      %mul3A_471 = arith.muli %while3A_461, %mul3A_470 : i32
      %get3A_472 = arith.index_cast %mul3A_471 : i32 to index
      %get3A_473 = arith.constant 3008 : index
      %get3A_474 = vector.load %arg1[%get3A_472, %get3A_473] : memref<2048x3072xf32, #tpu.memory_space<vmem>>, vector<512x64xf32>
      %dot_general3A = arith.constant dense<0.000000e+00> : vector<512x512xf32>
      %dot_general3A_475 = tpu.matmul %get3A_436, %get3A_469, %dot_general3A {dimension_numbers = #tpu.dot_dimension_numbers<[1], [1], [0], [0], [0, 0, 1, 0], [], []>, transpose_lhs_hint = false} : vector<512x64xf32>, vector<512x64xf32>, vector<512x512xf32> -> vector<512x512xf32>
      %mul3A_476 = arith.constant 1.250000e-01 : f32
      %mul3A_477 = vector.broadcast %mul3A_476 : f32 to vector<512x512xf32>
      %mul3A_478 = arith.mulf %dot_general3A_475, %mul3A_477 : vector<512x512xf32>
      %mul3A_479 = arith.constant 512 : i32
      %mul3A_480 = arith.muli %while3A_461, %mul3A_479 : i32
      %iota3A_481 = tpu.iota {dimensions = array<i32: 1>} : vector<512x512xi32>
      %add3A_482 = vector.broadcast %mul3A_480 : i32 to vector<512x512xi32>
      %add3A_483 = arith.addi %add3A_482, %iota3A_481 : vector<512x512xi32>
      %le3A = arith.cmpi sle, %add3A_483, %add3A_1 : vector<512x512xi32>
      %jit3A = arith.constant -1.000000e+30 : f32
      %broadcast_in_dim3A_484 = vector.broadcast %jit3A : f32 to vector<512x512xf32>
      %select_n3A = arith.select %le3A, %mul3A_478, %broadcast_in_dim3A_484 : vector<512x512xi1>, vector<512x512xf32>
      %reduce_max3A = arith.constant dense<0xFF800000> : vector<512xf32>
      %reduce_max3A_485 = vector.multi_reduction <maximumf>, %select_n3A, %reduce_max3A [1] : vector<512x512xf32> to vector<512xf32>
      %broadcast_in_dim3A_486 = vector.shape_cast %reduce_max3A_485 : vector<512xf32> to vector<512x1xf32>
      %max3A = arith.maximumf %while3A_462, %broadcast_in_dim3A_486 : vector<512x1xf32>
      %sub3A = vector.broadcast %max3A : vector<512x1xf32> to vector<512x512xf32>
      %sub3A_487 = arith.subf %select_n3A, %sub3A : vector<512x512xf32>
      %exp3A = math.exp %sub3A_487 : vector<512x512xf32>
      %sub3A_488 = arith.subf %while3A_462, %max3A : vector<512x1xf32>
      %exp3A_489 = math.exp %sub3A_488 : vector<512x1xf32>
      %mul3A_490 = arith.mulf %while3A_463, %exp3A_489 : vector<512x1xf32>
      %reduce_sum3A = arith.constant dense<0.000000e+00> : vector<512xf32>
      %reduce_sum3A_491 = vector.multi_reduction <add>, %exp3A, %reduce_sum3A [1] : vector<512x512xf32> to vector<512xf32>
      %broadcast_in_dim3A_492 = vector.shape_cast %reduce_sum3A_491 : vector<512xf32> to vector<512x1xf32>
      %add3A_493 = arith.addf %mul3A_490, %broadcast_in_dim3A_492 : vector<512x1xf32>
      %mul3A_494 = vector.broadcast %exp3A_489 : vector<512x1xf32> to vector<512x64xf32>
      %mul3A_495 = arith.mulf %while3A_464, %mul3A_494 : vector<512x64xf32>
      %dot_general3A_496 = arith.constant dense<0.000000e+00> : vector<512x64xf32>
      %dot_general3A_497 = tpu.matmul %exp3A, %get3A_474, %dot_general3A_496 {dimension_numbers = #tpu.dot_dimension_numbers<[1], [0], [0], [1], [0, 0, 1, 1], [], []>, transpose_lhs_hint = false} : vector<512x512xf32>, vector<512x64xf32>, vector<512x64xf32> -> vector<512x64xf32>
      %add3A_498 = arith.addf %mul3A_495, %dot_general3A_497 : vector<512x64xf32>
      scf.yield %max3A, %add3A_493, %add3A_498 : vector<512x1xf32>, vector<512x1xf32>, vector<512x64xf32>
    }
    %while3A_454 = arith.constant 1 : i32
    %while3A_455:3 = scf.for %while3A_461 = %while3A_451 to %while3A_447 step %while3A_454 iter_args(%while3A_462 = %while3A_453#0, %while3A_463 = %while3A_453#1, %while3A_464 = %while3A_453#2) -> (vector<512x1xf32>, vector<512x1xf32>, vector<512x64xf32>)  : i32 {
      %mul3A_465 = arith.constant 512 : i32
      %mul3A_466 = arith.muli %while3A_461, %mul3A_465 : i32
      %get3A_467 = arith.index_cast %mul3A_466 : i32 to index
      %get3A_468 = arith.constant 1984 : index
      %get3A_469 = vector.load %arg1[%get3A_467, %get3A_468] : memref<2048x3072xf32, #tpu.memory_space<vmem>>, vector<512x64xf32>
      %mul3A_470 = arith.constant 512 : i32
      %mul3A_471 = arith.muli %while3A_461, %mul3A_470 : i32
      %get3A_472 = arith.index_cast %mul3A_471 : i32 to index
      %get3A_473 = arith.constant 3008 : index
      %get3A_474 = vector.load %arg1[%get3A_472, %get3A_473] : memref<2048x3072xf32, #tpu.memory_space<vmem>>, vector<512x64xf32>
      %dot_general3A = arith.constant dense<0.000000e+00> : vector<512x512xf32>
      %dot_general3A_475 = tpu.matmul %get3A_436, %get3A_469, %dot_general3A {dimension_numbers = #tpu.dot_dimension_numbers<[1], [1], [0], [0], [0, 0, 1, 0], [], []>, transpose_lhs_hint = false} : vector<512x64xf32>, vector<512x64xf32>, vector<512x512xf32> -> vector<512x512xf32>
      %mul3A_476 = arith.constant 1.250000e-01 : f32
      %mul3A_477 = vector.broadcast %mul3A_476 : f32 to vector<512x512xf32>
      %mul3A_478 = arith.mulf %dot_general3A_475, %mul3A_477 : vector<512x512xf32>
      %mul3A_479 = arith.constant 512 : i32
      %mul3A_480 = arith.muli %while3A_461, %mul3A_479 : i32
      %iota3A_481 = tpu.iota {dimensions = array<i32: 1>} : vector<512x512xi32>
      %add3A_482 = vector.broadcast %mul3A_480 : i32 to vector<512x512xi32>
      %add3A_483 = arith.addi %add3A_482, %iota3A_481 : vector<512x512xi32>
      %le3A = arith.cmpi sle, %add3A_483, %add3A_1 : vector<512x512xi32>
      %jit3A = arith.constant -1.000000e+30 : f32
      %broadcast_in_dim3A_484 = vector.broadcast %jit3A : f32 to vector<512x512xf32>
      %select_n3A = arith.select %le3A, %mul3A_478, %broadcast_in_dim3A_484 : vector<512x512xi1>, vector<512x512xf32>
      %reduce_max3A = arith.constant dense<0xFF800000> : vector<512xf32>
      %reduce_max3A_485 = vector.multi_reduction <maximumf>, %select_n3A, %reduce_max3A [1] : vector<512x512xf32> to vector<512xf32>
      %broadcast_in_dim3A_486 = vector.shape_cast %reduce_max3A_485 : vector<512xf32> to vector<512x1xf32>
      %max3A = arith.maximumf %while3A_462, %broadcast_in_dim3A_486 : vector<512x1xf32>
      %sub3A = vector.broadcast %max3A : vector<512x1xf32> to vector<512x512xf32>
      %sub3A_487 = arith.subf %select_n3A, %sub3A : vector<512x512xf32>
      %exp3A = math.exp %sub3A_487 : vector<512x512xf32>
      %sub3A_488 = arith.subf %while3A_462, %max3A : vector<512x1xf32>
      %exp3A_489 = math.exp %sub3A_488 : vector<512x1xf32>
      %mul3A_490 = arith.mulf %while3A_463, %exp3A_489 : vector<512x1xf32>
      %reduce_sum3A = arith.constant dense<0.000000e+00> : vector<512xf32>
      %reduce_sum3A_491 = vector.multi_reduction <add>, %exp3A, %reduce_sum3A [1] : vector<512x512xf32> to vector<512xf32>
      %broadcast_in_dim3A_492 = vector.shape_cast %reduce_sum3A_491 : vector<512xf32> to vector<512x1xf32>
      %add3A_493 = arith.addf %mul3A_490, %broadcast_in_dim3A_492 : vector<512x1xf32>
      %mul3A_494 = vector.broadcast %exp3A_489 : vector<512x1xf32> to vector<512x64xf32>
      %mul3A_495 = arith.mulf %while3A_464, %mul3A_494 : vector<512x64xf32>
      %dot_general3A_496 = arith.constant dense<0.000000e+00> : vector<512x64xf32>
      %dot_general3A_497 = tpu.matmul %exp3A, %get3A_474, %dot_general3A_496 {dimension_numbers = #tpu.dot_dimension_numbers<[1], [0], [0], [1], [0, 0, 1, 1], [], []>, transpose_lhs_hint = false} : vector<512x512xf32>, vector<512x64xf32>, vector<512x64xf32> -> vector<512x64xf32>
      %add3A_498 = arith.addf %mul3A_495, %dot_general3A_497 : vector<512x64xf32>
      scf.yield %max3A, %add3A_493, %add3A_498 : vector<512x1xf32>, vector<512x1xf32>, vector<512x64xf32>
    }
    %div3A_456 = vector.broadcast %while3A_455#1 : vector<512x1xf32> to vector<512x64xf32>
    %div3A_457 = arith.divf %while3A_455#2, %div3A_456 : vector<512x64xf32>
    %swap3A_458 = arith.constant 0 : index
    %swap3A_459 = arith.constant 960 : index
    %swap3A_460 = vector.load %arg2[%swap3A_458, %swap3A_459] : memref<512x1024xf32, #tpu.memory_space<vmem>>, vector<512x64xf32>
    tpu.vector_store %arg2[%swap3A_458, %swap3A_459], %div3A_457 {strides = array<i32>} : memref<512x1024xf32, #tpu.memory_space<vmem>>, vector<512x64xf32>,
    return
  }
  func.func @transform_0(%arg0: i32) -> (i32, i32) {
    %c0_i32 = arith.constant 0 : i32
    %c0_i32_0 = arith.constant 0 : i32
    %c0_i32_1 = arith.constant 0 : i32
    return %c0_i32, %c0_i32_0 : i32, i32
  }
  func.func @transform_1(%arg0: i32) -> (i32, i32) {
    %c0_i32 = arith.constant 0 : i32
    %c0_i32_0 = arith.constant 0 : i32
    return %arg0, %c0_i32 : i32, i32
  }
}

module attributes {stable_mosaic.version = 14 : i64} {
  func.func @_proj_body(%arg0: i32, %arg1: memref<256x1024xf32, #tpu.memory_space<vmem>>, %arg2: memref<256x1024xf32, #tpu.memory_space<vmem>>, %arg3: memref<1024x1024xf32, #tpu.memory_space<vmem>>, %arg4: memref<1x1024xf32, #tpu.memory_space<vmem>>, %arg5: memref<1024x512xbf16, #tpu.memory_space<vmem>>, %arg6: memref<1024x512xbf16, #tpu.memory_space<vmem>>, %arg7: memref<512x1024xbf16, #tpu.memory_space<vmem>>, %arg8: memref<256x1024xf32, #tpu.memory_space<vmem>>, %arg9: memref<256x1024xbf16, #tpu.memory_space<vmem>>, %arg10: memref<256x1024xf32, #tpu.memory_space<vmem>>) attributes {dimension_semantics = [#tpu.dimension_semantics<arbitrary>], iteration_bounds = array<i64: 8>, scalar_prefetch = 0 : i64, scratch_operands = 0 : i64, tpu.core_type = #tpu.core_type<tc>, window_params = [{transform_indices = @transform_0, window_bounds = array<i64: 256, 1024>}, {transform_indices = @transform_1, window_bounds = array<i64: 256, 1024>}, {pipeline_mode = #tpu.pipeline_mode<synchronous>, transform_indices = @transform_2, window_bounds = array<i64: 1024, 1024>}, {pipeline_mode = #tpu.pipeline_mode<synchronous>, transform_indices = @transform_3, window_bounds = array<i64: 1, 1024>}, {pipeline_mode = #tpu.pipeline_mode<synchronous>, transform_indices = @transform_4, window_bounds = array<i64: 1024, 512>}, {pipeline_mode = #tpu.pipeline_mode<synchronous>, transform_indices = @transform_5, window_bounds = array<i64: 1024, 512>}, {pipeline_mode = #tpu.pipeline_mode<synchronous>, transform_indices = @transform_6, window_bounds = array<i64: 512, 1024>}, {transform_indices = @transform_7, window_bounds = array<i64: 256, 1024>}, {transform_indices = @transform_8, window_bounds = array<i64: 256, 1024>}, {transform_indices = @transform_9, window_bounds = array<i64: 256, 1024>}]} {
    %get3A = arith.constant 0 : index
    %get3A_0 = arith.constant 0 : index
    %get3A_1 = vector.load %arg1[%get3A, %get3A_0] : memref<256x1024xf32, #tpu.memory_space<vmem>>, vector<256x1024xf32>
    %get3A_2 = arith.constant 0 : index
    %get3A_3 = arith.constant 0 : index
    %get3A_4 = vector.load %arg3[%get3A_2, %get3A_3] : memref<1024x1024xf32, #tpu.memory_space<vmem>>, vector<1024x1024xf32>
    %dot_general3A = arith.constant dense<0.000000e+00> : vector<256x1024xf32>
    %dot_general3A_5 = tpu.matmul %get3A_1, %get3A_4, %dot_general3A {dimension_numbers = #tpu.dot_dimension_numbers<[1], [1], [0], [0], [0, 0, 1, 0], [], []>, transpose_lhs_hint = false} : vector<256x1024xf32>, vector<1024x1024xf32>, vector<256x1024xf32> -> vector<256x1024xf32>
    %get3A_6 = arith.constant 0 : index
    %get3A_7 = arith.constant 0 : index
    %get3A_8 = vector.load %arg2[%get3A_6, %get3A_7] : memref<256x1024xf32, #tpu.memory_space<vmem>>, vector<256x1024xf32>
    %add3A = arith.addf %get3A_8, %dot_general3A_5 : vector<256x1024xf32>
    %swap3A = arith.constant 0 : index
    %swap3A_9 = arith.constant 0 : index
    %swap3A_10 = vector.load %arg8[%swap3A, %swap3A_9] : memref<256x1024xf32, #tpu.memory_space<vmem>>, vector<256x1024xf32>
    tpu.vector_store %arg8[%swap3A, %swap3A_9], %add3A {strides = array<i32>} : memref<256x1024xf32, #tpu.memory_space<vmem>>, vector<256x1024xf32>,
    %get3A_11 = arith.constant 0 : index
    %get3A_12 = arith.constant 0 : index
    %get3A_13 = vector.load %arg4[%get3A_11, %get3A_12] : memref<1x1024xf32, #tpu.memory_space<vmem>>, vector<1x1024xf32>
    %mul3A = arith.mulf %add3A, %add3A : vector<256x1024xf32>
    %reduce_sum3A = arith.constant dense<0.000000e+00> : vector<256xf32>
    %reduce_sum3A_14 = vector.multi_reduction <add>, %mul3A, %reduce_sum3A [1] : vector<256x1024xf32> to vector<256xf32>
    %broadcast_in_dim3A = vector.shape_cast %reduce_sum3A_14 : vector<256xf32> to vector<256x1xf32>
    %div3A = arith.constant 1.024000e+03 : f32
    %div3A_15 = vector.broadcast %div3A : f32 to vector<256x1xf32>
    %div3A_16 = arith.divf %broadcast_in_dim3A, %div3A_15 : vector<256x1xf32>
    %add3A_17 = arith.constant 9.99999997E-7 : f32
    %add3A_18 = vector.broadcast %add3A_17 : f32 to vector<256x1xf32>
    %add3A_19 = arith.addf %div3A_16, %add3A_18 : vector<256x1xf32>
    %sqrt3A = math.sqrt %add3A_19 : vector<256x1xf32>
    %div3A_20 = vector.broadcast %sqrt3A : vector<256x1xf32> to vector<256x1024xf32>
    %div3A_21 = arith.divf %add3A, %div3A_20 : vector<256x1024xf32>
    %mul3A_22 = vector.broadcast %get3A_13 : vector<1x1024xf32> to vector<256x1024xf32>
    %mul3A_23 = arith.mulf %div3A_21, %mul3A_22 : vector<256x1024xf32>
    %convert_element_type3A = arith.truncf %mul3A_23 : vector<256x1024xf32> to vector<256x1024xbf16>
    %swap3A_24 = arith.constant 0 : index
    %swap3A_25 = arith.constant 0 : index
    %swap3A_26 = vector.load %arg9[%swap3A_24, %swap3A_25] : memref<256x1024xbf16, #tpu.memory_space<vmem>>, vector<256x1024xbf16>
    tpu.vector_store %arg9[%swap3A_24, %swap3A_25], %convert_element_type3A {strides = array<i32>} : memref<256x1024xbf16, #tpu.memory_space<vmem>>, vector<256x1024xbf16>,
    %get3A_27 = arith.constant 0 : index
    %get3A_28 = arith.constant 0 : index
    %get3A_29 = vector.load %arg5[%get3A_27, %get3A_28] : memref<1024x512xbf16, #tpu.memory_space<vmem>>, vector<1024x512xbf16>
    %dot_general3A_30 = arith.constant dense<0.000000e+00> : vector<256x512xf32>
    %dot_general3A_31 = tpu.matmul %convert_element_type3A, %get3A_29, %dot_general3A_30 {dimension_numbers = #tpu.dot_dimension_numbers<[1], [0], [0], [1], [0, 0, 1, 1], [], []>, transpose_lhs_hint = false} : vector<256x1024xbf16>, vector<1024x512xbf16>, vector<256x512xf32> -> vector<256x512xf32>
    %get3A_32 = arith.constant 0 : index
    %get3A_33 = arith.constant 0 : index
    %get3A_34 = vector.load %arg6[%get3A_32, %get3A_33] : memref<1024x512xbf16, #tpu.memory_space<vmem>>, vector<1024x512xbf16>
    %dot_general3A_35 = arith.constant dense<0.000000e+00> : vector<256x512xf32>
    %dot_general3A_36 = tpu.matmul %convert_element_type3A, %get3A_34, %dot_general3A_35 {dimension_numbers = #tpu.dot_dimension_numbers<[1], [0], [0], [1], [0, 0, 1, 1], [], []>, transpose_lhs_hint = false} : vector<256x1024xbf16>, vector<1024x512xbf16>, vector<256x512xf32> -> vector<256x512xf32>
    %logistic3A = arith.negf %dot_general3A_31 : vector<256x512xf32>
    %logistic3A_37 = math.exp %logistic3A : vector<256x512xf32>
    %logistic3A_38 = arith.constant 1.000000e+00 : f32
    %logistic3A_39 = vector.broadcast %logistic3A_38 : f32 to vector<256x512xf32>
    %logistic3A_40 = arith.addf %logistic3A_39, %logistic3A_37 : vector<256x512xf32>
    %logistic3A_41 = arith.divf %logistic3A_39, %logistic3A_40 : vector<256x512xf32>
    %mul3A_42 = arith.mulf %dot_general3A_31, %logistic3A_41 : vector<256x512xf32>
    %mul3A_43 = arith.mulf %mul3A_42, %dot_general3A_36 : vector<256x512xf32>
    %convert_element_type3A_44 = arith.truncf %mul3A_43 : vector<256x512xf32> to vector<256x512xbf16>
    %get3A_45 = arith.constant 0 : index
    %get3A_46 = arith.constant 0 : index
    %get3A_47 = vector.load %arg7[%get3A_45, %get3A_46] : memref<512x1024xbf16, #tpu.memory_space<vmem>>, vector<512x1024xbf16>
    %dot_general3A_48 = arith.constant dense<0.000000e+00> : vector<256x1024xf32>
    %dot_general3A_49 = tpu.matmul %convert_element_type3A_44, %get3A_47, %dot_general3A_48 {dimension_numbers = #tpu.dot_dimension_numbers<[1], [0], [0], [1], [0, 0, 1, 1], [], []>, transpose_lhs_hint = false} : vector<256x512xbf16>, vector<512x1024xbf16>, vector<256x1024xf32> -> vector<256x1024xf32>
    %swap3A_50 = arith.constant 0 : index
    %swap3A_51 = arith.constant 0 : index
    %swap3A_52 = vector.load %arg10[%swap3A_50, %swap3A_51] : memref<256x1024xf32, #tpu.memory_space<vmem>>, vector<256x1024xf32>
    tpu.vector_store %arg10[%swap3A_50, %swap3A_51], %dot_general3A_49 {strides = array<i32>} : memref<256x1024xf32, #tpu.memory_space<vmem>>, vector<256x1024xf32>,
    return
  }
  func.func @transform_0(%arg0: i32) -> (i32, i32) {
    %c0_i32 = arith.constant 0 : i32
    %c0_i32_0 = arith.constant 0 : i32
    return %arg0, %c0_i32 : i32, i32
  }
  func.func @transform_1(%arg0: i32) -> (i32, i32) {
    %c0_i32 = arith.constant 0 : i32
    %c0_i32_0 = arith.constant 0 : i32
    return %arg0, %c0_i32 : i32, i32
  }
  func.func @transform_2(%arg0: i32) -> (i32, i32) {
    %c0_i32 = arith.constant 0 : i32
    %c0_i32_0 = arith.constant 0 : i32
    %c0_i32_1 = arith.constant 0 : i32
    return %c0_i32, %c0_i32_0 : i32, i32
  }
  func.func @transform_3(%arg0: i32) -> (i32, i32) {
    %c0_i32 = arith.constant 0 : i32
    %c0_i32_0 = arith.constant 0 : i32
    %c0_i32_1 = arith.constant 0 : i32
    return %c0_i32, %c0_i32_0 : i32, i32
  }
  func.func @transform_4(%arg0: i32) -> (i32, i32) {
    %c0_i32 = arith.constant 0 : i32
    %c0_i32_0 = arith.constant 0 : i32
    %c0_i32_1 = arith.constant 0 : i32
    return %c0_i32, %c0_i32_0 : i32, i32
  }
  func.func @transform_5(%arg0: i32) -> (i32, i32) {
    %c0_i32 = arith.constant 0 : i32
    %c0_i32_0 = arith.constant 0 : i32
    %c0_i32_1 = arith.constant 0 : i32
    return %c0_i32, %c0_i32_0 : i32, i32
  }
  func.func @transform_6(%arg0: i32) -> (i32, i32) {
    %c0_i32 = arith.constant 0 : i32
    %c0_i32_0 = arith.constant 0 : i32
    %c0_i32_1 = arith.constant 0 : i32
    return %c0_i32, %c0_i32_0 : i32, i32
  }
  func.func @transform_7(%arg0: i32) -> (i32, i32) {
    %c0_i32 = arith.constant 0 : i32
    %c0_i32_0 = arith.constant 0 : i32
    return %arg0, %c0_i32 : i32, i32
  }
  func.func @transform_8(%arg0: i32) -> (i32, i32) {
    %c0_i32 = arith.constant 0 : i32
    %c0_i32_0 = arith.constant 0 : i32
    return %arg0, %c0_i32 : i32, i32
  }
  func.func @transform_9(%arg0: i32) -> (i32, i32) {
    %c0_i32 = arith.constant 0 : i32
    %c0_i32_0 = arith.constant 0 : i32
    return %arg0, %c0_i32 : i32, i32
  }
}

module attributes {stable_mosaic.version = 14 : i64} {
  func.func @_router_body(%arg0: i32, %arg1: memref<2048x1024xf32, #tpu.memory_space<vmem>>, %arg2: memref<1x1024xf32, #tpu.memory_space<vmem>>, %arg3: memref<8x1024xf32, #tpu.memory_space<vmem>>, %arg4: memref<2048x2xf32, #tpu.memory_space<vmem>>, %arg5: memref<6144x1xi32, #tpu.memory_space<vmem>>, %arg6: memref<24x1xi32, #tpu.memory_space<vmem>>, %arg7: memref<1x1xf32, #tpu.memory_space<vmem>>) attributes {dimension_semantics = [#tpu.dimension_semantics<arbitrary>], iteration_bounds = array<i64: 1>, scalar_prefetch = 0 : i64, scratch_operands = 0 : i64, tpu.core_type = #tpu.core_type<tc>, window_params = [{pipeline_mode = #tpu.pipeline_mode<synchronous>, transform_indices = @transform_0, window_bounds = array<i64: 2048, 1024>}, {pipeline_mode = #tpu.pipeline_mode<synchronous>, transform_indices = @transform_1, window_bounds = array<i64: 1, 1024>}, {pipeline_mode = #tpu.pipeline_mode<synchronous>, transform_indices = @transform_2, window_bounds = array<i64: 8, 1024>}, {pipeline_mode = #tpu.pipeline_mode<synchronous>, transform_indices = @transform_3, window_bounds = array<i64: 2048, 2>}, {pipeline_mode = #tpu.pipeline_mode<synchronous>, transform_indices = @transform_4, window_bounds = array<i64: 6144, 1>}, {pipeline_mode = #tpu.pipeline_mode<synchronous>, transform_indices = @transform_5, window_bounds = array<i64: 24, 1>}, {pipeline_mode = #tpu.pipeline_mode<synchronous>, transform_indices = @transform_6, window_bounds = array<i64: 1, 1>}]} {
    %get3A = arith.constant 0 : index
    %get3A_0 = arith.constant 0 : index
    %get3A_1 = vector.load %arg1[%get3A, %get3A_0] : memref<2048x1024xf32, #tpu.memory_space<vmem>>, vector<2048x1024xf32>
    %get3A_2 = arith.constant 0 : index
    %get3A_3 = arith.constant 0 : index
    %get3A_4 = vector.load %arg2[%get3A_2, %get3A_3] : memref<1x1024xf32, #tpu.memory_space<vmem>>, vector<1x1024xf32>
    %mul3A = arith.mulf %get3A_1, %get3A_1 : vector<2048x1024xf32>
    %reduce_sum3A = arith.constant dense<0.000000e+00> : vector<2048xf32>
    %reduce_sum3A_5 = vector.multi_reduction <add>, %mul3A, %reduce_sum3A [1] : vector<2048x1024xf32> to vector<2048xf32>
    %broadcast_in_dim3A = vector.shape_cast %reduce_sum3A_5 : vector<2048xf32> to vector<2048x1xf32>
    %div3A = arith.constant 1.024000e+03 : f32
    %div3A_6 = vector.broadcast %div3A : f32 to vector<2048x1xf32>
    %div3A_7 = arith.divf %broadcast_in_dim3A, %div3A_6 : vector<2048x1xf32>
    %add3A = arith.constant 9.99999997E-7 : f32
    %add3A_8 = vector.broadcast %add3A : f32 to vector<2048x1xf32>
    %add3A_9 = arith.addf %div3A_7, %add3A_8 : vector<2048x1xf32>
    %sqrt3A = math.sqrt %add3A_9 : vector<2048x1xf32>
    %div3A_10 = vector.broadcast %sqrt3A : vector<2048x1xf32> to vector<2048x1024xf32>
    %div3A_11 = arith.divf %get3A_1, %div3A_10 : vector<2048x1024xf32>
    %mul3A_12 = vector.broadcast %get3A_4 : vector<1x1024xf32> to vector<2048x1024xf32>
    %mul3A_13 = arith.mulf %div3A_11, %mul3A_12 : vector<2048x1024xf32>
    %get3A_14 = arith.constant 0 : index
    %get3A_15 = arith.constant 0 : index
    %get3A_16 = vector.load %arg3[%get3A_14, %get3A_15] : memref<8x1024xf32, #tpu.memory_space<vmem>>, vector<8x1024xf32>
    %dot_general3A = arith.constant dense<0.000000e+00> : vector<2048x8xf32>
    %dot_general3A_17 = tpu.matmul %mul3A_13, %get3A_16, %dot_general3A {dimension_numbers = #tpu.dot_dimension_numbers<[1], [1], [0], [0], [0, 0, 1, 0], [], []>, transpose_lhs_hint = false} : vector<2048x1024xf32>, vector<8x1024xf32>, vector<2048x8xf32> -> vector<2048x8xf32>
    %reduce_max3A = arith.constant dense<0xFF800000> : vector<2048xf32>
    %reduce_max3A_18 = vector.multi_reduction <maximumf>, %dot_general3A_17, %reduce_max3A [1] : vector<2048x8xf32> to vector<2048xf32>
    %broadcast_in_dim3A_19 = vector.shape_cast %reduce_max3A_18 : vector<2048xf32> to vector<2048x1xf32>
    %sub3A = vector.broadcast %broadcast_in_dim3A_19 : vector<2048x1xf32> to vector<2048x8xf32>
    %sub3A_20 = arith.subf %dot_general3A_17, %sub3A : vector<2048x8xf32>
    %exp3A = math.exp %sub3A_20 : vector<2048x8xf32>
    %reduce_sum3A_21 = arith.constant dense<0.000000e+00> : vector<2048xf32>
    %reduce_sum3A_22 = vector.multi_reduction <add>, %exp3A, %reduce_sum3A_21 [1] : vector<2048x8xf32> to vector<2048xf32>
    %broadcast_in_dim3A_23 = vector.shape_cast %reduce_sum3A_22 : vector<2048xf32> to vector<2048x1xf32>
    %div3A_24 = vector.broadcast %broadcast_in_dim3A_23 : vector<2048x1xf32> to vector<2048x8xf32>
    %div3A_25 = arith.divf %exp3A, %div3A_24 : vector<2048x8xf32>
    %iota3A = tpu.iota {dimensions = array<i32: 1>} : vector<2048x8xi32>
    %reduce_max3A_26 = arith.constant dense<0xFF800000> : vector<2048xf32>
    %reduce_max3A_27 = vector.multi_reduction <maximumf>, %div3A_25, %reduce_max3A_26 [1] : vector<2048x8xf32> to vector<2048xf32>
    %broadcast_in_dim3A_28 = vector.shape_cast %reduce_max3A_27 : vector<2048xf32> to vector<2048x1xf32>
    %eq3A = vector.broadcast %broadcast_in_dim3A_28 : vector<2048x1xf32> to vector<2048x8xf32>
    %eq3A_29 = arith.cmpf oeq, %div3A_25, %eq3A : vector<2048x8xf32>
    %jit3A = arith.constant 8 : i32
    %broadcast_in_dim3A_30 = vector.broadcast %jit3A : i32 to vector<2048x8xi32>
    %select_n3A = arith.select %eq3A_29, %iota3A, %broadcast_in_dim3A_30 : vector<2048x8xi1>, vector<2048x8xi32>
    %reduce_min3A = arith.constant dense<2147483647> : vector<2048xi32>
    %reduce_min3A_31 = vector.multi_reduction <minsi>, %select_n3A, %reduce_min3A [1] : vector<2048x8xi32> to vector<2048xi32>
    %broadcast_in_dim3A_32 = vector.shape_cast %reduce_min3A_31 : vector<2048xi32> to vector<2048x1xi32>
    %eq3A_33 = vector.broadcast %broadcast_in_dim3A_32 : vector<2048x1xi32> to vector<2048x8xi32>
    %eq3A_34 = arith.cmpi eq, %iota3A, %eq3A_33 : vector<2048x8xi32>
    %jit3A_35 = arith.constant -1.000000e+30 : f32
    %broadcast_in_dim3A_36 = vector.broadcast %jit3A_35 : f32 to vector<2048x8xf32>
    %select_n3A_37 = arith.select %eq3A_34, %broadcast_in_dim3A_36, %div3A_25 : vector<2048x8xi1>, vector<2048x8xf32>
    %reduce_max3A_38 = arith.constant dense<0xFF800000> : vector<2048xf32>
    %reduce_max3A_39 = vector.multi_reduction <maximumf>, %select_n3A_37, %reduce_max3A_38 [1] : vector<2048x8xf32> to vector<2048xf32>
    %broadcast_in_dim3A_40 = vector.shape_cast %reduce_max3A_39 : vector<2048xf32> to vector<2048x1xf32>
    %eq3A_41 = vector.broadcast %broadcast_in_dim3A_40 : vector<2048x1xf32> to vector<2048x8xf32>
    %eq3A_42 = arith.cmpf oeq, %select_n3A_37, %eq3A_41 : vector<2048x8xf32>
    %jit3A_43 = arith.constant 8 : i32
    %broadcast_in_dim3A_44 = vector.broadcast %jit3A_43 : i32 to vector<2048x8xi32>
    %select_n3A_45 = arith.select %eq3A_42, %iota3A, %broadcast_in_dim3A_44 : vector<2048x8xi1>, vector<2048x8xi32>
    %reduce_min3A_46 = arith.constant dense<2147483647> : vector<2048xi32>
    %reduce_min3A_47 = vector.multi_reduction <minsi>, %select_n3A_45, %reduce_min3A_46 [1] : vector<2048x8xi32> to vector<2048xi32>
    %broadcast_in_dim3A_48 = vector.shape_cast %reduce_min3A_47 : vector<2048xi32> to vector<2048x1xi32>
    %eq3A_49 = vector.broadcast %broadcast_in_dim3A_48 : vector<2048x1xi32> to vector<2048x8xi32>
    %eq3A_50 = arith.cmpi eq, %iota3A, %eq3A_49 : vector<2048x8xi32>
    %add3A_51 = arith.addf %broadcast_in_dim3A_28, %broadcast_in_dim3A_40 : vector<2048x1xf32>
    %div3A_52 = arith.divf %broadcast_in_dim3A_28, %add3A_51 : vector<2048x1xf32>
    %div3A_53 = arith.divf %broadcast_in_dim3A_40, %add3A_51 : vector<2048x1xf32>
    %concatenate3A = tpu.concatenate %div3A_52, %div3A_53 in 1 : vector<2048x1xf32>, vector<2048x1xf32> -> vector<2048x2xf32>
    %swap3A = arith.constant 0 : index
    %swap3A_54 = arith.constant 0 : index
    %swap3A_55 = vector.load %arg4[%swap3A, %swap3A_54] : memref<2048x2xf32, #tpu.memory_space<vmem>>, vector<2048x2xf32>
    tpu.vector_store %arg4[%swap3A, %swap3A_54], %concatenate3A {strides = array<i32>} : memref<2048x2xf32, #tpu.memory_space<vmem>>, vector<2048x2xf32>,
    %or3A = arith.ori %eq3A_34, %eq3A_50 : vector<2048x8xi1>
    %convert_element_type3A = arith.extui %or3A : vector<2048x8xi1> to vector<2048x8xi32>
    %convert_element_type3A_56 = arith.sitofp %convert_element_type3A : vector<2048x8xi32> to vector<2048x8xf32>
    %reduce_sum3A_57 = arith.constant dense<0.000000e+00> : vector<8xf32>
    %reduce_sum3A_58 = vector.multi_reduction <add>, %convert_element_type3A_56, %reduce_sum3A_57 [0] : vector<2048x8xf32> to vector<8xf32>
    %broadcast_in_dim3A_59 = vector.shape_cast %reduce_sum3A_58 : vector<8xf32> to vector<1x8xf32>
    %div3A_60 = arith.constant 2.048000e+03 : f32
    %div3A_61 = vector.broadcast %div3A_60 : f32 to vector<1x8xf32>
    %div3A_62 = arith.divf %broadcast_in_dim3A_59, %div3A_61 : vector<1x8xf32>
    %reduce_sum3A_63 = arith.constant dense<0.000000e+00> : vector<8xf32>
    %reduce_sum3A_64 = vector.multi_reduction <add>, %div3A_25, %reduce_sum3A_63 [0] : vector<2048x8xf32> to vector<8xf32>
    %broadcast_in_dim3A_65 = vector.shape_cast %reduce_sum3A_64 : vector<8xf32> to vector<1x8xf32>
    %div3A_66 = arith.constant 2.048000e+03 : f32
    %div3A_67 = vector.broadcast %div3A_66 : f32 to vector<1x8xf32>
    %div3A_68 = arith.divf %broadcast_in_dim3A_65, %div3A_67 : vector<1x8xf32>
    %mul3A_69 = arith.mulf %div3A_62, %div3A_68 : vector<1x8xf32>
    %reduce_sum3A_70 = vector.shape_cast %mul3A_69 : vector<1x8xf32> to vector<1x1x8xf32>
    %reduce_sum3A_71 = arith.constant dense<0.000000e+00> : vector<1xf32>
    %reduce_sum3A_72 = vector.multi_reduction <add>, %reduce_sum3A_70, %reduce_sum3A_71 [1, 2] : vector<1x1x8xf32> to vector<1xf32>
    %reduce_sum3A_73 = vector.shape_cast %reduce_sum3A_72 : vector<1xf32> to vector<1x1x1xf32>
    %reduce_sum3A_74 = vector.extract %reduce_sum3A_73[0, 0, 0] : f32 from vector<1x1x1xf32>
    %reshape3A = vector.broadcast %reduce_sum3A_74 : f32 to vector<1x1xf32>
    %mul3A_75 = arith.constant 8.000000e-02 : f32
    %mul3A_76 = vector.broadcast %mul3A_75 : f32 to vector<1x1xf32>
    %mul3A_77 = arith.mulf %reshape3A, %mul3A_76 : vector<1x1xf32>
    %swap3A_78 = arith.constant 0 : index
    %swap3A_79 = arith.constant 0 : index
    %swap3A_80 = vector.load %arg7[%swap3A_78, %swap3A_79] : memref<1x1xf32, #tpu.memory_space<vmem>>, vector<1x1xf32>
    tpu.vector_store %arg7[%swap3A_78, %swap3A_79], %mul3A_77 {strides = array<i32>} : memref<1x1xf32, #tpu.memory_space<vmem>>, vector<1x1xf32>,
    %convert_element_type3A_81 = arith.extui %eq3A_34 : vector<2048x8xi1> to vector<2048x8xi32>
    %convert_element_type3A_82 = arith.sitofp %convert_element_type3A_81 : vector<2048x8xi32> to vector<2048x8xf32>
    %convert_element_type3A_83 = arith.extui %eq3A_50 : vector<2048x8xi1> to vector<2048x8xi32>
    %convert_element_type3A_84 = arith.sitofp %convert_element_type3A_83 : vector<2048x8xi32> to vector<2048x8xf32>
    %broadcast_in_dim3A_85 = arith.constant 0.000000e+00 : f32
    %broadcast_in_dim3A_86 = vector.broadcast %broadcast_in_dim3A_85 : f32 to vector<1x8xf32>
    %slice3A = vector.extract_strided_slice %convert_element_type3A_82 {offsets = [0, 0], sizes = [2047, 8], strides = [1, 1]} : vector<2048x8xf32> to vector<2047x8xf32>
    %concatenate3A_87 = tpu.concatenate %broadcast_in_dim3A_86, %slice3A in 0 : vector<1x8xf32>, vector<2047x8xf32> -> vector<2048x8xf32>
    %add3A_88 = arith.addf %convert_element_type3A_82, %concatenate3A_87 : vector<2048x8xf32>
    %broadcast_in_dim3A_89 = arith.constant 0.000000e+00 : f32
    %broadcast_in_dim3A_90 = vector.broadcast %broadcast_in_dim3A_89 : f32 to vector<2x8xf32>
    %slice3A_91 = vector.extract_strided_slice %add3A_88 {offsets = [0, 0], sizes = [2046, 8], strides = [1, 1]} : vector<2048x8xf32> to vector<2046x8xf32>
    %concatenate3A_92 = tpu.concatenate %broadcast_in_dim3A_90, %slice3A_91 in 0 : vector<2x8xf32>, vector<2046x8xf32> -> vector<2048x8xf32>
    %add3A_93 = arith.addf %add3A_88, %concatenate3A_92 : vector<2048x8xf32>
    %broadcast_in_dim3A_94 = arith.constant 0.000000e+00 : f32
    %broadcast_in_dim3A_95 = vector.broadcast %broadcast_in_dim3A_94 : f32 to vector<4x8xf32>
    %slice3A_96 = vector.extract_strided_slice %add3A_93 {offsets = [0, 0], sizes = [2044, 8], strides = [1, 1]} : vector<2048x8xf32> to vector<2044x8xf32>
    %concatenate3A_97 = tpu.concatenate %broadcast_in_dim3A_95, %slice3A_96 in 0 : vector<4x8xf32>, vector<2044x8xf32> -> vector<2048x8xf32>
    %add3A_98 = arith.addf %add3A_93, %concatenate3A_97 : vector<2048x8xf32>
    %broadcast_in_dim3A_99 = arith.constant 0.000000e+00 : f32
    %broadcast_in_dim3A_100 = vector.broadcast %broadcast_in_dim3A_99 : f32 to vector<8x8xf32>
    %slice3A_101 = vector.extract_strided_slice %add3A_98 {offsets = [0, 0], sizes = [2040, 8], strides = [1, 1]} : vector<2048x8xf32> to vector<2040x8xf32>
    %concatenate3A_102 = tpu.concatenate %broadcast_in_dim3A_100, %slice3A_101 in 0 : vector<8x8xf32>, vector<2040x8xf32> -> vector<2048x8xf32>
    %add3A_103 = arith.addf %add3A_98, %concatenate3A_102 : vector<2048x8xf32>
    %broadcast_in_dim3A_104 = arith.constant 0.000000e+00 : f32
    %broadcast_in_dim3A_105 = vector.broadcast %broadcast_in_dim3A_104 : f32 to vector<16x8xf32>
    %slice3A_106 = vector.extract_strided_slice %add3A_103 {offsets = [0, 0], sizes = [2032, 8], strides = [1, 1]} : vector<2048x8xf32> to vector<2032x8xf32>
    %concatenate3A_107 = tpu.concatenate %broadcast_in_dim3A_105, %slice3A_106 in 0 : vector<16x8xf32>, vector<2032x8xf32> -> vector<2048x8xf32>
    %add3A_108 = arith.addf %add3A_103, %concatenate3A_107 : vector<2048x8xf32>
    %broadcast_in_dim3A_109 = arith.constant 0.000000e+00 : f32
    %broadcast_in_dim3A_110 = vector.broadcast %broadcast_in_dim3A_109 : f32 to vector<32x8xf32>
    %slice3A_111 = vector.extract_strided_slice %add3A_108 {offsets = [0, 0], sizes = [2016, 8], strides = [1, 1]} : vector<2048x8xf32> to vector<2016x8xf32>
    %concatenate3A_112 = tpu.concatenate %broadcast_in_dim3A_110, %slice3A_111 in 0 : vector<32x8xf32>, vector<2016x8xf32> -> vector<2048x8xf32>
    %add3A_113 = arith.addf %add3A_108, %concatenate3A_112 : vector<2048x8xf32>
    %broadcast_in_dim3A_114 = arith.constant 0.000000e+00 : f32
    %broadcast_in_dim3A_115 = vector.broadcast %broadcast_in_dim3A_114 : f32 to vector<64x8xf32>
    %slice3A_116 = vector.extract_strided_slice %add3A_113 {offsets = [0, 0], sizes = [1984, 8], strides = [1, 1]} : vector<2048x8xf32> to vector<1984x8xf32>
    %concatenate3A_117 = tpu.concatenate %broadcast_in_dim3A_115, %slice3A_116 in 0 : vector<64x8xf32>, vector<1984x8xf32> -> vector<2048x8xf32>
    %add3A_118 = arith.addf %add3A_113, %concatenate3A_117 : vector<2048x8xf32>
    %broadcast_in_dim3A_119 = arith.constant 0.000000e+00 : f32
    %broadcast_in_dim3A_120 = vector.broadcast %broadcast_in_dim3A_119 : f32 to vector<128x8xf32>
    %slice3A_121 = vector.extract_strided_slice %add3A_118 {offsets = [0, 0], sizes = [1920, 8], strides = [1, 1]} : vector<2048x8xf32> to vector<1920x8xf32>
    %concatenate3A_122 = tpu.concatenate %broadcast_in_dim3A_120, %slice3A_121 in 0 : vector<128x8xf32>, vector<1920x8xf32> -> vector<2048x8xf32>
    %add3A_123 = arith.addf %add3A_118, %concatenate3A_122 : vector<2048x8xf32>
    %broadcast_in_dim3A_124 = arith.constant 0.000000e+00 : f32
    %broadcast_in_dim3A_125 = vector.broadcast %broadcast_in_dim3A_124 : f32 to vector<256x8xf32>
    %slice3A_126 = vector.extract_strided_slice %add3A_123 {offsets = [0, 0], sizes = [1792, 8], strides = [1, 1]} : vector<2048x8xf32> to vector<1792x8xf32>
    %concatenate3A_127 = tpu.concatenate %broadcast_in_dim3A_125, %slice3A_126 in 0 : vector<256x8xf32>, vector<1792x8xf32> -> vector<2048x8xf32>
    %add3A_128 = arith.addf %add3A_123, %concatenate3A_127 : vector<2048x8xf32>
    %broadcast_in_dim3A_129 = arith.constant 0.000000e+00 : f32
    %broadcast_in_dim3A_130 = vector.broadcast %broadcast_in_dim3A_129 : f32 to vector<512x8xf32>
    %slice3A_131 = vector.extract_strided_slice %add3A_128 {offsets = [0, 0], sizes = [1536, 8], strides = [1, 1]} : vector<2048x8xf32> to vector<1536x8xf32>
    %concatenate3A_132 = tpu.concatenate %broadcast_in_dim3A_130, %slice3A_131 in 0 : vector<512x8xf32>, vector<1536x8xf32> -> vector<2048x8xf32>
    %add3A_133 = arith.addf %add3A_128, %concatenate3A_132 : vector<2048x8xf32>
    %broadcast_in_dim3A_134 = arith.constant 0.000000e+00 : f32
    %broadcast_in_dim3A_135 = vector.broadcast %broadcast_in_dim3A_134 : f32 to vector<1024x8xf32>
    %slice3A_136 = vector.extract_strided_slice %add3A_133 {offsets = [0, 0], sizes = [1024, 8], strides = [1, 1]} : vector<2048x8xf32> to vector<1024x8xf32>
    %concatenate3A_137 = tpu.concatenate %broadcast_in_dim3A_135, %slice3A_136 in 0 : vector<1024x8xf32>, vector<1024x8xf32> -> vector<2048x8xf32>
    %add3A_138 = arith.addf %add3A_133, %concatenate3A_137 : vector<2048x8xf32>
    %broadcast_in_dim3A_139 = arith.constant 0.000000e+00 : f32
    %broadcast_in_dim3A_140 = vector.broadcast %broadcast_in_dim3A_139 : f32 to vector<1x8xf32>
    %slice3A_141 = vector.extract_strided_slice %convert_element_type3A_84 {offsets = [0, 0], sizes = [2047, 8], strides = [1, 1]} : vector<2048x8xf32> to vector<2047x8xf32>
    %concatenate3A_142 = tpu.concatenate %broadcast_in_dim3A_140, %slice3A_141 in 0 : vector<1x8xf32>, vector<2047x8xf32> -> vector<2048x8xf32>
    %add3A_143 = arith.addf %convert_element_type3A_84, %concatenate3A_142 : vector<2048x8xf32>
    %broadcast_in_dim3A_144 = arith.constant 0.000000e+00 : f32
    %broadcast_in_dim3A_145 = vector.broadcast %broadcast_in_dim3A_144 : f32 to vector<2x8xf32>
    %slice3A_146 = vector.extract_strided_slice %add3A_143 {offsets = [0, 0], sizes = [2046, 8], strides = [1, 1]} : vector<2048x8xf32> to vector<2046x8xf32>
    %concatenate3A_147 = tpu.concatenate %broadcast_in_dim3A_145, %slice3A_146 in 0 : vector<2x8xf32>, vector<2046x8xf32> -> vector<2048x8xf32>
    %add3A_148 = arith.addf %add3A_143, %concatenate3A_147 : vector<2048x8xf32>
    %broadcast_in_dim3A_149 = arith.constant 0.000000e+00 : f32
    %broadcast_in_dim3A_150 = vector.broadcast %broadcast_in_dim3A_149 : f32 to vector<4x8xf32>
    %slice3A_151 = vector.extract_strided_slice %add3A_148 {offsets = [0, 0], sizes = [2044, 8], strides = [1, 1]} : vector<2048x8xf32> to vector<2044x8xf32>
    %concatenate3A_152 = tpu.concatenate %broadcast_in_dim3A_150, %slice3A_151 in 0 : vector<4x8xf32>, vector<2044x8xf32> -> vector<2048x8xf32>
    %add3A_153 = arith.addf %add3A_148, %concatenate3A_152 : vector<2048x8xf32>
    %broadcast_in_dim3A_154 = arith.constant 0.000000e+00 : f32
    %broadcast_in_dim3A_155 = vector.broadcast %broadcast_in_dim3A_154 : f32 to vector<8x8xf32>
    %slice3A_156 = vector.extract_strided_slice %add3A_153 {offsets = [0, 0], sizes = [2040, 8], strides = [1, 1]} : vector<2048x8xf32> to vector<2040x8xf32>
    %concatenate3A_157 = tpu.concatenate %broadcast_in_dim3A_155, %slice3A_156 in 0 : vector<8x8xf32>, vector<2040x8xf32> -> vector<2048x8xf32>
    %add3A_158 = arith.addf %add3A_153, %concatenate3A_157 : vector<2048x8xf32>
    %broadcast_in_dim3A_159 = arith.constant 0.000000e+00 : f32
    %broadcast_in_dim3A_160 = vector.broadcast %broadcast_in_dim3A_159 : f32 to vector<16x8xf32>
    %slice3A_161 = vector.extract_strided_slice %add3A_158 {offsets = [0, 0], sizes = [2032, 8], strides = [1, 1]} : vector<2048x8xf32> to vector<2032x8xf32>
    %concatenate3A_162 = tpu.concatenate %broadcast_in_dim3A_160, %slice3A_161 in 0 : vector<16x8xf32>, vector<2032x8xf32> -> vector<2048x8xf32>
    %add3A_163 = arith.addf %add3A_158, %concatenate3A_162 : vector<2048x8xf32>
    %broadcast_in_dim3A_164 = arith.constant 0.000000e+00 : f32
    %broadcast_in_dim3A_165 = vector.broadcast %broadcast_in_dim3A_164 : f32 to vector<32x8xf32>
    %slice3A_166 = vector.extract_strided_slice %add3A_163 {offsets = [0, 0], sizes = [2016, 8], strides = [1, 1]} : vector<2048x8xf32> to vector<2016x8xf32>
    %concatenate3A_167 = tpu.concatenate %broadcast_in_dim3A_165, %slice3A_166 in 0 : vector<32x8xf32>, vector<2016x8xf32> -> vector<2048x8xf32>
    %add3A_168 = arith.addf %add3A_163, %concatenate3A_167 : vector<2048x8xf32>
    %broadcast_in_dim3A_169 = arith.constant 0.000000e+00 : f32
    %broadcast_in_dim3A_170 = vector.broadcast %broadcast_in_dim3A_169 : f32 to vector<64x8xf32>
    %slice3A_171 = vector.extract_strided_slice %add3A_168 {offsets = [0, 0], sizes = [1984, 8], strides = [1, 1]} : vector<2048x8xf32> to vector<1984x8xf32>
    %concatenate3A_172 = tpu.concatenate %broadcast_in_dim3A_170, %slice3A_171 in 0 : vector<64x8xf32>, vector<1984x8xf32> -> vector<2048x8xf32>
    %add3A_173 = arith.addf %add3A_168, %concatenate3A_172 : vector<2048x8xf32>
    %broadcast_in_dim3A_174 = arith.constant 0.000000e+00 : f32
    %broadcast_in_dim3A_175 = vector.broadcast %broadcast_in_dim3A_174 : f32 to vector<128x8xf32>
    %slice3A_176 = vector.extract_strided_slice %add3A_173 {offsets = [0, 0], sizes = [1920, 8], strides = [1, 1]} : vector<2048x8xf32> to vector<1920x8xf32>
    %concatenate3A_177 = tpu.concatenate %broadcast_in_dim3A_175, %slice3A_176 in 0 : vector<128x8xf32>, vector<1920x8xf32> -> vector<2048x8xf32>
    %add3A_178 = arith.addf %add3A_173, %concatenate3A_177 : vector<2048x8xf32>
    %broadcast_in_dim3A_179 = arith.constant 0.000000e+00 : f32
    %broadcast_in_dim3A_180 = vector.broadcast %broadcast_in_dim3A_179 : f32 to vector<256x8xf32>
    %slice3A_181 = vector.extract_strided_slice %add3A_178 {offsets = [0, 0], sizes = [1792, 8], strides = [1, 1]} : vector<2048x8xf32> to vector<1792x8xf32>
    %concatenate3A_182 = tpu.concatenate %broadcast_in_dim3A_180, %slice3A_181 in 0 : vector<256x8xf32>, vector<1792x8xf32> -> vector<2048x8xf32>
    %add3A_183 = arith.addf %add3A_178, %concatenate3A_182 : vector<2048x8xf32>
    %broadcast_in_dim3A_184 = arith.constant 0.000000e+00 : f32
    %broadcast_in_dim3A_185 = vector.broadcast %broadcast_in_dim3A_184 : f32 to vector<512x8xf32>
    %slice3A_186 = vector.extract_strided_slice %add3A_183 {offsets = [0, 0], sizes = [1536, 8], strides = [1, 1]} : vector<2048x8xf32> to vector<1536x8xf32>
    %concatenate3A_187 = tpu.concatenate %broadcast_in_dim3A_185, %slice3A_186 in 0 : vector<512x8xf32>, vector<1536x8xf32> -> vector<2048x8xf32>
    %add3A_188 = arith.addf %add3A_183, %concatenate3A_187 : vector<2048x8xf32>
    %broadcast_in_dim3A_189 = arith.constant 0.000000e+00 : f32
    %broadcast_in_dim3A_190 = vector.broadcast %broadcast_in_dim3A_189 : f32 to vector<1024x8xf32>
    %slice3A_191 = vector.extract_strided_slice %add3A_188 {offsets = [0, 0], sizes = [1024, 8], strides = [1, 1]} : vector<2048x8xf32> to vector<1024x8xf32>
    %concatenate3A_192 = tpu.concatenate %broadcast_in_dim3A_190, %slice3A_191 in 0 : vector<1024x8xf32>, vector<1024x8xf32> -> vector<2048x8xf32>
    %add3A_193 = arith.addf %add3A_188, %concatenate3A_192 : vector<2048x8xf32>
    %slice3A_194 = vector.extract_strided_slice %add3A_138 {offsets = [2047, 0], sizes = [1, 8], strides = [1, 1]} : vector<2048x8xf32> to vector<1x8xf32>
    %slice3A_195 = vector.extract_strided_slice %add3A_193 {offsets = [2047, 0], sizes = [1, 8], strides = [1, 1]} : vector<2048x8xf32> to vector<1x8xf32>
    %add3A_196 = arith.addf %slice3A_194, %slice3A_195 : vector<1x8xf32>
    %add3A_197 = arith.constant 2.550000e+02 : f32
    %add3A_198 = vector.broadcast %add3A_197 : f32 to vector<1x8xf32>
    %add3A_199 = arith.addf %add3A_196, %add3A_198 : vector<1x8xf32>
    %mul3A_200 = arith.constant 3.906250e-03 : f32
    %mul3A_201 = vector.broadcast %mul3A_200 : f32 to vector<1x8xf32>
    %mul3A_202 = arith.mulf %add3A_199, %mul3A_201 : vector<1x8xf32>
    %floor3A = math.floor %mul3A_202 : vector<1x8xf32>
    %mul3A_203 = arith.constant 2.560000e+02 : f32
    %mul3A_204 = vector.broadcast %mul3A_203 : f32 to vector<1x8xf32>
    %mul3A_205 = arith.mulf %floor3A, %mul3A_204 : vector<1x8xf32>
    %iota3A_206 = tpu.iota {dimensions = array<i32: 0>} : vector<8x8xi32>
    %iota3A_207 = tpu.iota {dimensions = array<i32: 1>} : vector<8x8xi32>
    %lt3A = arith.cmpi slt, %iota3A_206, %iota3A_207 : vector<8x8xi32>
    %convert_element_type3A_208 = arith.extui %lt3A : vector<8x8xi1> to vector<8x8xi32>
    %convert_element_type3A_209 = arith.sitofp %convert_element_type3A_208 : vector<8x8xi32> to vector<8x8xf32>
    %dot_general3A_210 = arith.constant dense<0.000000e+00> : vector<1x8xf32>
    %dot_general3A_211 = tpu.matmul %mul3A_205, %convert_element_type3A_209, %dot_general3A_210 {dimension_numbers = #tpu.dot_dimension_numbers<[1], [0], [0], [1], [0, 0, 1, 1], [], []>, transpose_lhs_hint = false} : vector<1x8xf32>, vector<8x8xf32>, vector<1x8xf32> -> vector<1x8xf32>
    %sub3A_212 = arith.subf %add3A_138, %convert_element_type3A_82 : vector<2048x8xf32>
    %mul3A_213 = arith.mulf %convert_element_type3A_82, %sub3A_212 : vector<2048x8xf32>
    %reduce_sum3A_214 = arith.constant dense<0.000000e+00> : vector<2048xf32>
    %reduce_sum3A_215 = vector.multi_reduction <add>, %mul3A_213, %reduce_sum3A_214 [1] : vector<2048x8xf32> to vector<2048xf32>
    %broadcast_in_dim3A_216 = vector.shape_cast %reduce_sum3A_215 : vector<2048xf32> to vector<2048x1xf32>
    %add3A_217 = vector.broadcast %slice3A_194 : vector<1x8xf32> to vector<2048x8xf32>
    %add3A_218 = arith.addf %add3A_217, %add3A_193 : vector<2048x8xf32>
    %sub3A_219 = arith.subf %add3A_218, %convert_element_type3A_84 : vector<2048x8xf32>
    %mul3A_220 = arith.mulf %convert_element_type3A_84, %sub3A_219 : vector<2048x8xf32>
    %reduce_sum3A_221 = arith.constant dense<0.000000e+00> : vector<2048xf32>
    %reduce_sum3A_222 = vector.multi_reduction <add>, %mul3A_220, %reduce_sum3A_221 [1] : vector<2048x8xf32> to vector<2048xf32>
    %broadcast_in_dim3A_223 = vector.shape_cast %reduce_sum3A_222 : vector<2048xf32> to vector<2048x1xf32>
    %mul3A_224 = vector.broadcast %dot_general3A_211 : vector<1x8xf32> to vector<2048x8xf32>
    %mul3A_225 = arith.mulf %convert_element_type3A_82, %mul3A_224 : vector<2048x8xf32>
    %reduce_sum3A_226 = arith.constant dense<0.000000e+00> : vector<2048xf32>
    %reduce_sum3A_227 = vector.multi_reduction <add>, %mul3A_225, %reduce_sum3A_226 [1] : vector<2048x8xf32> to vector<2048xf32>
    %broadcast_in_dim3A_228 = vector.shape_cast %reduce_sum3A_227 : vector<2048xf32> to vector<2048x1xf32>
    %mul3A_229 = vector.broadcast %dot_general3A_211 : vector<1x8xf32> to vector<2048x8xf32>
    %mul3A_230 = arith.mulf %convert_element_type3A_84, %mul3A_229 : vector<2048x8xf32>
    %reduce_sum3A_231 = arith.constant dense<0.000000e+00> : vector<2048xf32>
    %reduce_sum3A_232 = vector.multi_reduction <add>, %mul3A_230, %reduce_sum3A_231 [1] : vector<2048x8xf32> to vector<2048xf32>
    %broadcast_in_dim3A_233 = vector.shape_cast %reduce_sum3A_232 : vector<2048xf32> to vector<2048x1xf32>
    %add3A_234 = arith.addf %broadcast_in_dim3A_228, %broadcast_in_dim3A_216 : vector<2048x1xf32>
    %add3A_235 = arith.addf %broadcast_in_dim3A_233, %broadcast_in_dim3A_223 : vector<2048x1xf32>
    %slice3A_236 = vector.extract_strided_slice %dot_general3A_211 {offsets = [0, 7], sizes = [1, 1], strides = [1, 1]} : vector<1x8xf32> to vector<1x1xf32>
    %slice3A_237 = vector.extract_strided_slice %mul3A_205 {offsets = [0, 7], sizes = [1, 1], strides = [1, 1]} : vector<1x8xf32> to vector<1x1xf32>
    %add3A_238 = arith.addf %slice3A_236, %slice3A_237 : vector<1x1xf32>
    %add3A_239 = arith.addf %dot_general3A_211, %add3A_196 : vector<1x8xf32>
    %concatenate3A_240 = tpu.concatenate %add3A_239, %add3A_238 in 1 : vector<1x8xf32>, vector<1x1xf32> -> vector<1x9xf32>
    %sub3A_241 = arith.subf %mul3A_205, %add3A_196 : vector<1x8xf32>
    %sub3A_242 = arith.constant 6.144000e+03 : f32
    %sub3A_243 = vector.broadcast %sub3A_242 : f32 to vector<1x1xf32>
    %sub3A_244 = arith.subf %sub3A_243, %add3A_238 : vector<1x1xf32>
    %concatenate3A_245 = tpu.concatenate %sub3A_241, %sub3A_244 in 1 : vector<1x8xf32>, vector<1x1xf32> -> vector<1x9xf32>
    %iota3A_246 = tpu.iota {dimensions = array<i32: 0>} : vector<9x9xi32>
    %iota3A_247 = tpu.iota {dimensions = array<i32: 1>} : vector<9x9xi32>
    %lt3A_248 = arith.cmpi slt, %iota3A_246, %iota3A_247 : vector<9x9xi32>
    %convert_element_type3A_249 = arith.extui %lt3A_248 : vector<9x9xi1> to vector<9x9xi32>
    %convert_element_type3A_250 = arith.sitofp %convert_element_type3A_249 : vector<9x9xi32> to vector<9x9xf32>
    %dot_general3A_251 = arith.constant dense<0.000000e+00> : vector<1x9xf32>
    %dot_general3A_252 = tpu.matmul %concatenate3A_245, %convert_element_type3A_250, %dot_general3A_251 {dimension_numbers = #tpu.dot_dimension_numbers<[1], [0], [0], [1], [0, 0, 1, 1], [], []>, transpose_lhs_hint = false} : vector<1x9xf32>, vector<9x9xf32>, vector<1x9xf32> -> vector<1x9xf32>
    %iota3A_253 = tpu.iota {dimensions = array<i32: 0>} : vector<2048x9xi32>
    %convert_element_type3A_254 = arith.sitofp %iota3A_253 : vector<2048x9xi32> to vector<2048x9xf32>
    %ge3A = vector.broadcast %dot_general3A_252 : vector<1x9xf32> to vector<2048x9xf32>
    %ge3A_255 = arith.cmpf oge, %convert_element_type3A_254, %ge3A : vector<2048x9xf32>
    %add3A_256 = arith.addf %dot_general3A_252, %concatenate3A_245 : vector<1x9xf32>
    %lt3A_257 = vector.broadcast %add3A_256 : vector<1x9xf32> to vector<2048x9xf32>
    %lt3A_258 = arith.cmpf olt, %convert_element_type3A_254, %lt3A_257 : vector<2048x9xf32>
    %and3A = arith.andi %ge3A_255, %lt3A_258 : vector<2048x9xi1>
    %convert_element_type3A_259 = arith.extui %and3A : vector<2048x9xi1> to vector<2048x9xi32>
    %convert_element_type3A_260 = arith.sitofp %convert_element_type3A_259 : vector<2048x9xi32> to vector<2048x9xf32>
    %add3A_261 = vector.broadcast %concatenate3A_240 : vector<1x9xf32> to vector<2048x9xf32>
    %add3A_262 = arith.addf %add3A_261, %convert_element_type3A_254 : vector<2048x9xf32>
    %sub3A_263 = vector.broadcast %dot_general3A_252 : vector<1x9xf32> to vector<2048x9xf32>
    %sub3A_264 = arith.subf %add3A_262, %sub3A_263 : vector<2048x9xf32>
    %mul3A_265 = arith.mulf %convert_element_type3A_260, %sub3A_264 : vector<2048x9xf32>
    %reduce_sum3A_266 = arith.constant dense<0.000000e+00> : vector<2048xf32>
    %reduce_sum3A_267 = vector.multi_reduction <add>, %mul3A_265, %reduce_sum3A_266 [1] : vector<2048x9xf32> to vector<2048xf32>
    %broadcast_in_dim3A_268 = vector.shape_cast %reduce_sum3A_267 : vector<2048xf32> to vector<2048x1xf32>
    %concatenate3A_269 = tpu.concatenate %add3A_234, %add3A_235, %broadcast_in_dim3A_268 in 0 : vector<2048x1xf32>, vector<2048x1xf32>, vector<2048x1xf32> -> vector<6144x1xf32>
    %convert_element_type3A_270 = arith.fptosi %concatenate3A_269 : vector<6144x1xf32> to vector<6144x1xi32>
    %swap3A_271 = arith.constant 0 : index
    %swap3A_272 = arith.constant 0 : index
    %swap3A_273 = vector.load %arg5[%swap3A_271, %swap3A_272] : memref<6144x1xi32, #tpu.memory_space<vmem>>, vector<6144x1xi32>
    tpu.vector_store %arg5[%swap3A_271, %swap3A_272], %convert_element_type3A_270 {strides = array<i32>} : memref<6144x1xi32, #tpu.memory_space<vmem>>, vector<6144x1xi32>,
    %iota3A_274 = tpu.iota {dimensions = array<i32: 0>} : vector<24x8xi32>
    %convert_element_type3A_275 = arith.sitofp %iota3A_274 : vector<24x8xi32> to vector<24x8xf32>
    %mul3A_276 = arith.constant 2.560000e+02 : f32
    %mul3A_277 = vector.broadcast %mul3A_276 : f32 to vector<24x8xf32>
    %mul3A_278 = arith.mulf %convert_element_type3A_275, %mul3A_277 : vector<24x8xf32>
    %ge3A_279 = vector.broadcast %dot_general3A_211 : vector<1x8xf32> to vector<24x8xf32>
    %ge3A_280 = arith.cmpf oge, %mul3A_278, %ge3A_279 : vector<24x8xf32>
    %convert_element_type3A_281 = arith.extui %ge3A_280 : vector<24x8xi1> to vector<24x8xi32>
    %convert_element_type3A_282 = arith.sitofp %convert_element_type3A_281 : vector<24x8xi32> to vector<24x8xf32>
    %reduce_sum3A_283 = arith.constant dense<0.000000e+00> : vector<24xf32>
    %reduce_sum3A_284 = vector.multi_reduction <add>, %convert_element_type3A_282, %reduce_sum3A_283 [1] : vector<24x8xf32> to vector<24xf32>
    %broadcast_in_dim3A_285 = vector.shape_cast %reduce_sum3A_284 : vector<24xf32> to vector<24x1xf32>
    %sub3A_286 = arith.constant 1.000000e+00 : f32
    %sub3A_287 = vector.broadcast %sub3A_286 : f32 to vector<24x1xf32>
    %sub3A_288 = arith.subf %broadcast_in_dim3A_285, %sub3A_287 : vector<24x1xf32>
    %convert_element_type3A_289 = arith.fptosi %sub3A_288 : vector<24x1xf32> to vector<24x1xi32>
    %swap3A_290 = arith.constant 0 : index
    %swap3A_291 = arith.constant 0 : index
    %swap3A_292 = vector.load %arg6[%swap3A_290, %swap3A_291] : memref<24x1xi32, #tpu.memory_space<vmem>>, vector<24x1xi32>
    tpu.vector_store %arg6[%swap3A_290, %swap3A_291], %convert_element_type3A_289 {strides = array<i32>} : memref<24x1xi32, #tpu.memory_space<vmem>>, vector<24x1xi32>,
    return
  }
  func.func @transform_0(%arg0: i32) -> (i32, i32) {
    %c0_i32 = arith.constant 0 : i32
    %c0_i32_0 = arith.constant 0 : i32
    %c0_i32_1 = arith.constant 0 : i32
    return %c0_i32, %c0_i32_0 : i32, i32
  }
  func.func @transform_1(%arg0: i32) -> (i32, i32) {
    %c0_i32 = arith.constant 0 : i32
    %c0_i32_0 = arith.constant 0 : i32
    %c0_i32_1 = arith.constant 0 : i32
    return %c0_i32, %c0_i32_0 : i32, i32
  }
  func.func @transform_2(%arg0: i32) -> (i32, i32) {
    %c0_i32 = arith.constant 0 : i32
    %c0_i32_0 = arith.constant 0 : i32
    %c0_i32_1 = arith.constant 0 : i32
    return %c0_i32, %c0_i32_0 : i32, i32
  }
  func.func @transform_3(%arg0: i32) -> (i32, i32) {
    %c0_i32 = arith.constant 0 : i32
    %c0_i32_0 = arith.constant 0 : i32
    %c0_i32_1 = arith.constant 0 : i32
    return %c0_i32, %c0_i32_0 : i32, i32
  }
  func.func @transform_4(%arg0: i32) -> (i32, i32) {
    %c0_i32 = arith.constant 0 : i32
    %c0_i32_0 = arith.constant 0 : i32
    %c0_i32_1 = arith.constant 0 : i32
    return %c0_i32, %c0_i32_0 : i32, i32
  }
  func.func @transform_5(%arg0: i32) -> (i32, i32) {
    %c0_i32 = arith.constant 0 : i32
    %c0_i32_0 = arith.constant 0 : i32
    %c0_i32_1 = arith.constant 0 : i32
    return %c0_i32, %c0_i32_0 : i32, i32
  }
  func.func @transform_6(%arg0: i32) -> (i32, i32) {
    %c0_i32 = arith.constant 0 : i32
    %c0_i32_0 = arith.constant 0 : i32
    %c0_i32_1 = arith.constant 0 : i32
    return %c0_i32, %c0_i32_0 : i32, i32
  }
}

module attributes {stable_mosaic.version = 14 : i64} {
  func.func @_gmm_body(%arg0: i32, %arg1: memref<24xi32, #tpu.memory_space<smem>>, %arg2: memref<256x1024xbf16, #tpu.memory_space<vmem>>, %arg3: memref<1x1024x512xbf16, #tpu.memory_space<vmem>>, %arg4: memref<1x1024x512xbf16, #tpu.memory_space<vmem>>, %arg5: memref<1x512x1024xbf16, #tpu.memory_space<vmem>>, %arg6: memref<256x1024xbf16, #tpu.memory_space<vmem>>) attributes {dimension_semantics = [#tpu.dimension_semantics<arbitrary>], iteration_bounds = array<i64: 24>, scalar_prefetch = 1 : i64, scratch_operands = 0 : i64, tpu.core_type = #tpu.core_type<tc>, window_params = [{transform_indices = @transform_0, window_bounds = array<i64: 256, 1024>}, {transform_indices = @transform_1, window_bounds = array<i64: 1, 1024, 512>}, {transform_indices = @transform_2, window_bounds = array<i64: 1, 1024, 512>}, {transform_indices = @transform_3, window_bounds = array<i64: 1, 512, 1024>}, {transform_indices = @transform_4, window_bounds = array<i64: 256, 1024>}]} {
    %get3A = arith.constant 0 : index
    %get3A_0 = arith.constant 0 : index
    %get3A_1 = vector.load %arg2[%get3A, %get3A_0] : memref<256x1024xbf16, #tpu.memory_space<vmem>>, vector<256x1024xbf16>
    %get3A_2 = arith.constant 0 : index
    %get3A_3 = arith.constant 0 : index
    %get3A_4 = arith.constant 0 : index
    %get3A_5 = vector.load %arg3[%get3A_2, %get3A_3, %get3A_4] : memref<1x1024x512xbf16, #tpu.memory_space<vmem>>, vector<1x1024x512xbf16>
    %get3A_6 = vector.shape_cast %get3A_5 : vector<1x1024x512xbf16> to vector<1024x512xbf16>
    %dot_general3A = arith.constant dense<0.000000e+00> : vector<256x512xf32>
    %dot_general3A_7 = tpu.matmul %get3A_1, %get3A_6, %dot_general3A {dimension_numbers = #tpu.dot_dimension_numbers<[1], [0], [0], [1], [0, 0, 1, 1], [], []>, transpose_lhs_hint = false} : vector<256x1024xbf16>, vector<1024x512xbf16>, vector<256x512xf32> -> vector<256x512xf32>
    %get3A_8 = arith.constant 0 : index
    %get3A_9 = arith.constant 0 : index
    %get3A_10 = arith.constant 0 : index
    %get3A_11 = vector.load %arg4[%get3A_8, %get3A_9, %get3A_10] : memref<1x1024x512xbf16, #tpu.memory_space<vmem>>, vector<1x1024x512xbf16>
    %get3A_12 = vector.shape_cast %get3A_11 : vector<1x1024x512xbf16> to vector<1024x512xbf16>
    %dot_general3A_13 = arith.constant dense<0.000000e+00> : vector<256x512xf32>
    %dot_general3A_14 = tpu.matmul %get3A_1, %get3A_12, %dot_general3A_13 {dimension_numbers = #tpu.dot_dimension_numbers<[1], [0], [0], [1], [0, 0, 1, 1], [], []>, transpose_lhs_hint = false} : vector<256x1024xbf16>, vector<1024x512xbf16>, vector<256x512xf32> -> vector<256x512xf32>
    %logistic3A = arith.negf %dot_general3A_7 : vector<256x512xf32>
    %logistic3A_15 = math.exp %logistic3A : vector<256x512xf32>
    %logistic3A_16 = arith.constant 1.000000e+00 : f32
    %logistic3A_17 = vector.broadcast %logistic3A_16 : f32 to vector<256x512xf32>
    %logistic3A_18 = arith.addf %logistic3A_17, %logistic3A_15 : vector<256x512xf32>
    %logistic3A_19 = arith.divf %logistic3A_17, %logistic3A_18 : vector<256x512xf32>
    %mul3A = arith.mulf %dot_general3A_7, %logistic3A_19 : vector<256x512xf32>
    %mul3A_20 = arith.mulf %mul3A, %dot_general3A_14 : vector<256x512xf32>
    %convert_element_type3A = arith.truncf %mul3A_20 : vector<256x512xf32> to vector<256x512xbf16>
    %get3A_21 = arith.constant 0 : index
    %get3A_22 = arith.constant 0 : index
    %get3A_23 = arith.constant 0 : index
    %get3A_24 = vector.load %arg5[%get3A_21, %get3A_22, %get3A_23] : memref<1x512x1024xbf16, #tpu.memory_space<vmem>>, vector<1x512x1024xbf16>
    %get3A_25 = vector.shape_cast %get3A_24 : vector<1x512x1024xbf16> to vector<512x1024xbf16>
    %dot_general3A_26 = arith.constant dense<0.000000e+00> : vector<256x1024xf32>
    %dot_general3A_27 = tpu.matmul %convert_element_type3A, %get3A_25, %dot_general3A_26 {dimension_numbers = #tpu.dot_dimension_numbers<[1], [0], [0], [1], [0, 0, 1, 1], [], []>, transpose_lhs_hint = false} : vector<256x512xbf16>, vector<512x1024xbf16>, vector<256x1024xf32> -> vector<256x1024xf32>
    %convert_element_type3A_28 = arith.truncf %dot_general3A_27 : vector<256x1024xf32> to vector<256x1024xbf16>
    %swap3A = arith.constant 0 : index
    %swap3A_29 = arith.constant 0 : index
    %swap3A_30 = vector.load %arg6[%swap3A, %swap3A_29] : memref<256x1024xbf16, #tpu.memory_space<vmem>>, vector<256x1024xbf16>
    tpu.vector_store %arg6[%swap3A, %swap3A_29], %convert_element_type3A_28 {strides = array<i32>} : memref<256x1024xbf16, #tpu.memory_space<vmem>>, vector<256x1024xbf16>,
    return
  }
  func.func @transform_0(%arg0: i32, %arg1: memref<24xi32, #tpu.memory_space<smem>>) -> (i32, i32) {
    %c0_i32 = arith.constant 0 : i32
    %c0_i32_0 = arith.constant 0 : i32
    return %arg0, %c0_i32 : i32, i32
  }
  func.func @transform_1(%arg0: i32, %arg1: memref<24xi32, #tpu.memory_space<smem>>) -> (i32, i32, i32) {
    %get3A = arith.index_cast %arg0 : i32 to index
    %get3A_0 = memref.load %arg1[%get3A] : memref<24xi32, #tpu.memory_space<smem>>
    %c0_i32 = arith.constant 0 : i32
    %c0_i32_1 = arith.constant 0 : i32
    %c0_i32_2 = arith.constant 0 : i32
    return %get3A_0, %c0_i32, %c0_i32_1 : i32, i32, i32
  }
  func.func @transform_2(%arg0: i32, %arg1: memref<24xi32, #tpu.memory_space<smem>>) -> (i32, i32, i32) {
    %get3A = arith.index_cast %arg0 : i32 to index
    %get3A_0 = memref.load %arg1[%get3A] : memref<24xi32, #tpu.memory_space<smem>>
    %c0_i32 = arith.constant 0 : i32
    %c0_i32_1 = arith.constant 0 : i32
    %c0_i32_2 = arith.constant 0 : i32
    return %get3A_0, %c0_i32, %c0_i32_1 : i32, i32, i32
  }
  func.func @transform_3(%arg0: i32, %arg1: memref<24xi32, #tpu.memory_space<smem>>) -> (i32, i32, i32) {
    %get3A = arith.index_cast %arg0 : i32 to index
    %get3A_0 = memref.load %arg1[%get3A] : memref<24xi32, #tpu.memory_space<smem>>
    %c0_i32 = arith.constant 0 : i32
    %c0_i32_1 = arith.constant 0 : i32
    %c0_i32_2 = arith.constant 0 : i32
    return %get3A_0, %c0_i32, %c0_i32_1 : i32, i32, i32
  }
  func.func @transform_4(%arg0: i32, %arg1: memref<24xi32, #tpu.memory_space<smem>>) -> (i32, i32) {
    %c0_i32 = arith.constant 0 : i32
    %c0_i32_0 = arith.constant 0 : i32
    return %arg0, %c0_i32 : i32, i32
  }
}

module attributes {stable_mosaic.version = 14 : i64} {
  func.func @_combine_body(%arg0: i32, %arg1: memref<512x1024xf32, #tpu.memory_space<vmem>>, %arg2: memref<512x1024xf32, #tpu.memory_space<vmem>>, %arg3: memref<512x1024xbf16, #tpu.memory_space<vmem>>, %arg4: memref<512x1024xbf16, #tpu.memory_space<vmem>>, %arg5: memref<512x2xf32, #tpu.memory_space<vmem>>, %arg6: memref<512x1024xf32, #tpu.memory_space<vmem>>) attributes {dimension_semantics = [#tpu.dimension_semantics<arbitrary>], iteration_bounds = array<i64: 4>, scalar_prefetch = 0 : i64, scratch_operands = 0 : i64, tpu.core_type = #tpu.core_type<tc>, window_params = [{transform_indices = @transform_0, window_bounds = array<i64: 512, 1024>}, {transform_indices = @transform_1, window_bounds = array<i64: 512, 1024>}, {transform_indices = @transform_2, window_bounds = array<i64: 512, 1024>}, {transform_indices = @transform_3, window_bounds = array<i64: 512, 1024>}, {transform_indices = @transform_4, window_bounds = array<i64: 512, 2>}, {transform_indices = @transform_5, window_bounds = array<i64: 512, 1024>}]} {
    %get3A = arith.constant 0 : index
    %get3A_0 = arith.constant 0 : index
    %get3A_1 = vector.load %arg5[%get3A, %get3A_0] : memref<512x2xf32, #tpu.memory_space<vmem>>, vector<512x2xf32>
    %get3A_2 = arith.constant 0 : index
    %get3A_3 = arith.constant 0 : index
    %get3A_4 = vector.load %arg1[%get3A_2, %get3A_3] : memref<512x1024xf32, #tpu.memory_space<vmem>>, vector<512x1024xf32>
    %get3A_5 = arith.constant 0 : index
    %get3A_6 = arith.constant 0 : index
    %get3A_7 = vector.load %arg2[%get3A_5, %get3A_6] : memref<512x1024xf32, #tpu.memory_space<vmem>>, vector<512x1024xf32>
    %add3A = arith.addf %get3A_4, %get3A_7 : vector<512x1024xf32>
    %slice3A = vector.extract_strided_slice %get3A_1 {offsets = [0, 0], sizes = [512, 1], strides = [1, 1]} : vector<512x2xf32> to vector<512x1xf32>
    %get3A_8 = arith.constant 0 : index
    %get3A_9 = arith.constant 0 : index
    %get3A_10 = vector.load %arg3[%get3A_8, %get3A_9] : memref<512x1024xbf16, #tpu.memory_space<vmem>>, vector<512x1024xbf16>
    %convert_element_type3A = arith.extf %get3A_10 : vector<512x1024xbf16> to vector<512x1024xf32>
    %mul3A = vector.broadcast %slice3A : vector<512x1xf32> to vector<512x1024xf32>
    %mul3A_11 = arith.mulf %mul3A, %convert_element_type3A : vector<512x1024xf32>
    %add3A_12 = arith.addf %add3A, %mul3A_11 : vector<512x1024xf32>
    %slice3A_13 = vector.extract_strided_slice %get3A_1 {offsets = [0, 1], sizes = [512, 1], strides = [1, 1]} : vector<512x2xf32> to vector<512x1xf32>
    %get3A_14 = arith.constant 0 : index
    %get3A_15 = arith.constant 0 : index
    %get3A_16 = vector.load %arg4[%get3A_14, %get3A_15] : memref<512x1024xbf16, #tpu.memory_space<vmem>>, vector<512x1024xbf16>
    %convert_element_type3A_17 = arith.extf %get3A_16 : vector<512x1024xbf16> to vector<512x1024xf32>
    %mul3A_18 = vector.broadcast %slice3A_13 : vector<512x1xf32> to vector<512x1024xf32>
    %mul3A_19 = arith.mulf %mul3A_18, %convert_element_type3A_17 : vector<512x1024xf32>
    %add3A_20 = arith.addf %add3A_12, %mul3A_19 : vector<512x1024xf32>
    %swap3A = arith.constant 0 : index
    %swap3A_21 = arith.constant 0 : index
    %swap3A_22 = vector.load %arg6[%swap3A, %swap3A_21] : memref<512x1024xf32, #tpu.memory_space<vmem>>, vector<512x1024xf32>
    tpu.vector_store %arg6[%swap3A, %swap3A_21], %add3A_20 {strides = array<i32>} : memref<512x1024xf32, #tpu.memory_space<vmem>>, vector<512x1024xf32>,
    return
  }
  func.func @transform_0(%arg0: i32) -> (i32, i32) {
    %c0_i32 = arith.constant 0 : i32
    %c0_i32_0 = arith.constant 0 : i32
    return %arg0, %c0_i32 : i32, i32
  }
  func.func @transform_1(%arg0: i32) -> (i32, i32) {
    %c0_i32 = arith.constant 0 : i32
    %c0_i32_0 = arith.constant 0 : i32
    return %arg0, %c0_i32 : i32, i32
  }
  func.func @transform_2(%arg0: i32) -> (i32, i32) {
    %c0_i32 = arith.constant 0 : i32
    %c0_i32_0 = arith.constant 0 : i32
    return %arg0, %c0_i32 : i32, i32
  }
  func.func @transform_3(%arg0: i32) -> (i32, i32) {
    %add3A = arith.constant 4 : i32
    %add3A_0 = arith.addi %arg0, %add3A : i32
    %c0_i32 = arith.constant 0 : i32
    %c0_i32_1 = arith.constant 0 : i32
    return %add3A_0, %c0_i32 : i32, i32
  }
  func.func @transform_4(%arg0: i32) -> (i32, i32) {
    %c0_i32 = arith.constant 0 : i32
    %c0_i32_0 = arith.constant 0 : i32
    return %arg0, %c0_i32 : i32, i32
  }
  func.func @transform_5(%arg0: i32) -> (i32, i32) {
    %c0_i32 = arith.constant 0 : i32
    %c0_i32_0 = arith.constant 0 : i32
    return %arg0, %c0_i32 : i32, i32
  }
}

</mosaic_0001>

<sc_bundles>
// kernel: kernel.11.cloned.1.call-start
scs
__scs_entry_jumppad:
0x0: {  	(pc) =	sbr.rel $0x88, $3  }
0x1: {  	(tag) =	ssettag $0x0;
	lr =	simm.s32 $0x1  }
0x2: {  	[smem:$0x3F95] =	sst lr;
	_ =	strace $0xD0000000  }
0x3: {  	_ = 	snop  }
0x4: {  	_ = 	snop  }
0x5: {  	_ = 	snop  }
0x6: {  	_ = 	snop  }
0x7: {  	_ = 	snop  }
__scs_overlays_trampoline_lowered:
0x8: {  	[smem:$0x3FA4] =	sst s0  }
0x9: {  	[smem:$0x3FA5] =	sst s1  }
0xa: {  	[smem:$0x3FA6] =	sst s2  }
0xb: {  	[smem:$0x3FA7] =	sst s3  }
0xc: {  	[smem:$0x3FA8] =	sst s4  }
0xd: {  	[smem:$0x3FA9] =	sst s5  }
0xe: {  	[smem:$0x3FAA] =	sst s6  }
0xf: {  	[smem:$0x3FAB] =	sst s7  }
0x10: {  	[smem:$0x3FAC] =	sst s8  }
0x11: {  	[smem:$0x3FAD] =	sst s9;
	s0 =	simm.s32 @!p0 $0x0  }
0x12: {  	s1 =	sld [smem:$0x3F93];
	s0 =	simm.s32 @p0 $0x1  }
0x13: {  	[smem:$0x3FAE] =	sst s0;
	s0 =	simm.s32 @!p1 $0x0  }
0x14: {  	s2 =	sld [smem:$0x3F92];
	s0 =	simm.s32 @p1 $0x1  }
0x15: {  	[smem:$0x3FAF] =	sst s0;
	s0 =	simm.s32 @!p2 $0x0  }
0x16: {  	s3 =	sld [smem:$0x3FDB];
	s0 =	simm.s32 @p2 $0x1  }
0x17: {  	s4 =	simm.s32 $0x1BF5;
	[smem:$0x3FB1] =	sst s0  }
0x18: {  	s0 =	sld [smem:$0x3F94];
	_ =	swait.ge [sflag:s4], $0x0  }
0x19: {  	s7 =	sld [smem:$0x3F95]  }
0x1a: {  	s8 =	sadd.s32 $0xFFFFE003, lr  }
0x1b: {  	s9 =	sadd.s32 $0xFFFFFEF7, lr;
	s5 =	simm.s32 $0xFFFFFFFF;
	p2 =	slt.u32 s8, $0xFFFFF086  }
0x1c: {  	p1 =	slt.u32 s9, $0xF7A;
	s5 =	simm.s32 @!p2 $0x0  }
0x1d: {  	s5 =	simm.s32 @p1 $0x1;
	p0 =	seq.s32 s7, s2  }
0x1e: {  	s7 =	smul.u32 @!p0 $0xF7A, s2;
	p2 =	seq.s32 @!p0 s5, $0x0  }
0x1f: {  	s9 =	smul.u32 $0xF7A, s1;
	s8 =	simm.s32 @!p0 $0x1BF5;
	p2 =	por !p2, p0  }
0x20: {  	[sflag:s8] =	ssyncset.s32 @!p0 $0xFFFFF086;
	s6 =	sadd.s32 @!p0 s3, s7;
	s7 =	simm.s32 @!p0 $0x108  }
0x21: {  	s3 =	sadd.s32 s3, s9;
	s6 =	sadd.s32 @!p0 $0x88, s6;
	s7 =	simm.s32 @p2 $0x1082  }
0x22: {  	[simem:s7], [sflag:s8] =	dma.local @!p0 [hbm:s6], $0xF7A  }
0x23: {  	s9 =	sor.u32 $0xD0000000, s2;
	s6 =	simm.s32 $0x108;
	_ =	swait.ge @!p0 [sflag:s8], $0x0  }
0x24: {  	s3 =	sadd.s32 $0x88, s3;
	s6 =	simm.s32 @!p1 $0x1082;
	[sflag:s4] =	ssyncset.s32 $0xFFFFF086  }
0x25: {  	[simem:s6], [sflag:s4] =	dma.local [hbm:s3], $0xF7A  }
0x26: {  	[smem:$0x3F95] =	sst s1;
	(tag) =	ssettag s2;
	_ =	strace s9  }
0x27: {  	s1 =	sld [smem:$0x3FA5]  }
0x28: {  	s2 =	sld [smem:$0x3FA6]  }
0x29: {  	s4 =	sld [smem:$0x3FA8]  }
0x2a: {  	p0 =	seq.s32 s5, $0x0;
	s5 =	sld [smem:$0x3FA9]  }
0x2b: {  	s6 =	sld [smem:$0x3FAA]  }
0x2c: {  	s7 =	sld [smem:$0x3FAB]  }
0x2d: {  	s3 =	simm.s32 $0x108;
	s8 =	sld [smem:$0x3FAC]  }
0x2e: {  	s3 =	simm.s32 @!p0 $0x1082;
	s9 =	sld [smem:$0x3FAD]  }
0x2f: {  	lr =	sadd.s32 s0, s3;
	s0 =	sld [smem:$0x3FA4]  }
0x30: {  	s3 =	sld [smem:$0x3FA7]  }
0x31: {  	[smem:$0x3FB0] =	sst s10  }
0x32: {  	s10 =	sld [smem:$0x3FAE];
	_ =	sdelay $0x3  }
0x33: {  	p0 =	seq.s32 s10, $0x1;
	s10 =	sld [smem:$0x3FB0];
	_ =	sdelay $0x3  }
0x34: {  	[smem:$0x3FB0] =	sst s10  }
0x35: {  	s10 =	sld [smem:$0x3FAF];
	_ =	sdelay $0x3  }
0x36: {  	p1 =	seq.s32 s10, $0x1;
	s10 =	sld [smem:$0x3FB0];
	_ =	sdelay $0x3  }
0x37: {  	[smem:$0x3FB0] =	sst s10  }
0x38: {  	s10 =	sld [smem:$0x3FB1]  }
0x39: {  	_ = 	snop;
	(pc) =	sbr.ind lr, $3  }
0x3a: {  	_ = 	snop  }
0x3b: {  	_ = 	snop  }
0x3c: {  	p2 =	seq.s32 s10, $0x1;
	s10 =	sld [smem:$0x3FB0]  }
0x3d: {  	_ =	shalt  }
0x3e: {  	_ =	shalt  }
0x3f: {  	_ =	shalt  }
0x40: {  	_ =	shalt  }
0x41: {  	_ =	shalt  }
0x42: {  	_ =	shalt  }
0x43: {  	_ =	shalt  }
0x44: {  	_ =	shalt  }
0x45: {  	_ =	shalt  }
0x46: {  	_ =	shalt  }
0x47: {  	_ =	shalt  }
0x48: {  	_ =	shalt  }
0x49: {  	_ =	shalt  }
0x4a: {  	_ =	shalt  }
0x4b: {  	_ =	shalt  }
0x4c: {  	_ =	shalt  }
0x4d: {  	_ =	shalt  }
0x4e: {  	_ =	shalt  }
0x4f: {  	_ =	shalt  }
0x50: {  	_ =	shalt  }
0x51: {  	_ =	shalt  }
0x52: {  	_ =	shalt  }
0x53: {  	_ =	shalt  }
0x54: {  	_ =	shalt  }
0x55: {  	_ =	shalt  }
0x56: {  	_ =	shalt  }
0x57: {  	_ =	shalt  }
0x58: {  	_ =	shalt  }
0x59: {  	_ =	shalt  }
0x5a: {  	_ =	shalt  }
0x5b: {  	_ =	shalt  }
0x5c: {  	_ =	shalt  }
0x5d: {  	_ =	shalt  }
0x5e: {  	_ =	shalt  }
0x5f: {  	_ =	shalt  }
0x60: {  	_ =	shalt  }
0x61: {  	_ =	shalt  }
0x62: {  	_ =	shalt  }
0x63: {  	_ =	shalt  }
0x64: {  	_ =	shalt  }
0x65: {  	_ =	shalt  }
0x66: {  	_ =	shalt  }
0x67: {  	_ =	shalt  }
0x68: {  	_ =	shalt  }
0x69: {  	_ =	shalt  }
0x6a: {  	_ =	shalt  }
0x6b: {  	_ =	shalt  }
0x6c: {  	_ =	shalt  }
0x6d: {  	_ =	shalt  }
0x6e: {  	_ =	shalt  }
0x6f: {  	_ =	shalt  }
0x70: {  	_ =	shalt  }
0x71: {  	_ =	shalt  }
0x72: {  	_ =	shalt  }
0x73: {  	_ =	shalt  }
0x74: {  	_ =	shalt  }
0x75: {  	_ =	shalt  }
0x76: {  	_ =	shalt  }
0x77: {  	_ =	shalt  }
0x78: {  	_ =	shalt  }
0x79: {  	_ =	shalt  }
0x7a: {  	_ =	shalt  }
0x7b: {  	_ =	shalt  }
0x7c: {  	_ =	shalt  }
0x7d: {  	_ =	shalt  }
0x7e: {  	_ =	shalt  }
0x7f: {  	_ =	shalt  }
0x80: {  	_ =	shalt  }
0x81: {  	_ =	shalt  }
0x82: {  	_ =	shalt  }
0x83: {  	_ =	shalt  }
0x84: {  	_ =	shalt  }
0x85: {  	_ =	shalt  }
0x86: {  	_ =	shalt  }
0x87: {  	_ =	shalt  }
.Lfunc_end0:
.L_simem_size_0:
called_computation_lowered:
.L_overlay_start_0:
0x88: {  	s2 =	sld [smem:$0x3FD9]  }
0x89: {  	s3 =	sld [smem:$0x3FFE];
	_ =	sdelay $0x1  }
0x8a: {  	s1 =	srdreg.scid  }
0x8b: {  	s0 =	sand.u32 $0x1, s1  }
0x8c: {  	s16 =	sshll.u32 s0, $0xA;
	s2 =	sadd.s32 s3, s2  }
0x8d: {  	s2 =	sadd.s32 s2, s16  }
0x8e: {  	[smem:$0x3FBC] =	sst s2  }
0x8f: {  	_ = 	snop  }
0x90: {  	(tm) =	ssettm $0x1  }
0x91: {  	s17 =	sld [smem:$0x3FFB];
	_ =	sdelay $0x3  }
0x92: {  	_ =	strace s17  }
0x93: {  	s2 =	sld [smem:$0x3FFC];
	_ =	sdelay $0x3  }
0x94: {  	_ =	strace s2  }
0x95: {  	s2 =	sld [smem:$0x3FFD];
	_ =	sdelay $0x3  }
0x96: {  	_ =	strace s2  }
0x97: {  	_ =	strace $0x8FFFFFFF  }
0x98: {  	s18 =	sld [smem:$0x3FDB];
	_ =	sdelay $0x1  }
0x99: {  	s19 =	simm.s32 $_scs_section_size  }
0x9a: {  	s4 =	simm.s32 $_size__tile_overlayer_lowered;
	s5 =	simm.s32 $_tile_overlayer_lowered  }
0x9b: {  	s22 =	simm.s32 $0x1BFF;
	s21 =	sshll.u32 s5, $0x1;
	s2 =	sadd.s32 s19, s18  }
0x9c: {  	s6 =	simm.s32 $0x0;
	s20 =	sshll.u32 s4, $0x1;
	s4 =	sadd.s32 s21, s2  }
0x9d: {  	[timem:s6], [sflag:s22] =	dma.local [hbm:s4], s20  }
0x9e: {  	_ =	swait.ge [sflag:s22], s20  }
0x9f: {  	s3 =	ssub.s32 $0x0, s20;
	[sflag:s22] =	ssyncset.done $0x0  }
0xa0: {  	[sflag:s22] =	ssyncadd.s32 s3;
	_ =	sdelay $0x1  }
0xa1: {  	s23 =	simm.s32 $0x1B8B  }
0xa2: {  	_ =	swait.ge [sflag:s23], $0x1  }
0xa3: {  	[sflag:s23] =	ssyncset.done $0x0  }
0xa4: {  	s25 =	simm.s32 $0x1B8E;
	s24 =	sld [smem:$0x3FFE];
	[sflag:s23] =	ssyncadd.s32 $0xFFFFFFFF  }
0xa5: {  	s26 =	simm.s32 $execute0_lowered;
	[smem:$0x3FD2] =	sst s25  }
0xa6: {  	s4 =	sshll.u32 s26, $0x1;
	_ =	strace $0x80000046;
	[dreg:$0x1] =	wrdreg $0xFFFFFFFF  }
0xa7: {  	s28 =	simm.s32 $_size_execute0_lowered;
	s2 =	sadd.s32 s2, s4;
	[dreg:$0x0] =	wrdreg $0x0  }
0xa8: {  	s4 =	sshll.u32 s28, $0x1;
	[dreg:$0x2] =	wrdreg s2  }
0xa9: {  	[dreg:$0x3] =	wrdreg s4  }
0xaa: {  	[dreg:$0x4] =	wrdreg $0xC0  }
0xab: {  	_ =	task [dreg:s6], $0x5FFFF  }
0xac: {  	[dreg:$0x1] =	wrdreg $0xFFFFFFFF  }
0xad: {  	[dreg:$0x0] =	wrdreg $0x60  }
0xae: {  	[dreg:$0x2] =	wrdreg s24  }
0xaf: {  	[dreg:$0x3] =	wrdreg $0x9  }
0xb0: {  	_ =	task.clear_ibuf [dreg:s6], $0x4FFFF;
	_ =	strace $0x90000046  }
0xb1: {  	s29 =	simm.s32 $0x9;
	_ =	strace $0x8000004E  }
0xb2: {  	_ =	swait.ge [sflag:s29], $0x1  }
0xb3: {  	[sflag:s29] =	ssyncadd.s32 $0xFFFFFFFF  }
0xb4: {  	_ =	strace $0x9000004E  }
0xb5: {  	_ =	sfence  }
0xb6: {  	s30 =	sld [smem:$0x0];
	_ =	sdelay $0x2  }
0xb7: {  	s31 =	sshll.u32 s1, $0xD;
	s1 =	sshrl.u32 s1, $0x2  }
0xb8: {  	s3 =	sand.u32 $0x4000, s31;
	s1 =	sadd.s32 s1, s30  }
0xb9: {  	s0 =	sor.u32 s3, s0;
	s1 =	sshll.u32 s1, $0x11  }
0xba: {  	s0 =	sor.u32 s1, s0  }
0xbb: {  	s0 =	sadd.s32 $0x8F2B, s0  }
0xbc: {  	[sflag:s0] =	ssyncadd.remote.s32 $0x1  }
0xbd: {  	_ =	sfence.sel $0xFFFF  }
0xbe: {  	[dreg:$0x0] =	wrdreg $0xFFFFFFFF;
	(pc) =	sbr.abs _section_cstart, $3  }
0xbf: {  	[dreg:$0x1] =	wrdreg $0xFFFFFFFF  }
0xc0: {  	_ =	task.clear_ibuf [dreg:s6], $0x2FFFF;
	_ =	strace $0x9FFFFFFF  }
0xc1: {  	(tm) =	ssettm $0x7FFFFFFF  }
tec
execute0_lowered:
.L_overlay_start_1:
0x0: {  	(tag) =	ssettag $0x1  }
0x1: {  	s0 =	rddreg [dreg:$0x0];
	s1 =	simm.s32 $0x0;
	s2 =	srdreg.scid  }
0x2: {  	s6 =	stileid.u32;
	s31 =	simm.s32 $0x80;
	s12 =	simm.s32 $0x5  }
0x3: {  	s14 =	simm.s32 $0x0;
	[smem:$0x7FF] =	sst s1;
	s2 =	sand.u32 $0x1, s2  }
0x4: {  	s3 =	sadd.s32 $0x4AC00, s0;
	s4 =	sadd.s32 $0x4A800, s0;
	s0 =	sadd.s32 $0x62C00, s0  }
0x5: {  	_ =	strace $0x80000047;
	s5 =	sshll.u32 s2, $0x4;
	p0 =	seq.s32 s2, $0x0  }
0x6: {  	[dreg:$0x2] =	wrdreg s0;
	s9 =	sxor.u32 $0x1, s2;
	s5 =	sor.u32 s6, s5  }
0x7: {  	s6 =	ssub.s32 $0x2, s2;
	s7 =	sshll.u32 s5, $0x1;
	s5 =	sadd.s32 $0x10, s5  }
0x8: {  	[dreg:$0x3] =	wrdreg s31;
	s30 =	sshrl.u32 s6, $0x1;
	s5 =	smov.u32 @p0 s7  }
0x9: {  	s0 =	ssub.s32 s6, s30;
	s7 =	sshll.u32 s5, $0xB;
	s8 =	sshll.u32 s5, $0x4  }
0xa: {  	s10 =	smax.u32 s0, $0x1;
	s7 =	sadd.s32 s3, s7;
	s8 =	sadd.s32 s4, s8  }
.LBB2_1:
0xb: {  	_ =	strace $0x80000048  }
0xc: {  	s0 =	simm.s32 $0x8000;
	s15 =	simm.s32 $0x1;
	s19 =	sand.u32 $0x1, s1  }
0xd: {  	s26 =	sand.u32 $0x1, s1;
	p0 =	seq.s32 s6, $0x1;
	p5 =	sne.s32 s6, $0x1  }
0xe: {  	[tilespmem:s1], [sflag:$0x1] =	stream.linear.gather [hbm4b:s7+s1], $0x4000, $0x200038;
	[tilespmem:$0x8100] =	vst v63  }
.Ltmp0:
0xf: {  	s15 =	simm.s32 @p0 $0x0;
	p0 =	sle.u32 s9, $0x0;
	(pc) =	sbr.rel @!p5 .LBB2_2-.Ltmp0, $4  }
0x10: {  	s31 =	simm.s32 $0x0;
	s25 =	simm.s32 $0x0;
	p1 =	seq.s32 @!p0 s15, $0x0  }
0x11: {  	[tilespmem:s0], [sflag:$0x3] =	stream.linear.gather [hbm4b:s8+s1], $0x80, $0x200038;
	[tilespmem:$0x8100] =	vst v63  }
0x12: {  	p4 =	seq.s32 s9, $0x0;
	s24 =	sand.u32 $0x80, s31;
	p2 =	por p1, p0  }
0x13: {  	p3 =	por !p1, p0;
	p1 =	por $0x0, $0x0;
	_ =	strace $0x90000048  }
0x14: {  	s0 =	sadd.s32 @!p2 s5, s15;
	p0 =	por p0, p0  }
0x15: {  	s17 =	simm.s32 @!p2 $0x2;
	s11 =	simm.s32 $0x1;
	_ =	strace @!p2 $0x80000049  }
0x16: {  	s21 =	simm.s32 @!p2 $0x0;
	p1 =	sne.s32 s15, $0x0;
	s23 =	sadd.s32 $0x1, s19  }
0x17: {  	s26 =	sadd.s32 $0x3, s26;
	p5 =	sne.s32 s6, $0x2;
	s28 =	sand.u32 $0x4000, s25  }
0x18: {  	s29 =	sor.u32 $0x8000, s24;
	s2 =	sshll.u32 @!p2 s0, $0xB;
	s0 =	sshll.u32 @!p2 s0, $0x4  }
0x19: {  	s16 =	sand.u32 @!p2 $0x1, s11;
	s2 =	sand.u32 @!p2 $0x1FFFF800, s2;
	s0 =	sand.u32 @!p2 $0x1FFFFFF0, s0  }
0x1a: {  	s18 =	sshll.u32 @!p2 s16, $0xE;
	s20 =	sadd.s32 @!p2 $0x1, s16;
	s2 =	sadd.s32 @!p2 s3, s2  }
0x1b: {  	[tilespmem:s18], [sflag:s20] =	stream.linear.gather @!p2 [hbm4b:s2+s21], $0x4000, $0x200038;
	[tilespmem:$0x8100] =	vst v63  }
0x1c: {  	s0 =	sadd.s32 @!p2 s4, s0;
	s2 =	sshll.u32 @!p2 s16, $0x7;
	_ =	strace @!p2 $0x90000049  }
0x1d: {  	s16 =	sadd.s32 @!p2 $0x3, s16;
	s2 =	sor.u32 @!p2 $0x8000, s2;
	_ =	strace @!p2 $0x8000004A  }
0x1e: {  	[tilespmem:s2], [sflag:s16] =	stream.linear.gather @!p2 [hbm4b:s0+s21], $0x80, $0x200038;
	[tilespmem:$0x8100] =	vst v63  }
0x1f: {  	s24 =	sadd.s32 $0x1, s15;
	s31 =	simm.s32 $0x0;
	_ =	strace @!p2 $0x9000004A  }
0x20: {  	p6 =	sle.u32 s9, $0x1;
	s22 =	simm.s32 $0x1;
	_ =	strace $0x8000004B  }
0x21: {  	p1 =	por p4, p1;
	s31 =	simm.s32 @p3 $0x1;
	_ =	swait.ge [sflag:s23], $0x4000  }
0x22: {  	p4 =	seq.s32 s9, $0x1;
	s31 =	simm.s32 @p0 $0x0;
	[sflag:s23] =	ssyncset.done $0x0  }
0x23: {  	s20 =	simm.s32 $0x2;
	s16 =	simm.s32 $0x1;
	[sflag:s23] =	ssyncadd.s32 $0xFFFFC000  }
0x24: {  	s0 =	simm.s32 $0x1;
	s16 =	smov.u32 @p3 s17;
	_ =	strace $0x9000004B  }
0x25: {  	s0 =	simm.s32 @!p1 $0x0;
	p1 =	seq.s32 s24, s6;
	_ =	strace $0x8000004C  }
0x26: {  	s21 =	sadd.s32 $0x0, s0;
	s24 =	simm.s32 @p1 $0x0;
	_ =	swait.ge [sflag:s26], $0x80  }
0x27: {  	s19 =	sand.u32 $0x1, s21;
	s17 =	sand.u32 $0x1, s21;
	[sflag:s26] =	ssyncset.done $0x0  }
.Ltmp1:
0x28: {  	s0 =	sshll.u32 s21, $0x7;
	[sflag:s26] =	ssyncadd.s32 $0xFFFFFF80;
	(pc) =	sbr.rel @!p5 .LBB2_4-.Ltmp1, $4  }
0x29: {  	s18 =	sshll.u32 s21, $0xE;
	p1 =	seq.s32 @!p6 s15, s24;
	_ =	strace $0x9000004C  }
0x2a: {  	s25 =	smov.u32 s21;
	s30 =	sand.u32 $0x80, s0;
	_ =	strace $0x8000004D  }
0x2b: {  	p2 =	por p1, p6;
	p3 =	por !p1, p6;
	s0 =	rddreg [dreg:$0x3]  }
0x2c: {  	p1 =	por $0x1, $0x1;
	s23 =	simm.s32 $0x1;
	s2 =	rddreg [dreg:$0x2]  }
.LBB2_5:
0x2d: {  	s26 =	smov.u32 s22;
	s11 =	sadd.s32 @!p2 s5, s24;
	s22 =	smov.u32 s16  }
0x2e: {  	[hbm4b:s2+s0] =	stream.indirect.scatter [tilespmem:s28], [sflag:$0x5], $0x80, s29, s0, $0x2000b8;
	[tilespmem:$0x8100] =	vst v63  }
0x2f: {  	s23 =	sadd.s32 s23, s31;
	s31 =	smov.u32 s30;
	p5 =	sne.s32 s15, s24  }
0x30: {  	s15 =	simm.s32 @!p2 $0x0;
	s22 =	smov.u32 @p0 s26;
	s26 =	smov.u32 s20  }
0x31: {  	p0 =	por p6, p6;
	s16 =	sshll.u32 @!p2 s11, $0xB;
	s11 =	sshll.u32 @!p2 s11, $0x4  }
0x32: {  	_ =	swait.ge [sflag:s12], $0x4000;
	s20 =	sadd.s32 $0x1, s20;
	p4 =	por p4, p5  }
0x33: {  	s28 =	sand.u32 @!p2 $0x1, s23;
	s29 =	sor.u32 $0x8000, s31;
	s31 =	simm.s32 $0x0  }
0x34: {  	s30 =	sadd.s32 @!p2 $0x1, s22;
	s16 =	sand.u32 @!p2 $0x1FFFF800, s16;
	[sflag:s12] =	ssyncset.done $0x0  }
0x35: {  	s13 =	sand.u32 @!p2 $0x1, s22;
	s11 =	sand.u32 @!p2 $0x1FFFFFF0, s11;
	[sflag:s12] =	ssyncadd.s32 $0xFFFFC000  }
0x36: {  	p5 =	sne.s32 s6, s20;
	s0 =	sshll.u32 @!p2 s13, $0xE;
	_ =	strace $0x9000004D  }
0x37: {  	s2 =	sadd.s32 @!p2 $0x1, s13;
	s13 =	sadd.s32 @!p2 s3, s16;
	_ =	strace @!p2 $0x80000049  }
0x38: {  	[tilespmem:s0], [sflag:s2] =	stream.linear.gather @!p2 [hbm4b:s13+s15], $0x4000, $0x200038;
	[tilespmem:$0x8100] =	vst v63  }
0x39: {  	s11 =	sadd.s32 @!p2 s4, s11;
	s0 =	sshll.u32 @!p2 s28, $0x7;
	_ =	strace @!p2 $0x90000049  }
0x3a: {  	s2 =	sadd.s32 @!p2 $0x3, s28;
	s0 =	sor.u32 @!p2 $0x8000, s0;
	_ =	strace @!p2 $0x8000004A  }
0x3b: {  	[tilespmem:s0], [sflag:s2] =	stream.linear.gather @!p2 [hbm4b:s11+s15], $0x80, $0x200038;
	[tilespmem:$0x8100] =	vst v63  }
0x3c: {  	s31 =	simm.s32 @p3 $0x1;
	p6 =	sge.u32 s26, s9;
	_ =	strace @!p2 $0x9000004A  }
0x3d: {  	s16 =	smov.u32 s22;
	s0 =	sadd.s32 $0x1, s19;
	_ =	strace $0x8000004B  }
0x3e: {  	s31 =	simm.s32 @p0 $0x0;
	s16 =	smov.u32 @p3 s30;
	_ =	swait.ge [sflag:s0], $0x4000  }
0x3f: {  	s13 =	simm.s32 $0x1;
	s28 =	sand.u32 $0x4000, s18;
	[sflag:s0] =	ssyncset.done $0x0  }
0x40: {  	s13 =	simm.s32 @!p4 $0x0;
	p4 =	seq.s32 s9, s26;
	[sflag:s0] =	ssyncadd.s32 $0xFFFFC000  }
0x41: {  	s21 =	sadd.s32 s13, s21;
	s25 =	sadd.s32 s13, s25;
	_ =	strace $0x9000004B  }
0x42: {  	s19 =	sand.u32 $0x1, s21;
	s11 =	sadd.s32 $0x3, s17;
	_ =	strace $0x8000004C  }
0x43: {  	s2 =	sand.u32 $0x1, s25;
	s15 =	sshll.u32 s25, $0x7;
	_ =	swait.ge [sflag:s11], $0x80  }
0x44: {  	s30 =	sand.u32 $0x80, s15;
	s15 =	smov.u32 s24;
	[sflag:s11] =	ssyncset.done $0x0  }
.Ltmp2:
0x45: {  	s24 =	sadd.s32 $0x1, s24;
	[sflag:s11] =	ssyncadd.s32 $0xFFFFFF80;
	(pc) =	sbr.rel @p5 .LBB2_5-.Ltmp2, $4  }
0x46: {  	s13 =	sshll.u32 s21, $0xE;
	p2 =	seq.s32 s24, s6;
	_ =	strace $0x9000004C  }
0x47: {  	s17 =	smov.u32 s2;
	s24 =	simm.s32 @p2 $0x0;
	_ =	strace $0x8000004D  }
0x48: {  	s18 =	smov.u32 s13;
	p3 =	seq.s32 @!p6 s15, s24;
	s0 =	rddreg [dreg:$0x3]  }
0x49: {  	p2 =	por p3, p6;
	p3 =	por !p3, p6;
	s2 =	rddreg [dreg:$0x2]  }
0x4a: {  	s15 =	smov.u32 s24  }
0x4b: {  	s24 =	smov.u32 s30;
	s26 =	smov.u32 s17;
	s25 =	smov.u32 s18  }
.LBB2_7:
0x4c: {  	s11 =	sadd.s32 @!p2 s5, s15;
	p0 =	por !p0, !p1  }
0x4d: {  	[hbm4b:s2+s0] =	stream.indirect.scatter @p1 [tilespmem:s28], [sflag:$0x5], $0x80, s29, s0, $0x2000b8;
	[tilespmem:$0x8100] =	vst v63  }
0x4e: {  	s13 =	sadd.s32 @p1 s23, s31;
	s15 =	simm.s32 $0x1;
	s22 =	smov.u32 @p0 s16  }
0x4f: {  	s16 =	sshll.u32 @!p2 s11, $0xB;
	s11 =	sshll.u32 @!p2 s11, $0x4;
	_ =	swait.ge @p1 [sflag:s12], $0x4000  }
0x50: {  	s15 =	smov.u32 @p1 s22;
	s2 =	sand.u32 @!p2 $0x1FFFF800, s16;
	s11 =	sand.u32 @!p2 $0x1FFFFFF0, s11  }
0x51: {  	[sflag:s12] =	ssyncset.done @p1 $0x0;
	s16 =	simm.s32 $0x1;
	s0 =	sand.u32 @!p2 $0x1, s15  }
0x52: {  	[sflag:s12] =	ssyncadd.s32 @p1 $0xFFFFC000;
	s2 =	sadd.s32 @!p2 s3, s2;
	s16 =	smov.u32 @p1 s13  }
0x53: {  	s13 =	simm.s32 @!p2 $0x0;
	s15 =	sshll.u32 @!p2 s0, $0xE;
	_ =	strace @p1 $0x9000004D  }
0x54: {  	s0 =	sadd.s32 @!p2 $0x1, s0;
	s16 =	sand.u32 @!p2 $0x1, s16;
	_ =	strace @!p2 $0x80000049  }
0x55: {  	[tilespmem:s15], [sflag:s0] =	stream.linear.gather @!p2 [hbm4b:s2+s13], $0x4000, $0x200038;
	[tilespmem:$0x8100] =	vst v63  }
0x56: {  	s0 =	sadd.s32 @!p2 s4, s11;
	s2 =	sshll.u32 @!p2 s16, $0x7;
	_ =	strace @!p2 $0x90000049  }
0x57: {  	s11 =	sadd.s32 @!p2 $0x3, s16;
	s2 =	sor.u32 @!p2 $0x8000, s2;
	_ =	strace @!p2 $0x8000004A  }
0x58: {  	[tilespmem:s2], [sflag:s11] =	stream.linear.gather @!p2 [hbm4b:s0+s13], $0x80, $0x200038;
	[tilespmem:$0x8100] =	vst v63  }
0x59: {  	_ =	strace @!p2 $0x9000004A  }
0x5a: {  	s23 =	sadd.s32 $0x1, s19;
	_ =	strace $0x8000004B  }
0x5b: {  	_ =	swait.ge [sflag:s23], $0x4000  }
0x5c: {  	[sflag:s23] =	ssyncset.done $0x0  }
0x5d: {  	[sflag:s23] =	ssyncadd.s32 $0xFFFFC000  }
0x5e: {  	_ =	strace $0x9000004B  }
0x5f: {  	s26 =	sadd.s32 $0x3, s26;
	_ =	strace $0x8000004C  }
0x60: {  	_ =	swait.ge [sflag:s26], $0x80  }
0x61: {  	[sflag:s26] =	ssyncset.done $0x0  }
0x62: {  	[sflag:s26] =	ssyncadd.s32 $0xFFFFFF80  }
0x63: {  	_ =	strace $0x9000004C  }
0x64: {  	_ =	strace $0x8000004D  }
0x65: {  	s30 =	sand.u32 $0x4000, s25;
	s14 =	sadd.s32 $0x1, s14;
	s28 =	rddreg [dreg:$0x3]  }
0x66: {  	s31 =	sor.u32 $0x8000, s24;
	p0 =	sne.s32 s14, s10;
	s29 =	rddreg [dreg:$0x2]  }
0x67: {  	[hbm4b:s29+s28] =	stream.indirect.scatter [tilespmem:s30], [sflag:$0x5], $0x80, s31, s28, $0x2000b8;
	[tilespmem:$0x8100] =	vst v63  }
.Ltmp3:
0x68: {  	_ = 	snop;
	(pc) =	sbr.rel @p0 .LBB2_1-.Ltmp3, $4  }
.Ltmp4:
0x69: {  	_ =	swait.ge [sflag:s12], $0x4000;
	(pc) =	sbr.rel @!p0 .LBB2_8-.Ltmp4, $4  }
0x6a: {  	[sflag:s12] =	ssyncset.done $0x0  }
0x6b: {  	[sflag:s12] =	ssyncadd.s32 $0xFFFFC000  }
0x6c: {  	_ =	strace $0x9000004D  }
0x6d: {  	_ = 	snop  }
.LBB2_2:
.Ltmp5:
0x6e: {  	(pc) =	sbr.rel .LBB2_7-.Ltmp5, $2  }
0x6f: {  	_ =	sdelay $0x2  }
0x70: {  	s22 =	simm.s32 $0x1;
	s23 =	simm.s32 $0x1  }
.LBB2_4:
.Ltmp6:
0x71: {  	(pc) =	sbr.rel .LBB2_7-.Ltmp6, $3  }
0x72: {  	_ =	sdelay $0x1  }
0x73: {  	s15 =	smov.u32 s24;
	s22 =	simm.s32 $0x1;
	s23 =	simm.s32 $0x1  }
0x74: {  	s24 =	smov.u32 s30;
	s26 =	smov.u32 s17;
	s25 =	smov.u32 s18  }
.LBB2_8:
0x75: {  	_ =	sfence.sel $0x180000  }
0x76: {  	[bflag:$0x0] =	sbarrier.arrive $0xFFFF  }
0x77: {  	_ =	strace $0x90000047  }
0x78: {  	s0 =	stileid.u32;
	[bflag:$0x2] =	sbarrier.arrive $0xFFFF  }
0x79: {  	p0 =	sne.s32 s0, $0x0;
	s0 =	rddreg [dreg:$0x1]  }
0x7a: {  	s0 =	sadd.s32 @!p0 $0x100000, s0  }
0x7b: {  	[sflag:s0] =	ssyncadd.tile.s32 @!p0 $0x1;
	_ =	shalt  }
.Lfunc_end2:
_tile_overlayer_lowered:
.L_overlay_start_2:
0x7c: {  	(tag) =	ssettag $0x2  }
0x7d: {  	s0 =	rddreg [dreg:$0x0];
	s2 =	stileid.u32  }
0x7e: {  	s1 =	rddreg [dreg:$0x1];
	p0 =	sne.s32 s2, $0x0  }
0x7f: {  	s3 =	rddreg [dreg:$0x2];
	[bflag:$0x3] =	sbarrier.arrive $0xFFFF;
	s2 =	simm.s32 @!p0 $0x1C01  }
0x80: {  	[timem:s3], [sflag:s2] =	dma.local @!p0 [hbm:s0], s1  }
0x81: {  	s0 =	simm.s32 @!p0 $0x1  }
0x82: {  	_ =	swait.ge @!p0 [sflag:s0], s1  }
0x83: {  	s1 =	ssub.s32 @!p0 $0x0, s1;
	[sflag:s0] =	ssyncset.done @!p0 $0x0  }
0x84: {  	[sflag:s0] =	ssyncadd.s32 @!p0 s1  }
0x85: {  	[bflag:$0x3] =	sbarrier.arrive $0xFFFF  }
0x86: {  	_ =	shalt  }

// kernel: kernel.14.cloned.1.call-start
scs
__scs_entry_jumppad:
0x0: {  	(pc) =	sbr.rel $0x88, $3  }
0x1: {  	(tag) =	ssettag $0x0;
	lr =	simm.s32 $0x1  }
0x2: {  	[smem:$0x3F95] =	sst lr;
	_ =	strace $0xD0000000  }
0x3: {  	_ = 	snop  }
0x4: {  	_ = 	snop  }
0x5: {  	_ = 	snop  }
0x6: {  	_ = 	snop  }
0x7: {  	_ = 	snop  }
__scs_overlays_trampoline_lowered:
0x8: {  	[smem:$0x3FA4] =	sst s0  }
0x9: {  	[smem:$0x3FA5] =	sst s1  }
0xa: {  	[smem:$0x3FA6] =	sst s2  }
0xb: {  	[smem:$0x3FA7] =	sst s3  }
0xc: {  	[smem:$0x3FA8] =	sst s4  }
0xd: {  	[smem:$0x3FA9] =	sst s5  }
0xe: {  	[smem:$0x3FAA] =	sst s6  }
0xf: {  	[smem:$0x3FAB] =	sst s7  }
0x10: {  	[smem:$0x3FAC] =	sst s8  }
0x11: {  	[smem:$0x3FAD] =	sst s9;
	s0 =	simm.s32 @!p0 $0x0  }
0x12: {  	s1 =	sld [smem:$0x3F93];
	s0 =	simm.s32 @p0 $0x1  }
0x13: {  	[smem:$0x3FAE] =	sst s0;
	s0 =	simm.s32 @!p1 $0x0  }
0x14: {  	s2 =	sld [smem:$0x3F92];
	s0 =	simm.s32 @p1 $0x1  }
0x15: {  	[smem:$0x3FAF] =	sst s0;
	s0 =	simm.s32 @!p2 $0x0  }
0x16: {  	s3 =	sld [smem:$0x3FDB];
	s0 =	simm.s32 @p2 $0x1  }
0x17: {  	s4 =	simm.s32 $0x1BF5;
	[smem:$0x3FB1] =	sst s0  }
0x18: {  	s0 =	sld [smem:$0x3F94];
	_ =	swait.ge [sflag:s4], $0x0  }
0x19: {  	s7 =	sld [smem:$0x3F95]  }
0x1a: {  	s8 =	sadd.s32 $0xFFFFE003, lr  }
0x1b: {  	s9 =	sadd.s32 $0xFFFFFEF7, lr;
	s5 =	simm.s32 $0xFFFFFFFF;
	p2 =	slt.u32 s8, $0xFFFFF086  }
0x1c: {  	p1 =	slt.u32 s9, $0xF7A;
	s5 =	simm.s32 @!p2 $0x0  }
0x1d: {  	s5 =	simm.s32 @p1 $0x1;
	p0 =	seq.s32 s7, s2  }
0x1e: {  	s7 =	smul.u32 @!p0 $0xF7A, s2;
	p2 =	seq.s32 @!p0 s5, $0x0  }
0x1f: {  	s9 =	smul.u32 $0xF7A, s1;
	s8 =	simm.s32 @!p0 $0x1BF5;
	p2 =	por !p2, p0  }
0x20: {  	[sflag:s8] =	ssyncset.s32 @!p0 $0xFFFFF086;
	s6 =	sadd.s32 @!p0 s3, s7;
	s7 =	simm.s32 @!p0 $0x108  }
0x21: {  	s3 =	sadd.s32 s3, s9;
	s6 =	sadd.s32 @!p0 $0x88, s6;
	s7 =	simm.s32 @p2 $0x1082  }
0x22: {  	[simem:s7], [sflag:s8] =	dma.local @!p0 [hbm:s6], $0xF7A  }
0x23: {  	s9 =	sor.u32 $0xD0000000, s2;
	s6 =	simm.s32 $0x108;
	_ =	swait.ge @!p0 [sflag:s8], $0x0  }
0x24: {  	s3 =	sadd.s32 $0x88, s3;
	s6 =	simm.s32 @!p1 $0x1082;
	[sflag:s4] =	ssyncset.s32 $0xFFFFF086  }
0x25: {  	[simem:s6], [sflag:s4] =	dma.local [hbm:s3], $0xF7A  }
0x26: {  	[smem:$0x3F95] =	sst s1;
	(tag) =	ssettag s2;
	_ =	strace s9  }
0x27: {  	s1 =	sld [smem:$0x3FA5]  }
0x28: {  	s2 =	sld [smem:$0x3FA6]  }
0x29: {  	s4 =	sld [smem:$0x3FA8]  }
0x2a: {  	p0 =	seq.s32 s5, $0x0;
	s5 =	sld [smem:$0x3FA9]  }
0x2b: {  	s6 =	sld [smem:$0x3FAA]  }
0x2c: {  	s7 =	sld [smem:$0x3FAB]  }
0x2d: {  	s3 =	simm.s32 $0x108;
	s8 =	sld [smem:$0x3FAC]  }
0x2e: {  	s3 =	simm.s32 @!p0 $0x1082;
	s9 =	sld [smem:$0x3FAD]  }
0x2f: {  	lr =	sadd.s32 s0, s3;
	s0 =	sld [smem:$0x3FA4]  }
0x30: {  	s3 =	sld [smem:$0x3FA7]  }
0x31: {  	[smem:$0x3FB0] =	sst s10  }
0x32: {  	s10 =	sld [smem:$0x3FAE];
	_ =	sdelay $0x3  }
0x33: {  	p0 =	seq.s32 s10, $0x1;
	s10 =	sld [smem:$0x3FB0];
	_ =	sdelay $0x3  }
0x34: {  	[smem:$0x3FB0] =	sst s10  }
0x35: {  	s10 =	sld [smem:$0x3FAF];
	_ =	sdelay $0x3  }
0x36: {  	p1 =	seq.s32 s10, $0x1;
	s10 =	sld [smem:$0x3FB0];
	_ =	sdelay $0x3  }
0x37: {  	[smem:$0x3FB0] =	sst s10  }
0x38: {  	s10 =	sld [smem:$0x3FB1]  }
0x39: {  	_ = 	snop;
	(pc) =	sbr.ind lr, $3  }
0x3a: {  	_ = 	snop  }
0x3b: {  	_ = 	snop  }
0x3c: {  	p2 =	seq.s32 s10, $0x1;
	s10 =	sld [smem:$0x3FB0]  }
0x3d: {  	_ =	shalt  }
0x3e: {  	_ =	shalt  }
0x3f: {  	_ =	shalt  }
0x40: {  	_ =	shalt  }
0x41: {  	_ =	shalt  }
0x42: {  	_ =	shalt  }
0x43: {  	_ =	shalt  }
0x44: {  	_ =	shalt  }
0x45: {  	_ =	shalt  }
0x46: {  	_ =	shalt  }
0x47: {  	_ =	shalt  }
0x48: {  	_ =	shalt  }
0x49: {  	_ =	shalt  }
0x4a: {  	_ =	shalt  }
0x4b: {  	_ =	shalt  }
0x4c: {  	_ =	shalt  }
0x4d: {  	_ =	shalt  }
0x4e: {  	_ =	shalt  }
0x4f: {  	_ =	shalt  }
0x50: {  	_ =	shalt  }
0x51: {  	_ =	shalt  }
0x52: {  	_ =	shalt  }
0x53: {  	_ =	shalt  }
0x54: {  	_ =	shalt  }
0x55: {  	_ =	shalt  }
0x56: {  	_ =	shalt  }
0x57: {  	_ =	shalt  }
0x58: {  	_ =	shalt  }
0x59: {  	_ =	shalt  }
0x5a: {  	_ =	shalt  }
0x5b: {  	_ =	shalt  }
0x5c: {  	_ =	shalt  }
0x5d: {  	_ =	shalt  }
0x5e: {  	_ =	shalt  }
0x5f: {  	_ =	shalt  }
0x60: {  	_ =	shalt  }
0x61: {  	_ =	shalt  }
0x62: {  	_ =	shalt  }
0x63: {  	_ =	shalt  }
0x64: {  	_ =	shalt  }
0x65: {  	_ =	shalt  }
0x66: {  	_ =	shalt  }
0x67: {  	_ =	shalt  }
0x68: {  	_ =	shalt  }
0x69: {  	_ =	shalt  }
0x6a: {  	_ =	shalt  }
0x6b: {  	_ =	shalt  }
0x6c: {  	_ =	shalt  }
0x6d: {  	_ =	shalt  }
0x6e: {  	_ =	shalt  }
0x6f: {  	_ =	shalt  }
0x70: {  	_ =	shalt  }
0x71: {  	_ =	shalt  }
0x72: {  	_ =	shalt  }
0x73: {  	_ =	shalt  }
0x74: {  	_ =	shalt  }
0x75: {  	_ =	shalt  }
0x76: {  	_ =	shalt  }
0x77: {  	_ =	shalt  }
0x78: {  	_ =	shalt  }
0x79: {  	_ =	shalt  }
0x7a: {  	_ =	shalt  }
0x7b: {  	_ =	shalt  }
0x7c: {  	_ =	shalt  }
0x7d: {  	_ =	shalt  }
0x7e: {  	_ =	shalt  }
0x7f: {  	_ =	shalt  }
0x80: {  	_ =	shalt  }
0x81: {  	_ =	shalt  }
0x82: {  	_ =	shalt  }
0x83: {  	_ =	shalt  }
0x84: {  	_ =	shalt  }
0x85: {  	_ =	shalt  }
0x86: {  	_ =	shalt  }
0x87: {  	_ =	shalt  }
.Lfunc_end0:
.L_simem_size_0:
called_computation.1_lowered:
.L_overlay_start_0:
0x88: {  	s2 =	sld [smem:$0x3FD9]  }
0x89: {  	s3 =	sld [smem:$0x3FFE];
	_ =	sdelay $0x1  }
0x8a: {  	s1 =	srdreg.scid  }
0x8b: {  	s0 =	sand.u32 $0x1, s1  }
0x8c: {  	s16 =	sshll.u32 s0, $0xA;
	s2 =	sadd.s32 s3, s2  }
0x8d: {  	s2 =	sadd.s32 s2, s16  }
0x8e: {  	[smem:$0x3FBC] =	sst s2  }
0x8f: {  	_ = 	snop  }
0x90: {  	(tm) =	ssettm $0x1  }
0x91: {  	s17 =	sld [smem:$0x3FFB];
	_ =	sdelay $0x3  }
0x92: {  	_ =	strace s17  }
0x93: {  	s2 =	sld [smem:$0x3FFC];
	_ =	sdelay $0x3  }
0x94: {  	_ =	strace s2  }
0x95: {  	s2 =	sld [smem:$0x3FFD];
	_ =	sdelay $0x3  }
0x96: {  	_ =	strace s2  }
0x97: {  	_ =	strace $0x8FFFFFFF  }
0x98: {  	s18 =	sld [smem:$0x3FDB];
	_ =	sdelay $0x1  }
0x99: {  	s19 =	simm.s32 $_scs_section_size  }
0x9a: {  	s4 =	simm.s32 $_size__tile_overlayer_lowered;
	s5 =	simm.s32 $_tile_overlayer_lowered  }
0x9b: {  	s22 =	simm.s32 $0x1BFF;
	s21 =	sshll.u32 s5, $0x1;
	s2 =	sadd.s32 s19, s18  }
0x9c: {  	s6 =	simm.s32 $0x0;
	s20 =	sshll.u32 s4, $0x1;
	s4 =	sadd.s32 s21, s2  }
0x9d: {  	[timem:s6], [sflag:s22] =	dma.local [hbm:s4], s20  }
0x9e: {  	_ =	swait.ge [sflag:s22], s20  }
0x9f: {  	s3 =	ssub.s32 $0x0, s20;
	[sflag:s22] =	ssyncset.done $0x0  }
0xa0: {  	[sflag:s22] =	ssyncadd.s32 s3;
	_ =	sdelay $0x1  }
0xa1: {  	s23 =	simm.s32 $0x1B8B  }
0xa2: {  	_ =	swait.ge [sflag:s23], $0x1  }
0xa3: {  	[sflag:s23] =	ssyncset.done $0x0  }
0xa4: {  	s25 =	simm.s32 $0x1B8E;
	s24 =	sld [smem:$0x3FFE];
	[sflag:s23] =	ssyncadd.s32 $0xFFFFFFFF  }
0xa5: {  	s26 =	simm.s32 $execute0_lowered;
	[smem:$0x3FD2] =	sst s25  }
0xa6: {  	s4 =	sshll.u32 s26, $0x1;
	_ =	strace $0x8000004F;
	[dreg:$0x1] =	wrdreg $0xFFFFFFFF  }
0xa7: {  	s28 =	simm.s32 $_size_execute0_lowered;
	s2 =	sadd.s32 s2, s4;
	[dreg:$0x0] =	wrdreg $0x0  }
0xa8: {  	s4 =	sshll.u32 s28, $0x1;
	[dreg:$0x2] =	wrdreg s2  }
0xa9: {  	[dreg:$0x3] =	wrdreg s4  }
0xaa: {  	[dreg:$0x4] =	wrdreg $0xC0  }
0xab: {  	_ =	task [dreg:s6], $0x5FFFF  }
0xac: {  	[dreg:$0x1] =	wrdreg $0xFFFFFFFF  }
0xad: {  	[dreg:$0x0] =	wrdreg $0x60  }
0xae: {  	[dreg:$0x2] =	wrdreg s24  }
0xaf: {  	[dreg:$0x3] =	wrdreg $0x9  }
0xb0: {  	_ =	task.clear_ibuf [dreg:s6], $0x4FFFF;
	_ =	strace $0x9000004F  }
0xb1: {  	s29 =	simm.s32 $0x9;
	_ =	strace $0x80000058  }
0xb2: {  	_ =	swait.ge [sflag:s29], $0x1  }
0xb3: {  	[sflag:s29] =	ssyncadd.s32 $0xFFFFFFFF  }
0xb4: {  	_ =	strace $0x90000058  }
0xb5: {  	_ =	sfence  }
0xb6: {  	s30 =	sld [smem:$0x0];
	_ =	sdelay $0x2  }
0xb7: {  	s31 =	sshll.u32 s1, $0xD;
	s1 =	sshrl.u32 s1, $0x2  }
0xb8: {  	s3 =	sand.u32 $0x4000, s31;
	s1 =	sadd.s32 s1, s30  }
0xb9: {  	s0 =	sor.u32 s3, s0;
	s1 =	sshll.u32 s1, $0x11  }
0xba: {  	s0 =	sor.u32 s1, s0  }
0xbb: {  	s0 =	sadd.s32 $0x8F2B, s0  }
0xbc: {  	[sflag:s0] =	ssyncadd.remote.s32 $0x1  }
0xbd: {  	_ =	sfence.sel $0xFFFF  }
0xbe: {  	[dreg:$0x0] =	wrdreg $0xFFFFFFFF;
	(pc) =	sbr.abs _section_cstart, $3  }
0xbf: {  	[dreg:$0x1] =	wrdreg $0xFFFFFFFF  }
0xc0: {  	_ =	task.clear_ibuf [dreg:s6], $0x2FFFF;
	_ =	strace $0x9FFFFFFF  }
0xc1: {  	(tm) =	ssettm $0x7FFFFFFF  }
tec
execute0_lowered:
.L_overlay_start_1:
0x0: {  	(tag) =	ssettag $0x1  }
0x1: {  	s0 =	srdreg.scid  }
0x2: {  	s24 =	sand.u32 $0x1, s0  }
0x3: {  	s0 =	stileid.u32;
	s1 =	sshll.u32 s24, $0x4  }
0x4: {  	s11 =	sor.u32 s0, s1  }
0x5: {  	s10 =	rddreg [dreg:$0x0];
	s2 =	simm.s32 $0x0;
	s3 =	smul.u32 $0x60, s11  }
0x6: {  	[smem:$0x7FF] =	sst s2  }
0x7: {  	s1 =	rddreg [dreg:$0x1];
	_ =	strace $0x80000050;
	s21 =	sadd.s32 s3, s10  }
0x8: {  	_ =	strace $0x80000051;
	s3 =	sadd.s32 $0x4A800, s21  }
0x9: {  	[tilespmem:s2], [sflag:$0x1] =	stream.linear.gather [hbm4b:s3+s2], $0x80, $0x200038;
	[tilespmem:$0x8100] =	vst v63  }
0xa: {  	_ =	strace $0x90000051  }
0xb: {  	s5 =	simm.s32 $0x80;
	s4 =	sadd.s32 $0x4A810, s21;
	_ =	strace $0x80000052  }
0xc: {  	[tilespmem:s5], [sflag:$0x2] =	stream.linear.gather [hbm4b:s4+s2], $0x80, $0x200038;
	[tilespmem:$0x8100] =	vst v63  }
0xd: {  	_ =	strace $0x90000052  }
0xe: {  	s6 =	simm.s32 $0x1;
	_ =	strace $0x80000053  }
0xf: {  	_ =	swait.ge [sflag:s6], $0x80  }
0x10: {  	[sflag:s6] =	ssyncset.done $0x0  }
0x11: {  	[sflag:s6] =	ssyncadd.s32 $0xFFFFFF80  }
0x12: {  	s8 =	simm.s32 $0x100;
	_ =	strace $0x90000053  }
0x13: {  	s9 =	simm.s32 $0x5;
	s7 =	sadd.s32 $0x7AC00, s10;
	_ =	strace $0x80000054  }
0x14: {  	[tilespmem:s8], [sflag:$0x5] =	stream.indirect.gather [hbm4b:s7+s5], $0x80, s2, s5, $0x2000b8;
	[tilespmem:$0x8100] =	vst v63  }
0x15: {  	_ =	swait.ge [sflag:s9], $0x4000  }
0x16: {  	s11 =	smul.u32 $0x3000, s11;
	[sflag:s9] =	ssyncset.done $0x0  }
0x17: {  	[sflag:s9] =	ssyncadd.s32 $0xFFFFC000  }
0x18: {  	s23 =	sadd.s32 s11, s10;
	_ =	strace $0x90000054  }
0x19: {  	s10 =	sadd.s32 $0x9AC00, s23;
	_ =	strace $0x80000055  }
0x1a: {  	[hbm4b:s10+s2] =	stream.linear.scatter [tilespmem:s8], [sflag:$0x3], $0x4000, $0x200038;
	[tilespmem:$0x8100] =	vst v63  }
0x1b: {  	_ =	strace $0x90000055  }
0x1c: {  	s11 =	sadd.s32 $0x4A820, s21;
	_ =	strace $0x80000052  }
0x1d: {  	[tilespmem:s2], [sflag:$0x1] =	stream.linear.gather [hbm4b:s11+s2], $0x80, $0x200038;
	[tilespmem:$0x8100] =	vst v63  }
0x1e: {  	_ =	strace $0x90000052  }
0x1f: {  	s12 =	simm.s32 $0x2;
	_ =	strace $0x80000053  }
0x20: {  	_ =	swait.ge [sflag:s12], $0x80  }
0x21: {  	[sflag:s12] =	ssyncset.done $0x0  }
0x22: {  	[sflag:s12] =	ssyncadd.s32 $0xFFFFFF80  }
0x23: {  	_ =	strace $0x90000053  }
0x24: {  	s13 =	simm.s32 $0x4100;
	_ =	strace $0x80000054  }
0x25: {  	[tilespmem:s13], [sflag:$0x5] =	stream.indirect.gather [hbm4b:s7+s5], $0x80, s5, s5, $0x2000b8;
	[tilespmem:$0x8100] =	vst v63  }
0x26: {  	_ =	swait.ge [sflag:s9], $0x4000  }
0x27: {  	[sflag:s9] =	ssyncset.done $0x0  }
0x28: {  	[sflag:s9] =	ssyncadd.s32 $0xFFFFC000  }
0x29: {  	_ =	strace $0x90000054  }
0x2a: {  	s14 =	sadd.s32 $0x9B400, s23;
	_ =	strace $0x80000055  }
0x2b: {  	[hbm4b:s14+s2] =	stream.linear.scatter [tilespmem:s13], [sflag:$0x4], $0x4000, $0x200038;
	[tilespmem:$0x8100] =	vst v63  }
0x2c: {  	_ =	strace $0x90000055  }
0x2d: {  	s15 =	simm.s32 $0x3;
	_ =	strace $0x80000056  }
0x2e: {  	_ =	swait.ge [sflag:s15], $0x4000  }
0x2f: {  	[sflag:s15] =	ssyncset.done $0x0  }
0x30: {  	[sflag:s15] =	ssyncadd.s32 $0xFFFFC000  }
0x31: {  	_ =	strace $0x90000056  }
0x32: {  	s16 =	sadd.s32 $0x4A830, s21;
	_ =	strace $0x80000052  }
0x33: {  	[tilespmem:s5], [sflag:$0x2] =	stream.linear.gather [hbm4b:s16+s2], $0x80, $0x200038;
	[tilespmem:$0x8100] =	vst v63  }
0x34: {  	_ =	strace $0x90000052  }
0x35: {  	_ =	strace $0x80000053  }
0x36: {  	_ =	swait.ge [sflag:s6], $0x80  }
0x37: {  	[sflag:s6] =	ssyncset.done $0x0  }
0x38: {  	[sflag:s6] =	ssyncadd.s32 $0xFFFFFF80  }
0x39: {  	_ =	strace $0x90000053  }
0x3a: {  	_ =	strace $0x80000054  }
0x3b: {  	[tilespmem:s8], [sflag:$0x5] =	stream.indirect.gather [hbm4b:s7+s5], $0x80, s2, s5, $0x2000b8;
	[tilespmem:$0x8100] =	vst v63  }
0x3c: {  	_ =	swait.ge [sflag:s9], $0x4000  }
0x3d: {  	[sflag:s9] =	ssyncset.done $0x0  }
0x3e: {  	[sflag:s9] =	ssyncadd.s32 $0xFFFFC000  }
0x3f: {  	_ =	strace $0x90000054  }
0x40: {  	s17 =	sadd.s32 $0x9BC00, s23;
	_ =	strace $0x80000055  }
0x41: {  	[hbm4b:s17+s2] =	stream.linear.scatter [tilespmem:s8], [sflag:$0x3], $0x4000, $0x200038;
	[tilespmem:$0x8100] =	vst v63  }
0x42: {  	_ =	strace $0x90000055  }
0x43: {  	s18 =	simm.s32 $0x4;
	_ =	strace $0x80000056  }
0x44: {  	_ =	swait.ge [sflag:s18], $0x4000  }
0x45: {  	[sflag:s18] =	ssyncset.done $0x0  }
0x46: {  	[sflag:s18] =	ssyncadd.s32 $0xFFFFC000  }
0x47: {  	_ =	strace $0x90000056  }
0x48: {  	s19 =	sadd.s32 $0x4A840, s21;
	_ =	strace $0x80000052  }
0x49: {  	[tilespmem:s2], [sflag:$0x1] =	stream.linear.gather [hbm4b:s19+s2], $0x80, $0x200038;
	[tilespmem:$0x8100] =	vst v63  }
0x4a: {  	_ =	strace $0x90000052  }
0x4b: {  	_ =	strace $0x80000053  }
0x4c: {  	_ =	swait.ge [sflag:s12], $0x80  }
0x4d: {  	[sflag:s12] =	ssyncset.done $0x0  }
0x4e: {  	[sflag:s12] =	ssyncadd.s32 $0xFFFFFF80  }
0x4f: {  	_ =	strace $0x90000053  }
0x50: {  	_ =	strace $0x80000054  }
0x51: {  	[tilespmem:s13], [sflag:$0x5] =	stream.indirect.gather [hbm4b:s7+s5], $0x80, s5, s5, $0x2000b8;
	[tilespmem:$0x8100] =	vst v63  }
0x52: {  	_ =	swait.ge [sflag:s9], $0x4000  }
0x53: {  	[sflag:s9] =	ssyncset.done $0x0  }
0x54: {  	[sflag:s9] =	ssyncadd.s32 $0xFFFFC000  }
0x55: {  	_ =	strace $0x90000054  }
0x56: {  	s20 =	sadd.s32 $0x9C400, s23;
	_ =	strace $0x80000055  }
0x57: {  	[hbm4b:s20+s2] =	stream.linear.scatter [tilespmem:s13], [sflag:$0x4], $0x4000, $0x200038;
	[tilespmem:$0x8100] =	vst v63  }
0x58: {  	_ =	strace $0x90000055  }
0x59: {  	_ =	strace $0x80000056  }
0x5a: {  	_ =	swait.ge [sflag:s15], $0x4000  }
0x5b: {  	[sflag:s15] =	ssyncset.done $0x0  }
0x5c: {  	[sflag:s15] =	ssyncadd.s32 $0xFFFFC000  }
0x5d: {  	_ =	strace $0x90000056  }
0x5e: {  	s21 =	sadd.s32 $0x4A850, s21;
	_ =	strace $0x80000052  }
0x5f: {  	[tilespmem:s5], [sflag:$0x2] =	stream.linear.gather [hbm4b:s21+s2], $0x80, $0x200038;
	[tilespmem:$0x8100] =	vst v63  }
0x60: {  	_ =	strace $0x90000052  }
0x61: {  	_ =	strace $0x80000053  }
0x62: {  	_ =	swait.ge [sflag:s6], $0x80  }
0x63: {  	[sflag:s6] =	ssyncset.done $0x0  }
0x64: {  	[sflag:s6] =	ssyncadd.s32 $0xFFFFFF80  }
0x65: {  	_ =	strace $0x90000053  }
0x66: {  	_ =	strace $0x80000054  }
0x67: {  	[tilespmem:s8], [sflag:$0x5] =	stream.indirect.gather [hbm4b:s7+s5], $0x80, s2, s5, $0x2000b8;
	[tilespmem:$0x8100] =	vst v63  }
0x68: {  	_ =	swait.ge [sflag:s9], $0x4000  }
0x69: {  	[sflag:s9] =	ssyncset.done $0x0  }
0x6a: {  	[sflag:s9] =	ssyncadd.s32 $0xFFFFC000  }
0x6b: {  	_ =	strace $0x90000054  }
0x6c: {  	s22 =	sadd.s32 $0x9CC00, s23;
	_ =	strace $0x80000055  }
0x6d: {  	[hbm4b:s22+s2] =	stream.linear.scatter [tilespmem:s8], [sflag:$0x3], $0x4000, $0x200038;
	[tilespmem:$0x8100] =	vst v63  }
0x6e: {  	_ =	strace $0x90000055  }
0x6f: {  	_ =	strace $0x80000056  }
0x70: {  	_ =	swait.ge [sflag:s18], $0x4000  }
0x71: {  	[sflag:s18] =	ssyncset.done $0x0  }
0x72: {  	[sflag:s18] =	ssyncadd.s32 $0xFFFFC000  }
0x73: {  	_ =	strace $0x90000056  }
0x74: {  	_ =	strace $0x80000053  }
0x75: {  	_ =	swait.ge [sflag:s12], $0x80  }
0x76: {  	[sflag:s12] =	ssyncset.done $0x0  }
0x77: {  	[sflag:s12] =	ssyncadd.s32 $0xFFFFFF80  }
0x78: {  	_ =	strace $0x90000053  }
0x79: {  	_ =	strace $0x80000054  }
0x7a: {  	[tilespmem:s13], [sflag:$0x5] =	stream.indirect.gather [hbm4b:s7+s5], $0x80, s5, s5, $0x2000b8;
	[tilespmem:$0x8100] =	vst v63  }
0x7b: {  	_ =	swait.ge [sflag:s9], $0x4000  }
0x7c: {  	[sflag:s9] =	ssyncset.done $0x0  }
0x7d: {  	[sflag:s9] =	ssyncadd.s32 $0xFFFFC000  }
0x7e: {  	_ =	strace $0x90000054  }
0x7f: {  	s23 =	sadd.s32 $0x9D400, s23;
	_ =	strace $0x80000055  }
0x80: {  	[hbm4b:s23+s2] =	stream.linear.scatter [tilespmem:s13], [sflag:$0x4], $0x4000, $0x200038;
	[tilespmem:$0x8100] =	vst v63  }
0x81: {  	s24 =	ssub.s32 $0x2, s24;
	_ =	strace $0x90000055  }
0x82: {  	s25 =	sshrl.u32 s24, $0x1;
	_ =	strace $0x80000056  }
0x83: {  	s24 =	ssub.s32 s24, s25;
	_ =	swait.ge [sflag:s15], $0x4000  }
0x84: {  	s24 =	smax.u32 s24, $0x1;
	[sflag:s15] =	ssyncset.done $0x0  }
0x85: {  	p0 =	sne.s32 s24, $0x1;
	[sflag:s15] =	ssyncadd.s32 $0xFFFFC000  }
.Ltmp0:
0x86: {  	_ =	strace $0x90000056;
	(pc) =	sbr.rel @!p0 .LBB2_2-.Ltmp0, $4  }
0x87: {  	_ =	strace $0x80000057  }
0x88: {  	_ =	swait.ge [sflag:s18], $0x4000  }
0x89: {  	[sflag:s18] =	ssyncset.done $0x0  }
0x8a: {  	s24 =	sadd.s32 $0xFFFFFFFF, s24;
	[sflag:s18] =	ssyncadd.s32 $0xFFFFC000  }
.LBB2_1:
0x8b: {  	p0 =	sne.s32 s24, $0x1;
	s24 =	sadd.s32 $0xFFFFFFFF, s24;
	_ =	strace $0x90000057  }
0x8c: {  	_ =	strace $0x80000051  }
0x8d: {  	[tilespmem:s2], [sflag:$0x1] =	stream.linear.gather [hbm4b:s3+s2], $0x80, $0x200038;
	[tilespmem:$0x8100] =	vst v63  }
0x8e: {  	_ =	strace $0x90000051  }
0x8f: {  	_ =	strace $0x80000052  }
0x90: {  	[tilespmem:s5], [sflag:$0x2] =	stream.linear.gather [hbm4b:s4+s2], $0x80, $0x200038;
	[tilespmem:$0x8100] =	vst v63  }
0x91: {  	_ =	strace $0x90000052  }
0x92: {  	_ =	strace $0x80000053  }
0x93: {  	_ =	swait.ge [sflag:s6], $0x80  }
0x94: {  	[sflag:s6] =	ssyncset.done $0x0  }
0x95: {  	[sflag:s6] =	ssyncadd.s32 $0xFFFFFF80  }
0x96: {  	_ =	strace $0x90000053  }
0x97: {  	_ =	strace $0x80000054  }
0x98: {  	[tilespmem:s8], [sflag:$0x5] =	stream.indirect.gather [hbm4b:s7+s5], $0x80, s2, s5, $0x2000b8;
	[tilespmem:$0x8100] =	vst v63  }
0x99: {  	_ =	swait.ge [sflag:s9], $0x4000  }
0x9a: {  	[sflag:s9] =	ssyncset.done $0x0  }
0x9b: {  	[sflag:s9] =	ssyncadd.s32 $0xFFFFC000  }
0x9c: {  	_ =	strace $0x90000054  }
0x9d: {  	_ =	strace $0x80000055  }
0x9e: {  	[hbm4b:s10+s2] =	stream.linear.scatter [tilespmem:s8], [sflag:$0x3], $0x4000, $0x200038;
	[tilespmem:$0x8100] =	vst v63  }
0x9f: {  	_ =	strace $0x90000055  }
0xa0: {  	_ =	strace $0x80000052  }
0xa1: {  	[tilespmem:s2], [sflag:$0x1] =	stream.linear.gather [hbm4b:s11+s2], $0x80, $0x200038;
	[tilespmem:$0x8100] =	vst v63  }
0xa2: {  	_ =	strace $0x90000052  }
0xa3: {  	_ =	strace $0x80000053  }
0xa4: {  	_ =	swait.ge [sflag:s12], $0x80  }
0xa5: {  	[sflag:s12] =	ssyncset.done $0x0  }
0xa6: {  	[sflag:s12] =	ssyncadd.s32 $0xFFFFFF80  }
0xa7: {  	_ =	strace $0x90000053  }
0xa8: {  	_ =	strace $0x80000054  }
0xa9: {  	[tilespmem:s13], [sflag:$0x5] =	stream.indirect.gather [hbm4b:s7+s5], $0x80, s5, s5, $0x2000b8;
	[tilespmem:$0x8100] =	vst v63  }
0xaa: {  	_ =	swait.ge [sflag:s9], $0x4000  }
0xab: {  	[sflag:s9] =	ssyncset.done $0x0  }
0xac: {  	[sflag:s9] =	ssyncadd.s32 $0xFFFFC000  }
0xad: {  	_ =	strace $0x90000054  }
0xae: {  	_ =	strace $0x80000055  }
0xaf: {  	[hbm4b:s14+s2] =	stream.linear.scatter [tilespmem:s13], [sflag:$0x4], $0x4000, $0x200038;
	[tilespmem:$0x8100] =	vst v63  }
0xb0: {  	_ =	strace $0x90000055  }
0xb1: {  	_ =	strace $0x80000056  }
0xb2: {  	_ =	swait.ge [sflag:s15], $0x4000  }
0xb3: {  	[sflag:s15] =	ssyncset.done $0x0  }
0xb4: {  	[sflag:s15] =	ssyncadd.s32 $0xFFFFC000  }
0xb5: {  	_ =	strace $0x90000056  }
0xb6: {  	_ =	strace $0x80000052  }
0xb7: {  	[tilespmem:s5], [sflag:$0x2] =	stream.linear.gather [hbm4b:s16+s2], $0x80, $0x200038;
	[tilespmem:$0x8100] =	vst v63  }
0xb8: {  	_ =	strace $0x90000052  }
0xb9: {  	_ =	strace $0x80000053  }
0xba: {  	_ =	swait.ge [sflag:s6], $0x80  }
0xbb: {  	[sflag:s6] =	ssyncset.done $0x0  }
0xbc: {  	[sflag:s6] =	ssyncadd.s32 $0xFFFFFF80  }
0xbd: {  	_ =	strace $0x90000053  }
0xbe: {  	_ =	strace $0x80000054  }
0xbf: {  	[tilespmem:s8], [sflag:$0x5] =	stream.indirect.gather [hbm4b:s7+s5], $0x80, s2, s5, $0x2000b8;
	[tilespmem:$0x8100] =	vst v63  }
0xc0: {  	_ =	swait.ge [sflag:s9], $0x4000  }
0xc1: {  	[sflag:s9] =	ssyncset.done $0x0  }
0xc2: {  	[sflag:s9] =	ssyncadd.s32 $0xFFFFC000  }
0xc3: {  	_ =	strace $0x90000054  }
0xc4: {  	_ =	strace $0x80000055  }
0xc5: {  	[hbm4b:s17+s2] =	stream.linear.scatter [tilespmem:s8], [sflag:$0x3], $0x4000, $0x200038;
	[tilespmem:$0x8100] =	vst v63  }
0xc6: {  	_ =	strace $0x90000055  }
0xc7: {  	_ =	strace $0x80000056  }
0xc8: {  	_ =	swait.ge [sflag:s18], $0x4000  }
0xc9: {  	[sflag:s18] =	ssyncset.done $0x0  }
0xca: {  	[sflag:s18] =	ssyncadd.s32 $0xFFFFC000  }
0xcb: {  	_ =	strace $0x90000056  }
0xcc: {  	_ =	strace $0x80000052  }
0xcd: {  	[tilespmem:s2], [sflag:$0x1] =	stream.linear.gather [hbm4b:s19+s2], $0x80, $0x200038;
	[tilespmem:$0x8100] =	vst v63  }
0xce: {  	_ =	strace $0x90000052  }
0xcf: {  	_ =	strace $0x80000053  }
0xd0: {  	_ =	swait.ge [sflag:s12], $0x80  }
0xd1: {  	[sflag:s12] =	ssyncset.done $0x0  }
0xd2: {  	[sflag:s12] =	ssyncadd.s32 $0xFFFFFF80  }
0xd3: {  	_ =	strace $0x90000053  }
0xd4: {  	_ =	strace $0x80000054  }
0xd5: {  	[tilespmem:s13], [sflag:$0x5] =	stream.indirect.gather [hbm4b:s7+s5], $0x80, s5, s5, $0x2000b8;
	[tilespmem:$0x8100] =	vst v63  }
0xd6: {  	_ =	swait.ge [sflag:s9], $0x4000  }
0xd7: {  	[sflag:s9] =	ssyncset.done $0x0  }
0xd8: {  	[sflag:s9] =	ssyncadd.s32 $0xFFFFC000  }
0xd9: {  	_ =	strace $0x90000054  }
0xda: {  	_ =	strace $0x80000055  }
0xdb: {  	[hbm4b:s20+s2] =	stream.linear.scatter [tilespmem:s13], [sflag:$0x4], $0x4000, $0x200038;
	[tilespmem:$0x8100] =	vst v63  }
0xdc: {  	_ =	strace $0x90000055  }
0xdd: {  	_ =	strace $0x80000056  }
0xde: {  	_ =	swait.ge [sflag:s15], $0x4000  }
0xdf: {  	[sflag:s15] =	ssyncset.done $0x0  }
0xe0: {  	[sflag:s15] =	ssyncadd.s32 $0xFFFFC000  }
0xe1: {  	_ =	strace $0x90000056  }
0xe2: {  	_ =	strace $0x80000052  }
0xe3: {  	[tilespmem:s5], [sflag:$0x2] =	stream.linear.gather [hbm4b:s21+s2], $0x80, $0x200038;
	[tilespmem:$0x8100] =	vst v63  }
0xe4: {  	_ =	strace $0x90000052  }
0xe5: {  	_ =	strace $0x80000053  }
0xe6: {  	_ =	swait.ge [sflag:s6], $0x80  }
0xe7: {  	[sflag:s6] =	ssyncset.done $0x0  }
0xe8: {  	[sflag:s6] =	ssyncadd.s32 $0xFFFFFF80  }
0xe9: {  	_ =	strace $0x90000053  }
0xea: {  	_ =	strace $0x80000054  }
0xeb: {  	[tilespmem:s8], [sflag:$0x5] =	stream.indirect.gather [hbm4b:s7+s5], $0x80, s2, s5, $0x2000b8;
	[tilespmem:$0x8100] =	vst v63  }
0xec: {  	_ =	swait.ge [sflag:s9], $0x4000  }
0xed: {  	[sflag:s9] =	ssyncset.done $0x0  }
0xee: {  	[sflag:s9] =	ssyncadd.s32 $0xFFFFC000  }
0xef: {  	_ =	strace $0x90000054  }
0xf0: {  	_ =	strace $0x80000055  }
0xf1: {  	[hbm4b:s22+s2] =	stream.linear.scatter [tilespmem:s8], [sflag:$0x3], $0x4000, $0x200038;
	[tilespmem:$0x8100] =	vst v63  }
0xf2: {  	_ =	strace $0x90000055  }
0xf3: {  	_ =	strace $0x80000056  }
0xf4: {  	_ =	swait.ge [sflag:s18], $0x4000  }
0xf5: {  	[sflag:s18] =	ssyncset.done $0x0  }
0xf6: {  	[sflag:s18] =	ssyncadd.s32 $0xFFFFC000  }
0xf7: {  	_ =	strace $0x90000056  }
0xf8: {  	_ =	strace $0x80000053  }
0xf9: {  	_ =	swait.ge [sflag:s12], $0x80  }
0xfa: {  	[sflag:s12] =	ssyncset.done $0x0  }
0xfb: {  	[sflag:s12] =	ssyncadd.s32 $0xFFFFFF80  }
0xfc: {  	_ =	strace $0x90000053  }
0xfd: {  	_ =	strace $0x80000054  }
0xfe: {  	[tilespmem:s13], [sflag:$0x5] =	stream.indirect.gather [hbm4b:s7+s5], $0x80, s5, s5, $0x2000b8;
	[tilespmem:$0x8100] =	vst v63  }
0xff: {  	_ =	swait.ge [sflag:s9], $0x4000  }
0x100: {  	[sflag:s9] =	ssyncset.done $0x0  }
0x101: {  	[sflag:s9] =	ssyncadd.s32 $0xFFFFC000  }
0x102: {  	_ =	strace $0x90000054  }
0x103: {  	_ =	strace $0x80000055  }
0x104: {  	[hbm4b:s23+s2] =	stream.linear.scatter [tilespmem:s13], [sflag:$0x4], $0x4000, $0x200038;
	[tilespmem:$0x8100] =	vst v63  }
0x105: {  	_ =	strace $0x90000055  }
0x106: {  	_ =	strace $0x80000056  }
0x107: {  	_ =	swait.ge [sflag:s15], $0x4000  }
0x108: {  	[sflag:s15] =	ssyncset.done $0x0  }
0x109: {  	[sflag:s15] =	ssyncadd.s32 $0xFFFFC000  }
.Ltmp1:
0x10a: {  	_ =	strace $0x90000056;
	(pc) =	sbr.rel @p0 .LBB2_1-.Ltmp1, $4  }
0x10b: {  	_ =	strace $0x80000057  }
0x10c: {  	_ =	swait.ge [sflag:s18], $0x4000  }
0x10d: {  	[sflag:s18] =	ssyncset.done $0x0  }
0x10e: {  	[sflag:s18] =	ssyncadd.s32 $0xFFFFC000  }
.LBB2_2:
0x10f: {  	_ =	strace $0x90000057  }
0x110: {  	_ =	sfence.sel $0x180000  }
0x111: {  	[bflag:$0x0] =	sbarrier.arrive $0xFFFF  }
0x112: {  	p0 =	sne.s32 s0, $0x0;
	_ =	strace $0x90000050  }
0x113: {  	s0 =	sadd.s32 @!p0 $0x100000, s1;
	[bflag:$0x2] =	sbarrier.arrive $0xFFFF  }
0x114: {  	[sflag:s0] =	ssyncadd.tile.s32 @!p0 $0x1;
	_ =	shalt  }
.Lfunc_end2:
_tile_overlayer_lowered:
.L_overlay_start_2:
0x115: {  	(tag) =	ssettag $0x2  }
0x116: {  	s0 =	rddreg [dreg:$0x0];
	s2 =	stileid.u32  }
0x117: {  	s1 =	rddreg [dreg:$0x1];
	p0 =	sne.s32 s2, $0x0  }
0x118: {  	s3 =	rddreg [dreg:$0x2];
	[bflag:$0x3] =	sbarrier.arrive $0xFFFF;
	s2 =	simm.s32 @!p0 $0x1C01  }
0x119: {  	[timem:s3], [sflag:s2] =	dma.local @!p0 [hbm:s0], s1  }
0x11a: {  	s0 =	simm.s32 @!p0 $0x1  }
0x11b: {  	_ =	swait.ge @!p0 [sflag:s0], s1  }
0x11c: {  	s1 =	ssub.s32 @!p0 $0x0, s1;
	[sflag:s0] =	ssyncset.done @!p0 $0x0  }
0x11d: {  	[sflag:s0] =	ssyncadd.s32 @!p0 s1  }
0x11e: {  	[bflag:$0x3] =	sbarrier.arrive $0xFFFF  }
0x11f: {  	_ =	shalt  }

// kernel: kernel.17.cloned.1.call-start
scs
__scs_entry_jumppad:
0x0: {  	(pc) =	sbr.rel $0x88, $3  }
0x1: {  	(tag) =	ssettag $0x0;
	lr =	simm.s32 $0x1  }
0x2: {  	[smem:$0x3F95] =	sst lr;
	_ =	strace $0xD0000000  }
0x3: {  	_ = 	snop  }
0x4: {  	_ = 	snop  }
0x5: {  	_ = 	snop  }
0x6: {  	_ = 	snop  }
0x7: {  	_ = 	snop  }
__scs_overlays_trampoline_lowered:
0x8: {  	[smem:$0x3FA4] =	sst s0  }
0x9: {  	[smem:$0x3FA5] =	sst s1  }
0xa: {  	[smem:$0x3FA6] =	sst s2  }
0xb: {  	[smem:$0x3FA7] =	sst s3  }
0xc: {  	[smem:$0x3FA8] =	sst s4  }
0xd: {  	[smem:$0x3FA9] =	sst s5  }
0xe: {  	[smem:$0x3FAA] =	sst s6  }
0xf: {  	[smem:$0x3FAB] =	sst s7  }
0x10: {  	[smem:$0x3FAC] =	sst s8  }
0x11: {  	[smem:$0x3FAD] =	sst s9;
	s0 =	simm.s32 @!p0 $0x0  }
0x12: {  	s1 =	sld [smem:$0x3F93];
	s0 =	simm.s32 @p0 $0x1  }
0x13: {  	[smem:$0x3FAE] =	sst s0;
	s0 =	simm.s32 @!p1 $0x0  }
0x14: {  	s2 =	sld [smem:$0x3F92];
	s0 =	simm.s32 @p1 $0x1  }
0x15: {  	[smem:$0x3FAF] =	sst s0;
	s0 =	simm.s32 @!p2 $0x0  }
0x16: {  	s3 =	sld [smem:$0x3FDB];
	s0 =	simm.s32 @p2 $0x1  }
0x17: {  	s4 =	simm.s32 $0x1BF5;
	[smem:$0x3FB1] =	sst s0  }
0x18: {  	s0 =	sld [smem:$0x3F94];
	_ =	swait.ge [sflag:s4], $0x0  }
0x19: {  	s7 =	sld [smem:$0x3F95]  }
0x1a: {  	s8 =	sadd.s32 $0xFFFFE003, lr  }
0x1b: {  	s9 =	sadd.s32 $0xFFFFFEF7, lr;
	s5 =	simm.s32 $0xFFFFFFFF;
	p2 =	slt.u32 s8, $0xFFFFF086  }
0x1c: {  	p1 =	slt.u32 s9, $0xF7A;
	s5 =	simm.s32 @!p2 $0x0  }
0x1d: {  	s5 =	simm.s32 @p1 $0x1;
	p0 =	seq.s32 s7, s2  }
0x1e: {  	s7 =	smul.u32 @!p0 $0xF7A, s2;
	p2 =	seq.s32 @!p0 s5, $0x0  }
0x1f: {  	s9 =	smul.u32 $0xF7A, s1;
	s8 =	simm.s32 @!p0 $0x1BF5;
	p2 =	por !p2, p0  }
0x20: {  	[sflag:s8] =	ssyncset.s32 @!p0 $0xFFFFF086;
	s6 =	sadd.s32 @!p0 s3, s7;
	s7 =	simm.s32 @!p0 $0x108  }
0x21: {  	s3 =	sadd.s32 s3, s9;
	s6 =	sadd.s32 @!p0 $0x88, s6;
	s7 =	simm.s32 @p2 $0x1082  }
0x22: {  	[simem:s7], [sflag:s8] =	dma.local @!p0 [hbm:s6], $0xF7A  }
0x23: {  	s9 =	sor.u32 $0xD0000000, s2;
	s6 =	simm.s32 $0x108;
	_ =	swait.ge @!p0 [sflag:s8], $0x0  }
0x24: {  	s3 =	sadd.s32 $0x88, s3;
	s6 =	simm.s32 @!p1 $0x1082;
	[sflag:s4] =	ssyncset.s32 $0xFFFFF086  }
0x25: {  	[simem:s6], [sflag:s4] =	dma.local [hbm:s3], $0xF7A  }
0x26: {  	[smem:$0x3F95] =	sst s1;
	(tag) =	ssettag s2;
	_ =	strace s9  }
0x27: {  	s1 =	sld [smem:$0x3FA5]  }
0x28: {  	s2 =	sld [smem:$0x3FA6]  }
0x29: {  	s4 =	sld [smem:$0x3FA8]  }
0x2a: {  	p0 =	seq.s32 s5, $0x0;
	s5 =	sld [smem:$0x3FA9]  }
0x2b: {  	s6 =	sld [smem:$0x3FAA]  }
0x2c: {  	s7 =	sld [smem:$0x3FAB]  }
0x2d: {  	s3 =	simm.s32 $0x108;
	s8 =	sld [smem:$0x3FAC]  }
0x2e: {  	s3 =	simm.s32 @!p0 $0x1082;
	s9 =	sld [smem:$0x3FAD]  }
0x2f: {  	lr =	sadd.s32 s0, s3;
	s0 =	sld [smem:$0x3FA4]  }
0x30: {  	s3 =	sld [smem:$0x3FA7]  }
0x31: {  	[smem:$0x3FB0] =	sst s10  }
0x32: {  	s10 =	sld [smem:$0x3FAE];
	_ =	sdelay $0x3  }
0x33: {  	p0 =	seq.s32 s10, $0x1;
	s10 =	sld [smem:$0x3FB0];
	_ =	sdelay $0x3  }
0x34: {  	[smem:$0x3FB0] =	sst s10  }
0x35: {  	s10 =	sld [smem:$0x3FAF];
	_ =	sdelay $0x3  }
0x36: {  	p1 =	seq.s32 s10, $0x1;
	s10 =	sld [smem:$0x3FB0];
	_ =	sdelay $0x3  }
0x37: {  	[smem:$0x3FB0] =	sst s10  }
0x38: {  	s10 =	sld [smem:$0x3FB1]  }
0x39: {  	_ = 	snop;
	(pc) =	sbr.ind lr, $3  }
0x3a: {  	_ = 	snop  }
0x3b: {  	_ = 	snop  }
0x3c: {  	p2 =	seq.s32 s10, $0x1;
	s10 =	sld [smem:$0x3FB0]  }
0x3d: {  	_ =	shalt  }
0x3e: {  	_ =	shalt  }
0x3f: {  	_ =	shalt  }
0x40: {  	_ =	shalt  }
0x41: {  	_ =	shalt  }
0x42: {  	_ =	shalt  }
0x43: {  	_ =	shalt  }
0x44: {  	_ =	shalt  }
0x45: {  	_ =	shalt  }
0x46: {  	_ =	shalt  }
0x47: {  	_ =	shalt  }
0x48: {  	_ =	shalt  }
0x49: {  	_ =	shalt  }
0x4a: {  	_ =	shalt  }
0x4b: {  	_ =	shalt  }
0x4c: {  	_ =	shalt  }
0x4d: {  	_ =	shalt  }
0x4e: {  	_ =	shalt  }
0x4f: {  	_ =	shalt  }
0x50: {  	_ =	shalt  }
0x51: {  	_ =	shalt  }
0x52: {  	_ =	shalt  }
0x53: {  	_ =	shalt  }
0x54: {  	_ =	shalt  }
0x55: {  	_ =	shalt  }
0x56: {  	_ =	shalt  }
0x57: {  	_ =	shalt  }
0x58: {  	_ =	shalt  }
0x59: {  	_ =	shalt  }
0x5a: {  	_ =	shalt  }
0x5b: {  	_ =	shalt  }
0x5c: {  	_ =	shalt  }
0x5d: {  	_ =	shalt  }
0x5e: {  	_ =	shalt  }
0x5f: {  	_ =	shalt  }
0x60: {  	_ =	shalt  }
0x61: {  	_ =	shalt  }
0x62: {  	_ =	shalt  }
0x63: {  	_ =	shalt  }
0x64: {  	_ =	shalt  }
0x65: {  	_ =	shalt  }
0x66: {  	_ =	shalt  }
0x67: {  	_ =	shalt  }
0x68: {  	_ =	shalt  }
0x69: {  	_ =	shalt  }
0x6a: {  	_ =	shalt  }
0x6b: {  	_ =	shalt  }
0x6c: {  	_ =	shalt  }
0x6d: {  	_ =	shalt  }
0x6e: {  	_ =	shalt  }
0x6f: {  	_ =	shalt  }
0x70: {  	_ =	shalt  }
0x71: {  	_ =	shalt  }
0x72: {  	_ =	shalt  }
0x73: {  	_ =	shalt  }
0x74: {  	_ =	shalt  }
0x75: {  	_ =	shalt  }
0x76: {  	_ =	shalt  }
0x77: {  	_ =	shalt  }
0x78: {  	_ =	shalt  }
0x79: {  	_ =	shalt  }
0x7a: {  	_ =	shalt  }
0x7b: {  	_ =	shalt  }
0x7c: {  	_ =	shalt  }
0x7d: {  	_ =	shalt  }
0x7e: {  	_ =	shalt  }
0x7f: {  	_ =	shalt  }
0x80: {  	_ =	shalt  }
0x81: {  	_ =	shalt  }
0x82: {  	_ =	shalt  }
0x83: {  	_ =	shalt  }
0x84: {  	_ =	shalt  }
0x85: {  	_ =	shalt  }
0x86: {  	_ =	shalt  }
0x87: {  	_ =	shalt  }
.Lfunc_end0:
.L_simem_size_0:
called_computation.2_lowered:
.L_overlay_start_0:
0x88: {  	s2 =	sld [smem:$0x3FD9]  }
0x89: {  	s3 =	sld [smem:$0x3FFE];
	_ =	sdelay $0x1  }
0x8a: {  	s1 =	srdreg.scid  }
0x8b: {  	s0 =	sand.u32 $0x1, s1  }
0x8c: {  	s16 =	sshll.u32 s0, $0xA;
	s2 =	sadd.s32 s3, s2  }
0x8d: {  	s2 =	sadd.s32 s2, s16  }
0x8e: {  	[smem:$0x3FBC] =	sst s2  }
0x8f: {  	_ = 	snop  }
0x90: {  	(tm) =	ssettm $0x1  }
0x91: {  	s17 =	sld [smem:$0x3FFB];
	_ =	sdelay $0x3  }
0x92: {  	_ =	strace s17  }
0x93: {  	s2 =	sld [smem:$0x3FFC];
	_ =	sdelay $0x3  }
0x94: {  	_ =	strace s2  }
0x95: {  	s2 =	sld [smem:$0x3FFD];
	_ =	sdelay $0x3  }
0x96: {  	_ =	strace s2  }
0x97: {  	_ =	strace $0x8FFFFFFF  }
0x98: {  	s18 =	sld [smem:$0x3FDB];
	_ =	sdelay $0x1  }
0x99: {  	s19 =	simm.s32 $_scs_section_size  }
0x9a: {  	s4 =	simm.s32 $_size__tile_overlayer_lowered;
	s5 =	simm.s32 $_tile_overlayer_lowered  }
0x9b: {  	s22 =	simm.s32 $0x1BFF;
	s21 =	sshll.u32 s5, $0x1;
	s2 =	sadd.s32 s19, s18  }
0x9c: {  	s6 =	simm.s32 $0x0;
	s20 =	sshll.u32 s4, $0x1;
	s4 =	sadd.s32 s21, s2  }
0x9d: {  	[timem:s6], [sflag:s22] =	dma.local [hbm:s4], s20  }
0x9e: {  	_ =	swait.ge [sflag:s22], s20  }
0x9f: {  	s3 =	ssub.s32 $0x0, s20;
	[sflag:s22] =	ssyncset.done $0x0  }
0xa0: {  	[sflag:s22] =	ssyncadd.s32 s3;
	_ =	sdelay $0x1  }
0xa1: {  	s23 =	simm.s32 $0x1B8B  }
0xa2: {  	_ =	swait.ge [sflag:s23], $0x1  }
0xa3: {  	[sflag:s23] =	ssyncset.done $0x0  }
0xa4: {  	s25 =	simm.s32 $0x1B8E;
	s24 =	sld [smem:$0x3FFE];
	[sflag:s23] =	ssyncadd.s32 $0xFFFFFFFF  }
0xa5: {  	s26 =	simm.s32 $execute0_lowered;
	[smem:$0x3FD2] =	sst s25  }
0xa6: {  	s4 =	sshll.u32 s26, $0x1;
	_ =	strace $0x80000059;
	[dreg:$0x1] =	wrdreg $0xFFFFFFFF  }
0xa7: {  	s28 =	simm.s32 $_size_execute0_lowered;
	s2 =	sadd.s32 s2, s4;
	[dreg:$0x0] =	wrdreg $0x0  }
0xa8: {  	s4 =	sshll.u32 s28, $0x1;
	[dreg:$0x2] =	wrdreg s2  }
0xa9: {  	[dreg:$0x3] =	wrdreg s4  }
0xaa: {  	[dreg:$0x4] =	wrdreg $0xC0  }
0xab: {  	_ =	task [dreg:s6], $0x5FFFF  }
0xac: {  	[dreg:$0x1] =	wrdreg $0xFFFFFFFF  }
0xad: {  	[dreg:$0x0] =	wrdreg $0x60  }
0xae: {  	[dreg:$0x2] =	wrdreg s24  }
0xaf: {  	[dreg:$0x3] =	wrdreg $0x9  }
0xb0: {  	_ =	task.clear_ibuf [dreg:s6], $0x4FFFF;
	_ =	strace $0x90000059  }
0xb1: {  	s29 =	simm.s32 $0x9;
	_ =	strace $0x80000062  }
0xb2: {  	_ =	swait.ge [sflag:s29], $0x1  }
0xb3: {  	[sflag:s29] =	ssyncadd.s32 $0xFFFFFFFF  }
0xb4: {  	_ =	strace $0x90000062  }
0xb5: {  	_ =	sfence  }
0xb6: {  	s30 =	sld [smem:$0x0];
	_ =	sdelay $0x2  }
0xb7: {  	s31 =	sshll.u32 s1, $0xD;
	s1 =	sshrl.u32 s1, $0x2  }
0xb8: {  	s3 =	sand.u32 $0x4000, s31;
	s1 =	sadd.s32 s1, s30  }
0xb9: {  	s0 =	sor.u32 s3, s0;
	s1 =	sshll.u32 s1, $0x11  }
0xba: {  	s0 =	sor.u32 s1, s0  }
0xbb: {  	s0 =	sadd.s32 $0x8F2B, s0  }
0xbc: {  	[sflag:s0] =	ssyncadd.remote.s32 $0x1  }
0xbd: {  	_ =	sfence.sel $0xFFFF  }
0xbe: {  	[dreg:$0x0] =	wrdreg $0xFFFFFFFF;
	(pc) =	sbr.abs _section_cstart, $3  }
0xbf: {  	[dreg:$0x1] =	wrdreg $0xFFFFFFFF  }
0xc0: {  	_ =	task.clear_ibuf [dreg:s6], $0x2FFFF;
	_ =	strace $0x9FFFFFFF  }
0xc1: {  	(tm) =	ssettm $0x7FFFFFFF  }
tec
execute0_lowered:
.L_overlay_start_1:
0x0: {  	(tag) =	ssettag $0x1  }
0x1: {  	s0 =	srdreg.scid  }
0x2: {  	s20 =	sand.u32 $0x1, s0  }
0x3: {  	s1 =	stileid.u32;
	s3 =	sshll.u32 s20, $0x4  }
0x4: {  	s10 =	rddreg [dreg:$0x0];
	s2 =	simm.s32 $0x0;
	s11 =	sor.u32 s1, s3  }
0x5: {  	[smem:$0x7FF] =	sst s2;
	s3 =	sshll.u32 s11, $0x6  }
0x6: {  	s0 =	rddreg [dreg:$0x1];
	_ =	strace $0x8000005A;
	s16 =	sadd.s32 s3, s10  }
0x7: {  	_ =	strace $0x8000005B;
	s3 =	sadd.s32 $0x4B400, s16  }
0x8: {  	[tilespmem:s2], [sflag:$0x1] =	stream.linear.gather [hbm4b:s3+s2], $0x80, $0x200038;
	[tilespmem:$0x8100] =	vst v63  }
0x9: {  	_ =	strace $0x9000005B  }
0xa: {  	s5 =	simm.s32 $0x80;
	s4 =	sadd.s32 $0x4B410, s16;
	_ =	strace $0x8000005C  }
0xb: {  	[tilespmem:s5], [sflag:$0x2] =	stream.linear.gather [hbm4b:s4+s2], $0x80, $0x200038;
	[tilespmem:$0x8100] =	vst v63  }
0xc: {  	_ =	strace $0x9000005C  }
0xd: {  	s6 =	simm.s32 $0x1;
	_ =	strace $0x8000005D  }
0xe: {  	_ =	swait.ge [sflag:s6], $0x80  }
0xf: {  	[sflag:s6] =	ssyncset.done $0x0  }
0x10: {  	[sflag:s6] =	ssyncadd.s32 $0xFFFFFF80  }
0x11: {  	s8 =	simm.s32 $0x100;
	_ =	strace $0x9000005D  }
0x12: {  	s9 =	simm.s32 $0x5;
	s7 =	sadd.s32 $0x4BC00, s10;
	_ =	strace $0x8000005E  }
0x13: {  	[tilespmem:s8], [sflag:$0x5] =	stream.indirect.gather [hbm4b:s7+s5], $0x80, s2, s5, $0x2000b8;
	[tilespmem:$0x8100] =	vst v63  }
0x14: {  	_ =	swait.ge [sflag:s9], $0x4000  }
0x15: {  	[sflag:s9] =	ssyncset.done $0x0  }
0x16: {  	s11 =	sshll.u32 s11, $0xD;
	[sflag:s9] =	ssyncadd.s32 $0xFFFFC000  }
0x17: {  	s19 =	sadd.s32 s11, s10;
	_ =	strace $0x9000005E  }
0x18: {  	s10 =	sadd.s32 $0xABC00, s19;
	_ =	strace $0x8000005F  }
0x19: {  	[hbm4b:s10+s2] =	stream.linear.scatter [tilespmem:s8], [sflag:$0x3], $0x4000, $0x200038;
	[tilespmem:$0x8100] =	vst v63  }
0x1a: {  	_ =	strace $0x9000005F  }
0x1b: {  	s11 =	sadd.s32 $0x4B420, s16;
	_ =	strace $0x8000005C  }
0x1c: {  	[tilespmem:s2], [sflag:$0x1] =	stream.linear.gather [hbm4b:s11+s2], $0x80, $0x200038;
	[tilespmem:$0x8100] =	vst v63  }
0x1d: {  	_ =	strace $0x9000005C  }
0x1e: {  	s12 =	simm.s32 $0x2;
	_ =	strace $0x8000005D  }
0x1f: {  	_ =	swait.ge [sflag:s12], $0x80  }
0x20: {  	[sflag:s12] =	ssyncset.done $0x0  }
0x21: {  	[sflag:s12] =	ssyncadd.s32 $0xFFFFFF80  }
0x22: {  	_ =	strace $0x9000005D  }
0x23: {  	s13 =	simm.s32 $0x4100;
	_ =	strace $0x8000005E  }
0x24: {  	[tilespmem:s13], [sflag:$0x5] =	stream.indirect.gather [hbm4b:s7+s5], $0x80, s5, s5, $0x2000b8;
	[tilespmem:$0x8100] =	vst v63  }
0x25: {  	_ =	swait.ge [sflag:s9], $0x4000  }
0x26: {  	[sflag:s9] =	ssyncset.done $0x0  }
0x27: {  	[sflag:s9] =	ssyncadd.s32 $0xFFFFC000  }
0x28: {  	_ =	strace $0x9000005E  }
0x29: {  	s14 =	sadd.s32 $0xAC400, s19;
	_ =	strace $0x8000005F  }
0x2a: {  	[hbm4b:s14+s2] =	stream.linear.scatter [tilespmem:s13], [sflag:$0x4], $0x4000, $0x200038;
	[tilespmem:$0x8100] =	vst v63  }
0x2b: {  	_ =	strace $0x9000005F  }
0x2c: {  	s15 =	simm.s32 $0x3;
	_ =	strace $0x80000060  }
0x2d: {  	_ =	swait.ge [sflag:s15], $0x4000  }
0x2e: {  	[sflag:s15] =	ssyncset.done $0x0  }
0x2f: {  	[sflag:s15] =	ssyncadd.s32 $0xFFFFC000  }
0x30: {  	_ =	strace $0x90000060  }
0x31: {  	s16 =	sadd.s32 $0x4B430, s16;
	_ =	strace $0x8000005C  }
0x32: {  	[tilespmem:s5], [sflag:$0x2] =	stream.linear.gather [hbm4b:s16+s2], $0x80, $0x200038;
	[tilespmem:$0x8100] =	vst v63  }
0x33: {  	_ =	strace $0x9000005C  }
0x34: {  	_ =	strace $0x8000005D  }
0x35: {  	_ =	swait.ge [sflag:s6], $0x80  }
0x36: {  	[sflag:s6] =	ssyncset.done $0x0  }
0x37: {  	[sflag:s6] =	ssyncadd.s32 $0xFFFFFF80  }
0x38: {  	_ =	strace $0x9000005D  }
0x39: {  	_ =	strace $0x8000005E  }
0x3a: {  	[tilespmem:s8], [sflag:$0x5] =	stream.indirect.gather [hbm4b:s7+s5], $0x80, s2, s5, $0x2000b8;
	[tilespmem:$0x8100] =	vst v63  }
0x3b: {  	_ =	swait.ge [sflag:s9], $0x4000  }
0x3c: {  	[sflag:s9] =	ssyncset.done $0x0  }
0x3d: {  	[sflag:s9] =	ssyncadd.s32 $0xFFFFC000  }
0x3e: {  	_ =	strace $0x9000005E  }
0x3f: {  	s17 =	sadd.s32 $0xACC00, s19;
	_ =	strace $0x8000005F  }
0x40: {  	[hbm4b:s17+s2] =	stream.linear.scatter [tilespmem:s8], [sflag:$0x3], $0x4000, $0x200038;
	[tilespmem:$0x8100] =	vst v63  }
0x41: {  	_ =	strace $0x9000005F  }
0x42: {  	s18 =	simm.s32 $0x4;
	_ =	strace $0x80000060  }
0x43: {  	_ =	swait.ge [sflag:s18], $0x4000  }
0x44: {  	[sflag:s18] =	ssyncset.done $0x0  }
0x45: {  	[sflag:s18] =	ssyncadd.s32 $0xFFFFC000  }
0x46: {  	_ =	strace $0x90000060  }
0x47: {  	_ =	strace $0x8000005D  }
0x48: {  	_ =	swait.ge [sflag:s12], $0x80  }
0x49: {  	[sflag:s12] =	ssyncset.done $0x0  }
0x4a: {  	[sflag:s12] =	ssyncadd.s32 $0xFFFFFF80  }
0x4b: {  	_ =	strace $0x9000005D  }
0x4c: {  	_ =	strace $0x8000005E  }
0x4d: {  	[tilespmem:s13], [sflag:$0x5] =	stream.indirect.gather [hbm4b:s7+s5], $0x80, s5, s5, $0x2000b8;
	[tilespmem:$0x8100] =	vst v63  }
0x4e: {  	_ =	swait.ge [sflag:s9], $0x4000  }
0x4f: {  	[sflag:s9] =	ssyncset.done $0x0  }
0x50: {  	[sflag:s9] =	ssyncadd.s32 $0xFFFFC000  }
0x51: {  	_ =	strace $0x9000005E  }
0x52: {  	s19 =	sadd.s32 $0xAD400, s19;
	_ =	strace $0x8000005F  }
0x53: {  	[hbm4b:s19+s2] =	stream.linear.scatter [tilespmem:s13], [sflag:$0x4], $0x4000, $0x200038;
	[tilespmem:$0x8100] =	vst v63  }
0x54: {  	s20 =	ssub.s32 $0x2, s20;
	_ =	strace $0x9000005F  }
0x55: {  	s21 =	sshrl.u32 s20, $0x1;
	_ =	strace $0x80000060  }
0x56: {  	s20 =	ssub.s32 s20, s21;
	_ =	swait.ge [sflag:s15], $0x4000  }
0x57: {  	s20 =	smax.u32 s20, $0x1;
	[sflag:s15] =	ssyncset.done $0x0  }
0x58: {  	p0 =	sne.s32 s20, $0x1;
	[sflag:s15] =	ssyncadd.s32 $0xFFFFC000  }
.Ltmp0:
0x59: {  	_ =	strace $0x90000060;
	(pc) =	sbr.rel @!p0 .LBB2_2-.Ltmp0, $4  }
0x5a: {  	_ =	strace $0x80000061  }
0x5b: {  	_ =	swait.ge [sflag:s18], $0x4000  }
0x5c: {  	[sflag:s18] =	ssyncset.done $0x0  }
0x5d: {  	s20 =	sadd.s32 $0xFFFFFFFF, s20;
	[sflag:s18] =	ssyncadd.s32 $0xFFFFC000  }
.LBB2_1:
0x5e: {  	p0 =	sne.s32 s20, $0x1;
	s20 =	sadd.s32 $0xFFFFFFFF, s20;
	_ =	strace $0x90000061  }
0x5f: {  	_ =	strace $0x8000005B  }
0x60: {  	[tilespmem:s2], [sflag:$0x1] =	stream.linear.gather [hbm4b:s3+s2], $0x80, $0x200038;
	[tilespmem:$0x8100] =	vst v63  }
0x61: {  	_ =	strace $0x9000005B  }
0x62: {  	_ =	strace $0x8000005C  }
0x63: {  	[tilespmem:s5], [sflag:$0x2] =	stream.linear.gather [hbm4b:s4+s2], $0x80, $0x200038;
	[tilespmem:$0x8100] =	vst v63  }
0x64: {  	_ =	strace $0x9000005C  }
0x65: {  	_ =	strace $0x8000005D  }
0x66: {  	_ =	swait.ge [sflag:s6], $0x80  }
0x67: {  	[sflag:s6] =	ssyncset.done $0x0  }
0x68: {  	[sflag:s6] =	ssyncadd.s32 $0xFFFFFF80  }
0x69: {  	_ =	strace $0x9000005D  }
0x6a: {  	_ =	strace $0x8000005E  }
0x6b: {  	[tilespmem:s8], [sflag:$0x5] =	stream.indirect.gather [hbm4b:s7+s5], $0x80, s2, s5, $0x2000b8;
	[tilespmem:$0x8100] =	vst v63  }
0x6c: {  	_ =	swait.ge [sflag:s9], $0x4000  }
0x6d: {  	[sflag:s9] =	ssyncset.done $0x0  }
0x6e: {  	[sflag:s9] =	ssyncadd.s32 $0xFFFFC000  }
0x6f: {  	_ =	strace $0x9000005E  }
0x70: {  	_ =	strace $0x8000005F  }
0x71: {  	[hbm4b:s10+s2] =	stream.linear.scatter [tilespmem:s8], [sflag:$0x3], $0x4000, $0x200038;
	[tilespmem:$0x8100] =	vst v63  }
0x72: {  	_ =	strace $0x9000005F  }
0x73: {  	_ =	strace $0x8000005C  }
0x74: {  	[tilespmem:s2], [sflag:$0x1] =	stream.linear.gather [hbm4b:s11+s2], $0x80, $0x200038;
	[tilespmem:$0x8100] =	vst v63  }
0x75: {  	_ =	strace $0x9000005C  }
0x76: {  	_ =	strace $0x8000005D  }
0x77: {  	_ =	swait.ge [sflag:s12], $0x80  }
0x78: {  	[sflag:s12] =	ssyncset.done $0x0  }
0x79: {  	[sflag:s12] =	ssyncadd.s32 $0xFFFFFF80  }
0x7a: {  	_ =	strace $0x9000005D  }
0x7b: {  	_ =	strace $0x8000005E  }
0x7c: {  	[tilespmem:s13], [sflag:$0x5] =	stream.indirect.gather [hbm4b:s7+s5], $0x80, s5, s5, $0x2000b8;
	[tilespmem:$0x8100] =	vst v63  }
0x7d: {  	_ =	swait.ge [sflag:s9], $0x4000  }
0x7e: {  	[sflag:s9] =	ssyncset.done $0x0  }
0x7f: {  	[sflag:s9] =	ssyncadd.s32 $0xFFFFC000  }
0x80: {  	_ =	strace $0x9000005E  }
0x81: {  	_ =	strace $0x8000005F  }
0x82: {  	[hbm4b:s14+s2] =	stream.linear.scatter [tilespmem:s13], [sflag:$0x4], $0x4000, $0x200038;
	[tilespmem:$0x8100] =	vst v63  }
0x83: {  	_ =	strace $0x9000005F  }
0x84: {  	_ =	strace $0x80000060  }
0x85: {  	_ =	swait.ge [sflag:s15], $0x4000  }
0x86: {  	[sflag:s15] =	ssyncset.done $0x0  }
0x87: {  	[sflag:s15] =	ssyncadd.s32 $0xFFFFC000  }
0x88: {  	_ =	strace $0x90000060  }
0x89: {  	_ =	strace $0x8000005C  }
0x8a: {  	[tilespmem:s5], [sflag:$0x2] =	stream.linear.gather [hbm4b:s16+s2], $0x80, $0x200038;
	[tilespmem:$0x8100] =	vst v63  }
0x8b: {  	_ =	strace $0x9000005C  }
0x8c: {  	_ =	strace $0x8000005D  }
0x8d: {  	_ =	swait.ge [sflag:s6], $0x80  }
0x8e: {  	[sflag:s6] =	ssyncset.done $0x0  }
0x8f: {  	[sflag:s6] =	ssyncadd.s32 $0xFFFFFF80  }
0x90: {  	_ =	strace $0x9000005D  }
0x91: {  	_ =	strace $0x8000005E  }
0x92: {  	[tilespmem:s8], [sflag:$0x5] =	stream.indirect.gather [hbm4b:s7+s5], $0x80, s2, s5, $0x2000b8;
	[tilespmem:$0x8100] =	vst v63  }
0x93: {  	_ =	swait.ge [sflag:s9], $0x4000  }
0x94: {  	[sflag:s9] =	ssyncset.done $0x0  }
0x95: {  	[sflag:s9] =	ssyncadd.s32 $0xFFFFC000  }
0x96: {  	_ =	strace $0x9000005E  }
0x97: {  	_ =	strace $0x8000005F  }
0x98: {  	[hbm4b:s17+s2] =	stream.linear.scatter [tilespmem:s8], [sflag:$0x3], $0x4000, $0x200038;
	[tilespmem:$0x8100] =	vst v63  }
0x99: {  	_ =	strace $0x9000005F  }
0x9a: {  	_ =	strace $0x80000060  }
0x9b: {  	_ =	swait.ge [sflag:s18], $0x4000  }
0x9c: {  	[sflag:s18] =	ssyncset.done $0x0  }
0x9d: {  	[sflag:s18] =	ssyncadd.s32 $0xFFFFC000  }
0x9e: {  	_ =	strace $0x90000060  }
0x9f: {  	_ =	strace $0x8000005D  }
0xa0: {  	_ =	swait.ge [sflag:s12], $0x80  }
0xa1: {  	[sflag:s12] =	ssyncset.done $0x0  }
0xa2: {  	[sflag:s12] =	ssyncadd.s32 $0xFFFFFF80  }
0xa3: {  	_ =	strace $0x9000005D  }
0xa4: {  	_ =	strace $0x8000005E  }
0xa5: {  	[tilespmem:s13], [sflag:$0x5] =	stream.indirect.gather [hbm4b:s7+s5], $0x80, s5, s5, $0x2000b8;
	[tilespmem:$0x8100] =	vst v63  }
0xa6: {  	_ =	swait.ge [sflag:s9], $0x4000  }
0xa7: {  	[sflag:s9] =	ssyncset.done $0x0  }
0xa8: {  	[sflag:s9] =	ssyncadd.s32 $0xFFFFC000  }
0xa9: {  	_ =	strace $0x9000005E  }
0xaa: {  	_ =	strace $0x8000005F  }
0xab: {  	[hbm4b:s19+s2] =	stream.linear.scatter [tilespmem:s13], [sflag:$0x4], $0x4000, $0x200038;
	[tilespmem:$0x8100] =	vst v63  }
0xac: {  	_ =	strace $0x9000005F  }
0xad: {  	_ =	strace $0x80000060  }
0xae: {  	_ =	swait.ge [sflag:s15], $0x4000  }
0xaf: {  	[sflag:s15] =	ssyncset.done $0x0  }
0xb0: {  	[sflag:s15] =	ssyncadd.s32 $0xFFFFC000  }
.Ltmp1:
0xb1: {  	_ =	strace $0x90000060;
	(pc) =	sbr.rel @p0 .LBB2_1-.Ltmp1, $4  }
0xb2: {  	_ =	strace $0x80000061  }
0xb3: {  	_ =	swait.ge [sflag:s18], $0x4000  }
0xb4: {  	[sflag:s18] =	ssyncset.done $0x0  }
0xb5: {  	[sflag:s18] =	ssyncadd.s32 $0xFFFFC000  }
.LBB2_2:
0xb6: {  	_ =	strace $0x90000061  }
0xb7: {  	_ =	sfence.sel $0x180000  }
0xb8: {  	[bflag:$0x0] =	sbarrier.arrive $0xFFFF  }
0xb9: {  	p0 =	sne.s32 s1, $0x0;
	_ =	strace $0x9000005A  }
0xba: {  	s0 =	sadd.s32 @!p0 $0x100000, s0;
	[bflag:$0x2] =	sbarrier.arrive $0xFFFF  }
0xbb: {  	[sflag:s0] =	ssyncadd.tile.s32 @!p0 $0x1;
	_ =	shalt  }
.Lfunc_end2:
_tile_overlayer_lowered:
.L_overlay_start_2:
0xbc: {  	(tag) =	ssettag $0x2  }
0xbd: {  	s0 =	rddreg [dreg:$0x0];
	s2 =	stileid.u32  }
0xbe: {  	s1 =	rddreg [dreg:$0x1];
	p0 =	sne.s32 s2, $0x0  }
0xbf: {  	s3 =	rddreg [dreg:$0x2];
	[bflag:$0x3] =	sbarrier.arrive $0xFFFF;
	s2 =	simm.s32 @!p0 $0x1C01  }
0xc0: {  	[timem:s3], [sflag:s2] =	dma.local @!p0 [hbm:s0], s1  }
0xc1: {  	s0 =	simm.s32 @!p0 $0x1  }
0xc2: {  	_ =	swait.ge @!p0 [sflag:s0], s1  }
0xc3: {  	s1 =	ssub.s32 @!p0 $0x0, s1;
	[sflag:s0] =	ssyncset.done @!p0 $0x0  }
0xc4: {  	[sflag:s0] =	ssyncadd.s32 @!p0 s1  }
0xc5: {  	[bflag:$0x3] =	sbarrier.arrive $0xFFFF  }
0xc6: {  	_ =	shalt  }

</sc_bundles>
